<compile_context>
chip_gen: v7x
topology: tpu7x:2x2x1
jax: 0.10.2.dev20260603
libtpu: 0.0.44.dev20260713+nightly
codegen_flags: <defaults>
</compile_context>

<pallas_src>
import functools

import numpy as np

import jax
import jax.numpy as jnp
from jax import lax
from jax.experimental import pallas as pl
from jax.experimental.pallas import tpu as pltpu
from jax.experimental.pallas import tpu_sc as plsc

_N_USERS = 5000
_N_ITEMS = 5000
_NNZ = 160000
_N = _N_USERS + _N_ITEMS
_D = 128

_NSC = 2
_NSUB = 16
_EDGES_PER_W = (2 * _NNZ) // (_NSC * _NSUB)
_CHUNK = 128
_NBUF = 4
_K = 80
_PAD_W = _K * _CHUNK - _EDGES_PER_W
_IDXGRP = 16
_ROWS_PER_SC = _N // _NSC
_ROWS_PER_TILE = 320
_ACC_ROWS = _NSUB * _ROWS_PER_TILE
_PAD_ROW = 5100


def _static_graph():
    rng = np.random.default_rng(0)
    u = rng.integers(0, _N_USERS, _NNZ)
    v = rng.integers(0, _N_ITEMS, _NNZ)
    rows = np.concatenate([u, v + _N_USERS])
    cols = np.concatenate([v + _N_USERS, u])
    deg = np.bincount(rows, minlength=_N).astype(np.float64) + 1e-07
    dinv = np.power(deg, -0.5).astype(np.float32)
    return rows, cols, dinv


def _static_layout():
    rows, cols, dinv = _static_graph()
    lrow = np.where(rows >= _ROWS_PER_SC, rows - _ROWS_PER_SC, rows)
    lcol = np.where(cols >= _ROWS_PER_SC, cols - _ROWS_PER_SC, cols)
    lcol2 = lcol.reshape(_NSC, _NSUB, _EDGES_PER_W)
    lrow2 = lrow.reshape(_NSC, _NSUB, _EDGES_PER_W)
    pad_c = np.zeros((_NSC, _NSUB, _PAD_W), np.int64)
    pad_r = np.full((_NSC, _NSUB, _PAD_W), _PAD_ROW, np.int64)
    cols_p = np.concatenate([lcol2, pad_c], axis=2).reshape(
        _NSC, _NSUB, _K, _CHUNK).astype(np.int32)
    lrows_p = np.concatenate([lrow2, pad_r], axis=2).reshape(
        _NSC, _NSUB, _K, _CHUNK).astype(np.int32)
    return cols_p, lrows_p, dinv


_COLS_P, _LROWS_P, _DINV = _static_layout()
_DINV_COL = _DINV.reshape(_N, 1)




@functools.cache
def _sc_spmm_kernel():
    mesh = plsc.VectorSubcoreMesh(core_axis_name="c", subcore_axis_name="s")

    @functools.partial(
        pl.kernel,
        mesh=mesh,
        out_type=jax.ShapeDtypeStruct((_N, _D), jnp.float32),
        scratch_types=[
            pltpu.VMEM((_IDXGRP, _CHUNK), jnp.int32),
            pltpu.VMEM((_IDXGRP, _CHUNK), jnp.int32),
            pltpu.VMEM((_CHUNK, _D), jnp.float32),
            pltpu.VMEM((_CHUNK, _D), jnp.float32),
            pltpu.VMEM_SHARED((_ACC_ROWS, _D), jnp.float32),
            pltpu.VMEM_SHARED((_ACC_ROWS, _D), jnp.float32),
            pltpu.SemaphoreType.DMA,
            pltpu.SemaphoreType.DMA,
            pltpu.SemaphoreType.DMA,
            pltpu.SemaphoreType.DMA,
        ],
    )
    def body(cols_hbm, lrows_hbm, u_hbm, out_hbm,
             colv, lrowv, gbuf, gbuf2, acc, ush, gsA, gsB, ssA, ssB):
        _sc_spmm_body(cols_hbm, lrows_hbm, u_hbm, out_hbm,
                      colv, lrowv, gbuf, gbuf2, acc, ush, gsA, gsB, ssA, ssB)

    return body


def _sc_spmm(cols_p, lrows_p, u):
    return _sc_spmm_kernel()(cols_p, lrows_p, u)


def _sc_spmm_body(cols_hbm, lrows_hbm, u_hbm, out_hbm,
                  colv, lrowv, gbuf, gbuf2, acc, ush, gsA, gsB, ssA, ssB):
    c = lax.axis_index("c")
    s = lax.axis_index("s")

    src_base = (1 - c) * _ROWS_PER_SC + s * _ROWS_PER_TILE

    @pl.when(s < _NSUB - 1)
    def _stage_full():
        pltpu.sync_copy(u_hbm.at[pl.ds(src_base, _ROWS_PER_TILE)],
                        ush.at[pl.ds(s * _ROWS_PER_TILE, _ROWS_PER_TILE)])

    @pl.when(s == _NSUB - 1)
    def _stage_tail():
        tail = _ROWS_PER_SC - (_NSUB - 1) * _ROWS_PER_TILE
        pltpu.sync_copy(u_hbm.at[pl.ds(src_base, tail)],
                        ush.at[pl.ds(s * _ROWS_PER_TILE, tail)])

    def _zero(i, carry):
        gbuf[i // (_D // 16),
             pl.ds((i % (_D // 16)) * 16, 16)] = jnp.zeros((16,), jnp.float32)
        return carry
    lax.fori_loop(0, _CHUNK * (_D // 16), _zero, 0)
    base = s * _ROWS_PER_TILE
    pltpu.sync_copy(gbuf, acc.at[pl.ds(base, _CHUNK)])
    pltpu.sync_copy(gbuf, acc.at[pl.ds(base + _CHUNK, _CHUNK)])
    pltpu.sync_copy(gbuf.at[pl.ds(0, _ROWS_PER_TILE - 2 * _CHUNK)],
                    acc.at[pl.ds(base + 2 * _CHUNK,
                                 _ROWS_PER_TILE - 2 * _CHUNK)])

    plsc.subcore_barrier()

    def _gather_start(j, b):
        pltpu.async_copy(u_hbm.at[colv.at[j]], gbuf.at[b], gsem)

    def _gather_wait(j, b):
        pltpu.make_async_copy(u_hbm.at[colv.at[j]], gbuf.at[b], gsem).wait()

    bufs = (gbuf, gbuf2)
    gsems = (gsA, gsB)
    ssems = (ssA, ssB)

    def _group(g, carry):
        gb = g * _IDXGRP
        pltpu.sync_copy(cols_hbm.at[c, s].at[pl.ds(gb, _IDXGRP)], colv)
        pltpu.sync_copy(lrows_hbm.at[c, s].at[pl.ds(gb, _IDXGRP)], lrowv)
        dg = [None] * _IDXGRP
        dg[0] = pltpu.async_copy(ush.at[colv.at[0]], bufs[0], gsems[0])
        dg[1] = pltpu.async_copy(ush.at[colv.at[1]], bufs[1], gsems[1])
        for j in range(_IDXGRP):
            b = j % 2
            dg[j].wait()
            ds = pltpu.async_copy(bufs[b], acc.at[lrowv.at[j]], ssems[b],
                                  add=True)
            ds.wait()
            if j + 2 < _IDXGRP:
                dg[j + 2] = pltpu.async_copy(ush.at[colv.at[j + 2]],
                                             bufs[b], gsems[b])
        return carry
    lax.fori_loop(0, _K // _IDXGRP, _group, 0)
    plsc.subcore_barrier()

    def _copy_out(nrows):
        off = 0
        b = 0
        while off < nrows:
            piece = min(_CHUNK, nrows - off)
            src = acc.at[pl.ds(s * _ROWS_PER_TILE + off, piece)]
            dst = out_hbm.at[pl.ds(c * _ROWS_PER_SC + s * _ROWS_PER_TILE + off,
                                   piece)]
            stage = gbuf if piece == _CHUNK else gbuf.at[pl.ds(0, piece)]
            pltpu.sync_copy(src, stage)
            pltpu.sync_copy(stage, dst)
            off += piece
            b += 1

    @pl.when(s < _NSUB - 1)
    def _full():
        _copy_out(_ROWS_PER_TILE)

    @pl.when(s == _NSUB - 1)
    def _tail():
        _copy_out(_ROWS_PER_SC - (_NSUB - 1) * _ROWS_PER_TILE)



_BLK = 2000
_GRID = _N // _BLK


def _rowspec():
    return pl.BlockSpec((_BLK, _D), lambda i: (i, 0))


def _dvspec():
    return pl.BlockSpec((_BLK, 1), lambda i: (i, 0))


def _tc_prep(x0, b0, wn0, wr, dv):
    def body(x_ref, b_ref, wn_ref, wr_ref, dv_ref,
             u_ref, b1_ref, b2_ref, beh_ref):
        dn = (((1,), (1,)), ((), ()))
        b0b = b_ref[...]
        wrb = wr_ref[...]
        b1 = lax.dot_general(b0b, wrb[0], dn, preferred_element_type=jnp.float32)
        b2 = lax.dot_general(b1, wrb[1], dn, preferred_element_type=jnp.float32)
        b3 = lax.dot_general(b2, wrb[2], dn, preferred_element_type=jnp.float32)
        beh_ref[...] = b0b + b1 + b2 / 2.0 + b3 / 3.0
        b1_ref[...] = b1
        b2_ref[...] = b2
        xb = x_ref[...] + b0b
        u = lax.dot_general(xb, wn_ref[...], dn,
                            preferred_element_type=jnp.float32)
        u_ref[...] = u * dv_ref[...]

    sds = jax.ShapeDtypeStruct((_N, _D), jnp.float32)
    return pl.pallas_call(
        body,
        grid=(_GRID,),
        in_specs=[
            _rowspec(), _rowspec(),
            pl.BlockSpec((_D, _D), lambda i: (0, 0)),
            pl.BlockSpec((3, _D, _D), lambda i: (0, 0, 0)),
            _dvspec(),
        ],
        out_specs=[_rowspec(), _rowspec(), _rowspec(), _rowspec()],
        out_shape=[sds, sds, sds, sds],
    )(x0, b0, wn0, wr, dv)


def _tc_mid(t, r_prev, b, wn, dv, div):
    def body(t_ref, rp_ref, b_ref, wn_ref, dv_ref, u_ref, r_ref):
        sb = t_ref[...]
        ss = jnp.sum(sb * sb, axis=1, keepdims=True)
        xn = sb / jnp.maximum(jnp.sqrt(ss), 1e-12)
        r_ref[...] = rp_ref[...] + xn / div
        u = lax.dot_general(xn + b_ref[...], wn_ref[...],
                            (((1,), (1,)), ((), ())),
                            preferred_element_type=jnp.float32)
        u_ref[...] = u * dv_ref[...]

    sds = jax.ShapeDtypeStruct((_N, _D), jnp.float32)
    return pl.pallas_call(
        body,
        grid=(_GRID,),
        in_specs=[
            _rowspec(), _rowspec(), _rowspec(),
            pl.BlockSpec((_D, _D), lambda i: (0, 0)),
            _dvspec(),
        ],
        out_specs=[_rowspec(), _rowspec()],
        out_shape=[sds, sds],
    )(t, r_prev, b, wn, dv)


def _tc_final(t, r_prev, div):
    def body(t_ref, rp_ref, r_ref):
        sb = t_ref[...]
        ss = jnp.sum(sb * sb, axis=1, keepdims=True)
        xn = sb / jnp.maximum(jnp.sqrt(ss), 1e-12)
        r_ref[...] = rp_ref[...] + xn / div

    return pl.pallas_call(
        body,
        grid=(_GRID,),
        in_specs=[_rowspec(), _rowspec()],
        out_specs=_rowspec(),
        out_shape=jax.ShapeDtypeStruct((_N, _D), jnp.float32),
    )(t, r_prev)




def kernel(in_embs, beh_embs, W_node, W_rel, adj_val, adj_row, adj_col):
    cols_p, lrows_p = _COLS_P, _LROWS_P
    u0, b1, b2, beh = _tc_prep(in_embs, beh_embs, W_node[0], W_rel, _DINV_COL)
    t1 = _sc_spmm(cols_p, lrows_p, u0)
    u1, r1 = _tc_mid(t1, in_embs, b1, W_node[1], _DINV_COL, 1.0)
    t2 = _sc_spmm(cols_p, lrows_p, u1)
    u2, r2 = _tc_mid(t2, r1, b2, W_node[2], _DINV_COL, 2.0)
    t3 = _sc_spmm(cols_p, lrows_p, u2)
    res = _tc_final(t3, r2, 3.0)
    return (res, beh)

# --- scband reference (transcript-rebuilt; emitter-appended) ---
"""Pipeline reference for scband-bagcn-77335181131827 (READ-ONLY COPY).

The authoritative reference and input builder live on the scoring server;
editing this copy changes nothing except your own understanding.
"""

import jax, jax.numpy as jnp
import numpy as np

N_USERS = 5000
N_ITEMS = 5000
NNZ = 160000
D = 128
L = 3


def _build_adj():
    n = N_USERS + N_ITEMS
    rng = np.random.default_rng(0)
    u = rng.integers(0, N_USERS, NNZ)
    v = rng.integers(0, N_ITEMS, NNZ)
    rows = np.concatenate([u, v + N_USERS])
    cols = np.concatenate([v + N_USERS, u])
    deg = np.bincount(rows, minlength=n).astype(np.float64) + 1e-07
    dinv = np.power(deg, -0.5)
    vals = (dinv[rows] * dinv[cols]).astype(np.float32)
    return rows.astype(np.int32), cols.astype(np.int32), vals


def setup_inputs(seed: int = 0) -> dict:
    key = jax.random.key(seed)
    k1, k2, k3, k4 = jax.random.split(key, 4)
    n = N_USERS + N_ITEMS
    rows, cols, vals = _build_adj()
    in_embs = jax.random.normal(k1, (n, D), dtype=jnp.float32)
    beh_embs = jax.random.normal(k2, (n, D), dtype=jnp.float32)
    W_node = jax.random.normal(k3, (L, D, D), dtype=jnp.float32) * 0.05
    W_rel = jax.random.normal(k4, (L, D, D), dtype=jnp.float32) * 0.05
    return {
        'in_embs': in_embs,
        'beh_embs': beh_embs,
        'W_node': W_node,
        'W_rel': W_rel,
        'adj_val': jnp.asarray(vals, dtype=jnp.float32),
        'adj_row': jnp.asarray(rows, dtype=jnp.int32),
        'adj_col': jnp.asarray(cols, dtype=jnp.int32),
    }


def reference(in_embs, beh_embs, W_node, W_rel, adj_val, adj_row, adj_col):
    n = in_embs.shape[0]
    x = in_embs
    b = beh_embs
    result = [x]
    behaviors = [b]
    for i in range(L):
        x = x + b
        x = x @ W_node[i].T  # nn.Linear(bias=False): y = x W^T
        msg = adj_val[:, None] * jnp.take(x, adj_col, axis=0)
        x = jax.ops.segment_sum(msg, adj_row, num_segments=n)
        norm = jnp.linalg.norm(x, axis=-1, keepdims=True)
        x = x / jnp.maximum(norm, 1e-12)  # F.normalize(dim=-1)
        result.append(x / (i + 1))
        b = b @ W_rel[i].T
        behaviors.append(b / (i + 1))
    res = jnp.sum(jnp.stack(result, axis=0), axis=0)
    beh = jnp.sum(jnp.stack(behaviors, axis=0), axis=0)
    return (res, beh)

if __name__ == "__main__":
    import jax
    _d = setup_inputs()
    print(jax.jit(kernel)(*tuple(_d.values())))

</pallas_src>

<mosaic_0001>
#map = affine_map<(d0, d1) -> (0, 0, 0, 0)>
#map1 = affine_map<(d0, d1) -> (0, 0)>
module attributes {stable_mosaic.version = 14 : i64} {
  func.func @body(%arg0: i32, %arg1: i32, %arg2: memref<2x16x80x128xi32, #tpu.memory_space<hbm>>, %arg3: memref<2x16x80x128xi32, #tpu.memory_space<hbm>>, %arg4: memref<10000x128xf32, #tpu.memory_space<hbm>>, %arg5: memref<10000x128xf32, #tpu.memory_space<hbm>>, %arg6: memref<16x128xi32, #tpu.memory_space<vmem>>, %arg7: memref<16x128xi32, #tpu.memory_space<vmem>>, %arg8: memref<128x128xf32, #tpu.memory_space<vmem>>, %arg9: memref<128x128xf32, #tpu.memory_space<vmem>>, %arg10: memref<5120x128xf32, #tpu.memory_space<vmem_shared>>, %arg11: memref<5120x128xf32, #tpu.memory_space<vmem_shared>>, %arg12: memref<!tpu.dma_semaphore, #tpu.memory_space<semaphore_mem>>, %arg13: memref<!tpu.dma_semaphore, #tpu.memory_space<semaphore_mem>>, %arg14: memref<!tpu.dma_semaphore, #tpu.memory_space<semaphore_mem>>, %arg15: memref<!tpu.dma_semaphore, #tpu.memory_space<semaphore_mem>>) attributes {dimension_semantics = [#tpu.dimension_semantics<core_parallel>, #tpu.dimension_semantics<subcore_parallel>], iteration_bounds = array<i64: 2, 16>, scalar_prefetch = 0 : i64, scratch_operands = 10 : i64, tpu.core_type = #tpu.core_type<sc_vector_subcore>, window_params = [{transform_indices = #map}, {transform_indices = #map}, {transform_indices = #map1}, {transform_indices = #map1}]} {
    %sub3A = arith.constant 1 : i32
    %sub3A_0 = arith.subi %sub3A, %arg0 : i32
    %mul3A = arith.constant 5000 : i32
    %mul3A_1 = arith.muli %sub3A_0, %mul3A : i32
    %mul3A_2 = arith.constant 320 : i32
    %mul3A_3 = arith.muli %arg1, %mul3A_2 : i32
    %add3A = arith.addi %mul3A_1, %mul3A_3 : i32
    %lt3A = arith.constant 15 : i32
    %lt3A_4 = arith.cmpi slt, %arg1, %lt3A : i32
    %convert_element_type3A = arith.extui %lt3A_4 : i1 to i32
    %cond3A = arith.constant 0 : i32
    %cond3A_5 = arith.cmpi ne, %convert_element_type3A, %cond3A : i32
    scf.if %cond3A_5 {
      %mul3A_38 = arith.constant 320 : i32
      %mul3A_39 = arith.muli %arg1, %mul3A_38 : i32
      "tpu.region"() ({
        %run_scoped3A = tpu.sem_alloc : memref<!tpu.dma_semaphore, #tpu.memory_space<semaphore_mem>>
        %dma_start3A = arith.constant 0 : i32
        %dma_start3A_40 = tpu.memref_slice %arg11[%mul3A_39, %dma_start3A] : memref<5120x128xf32, #tpu.memory_space<vmem_shared>> -> memref<320x128xf32, #tpu.memory_space<vmem_shared>>
        %dma_start3A_41 = arith.constant 0 : i32
        %dma_start3A_42 = tpu.memref_slice %arg4[%add3A, %dma_start3A_41] : memref<10000x128xf32, #tpu.memory_space<hbm>> -> memref<320x128xf32, #tpu.memory_space<hbm>>
        tpu.enqueue_dma source(%dma_start3A_42 : memref<320x128xf32, #tpu.memory_space<hbm>>) target(%dma_start3A_40 : memref<320x128xf32, #tpu.memory_space<vmem_shared>>) target_semaphore(%run_scoped3A : memref<!tpu.dma_semaphore, #tpu.memory_space<semaphore_mem>>)
        %dma_wait3A = arith.constant 0 : i32
        %dma_wait3A_43 = tpu.memref_slice %arg11[%mul3A_39, %dma_wait3A] : memref<5120x128xf32, #tpu.memory_space<vmem_shared>> -> memref<320x128xf32, #tpu.memory_space<vmem_shared>>
        %dma_wait3A_44 = arith.constant 0 : i32
        %dma_wait3A_45 = tpu.memref_slice %arg4[%add3A, %dma_wait3A_44] : memref<10000x128xf32, #tpu.memory_space<hbm>> -> memref<320x128xf32, #tpu.memory_space<hbm>>
        tpu.wait_dma2 semaphore(%run_scoped3A : memref<!tpu.dma_semaphore, #tpu.memory_space<semaphore_mem>>) src(%dma_wait3A_45 : memref<320x128xf32, #tpu.memory_space<hbm>>) dst(%dma_wait3A_43 : memref<320x128xf32, #tpu.memory_space<vmem_shared>>)
        tpu.yield
      }) : () -> ()
    } else {
    }
    %eq3A = arith.constant 15 : i32
    %eq3A_6 = arith.cmpi eq, %arg1, %eq3A : i32
    %convert_element_type3A_7 = arith.extui %eq3A_6 : i1 to i32
    %cond3A_8 = arith.constant 0 : i32
    %cond3A_9 = arith.cmpi ne, %convert_element_type3A_7, %cond3A_8 : i32
    scf.if %cond3A_9 {
      %mul3A_38 = arith.constant 320 : i32
      %mul3A_39 = arith.muli %arg1, %mul3A_38 : i32
      "tpu.region"() ({
        %run_scoped3A = tpu.sem_alloc : memref<!tpu.dma_semaphore, #tpu.memory_space<semaphore_mem>>
        %dma_start3A = arith.constant 0 : i32
        %dma_start3A_40 = tpu.memref_slice %arg11[%mul3A_39, %dma_start3A] : memref<5120x128xf32, #tpu.memory_space<vmem_shared>> -> memref<200x128xf32, #tpu.memory_space<vmem_shared>>
        %dma_start3A_41 = arith.constant 0 : i32
        %dma_start3A_42 = tpu.memref_slice %arg4[%add3A, %dma_start3A_41] : memref<10000x128xf32, #tpu.memory_space<hbm>> -> memref<200x128xf32, #tpu.memory_space<hbm>>
        tpu.enqueue_dma source(%dma_start3A_42 : memref<200x128xf32, #tpu.memory_space<hbm>>) target(%dma_start3A_40 : memref<200x128xf32, #tpu.memory_space<vmem_shared>>) target_semaphore(%run_scoped3A : memref<!tpu.dma_semaphore, #tpu.memory_space<semaphore_mem>>)
        %dma_wait3A = arith.constant 0 : i32
        %dma_wait3A_43 = tpu.memref_slice %arg11[%mul3A_39, %dma_wait3A] : memref<5120x128xf32, #tpu.memory_space<vmem_shared>> -> memref<200x128xf32, #tpu.memory_space<vmem_shared>>
        %dma_wait3A_44 = arith.constant 0 : i32
        %dma_wait3A_45 = tpu.memref_slice %arg4[%add3A, %dma_wait3A_44] : memref<10000x128xf32, #tpu.memory_space<hbm>> -> memref<200x128xf32, #tpu.memory_space<hbm>>
        tpu.wait_dma2 semaphore(%run_scoped3A : memref<!tpu.dma_semaphore, #tpu.memory_space<semaphore_mem>>) src(%dma_wait3A_45 : memref<200x128xf32, #tpu.memory_space<hbm>>) dst(%dma_wait3A_43 : memref<200x128xf32, #tpu.memory_space<vmem_shared>>)
        tpu.yield
      }) : () -> ()
    } else {
    }
    %scan3A = arith.constant 0 : i32
    %scan3A_10 = arith.constant 0 : i32
    %scan3A_11 = arith.constant 1024 : i32
    %scan3A_12 = arith.addi %scan3A_10, %scan3A_11 : i32
    %scan3A_13 = arith.constant 1 : i32
    scf.for %scan3A_38 = %scan3A_10 to %scan3A_12 step %scan3A_13  : i32 {
      %broadcast_in_dim3A = arith.constant 0.000000e+00 : f32
      %broadcast_in_dim3A_39 = vector.broadcast %broadcast_in_dim3A : f32 to vector<16xf32>
      %jit3A = arith.constant 8 : i32
      %div3A = arith.divsi %scan3A_38, %jit3A : i32
      %sign3A = arith.constant 0 : i32
      %sign3A_40 = arith.cmpi sgt, %scan3A_38, %sign3A : i32
      %sign3A_41 = arith.extui %sign3A_40 : i1 to i32
      %sign3A_42 = arith.constant 0 : i32
      %sign3A_43 = arith.cmpi slt, %scan3A_38, %sign3A_42 : i32
      %sign3A_44 = arith.extui %sign3A_43 : i1 to i32
      %sign3A_45 = arith.subi %sign3A_41, %sign3A_44 : i32
      %sign3A_46 = arith.constant 0 : i32
      %sign3A_47 = arith.cmpi sgt, %jit3A, %sign3A_46 : i32
      %sign3A_48 = arith.extui %sign3A_47 : i1 to i32
      %sign3A_49 = arith.constant 0 : i32
      %sign3A_50 = arith.cmpi slt, %jit3A, %sign3A_49 : i32
      %sign3A_51 = arith.extui %sign3A_50 : i1 to i32
      %sign3A_52 = arith.subi %sign3A_48, %sign3A_51 : i32
      %ne3A = arith.cmpi ne, %sign3A_45, %sign3A_52 : i32
      %rem3A = arith.remsi %scan3A_38, %jit3A : i32
      %ne3A_53 = arith.constant 0 : i32
      %ne3A_54 = arith.cmpi ne, %rem3A, %ne3A_53 : i32
      %and3A = arith.andi %ne3A, %ne3A_54 : i1
      %sub3A_55 = arith.constant 1 : i32
      %sub3A_56 = arith.subi %div3A, %sub3A_55 : i32
      %select_n3A = arith.select %and3A, %sub3A_56, %div3A : i32
      %jit3A_57 = arith.constant 8 : i32
      %eq3A_58 = arith.constant 0 : i32
      %eq3A_59 = arith.cmpi eq, %jit3A_57, %eq3A_58 : i32
      %jit3A_60 = arith.constant 1 : i32
      %select_n3A_61 = arith.select %eq3A_59, %jit3A_60, %jit3A_57 : i32
      %rem3A_62 = arith.remsi %scan3A_38, %select_n3A_61 : i32
      %ne3A_63 = arith.constant 0 : i32
      %ne3A_64 = arith.cmpi ne, %rem3A_62, %ne3A_63 : i32
      %lt3A_65 = arith.constant 0 : i32
      %lt3A_66 = arith.cmpi slt, %rem3A_62, %lt3A_65 : i32
      %lt3A_67 = arith.constant 0 : i32
      %lt3A_68 = arith.cmpi slt, %select_n3A_61, %lt3A_67 : i32
      %ne3A_69 = arith.xori %lt3A_66, %lt3A_68 : i1
      %and3A_70 = arith.andi %ne3A_69, %ne3A_64 : i1
      %add3A_71 = arith.addi %rem3A_62, %select_n3A_61 : i32
      %select_n3A_72 = arith.select %and3A_70, %add3A_71, %rem3A_62 : i32
      %mul3A_73 = arith.constant 16 : i32
      %mul3A_74 = arith.muli %select_n3A_72, %mul3A_73 : i32
      %swap3A = arith.index_cast %select_n3A : i32 to index
      %swap3A_75 = arith.index_cast %mul3A_74 : i32 to index
      %swap3A_76 = tpu.vector_load %arg8[%swap3A, %swap3A_75] {strides = array<i32>} : memref<128x128xf32, #tpu.memory_space<vmem>>, vector<1x16xf32>,
      %swap3A_77 = vector.shape_cast %swap3A_76 : vector<1x16xf32> to vector<16xf32>
      %swap3A_78 = vector.shape_cast %broadcast_in_dim3A_39 : vector<16xf32> to vector<1x16xf32>
      tpu.vector_store %arg8[%swap3A, %swap3A_75], %swap3A_78 {strides = array<i32>} : memref<128x128xf32, #tpu.memory_space<vmem>>, vector<1x16xf32>,
    }
    %scan3A_14 = arith.constant 1024 : i32
    %mul3A_15 = arith.constant 320 : i32
    %mul3A_16 = arith.muli %arg1, %mul3A_15 : i32
    "tpu.region"() ({
      %run_scoped3A = tpu.sem_alloc : memref<!tpu.dma_semaphore, #tpu.memory_space<semaphore_mem>>
      %dma_start3A = arith.constant 0 : i32
      %dma_start3A_38 = tpu.memref_slice %arg10[%mul3A_16, %dma_start3A] : memref<5120x128xf32, #tpu.memory_space<vmem_shared>> -> memref<128x128xf32, #tpu.memory_space<vmem_shared>>
      %dma_start3A_39 = arith.constant 0 : i32
      %dma_start3A_40 = tpu.memref_slice %arg10[%mul3A_16, %dma_start3A_39] : memref<5120x128xf32, #tpu.memory_space<vmem_shared>> -> memref<128x128xf32, #tpu.memory_space<vmem_shared>>
      tpu.enqueue_dma source(%arg8 : memref<128x128xf32, #tpu.memory_space<vmem>>) target(%dma_start3A_40 : memref<128x128xf32, #tpu.memory_space<vmem_shared>>) target_semaphore(%run_scoped3A : memref<!tpu.dma_semaphore, #tpu.memory_space<semaphore_mem>>)
      %dma_wait3A = arith.constant 0 : i32
      %dma_wait3A_41 = tpu.memref_slice %arg10[%mul3A_16, %dma_wait3A] : memref<5120x128xf32, #tpu.memory_space<vmem_shared>> -> memref<128x128xf32, #tpu.memory_space<vmem_shared>>
      %dma_wait3A_42 = arith.constant 0 : i32
      %dma_wait3A_43 = tpu.memref_slice %arg10[%mul3A_16, %dma_wait3A_42] : memref<5120x128xf32, #tpu.memory_space<vmem_shared>> -> memref<128x128xf32, #tpu.memory_space<vmem_shared>>
      tpu.wait_dma2 semaphore(%run_scoped3A : memref<!tpu.dma_semaphore, #tpu.memory_space<semaphore_mem>>) src(%arg8 : memref<128x128xf32, #tpu.memory_space<vmem>>) dst(%dma_wait3A_43 : memref<128x128xf32, #tpu.memory_space<vmem_shared>>)
      tpu.yield
    }) : () -> ()
    %add3A_17 = arith.constant 128 : i32
    %add3A_18 = arith.addi %mul3A_16, %add3A_17 : i32
    "tpu.region"() ({
      %run_scoped3A = tpu.sem_alloc : memref<!tpu.dma_semaphore, #tpu.memory_space<semaphore_mem>>
      %dma_start3A = arith.constant 0 : i32
      %dma_start3A_38 = tpu.memref_slice %arg10[%add3A_18, %dma_start3A] : memref<5120x128xf32, #tpu.memory_space<vmem_shared>> -> memref<128x128xf32, #tpu.memory_space<vmem_shared>>
      %dma_start3A_39 = arith.constant 0 : i32
      %dma_start3A_40 = tpu.memref_slice %arg10[%add3A_18, %dma_start3A_39] : memref<5120x128xf32, #tpu.memory_space<vmem_shared>> -> memref<128x128xf32, #tpu.memory_space<vmem_shared>>
      tpu.enqueue_dma source(%arg8 : memref<128x128xf32, #tpu.memory_space<vmem>>) target(%dma_start3A_40 : memref<128x128xf32, #tpu.memory_space<vmem_shared>>) target_semaphore(%run_scoped3A : memref<!tpu.dma_semaphore, #tpu.memory_space<semaphore_mem>>)
      %dma_wait3A = arith.constant 0 : i32
      %dma_wait3A_41 = tpu.memref_slice %arg10[%add3A_18, %dma_wait3A] : memref<5120x128xf32, #tpu.memory_space<vmem_shared>> -> memref<128x128xf32, #tpu.memory_space<vmem_shared>>
      %dma_wait3A_42 = arith.constant 0 : i32
      %dma_wait3A_43 = tpu.memref_slice %arg10[%add3A_18, %dma_wait3A_42] : memref<5120x128xf32, #tpu.memory_space<vmem_shared>> -> memref<128x128xf32, #tpu.memory_space<vmem_shared>>
      tpu.wait_dma2 semaphore(%run_scoped3A : memref<!tpu.dma_semaphore, #tpu.memory_space<semaphore_mem>>) src(%arg8 : memref<128x128xf32, #tpu.memory_space<vmem>>) dst(%dma_wait3A_43 : memref<128x128xf32, #tpu.memory_space<vmem_shared>>)
      tpu.yield
    }) : () -> ()
    %add3A_19 = arith.constant 256 : i32
    %add3A_20 = arith.addi %mul3A_16, %add3A_19 : i32
    "tpu.region"() ({
      %run_scoped3A = tpu.sem_alloc : memref<!tpu.dma_semaphore, #tpu.memory_space<semaphore_mem>>
      %dma_start3A = arith.constant 0 : i32
      %dma_start3A_38 = arith.constant 0 : i32
      %dma_start3A_39 = tpu.memref_slice %arg8[%dma_start3A, %dma_start3A_38] : memref<128x128xf32, #tpu.memory_space<vmem>> -> memref<64x128xf32, #tpu.memory_space<vmem>>
      %dma_start3A_40 = arith.constant 0 : i32
      %dma_start3A_41 = tpu.memref_slice %arg10[%add3A_20, %dma_start3A_40] : memref<5120x128xf32, #tpu.memory_space<vmem_shared>> -> memref<64x128xf32, #tpu.memory_space<vmem_shared>>
      %dma_start3A_42 = arith.constant 0 : i32
      %dma_start3A_43 = tpu.memref_slice %arg10[%add3A_20, %dma_start3A_42] : memref<5120x128xf32, #tpu.memory_space<vmem_shared>> -> memref<64x128xf32, #tpu.memory_space<vmem_shared>>
      %dma_start3A_44 = arith.constant 0 : i32
      %dma_start3A_45 = arith.constant 0 : i32
      %dma_start3A_46 = tpu.memref_slice %arg8[%dma_start3A_44, %dma_start3A_45] : memref<128x128xf32, #tpu.memory_space<vmem>> -> memref<64x128xf32, #tpu.memory_space<vmem>>
      tpu.enqueue_dma source(%dma_start3A_46 : memref<64x128xf32, #tpu.memory_space<vmem>>) target(%dma_start3A_43 : memref<64x128xf32, #tpu.memory_space<vmem_shared>>) target_semaphore(%run_scoped3A : memref<!tpu.dma_semaphore, #tpu.memory_space<semaphore_mem>>)
      %dma_wait3A = arith.constant 0 : i32
      %dma_wait3A_47 = arith.constant 0 : i32
      %dma_wait3A_48 = tpu.memref_slice %arg8[%dma_wait3A, %dma_wait3A_47] : memref<128x128xf32, #tpu.memory_space<vmem>> -> memref<64x128xf32, #tpu.memory_space<vmem>>
      %dma_wait3A_49 = arith.constant 0 : i32
      %dma_wait3A_50 = tpu.memref_slice %arg10[%add3A_20, %dma_wait3A_49] : memref<5120x128xf32, #tpu.memory_space<vmem_shared>> -> memref<64x128xf32, #tpu.memory_space<vmem_shared>>
      %dma_wait3A_51 = arith.constant 0 : i32
      %dma_wait3A_52 = tpu.memref_slice %arg10[%add3A_20, %dma_wait3A_51] : memref<5120x128xf32, #tpu.memory_space<vmem_shared>> -> memref<64x128xf32, #tpu.memory_space<vmem_shared>>
      %dma_wait3A_53 = arith.constant 0 : i32
      %dma_wait3A_54 = arith.constant 0 : i32
      %dma_wait3A_55 = tpu.memref_slice %arg8[%dma_wait3A_53, %dma_wait3A_54] : memref<128x128xf32, #tpu.memory_space<vmem>> -> memref<64x128xf32, #tpu.memory_space<vmem>>
      tpu.wait_dma2 semaphore(%run_scoped3A : memref<!tpu.dma_semaphore, #tpu.memory_space<semaphore_mem>>) src(%dma_wait3A_55 : memref<64x128xf32, #tpu.memory_space<vmem>>) dst(%dma_wait3A_52 : memref<64x128xf32, #tpu.memory_space<vmem_shared>>)
      tpu.yield
    }) : () -> ()
    %barrier3A = arith.constant 0 : index
    tpu.barrier barrier_id(%barrier3A)
    %scan3A_21 = arith.constant 0 : i32
    %scan3A_22 = arith.constant 0 : i32
    %scan3A_23 = arith.constant 5 : i32
    %scan3A_24 = arith.addi %scan3A_22, %scan3A_23 : i32
    %scan3A_25 = arith.constant 1 : i32
    scf.for %scan3A_38 = %scan3A_22 to %scan3A_24 step %scan3A_25  : i32 {
      %mul3A_39 = arith.constant 16 : i32
      %mul3A_40 = arith.muli %scan3A_38, %mul3A_39 : i32
      "tpu.region"() ({
        %run_scoped3A = tpu.sem_alloc : memref<!tpu.dma_semaphore, #tpu.memory_space<semaphore_mem>>
        %dma_start3A_487 = arith.constant 0 : i32
        %dma_start3A_488 = arith.constant 0 : i32
        %dma_start3A_489 = tpu.memref_slice %arg2[%arg0, %arg1, %dma_start3A_487, %dma_start3A_488] : memref<2x16x80x128xi32, #tpu.memory_space<hbm>> -> memref<1x1x80x128xi32, #tpu.memory_space<hbm>>
        %dma_start3A_490 = tpu.memref_squeeze %dma_start3A_489 : memref<1x1x80x128xi32, #tpu.memory_space<hbm>> -> memref<80x128xi32, #tpu.memory_space<hbm>>
        %dma_start3A_491 = arith.constant 0 : i32
        %dma_start3A_492 = tpu.memref_slice %dma_start3A_490[%mul3A_40, %dma_start3A_491] : memref<80x128xi32, #tpu.memory_space<hbm>> -> memref<16x128xi32, #tpu.memory_space<hbm>>
        %dma_start3A_493 = arith.constant 0 : i32
        %dma_start3A_494 = arith.constant 0 : i32
        %dma_start3A_495 = tpu.memref_slice %arg2[%arg0, %arg1, %dma_start3A_493, %dma_start3A_494] : memref<2x16x80x128xi32, #tpu.memory_space<hbm>> -> memref<1x1x80x128xi32, #tpu.memory_space<hbm>>
        %dma_start3A_496 = tpu.memref_squeeze %dma_start3A_495 : memref<1x1x80x128xi32, #tpu.memory_space<hbm>> -> memref<80x128xi32, #tpu.memory_space<hbm>>
        %dma_start3A_497 = arith.constant 0 : i32
        %dma_start3A_498 = tpu.memref_slice %dma_start3A_496[%mul3A_40, %dma_start3A_497] : memref<80x128xi32, #tpu.memory_space<hbm>> -> memref<16x128xi32, #tpu.memory_space<hbm>>
        tpu.enqueue_dma source(%dma_start3A_498 : memref<16x128xi32, #tpu.memory_space<hbm>>) target(%arg6 : memref<16x128xi32, #tpu.memory_space<vmem>>) target_semaphore(%run_scoped3A : memref<!tpu.dma_semaphore, #tpu.memory_space<semaphore_mem>>)
        %dma_wait3A_499 = arith.constant 0 : i32
        %dma_wait3A_500 = arith.constant 0 : i32
        %dma_wait3A_501 = tpu.memref_slice %arg2[%arg0, %arg1, %dma_wait3A_499, %dma_wait3A_500] : memref<2x16x80x128xi32, #tpu.memory_space<hbm>> -> memref<1x1x80x128xi32, #tpu.memory_space<hbm>>
        %dma_wait3A_502 = tpu.memref_squeeze %dma_wait3A_501 : memref<1x1x80x128xi32, #tpu.memory_space<hbm>> -> memref<80x128xi32, #tpu.memory_space<hbm>>
        %dma_wait3A_503 = arith.constant 0 : i32
        %dma_wait3A_504 = tpu.memref_slice %dma_wait3A_502[%mul3A_40, %dma_wait3A_503] : memref<80x128xi32, #tpu.memory_space<hbm>> -> memref<16x128xi32, #tpu.memory_space<hbm>>
        %dma_wait3A_505 = arith.constant 0 : i32
        %dma_wait3A_506 = arith.constant 0 : i32
        %dma_wait3A_507 = tpu.memref_slice %arg2[%arg0, %arg1, %dma_wait3A_505, %dma_wait3A_506] : memref<2x16x80x128xi32, #tpu.memory_space<hbm>> -> memref<1x1x80x128xi32, #tpu.memory_space<hbm>>
        %dma_wait3A_508 = tpu.memref_squeeze %dma_wait3A_507 : memref<1x1x80x128xi32, #tpu.memory_space<hbm>> -> memref<80x128xi32, #tpu.memory_space<hbm>>
        %dma_wait3A_509 = arith.constant 0 : i32
        %dma_wait3A_510 = tpu.memref_slice %dma_wait3A_508[%mul3A_40, %dma_wait3A_509] : memref<80x128xi32, #tpu.memory_space<hbm>> -> memref<16x128xi32, #tpu.memory_space<hbm>>
        tpu.wait_dma2 semaphore(%run_scoped3A : memref<!tpu.dma_semaphore, #tpu.memory_space<semaphore_mem>>) src(%dma_wait3A_510 : memref<16x128xi32, #tpu.memory_space<hbm>>) dst(%arg6 : memref<16x128xi32, #tpu.memory_space<vmem>>)
        tpu.yield
      }) : () -> ()
      "tpu.region"() ({
        %run_scoped3A = tpu.sem_alloc : memref<!tpu.dma_semaphore, #tpu.memory_space<semaphore_mem>>
        %dma_start3A_487 = arith.constant 0 : i32
        %dma_start3A_488 = arith.constant 0 : i32
        %dma_start3A_489 = tpu.memref_slice %arg3[%arg0, %arg1, %dma_start3A_487, %dma_start3A_488] : memref<2x16x80x128xi32, #tpu.memory_space<hbm>> -> memref<1x1x80x128xi32, #tpu.memory_space<hbm>>
        %dma_start3A_490 = tpu.memref_squeeze %dma_start3A_489 : memref<1x1x80x128xi32, #tpu.memory_space<hbm>> -> memref<80x128xi32, #tpu.memory_space<hbm>>
        %dma_start3A_491 = arith.constant 0 : i32
        %dma_start3A_492 = tpu.memref_slice %dma_start3A_490[%mul3A_40, %dma_start3A_491] : memref<80x128xi32, #tpu.memory_space<hbm>> -> memref<16x128xi32, #tpu.memory_space<hbm>>
        %dma_start3A_493 = arith.constant 0 : i32
        %dma_start3A_494 = arith.constant 0 : i32
        %dma_start3A_495 = tpu.memref_slice %arg3[%arg0, %arg1, %dma_start3A_493, %dma_start3A_494] : memref<2x16x80x128xi32, #tpu.memory_space<hbm>> -> memref<1x1x80x128xi32, #tpu.memory_space<hbm>>
        %dma_start3A_496 = tpu.memref_squeeze %dma_start3A_495 : memref<1x1x80x128xi32, #tpu.memory_space<hbm>> -> memref<80x128xi32, #tpu.memory_space<hbm>>
        %dma_start3A_497 = arith.constant 0 : i32
        %dma_start3A_498 = tpu.memref_slice %dma_start3A_496[%mul3A_40, %dma_start3A_497] : memref<80x128xi32, #tpu.memory_space<hbm>> -> memref<16x128xi32, #tpu.memory_space<hbm>>
        tpu.enqueue_dma source(%dma_start3A_498 : memref<16x128xi32, #tpu.memory_space<hbm>>) target(%arg7 : memref<16x128xi32, #tpu.memory_space<vmem>>) target_semaphore(%run_scoped3A : memref<!tpu.dma_semaphore, #tpu.memory_space<semaphore_mem>>)
        %dma_wait3A_499 = arith.constant 0 : i32
        %dma_wait3A_500 = arith.constant 0 : i32
        %dma_wait3A_501 = tpu.memref_slice %arg3[%arg0, %arg1, %dma_wait3A_499, %dma_wait3A_500] : memref<2x16x80x128xi32, #tpu.memory_space<hbm>> -> memref<1x1x80x128xi32, #tpu.memory_space<hbm>>
        %dma_wait3A_502 = tpu.memref_squeeze %dma_wait3A_501 : memref<1x1x80x128xi32, #tpu.memory_space<hbm>> -> memref<80x128xi32, #tpu.memory_space<hbm>>
        %dma_wait3A_503 = arith.constant 0 : i32
        %dma_wait3A_504 = tpu.memref_slice %dma_wait3A_502[%mul3A_40, %dma_wait3A_503] : memref<80x128xi32, #tpu.memory_space<hbm>> -> memref<16x128xi32, #tpu.memory_space<hbm>>
        %dma_wait3A_505 = arith.constant 0 : i32
        %dma_wait3A_506 = arith.constant 0 : i32
        %dma_wait3A_507 = tpu.memref_slice %arg3[%arg0, %arg1, %dma_wait3A_505, %dma_wait3A_506] : memref<2x16x80x128xi32, #tpu.memory_space<hbm>> -> memref<1x1x80x128xi32, #tpu.memory_space<hbm>>
        %dma_wait3A_508 = tpu.memref_squeeze %dma_wait3A_507 : memref<1x1x80x128xi32, #tpu.memory_space<hbm>> -> memref<80x128xi32, #tpu.memory_space<hbm>>
        %dma_wait3A_509 = arith.constant 0 : i32
        %dma_wait3A_510 = tpu.memref_slice %dma_wait3A_508[%mul3A_40, %dma_wait3A_509] : memref<80x128xi32, #tpu.memory_space<hbm>> -> memref<16x128xi32, #tpu.memory_space<hbm>>
        tpu.wait_dma2 semaphore(%run_scoped3A : memref<!tpu.dma_semaphore, #tpu.memory_space<semaphore_mem>>) src(%dma_wait3A_510 : memref<16x128xi32, #tpu.memory_space<hbm>>) dst(%arg7 : memref<16x128xi32, #tpu.memory_space<vmem>>)
        tpu.yield
      }) : () -> ()
      %dma_start3A = arith.constant 0 : i32
      %dma_start3A_41 = arith.constant 0 : i32
      %dma_start3A_42 = tpu.memref_slice %arg6[%dma_start3A, %dma_start3A_41] : memref<16x128xi32, #tpu.memory_space<vmem>> -> memref<1x128xi32, #tpu.memory_space<vmem>>
      %dma_start3A_43 = tpu.memref_squeeze %dma_start3A_42 : memref<1x128xi32, #tpu.memory_space<vmem>> -> memref<128xi32, #tpu.memory_space<vmem>>
      %dma_start3A_44 = arith.constant 0 : i32
      %dma_start3A_45 = arith.constant 0 : i32
      %dma_start3A_46 = tpu.memref_slice %arg11[%dma_start3A_44, %dma_start3A_45] : memref<5120x128xf32, #tpu.memory_space<vmem_shared>> -> memref<5120x128xf32, #tpu.memory_space<vmem_shared>>
      tpu.enqueue_indirect_dma source(%dma_start3A_46 : memref<5120x128xf32, #tpu.memory_space<vmem_shared>>) target(%arg8 : memref<128x128xf32, #tpu.memory_space<vmem>>) offsets(%dma_start3A_43 : memref<128xi32, #tpu.memory_space<vmem>>) semaphore(%arg12 : memref<!tpu.dma_semaphore, #tpu.memory_space<semaphore_mem>>)
      %dma_start3A_47 = arith.constant 1 : i32
      %dma_start3A_48 = arith.constant 0 : i32
      %dma_start3A_49 = tpu.memref_slice %arg6[%dma_start3A_47, %dma_start3A_48] : memref<16x128xi32, #tpu.memory_space<vmem>> -> memref<1x128xi32, #tpu.memory_space<vmem>>
      %dma_start3A_50 = tpu.memref_squeeze %dma_start3A_49 : memref<1x128xi32, #tpu.memory_space<vmem>> -> memref<128xi32, #tpu.memory_space<vmem>>
      %dma_start3A_51 = arith.constant 0 : i32
      %dma_start3A_52 = arith.constant 0 : i32
      %dma_start3A_53 = tpu.memref_slice %arg11[%dma_start3A_51, %dma_start3A_52] : memref<5120x128xf32, #tpu.memory_space<vmem_shared>> -> memref<5120x128xf32, #tpu.memory_space<vmem_shared>>
      tpu.enqueue_indirect_dma source(%dma_start3A_53 : memref<5120x128xf32, #tpu.memory_space<vmem_shared>>) target(%arg9 : memref<128x128xf32, #tpu.memory_space<vmem>>) offsets(%dma_start3A_50 : memref<128xi32, #tpu.memory_space<vmem>>) semaphore(%arg13 : memref<!tpu.dma_semaphore, #tpu.memory_space<semaphore_mem>>)
      %dma_wait3A = arith.constant 0 : i32
      %dma_wait3A_54 = arith.constant 0 : i32
      %dma_wait3A_55 = tpu.memref_slice %arg6[%dma_wait3A, %dma_wait3A_54] : memref<16x128xi32, #tpu.memory_space<vmem>> -> memref<1x128xi32, #tpu.memory_space<vmem>>
      %dma_wait3A_56 = tpu.memref_squeeze %dma_wait3A_55 : memref<1x128xi32, #tpu.memory_space<vmem>> -> memref<128xi32, #tpu.memory_space<vmem>>
      %dma_wait3A_57 = arith.constant 0 : i32
      %dma_wait3A_58 = arith.constant 0 : i32
      %dma_wait3A_59 = tpu.memref_slice %arg11[%dma_wait3A_57, %dma_wait3A_58] : memref<5120x128xf32, #tpu.memory_space<vmem_shared>> -> memref<5120x128xf32, #tpu.memory_space<vmem_shared>>
      tpu.wait_indirect_dma semaphore(%arg12 : memref<!tpu.dma_semaphore, #tpu.memory_space<semaphore_mem>>) src(%dma_wait3A_59 : memref<5120x128xf32, #tpu.memory_space<vmem_shared>>) dst(%arg8 : memref<128x128xf32, #tpu.memory_space<vmem>>)
      %dma_start3A_60 = arith.constant 0 : i32
      %dma_start3A_61 = arith.constant 0 : i32
      %dma_start3A_62 = tpu.memref_slice %arg7[%dma_start3A_60, %dma_start3A_61] : memref<16x128xi32, #tpu.memory_space<vmem>> -> memref<1x128xi32, #tpu.memory_space<vmem>>
      %dma_start3A_63 = tpu.memref_squeeze %dma_start3A_62 : memref<1x128xi32, #tpu.memory_space<vmem>> -> memref<128xi32, #tpu.memory_space<vmem>>
      %dma_start3A_64 = arith.constant 0 : i32
      %dma_start3A_65 = arith.constant 0 : i32
      %dma_start3A_66 = tpu.memref_slice %arg10[%dma_start3A_64, %dma_start3A_65] : memref<5120x128xf32, #tpu.memory_space<vmem_shared>> -> memref<5120x128xf32, #tpu.memory_space<vmem_shared>>
      tpu.enqueue_indirect_dma source(%arg8 : memref<128x128xf32, #tpu.memory_space<vmem>>) target(%dma_start3A_66 : memref<5120x128xf32, #tpu.memory_space<vmem_shared>>) offsets(%dma_start3A_63 : memref<128xi32, #tpu.memory_space<vmem>>) semaphore(%arg14 : memref<!tpu.dma_semaphore, #tpu.memory_space<semaphore_mem>>) {add = true}
      %dma_wait3A_67 = arith.constant 0 : i32
      %dma_wait3A_68 = arith.constant 0 : i32
      %dma_wait3A_69 = tpu.memref_slice %arg7[%dma_wait3A_67, %dma_wait3A_68] : memref<16x128xi32, #tpu.memory_space<vmem>> -> memref<1x128xi32, #tpu.memory_space<vmem>>
      %dma_wait3A_70 = tpu.memref_squeeze %dma_wait3A_69 : memref<1x128xi32, #tpu.memory_space<vmem>> -> memref<128xi32, #tpu.memory_space<vmem>>
      %dma_wait3A_71 = arith.constant 0 : i32
      %dma_wait3A_72 = arith.constant 0 : i32
      %dma_wait3A_73 = tpu.memref_slice %arg10[%dma_wait3A_71, %dma_wait3A_72] : memref<5120x128xf32, #tpu.memory_space<vmem_shared>> -> memref<5120x128xf32, #tpu.memory_space<vmem_shared>>
      tpu.wait_indirect_dma semaphore(%arg14 : memref<!tpu.dma_semaphore, #tpu.memory_space<semaphore_mem>>) src(%arg8 : memref<128x128xf32, #tpu.memory_space<vmem>>) dst(%dma_wait3A_73 : memref<5120x128xf32, #tpu.memory_space<vmem_shared>>)
      %dma_start3A_74 = arith.constant 2 : i32
      %dma_start3A_75 = arith.constant 0 : i32
      %dma_start3A_76 = tpu.memref_slice %arg6[%dma_start3A_74, %dma_start3A_75] : memref<16x128xi32, #tpu.memory_space<vmem>> -> memref<1x128xi32, #tpu.memory_space<vmem>>
      %dma_start3A_77 = tpu.memref_squeeze %dma_start3A_76 : memref<1x128xi32, #tpu.memory_space<vmem>> -> memref<128xi32, #tpu.memory_space<vmem>>
      %dma_start3A_78 = arith.constant 0 : i32
      %dma_start3A_79 = arith.constant 0 : i32
      %dma_start3A_80 = tpu.memref_slice %arg11[%dma_start3A_78, %dma_start3A_79] : memref<5120x128xf32, #tpu.memory_space<vmem_shared>> -> memref<5120x128xf32, #tpu.memory_space<vmem_shared>>
      tpu.enqueue_indirect_dma source(%dma_start3A_80 : memref<5120x128xf32, #tpu.memory_space<vmem_shared>>) target(%arg8 : memref<128x128xf32, #tpu.memory_space<vmem>>) offsets(%dma_start3A_77 : memref<128xi32, #tpu.memory_space<vmem>>) semaphore(%arg12 : memref<!tpu.dma_semaphore, #tpu.memory_space<semaphore_mem>>)
      %dma_wait3A_81 = arith.constant 1 : i32
      %dma_wait3A_82 = arith.constant 0 : i32
      %dma_wait3A_83 = tpu.memref_slice %arg6[%dma_wait3A_81, %dma_wait3A_82] : memref<16x128xi32, #tpu.memory_space<vmem>> -> memref<1x128xi32, #tpu.memory_space<vmem>>
      %dma_wait3A_84 = tpu.memref_squeeze %dma_wait3A_83 : memref<1x128xi32, #tpu.memory_space<vmem>> -> memref<128xi32, #tpu.memory_space<vmem>>
      %dma_wait3A_85 = arith.constant 0 : i32
      %dma_wait3A_86 = arith.constant 0 : i32
      %dma_wait3A_87 = tpu.memref_slice %arg11[%dma_wait3A_85, %dma_wait3A_86] : memref<5120x128xf32, #tpu.memory_space<vmem_shared>> -> memref<5120x128xf32, #tpu.memory_space<vmem_shared>>
      tpu.wait_indirect_dma semaphore(%arg13 : memref<!tpu.dma_semaphore, #tpu.memory_space<semaphore_mem>>) src(%dma_wait3A_87 : memref<5120x128xf32, #tpu.memory_space<vmem_shared>>) dst(%arg9 : memref<128x128xf32, #tpu.memory_space<vmem>>)
      %dma_start3A_88 = arith.constant 1 : i32
      %dma_start3A_89 = arith.constant 0 : i32
      %dma_start3A_90 = tpu.memref_slice %arg7[%dma_start3A_88, %dma_start3A_89] : memref<16x128xi32, #tpu.memory_space<vmem>> -> memref<1x128xi32, #tpu.memory_space<vmem>>
      %dma_start3A_91 = tpu.memref_squeeze %dma_start3A_90 : memref<1x128xi32, #tpu.memory_space<vmem>> -> memref<128xi32, #tpu.memory_space<vmem>>
      %dma_start3A_92 = arith.constant 0 : i32
      %dma_start3A_93 = arith.constant 0 : i32
      %dma_start3A_94 = tpu.memref_slice %arg10[%dma_start3A_92, %dma_start3A_93] : memref<5120x128xf32, #tpu.memory_space<vmem_shared>> -> memref<5120x128xf32, #tpu.memory_space<vmem_shared>>
      tpu.enqueue_indirect_dma source(%arg9 : memref<128x128xf32, #tpu.memory_space<vmem>>) target(%dma_start3A_94 : memref<5120x128xf32, #tpu.memory_space<vmem_shared>>) offsets(%dma_start3A_91 : memref<128xi32, #tpu.memory_space<vmem>>) semaphore(%arg15 : memref<!tpu.dma_semaphore, #tpu.memory_space<semaphore_mem>>) {add = true}
      %dma_wait3A_95 = arith.constant 1 : i32
      %dma_wait3A_96 = arith.constant 0 : i32
      %dma_wait3A_97 = tpu.memref_slice %arg7[%dma_wait3A_95, %dma_wait3A_96] : memref<16x128xi32, #tpu.memory_space<vmem>> -> memref<1x128xi32, #tpu.memory_space<vmem>>
      %dma_wait3A_98 = tpu.memref_squeeze %dma_wait3A_97 : memref<1x128xi32, #tpu.memory_space<vmem>> -> memref<128xi32, #tpu.memory_space<vmem>>
      %dma_wait3A_99 = arith.constant 0 : i32
      %dma_wait3A_100 = arith.constant 0 : i32
      %dma_wait3A_101 = tpu.memref_slice %arg10[%dma_wait3A_99, %dma_wait3A_100] : memref<5120x128xf32, #tpu.memory_space<vmem_shared>> -> memref<5120x128xf32, #tpu.memory_space<vmem_shared>>
      tpu.wait_indirect_dma semaphore(%arg15 : memref<!tpu.dma_semaphore, #tpu.memory_space<semaphore_mem>>) src(%arg9 : memref<128x128xf32, #tpu.memory_space<vmem>>) dst(%dma_wait3A_101 : memref<5120x128xf32, #tpu.memory_space<vmem_shared>>)
      %dma_start3A_102 = arith.constant 3 : i32
      %dma_start3A_103 = arith.constant 0 : i32
      %dma_start3A_104 = tpu.memref_slice %arg6[%dma_start3A_102, %dma_start3A_103] : memref<16x128xi32, #tpu.memory_space<vmem>> -> memref<1x128xi32, #tpu.memory_space<vmem>>
      %dma_start3A_105 = tpu.memref_squeeze %dma_start3A_104 : memref<1x128xi32, #tpu.memory_space<vmem>> -> memref<128xi32, #tpu.memory_space<vmem>>
      %dma_start3A_106 = arith.constant 0 : i32
      %dma_start3A_107 = arith.constant 0 : i32
      %dma_start3A_108 = tpu.memref_slice %arg11[%dma_start3A_106, %dma_start3A_107] : memref<5120x128xf32, #tpu.memory_space<vmem_shared>> -> memref<5120x128xf32, #tpu.memory_space<vmem_shared>>
      tpu.enqueue_indirect_dma source(%dma_start3A_108 : memref<5120x128xf32, #tpu.memory_space<vmem_shared>>) target(%arg9 : memref<128x128xf32, #tpu.memory_space<vmem>>) offsets(%dma_start3A_105 : memref<128xi32, #tpu.memory_space<vmem>>) semaphore(%arg13 : memref<!tpu.dma_semaphore, #tpu.memory_space<semaphore_mem>>)
      %dma_wait3A_109 = arith.constant 2 : i32
      %dma_wait3A_110 = arith.constant 0 : i32
      %dma_wait3A_111 = tpu.memref_slice %arg6[%dma_wait3A_109, %dma_wait3A_110] : memref<16x128xi32, #tpu.memory_space<vmem>> -> memref<1x128xi32, #tpu.memory_space<vmem>>
      %dma_wait3A_112 = tpu.memref_squeeze %dma_wait3A_111 : memref<1x128xi32, #tpu.memory_space<vmem>> -> memref<128xi32, #tpu.memory_space<vmem>>
      %dma_wait3A_113 = arith.constant 0 : i32
      %dma_wait3A_114 = arith.constant 0 : i32
      %dma_wait3A_115 = tpu.memref_slice %arg11[%dma_wait3A_113, %dma_wait3A_114] : memref<5120x128xf32, #tpu.memory_space<vmem_shared>> -> memref<5120x128xf32, #tpu.memory_space<vmem_shared>>
      tpu.wait_indirect_dma semaphore(%arg12 : memref<!tpu.dma_semaphore, #tpu.memory_space<semaphore_mem>>) src(%dma_wait3A_115 : memref<5120x128xf32, #tpu.memory_space<vmem_shared>>) dst(%arg8 : memref<128x128xf32, #tpu.memory_space<vmem>>)
      %dma_start3A_116 = arith.constant 2 : i32
      %dma_start3A_117 = arith.constant 0 : i32
      %dma_start3A_118 = tpu.memref_slice %arg7[%dma_start3A_116, %dma_start3A_117] : memref<16x128xi32, #tpu.memory_space<vmem>> -> memref<1x128xi32, #tpu.memory_space<vmem>>
      %dma_start3A_119 = tpu.memref_squeeze %dma_start3A_118 : memref<1x128xi32, #tpu.memory_space<vmem>> -> memref<128xi32, #tpu.memory_space<vmem>>
      %dma_start3A_120 = arith.constant 0 : i32
      %dma_start3A_121 = arith.constant 0 : i32
      %dma_start3A_122 = tpu.memref_slice %arg10[%dma_start3A_120, %dma_start3A_121] : memref<5120x128xf32, #tpu.memory_space<vmem_shared>> -> memref<5120x128xf32, #tpu.memory_space<vmem_shared>>
      tpu.enqueue_indirect_dma source(%arg8 : memref<128x128xf32, #tpu.memory_space<vmem>>) target(%dma_start3A_122 : memref<5120x128xf32, #tpu.memory_space<vmem_shared>>) offsets(%dma_start3A_119 : memref<128xi32, #tpu.memory_space<vmem>>) semaphore(%arg14 : memref<!tpu.dma_semaphore, #tpu.memory_space<semaphore_mem>>) {add = true}
      %dma_wait3A_123 = arith.constant 2 : i32
      %dma_wait3A_124 = arith.constant 0 : i32
      %dma_wait3A_125 = tpu.memref_slice %arg7[%dma_wait3A_123, %dma_wait3A_124] : memref<16x128xi32, #tpu.memory_space<vmem>> -> memref<1x128xi32, #tpu.memory_space<vmem>>
      %dma_wait3A_126 = tpu.memref_squeeze %dma_wait3A_125 : memref<1x128xi32, #tpu.memory_space<vmem>> -> memref<128xi32, #tpu.memory_space<vmem>>
      %dma_wait3A_127 = arith.constant 0 : i32
      %dma_wait3A_128 = arith.constant 0 : i32
      %dma_wait3A_129 = tpu.memref_slice %arg10[%dma_wait3A_127, %dma_wait3A_128] : memref<5120x128xf32, #tpu.memory_space<vmem_shared>> -> memref<5120x128xf32, #tpu.memory_space<vmem_shared>>
      tpu.wait_indirect_dma semaphore(%arg14 : memref<!tpu.dma_semaphore, #tpu.memory_space<semaphore_mem>>) src(%arg8 : memref<128x128xf32, #tpu.memory_space<vmem>>) dst(%dma_wait3A_129 : memref<5120x128xf32, #tpu.memory_space<vmem_shared>>)
      %dma_start3A_130 = arith.constant 4 : i32
      %dma_start3A_131 = arith.constant 0 : i32
      %dma_start3A_132 = tpu.memref_slice %arg6[%dma_start3A_130, %dma_start3A_131] : memref<16x128xi32, #tpu.memory_space<vmem>> -> memref<1x128xi32, #tpu.memory_space<vmem>>
      %dma_start3A_133 = tpu.memref_squeeze %dma_start3A_132 : memref<1x128xi32, #tpu.memory_space<vmem>> -> memref<128xi32, #tpu.memory_space<vmem>>
      %dma_start3A_134 = arith.constant 0 : i32
      %dma_start3A_135 = arith.constant 0 : i32
      %dma_start3A_136 = tpu.memref_slice %arg11[%dma_start3A_134, %dma_start3A_135] : memref<5120x128xf32, #tpu.memory_space<vmem_shared>> -> memref<5120x128xf32, #tpu.memory_space<vmem_shared>>
      tpu.enqueue_indirect_dma source(%dma_start3A_136 : memref<5120x128xf32, #tpu.memory_space<vmem_shared>>) target(%arg8 : memref<128x128xf32, #tpu.memory_space<vmem>>) offsets(%dma_start3A_133 : memref<128xi32, #tpu.memory_space<vmem>>) semaphore(%arg12 : memref<!tpu.dma_semaphore, #tpu.memory_space<semaphore_mem>>)
      %dma_wait3A_137 = arith.constant 3 : i32
      %dma_wait3A_138 = arith.constant 0 : i32
      %dma_wait3A_139 = tpu.memref_slice %arg6[%dma_wait3A_137, %dma_wait3A_138] : memref<16x128xi32, #tpu.memory_space<vmem>> -> memref<1x128xi32, #tpu.memory_space<vmem>>
      %dma_wait3A_140 = tpu.memref_squeeze %dma_wait3A_139 : memref<1x128xi32, #tpu.memory_space<vmem>> -> memref<128xi32, #tpu.memory_space<vmem>>
      %dma_wait3A_141 = arith.constant 0 : i32
      %dma_wait3A_142 = arith.constant 0 : i32
      %dma_wait3A_143 = tpu.memref_slice %arg11[%dma_wait3A_141, %dma_wait3A_142] : memref<5120x128xf32, #tpu.memory_space<vmem_shared>> -> memref<5120x128xf32, #tpu.memory_space<vmem_shared>>
      tpu.wait_indirect_dma semaphore(%arg13 : memref<!tpu.dma_semaphore, #tpu.memory_space<semaphore_mem>>) src(%dma_wait3A_143 : memref<5120x128xf32, #tpu.memory_space<vmem_shared>>) dst(%arg9 : memref<128x128xf32, #tpu.memory_space<vmem>>)
      %dma_start3A_144 = arith.constant 3 : i32
      %dma_start3A_145 = arith.constant 0 : i32
      %dma_start3A_146 = tpu.memref_slice %arg7[%dma_start3A_144, %dma_start3A_145] : memref<16x128xi32, #tpu.memory_space<vmem>> -> memref<1x128xi32, #tpu.memory_space<vmem>>
      %dma_start3A_147 = tpu.memref_squeeze %dma_start3A_146 : memref<1x128xi32, #tpu.memory_space<vmem>> -> memref<128xi32, #tpu.memory_space<vmem>>
      %dma_start3A_148 = arith.constant 0 : i32
      %dma_start3A_149 = arith.constant 0 : i32
      %dma_start3A_150 = tpu.memref_slice %arg10[%dma_start3A_148, %dma_start3A_149] : memref<5120x128xf32, #tpu.memory_space<vmem_shared>> -> memref<5120x128xf32, #tpu.memory_space<vmem_shared>>
      tpu.enqueue_indirect_dma source(%arg9 : memref<128x128xf32, #tpu.memory_space<vmem>>) target(%dma_start3A_150 : memref<5120x128xf32, #tpu.memory_space<vmem_shared>>) offsets(%dma_start3A_147 : memref<128xi32, #tpu.memory_space<vmem>>) semaphore(%arg15 : memref<!tpu.dma_semaphore, #tpu.memory_space<semaphore_mem>>) {add = true}
      %dma_wait3A_151 = arith.constant 3 : i32
      %dma_wait3A_152 = arith.constant 0 : i32
      %dma_wait3A_153 = tpu.memref_slice %arg7[%dma_wait3A_151, %dma_wait3A_152] : memref<16x128xi32, #tpu.memory_space<vmem>> -> memref<1x128xi32, #tpu.memory_space<vmem>>
      %dma_wait3A_154 = tpu.memref_squeeze %dma_wait3A_153 : memref<1x128xi32, #tpu.memory_space<vmem>> -> memref<128xi32, #tpu.memory_space<vmem>>
      %dma_wait3A_155 = arith.constant 0 : i32
      %dma_wait3A_156 = arith.constant 0 : i32
      %dma_wait3A_157 = tpu.memref_slice %arg10[%dma_wait3A_155, %dma_wait3A_156] : memref<5120x128xf32, #tpu.memory_space<vmem_shared>> -> memref<5120x128xf32, #tpu.memory_space<vmem_shared>>
      tpu.wait_indirect_dma semaphore(%arg15 : memref<!tpu.dma_semaphore, #tpu.memory_space<semaphore_mem>>) src(%arg9 : memref<128x128xf32, #tpu.memory_space<vmem>>) dst(%dma_wait3A_157 : memref<5120x128xf32, #tpu.memory_space<vmem_shared>>)
      %dma_start3A_158 = arith.constant 5 : i32
      %dma_start3A_159 = arith.constant 0 : i32
      %dma_start3A_160 = tpu.memref_slice %arg6[%dma_start3A_158, %dma_start3A_159] : memref<16x128xi32, #tpu.memory_space<vmem>> -> memref<1x128xi32, #tpu.memory_space<vmem>>
      %dma_start3A_161 = tpu.memref_squeeze %dma_start3A_160 : memref<1x128xi32, #tpu.memory_space<vmem>> -> memref<128xi32, #tpu.memory_space<vmem>>
      %dma_start3A_162 = arith.constant 0 : i32
      %dma_start3A_163 = arith.constant 0 : i32
      %dma_start3A_164 = tpu.memref_slice %arg11[%dma_start3A_162, %dma_start3A_163] : memref<5120x128xf32, #tpu.memory_space<vmem_shared>> -> memref<5120x128xf32, #tpu.memory_space<vmem_shared>>
      tpu.enqueue_indirect_dma source(%dma_start3A_164 : memref<5120x128xf32, #tpu.memory_space<vmem_shared>>) target(%arg9 : memref<128x128xf32, #tpu.memory_space<vmem>>) offsets(%dma_start3A_161 : memref<128xi32, #tpu.memory_space<vmem>>) semaphore(%arg13 : memref<!tpu.dma_semaphore, #tpu.memory_space<semaphore_mem>>)
      %dma_wait3A_165 = arith.constant 4 : i32
      %dma_wait3A_166 = arith.constant 0 : i32
      %dma_wait3A_167 = tpu.memref_slice %arg6[%dma_wait3A_165, %dma_wait3A_166] : memref<16x128xi32, #tpu.memory_space<vmem>> -> memref<1x128xi32, #tpu.memory_space<vmem>>
      %dma_wait3A_168 = tpu.memref_squeeze %dma_wait3A_167 : memref<1x128xi32, #tpu.memory_space<vmem>> -> memref<128xi32, #tpu.memory_space<vmem>>
      %dma_wait3A_169 = arith.constant 0 : i32
      %dma_wait3A_170 = arith.constant 0 : i32
      %dma_wait3A_171 = tpu.memref_slice %arg11[%dma_wait3A_169, %dma_wait3A_170] : memref<5120x128xf32, #tpu.memory_space<vmem_shared>> -> memref<5120x128xf32, #tpu.memory_space<vmem_shared>>
      tpu.wait_indirect_dma semaphore(%arg12 : memref<!tpu.dma_semaphore, #tpu.memory_space<semaphore_mem>>) src(%dma_wait3A_171 : memref<5120x128xf32, #tpu.memory_space<vmem_shared>>) dst(%arg8 : memref<128x128xf32, #tpu.memory_space<vmem>>)
      %dma_start3A_172 = arith.constant 4 : i32
      %dma_start3A_173 = arith.constant 0 : i32
      %dma_start3A_174 = tpu.memref_slice %arg7[%dma_start3A_172, %dma_start3A_173] : memref<16x128xi32, #tpu.memory_space<vmem>> -> memref<1x128xi32, #tpu.memory_space<vmem>>
      %dma_start3A_175 = tpu.memref_squeeze %dma_start3A_174 : memref<1x128xi32, #tpu.memory_space<vmem>> -> memref<128xi32, #tpu.memory_space<vmem>>
      %dma_start3A_176 = arith.constant 0 : i32
      %dma_start3A_177 = arith.constant 0 : i32
      %dma_start3A_178 = tpu.memref_slice %arg10[%dma_start3A_176, %dma_start3A_177] : memref<5120x128xf32, #tpu.memory_space<vmem_shared>> -> memref<5120x128xf32, #tpu.memory_space<vmem_shared>>
      tpu.enqueue_indirect_dma source(%arg8 : memref<128x128xf32, #tpu.memory_space<vmem>>) target(%dma_start3A_178 : memref<5120x128xf32, #tpu.memory_space<vmem_shared>>) offsets(%dma_start3A_175 : memref<128xi32, #tpu.memory_space<vmem>>) semaphore(%arg14 : memref<!tpu.dma_semaphore, #tpu.memory_space<semaphore_mem>>) {add = true}
      %dma_wait3A_179 = arith.constant 4 : i32
      %dma_wait3A_180 = arith.constant 0 : i32
      %dma_wait3A_181 = tpu.memref_slice %arg7[%dma_wait3A_179, %dma_wait3A_180] : memref<16x128xi32, #tpu.memory_space<vmem>> -> memref<1x128xi32, #tpu.memory_space<vmem>>
      %dma_wait3A_182 = tpu.memref_squeeze %dma_wait3A_181 : memref<1x128xi32, #tpu.memory_space<vmem>> -> memref<128xi32, #tpu.memory_space<vmem>>
      %dma_wait3A_183 = arith.constant 0 : i32
      %dma_wait3A_184 = arith.constant 0 : i32
      %dma_wait3A_185 = tpu.memref_slice %arg10[%dma_wait3A_183, %dma_wait3A_184] : memref<5120x128xf32, #tpu.memory_space<vmem_shared>> -> memref<5120x128xf32, #tpu.memory_space<vmem_shared>>
      tpu.wait_indirect_dma semaphore(%arg14 : memref<!tpu.dma_semaphore, #tpu.memory_space<semaphore_mem>>) src(%arg8 : memref<128x128xf32, #tpu.memory_space<vmem>>) dst(%dma_wait3A_185 : memref<5120x128xf32, #tpu.memory_space<vmem_shared>>)
      %dma_start3A_186 = arith.constant 6 : i32
      %dma_start3A_187 = arith.constant 0 : i32
      %dma_start3A_188 = tpu.memref_slice %arg6[%dma_start3A_186, %dma_start3A_187] : memref<16x128xi32, #tpu.memory_space<vmem>> -> memref<1x128xi32, #tpu.memory_space<vmem>>
      %dma_start3A_189 = tpu.memref_squeeze %dma_start3A_188 : memref<1x128xi32, #tpu.memory_space<vmem>> -> memref<128xi32, #tpu.memory_space<vmem>>
      %dma_start3A_190 = arith.constant 0 : i32
      %dma_start3A_191 = arith.constant 0 : i32
      %dma_start3A_192 = tpu.memref_slice %arg11[%dma_start3A_190, %dma_start3A_191] : memref<5120x128xf32, #tpu.memory_space<vmem_shared>> -> memref<5120x128xf32, #tpu.memory_space<vmem_shared>>
      tpu.enqueue_indirect_dma source(%dma_start3A_192 : memref<5120x128xf32, #tpu.memory_space<vmem_shared>>) target(%arg8 : memref<128x128xf32, #tpu.memory_space<vmem>>) offsets(%dma_start3A_189 : memref<128xi32, #tpu.memory_space<vmem>>) semaphore(%arg12 : memref<!tpu.dma_semaphore, #tpu.memory_space<semaphore_mem>>)
      %dma_wait3A_193 = arith.constant 5 : i32
      %dma_wait3A_194 = arith.constant 0 : i32
      %dma_wait3A_195 = tpu.memref_slice %arg6[%dma_wait3A_193, %dma_wait3A_194] : memref<16x128xi32, #tpu.memory_space<vmem>> -> memref<1x128xi32, #tpu.memory_space<vmem>>
      %dma_wait3A_196 = tpu.memref_squeeze %dma_wait3A_195 : memref<1x128xi32, #tpu.memory_space<vmem>> -> memref<128xi32, #tpu.memory_space<vmem>>
      %dma_wait3A_197 = arith.constant 0 : i32
      %dma_wait3A_198 = arith.constant 0 : i32
      %dma_wait3A_199 = tpu.memref_slice %arg11[%dma_wait3A_197, %dma_wait3A_198] : memref<5120x128xf32, #tpu.memory_space<vmem_shared>> -> memref<5120x128xf32, #tpu.memory_space<vmem_shared>>
      tpu.wait_indirect_dma semaphore(%arg13 : memref<!tpu.dma_semaphore, #tpu.memory_space<semaphore_mem>>) src(%dma_wait3A_199 : memref<5120x128xf32, #tpu.memory_space<vmem_shared>>) dst(%arg9 : memref<128x128xf32, #tpu.memory_space<vmem>>)
      %dma_start3A_200 = arith.constant 5 : i32
      %dma_start3A_201 = arith.constant 0 : i32
      %dma_start3A_202 = tpu.memref_slice %arg7[%dma_start3A_200, %dma_start3A_201] : memref<16x128xi32, #tpu.memory_space<vmem>> -> memref<1x128xi32, #tpu.memory_space<vmem>>
      %dma_start3A_203 = tpu.memref_squeeze %dma_start3A_202 : memref<1x128xi32, #tpu.memory_space<vmem>> -> memref<128xi32, #tpu.memory_space<vmem>>
      %dma_start3A_204 = arith.constant 0 : i32
      %dma_start3A_205 = arith.constant 0 : i32
      %dma_start3A_206 = tpu.memref_slice %arg10[%dma_start3A_204, %dma_start3A_205] : memref<5120x128xf32, #tpu.memory_space<vmem_shared>> -> memref<5120x128xf32, #tpu.memory_space<vmem_shared>>
      tpu.enqueue_indirect_dma source(%arg9 : memref<128x128xf32, #tpu.memory_space<vmem>>) target(%dma_start3A_206 : memref<5120x128xf32, #tpu.memory_space<vmem_shared>>) offsets(%dma_start3A_203 : memref<128xi32, #tpu.memory_space<vmem>>) semaphore(%arg15 : memref<!tpu.dma_semaphore, #tpu.memory_space<semaphore_mem>>) {add = true}
      %dma_wait3A_207 = arith.constant 5 : i32
      %dma_wait3A_208 = arith.constant 0 : i32
      %dma_wait3A_209 = tpu.memref_slice %arg7[%dma_wait3A_207, %dma_wait3A_208] : memref<16x128xi32, #tpu.memory_space<vmem>> -> memref<1x128xi32, #tpu.memory_space<vmem>>
      %dma_wait3A_210 = tpu.memref_squeeze %dma_wait3A_209 : memref<1x128xi32, #tpu.memory_space<vmem>> -> memref<128xi32, #tpu.memory_space<vmem>>
      %dma_wait3A_211 = arith.constant 0 : i32
      %dma_wait3A_212 = arith.constant 0 : i32
      %dma_wait3A_213 = tpu.memref_slice %arg10[%dma_wait3A_211, %dma_wait3A_212] : memref<5120x128xf32, #tpu.memory_space<vmem_shared>> -> memref<5120x128xf32, #tpu.memory_space<vmem_shared>>
      tpu.wait_indirect_dma semaphore(%arg15 : memref<!tpu.dma_semaphore, #tpu.memory_space<semaphore_mem>>) src(%arg9 : memref<128x128xf32, #tpu.memory_space<vmem>>) dst(%dma_wait3A_213 : memref<5120x128xf32, #tpu.memory_space<vmem_shared>>)
      %dma_start3A_214 = arith.constant 7 : i32
      %dma_start3A_215 = arith.constant 0 : i32
      %dma_start3A_216 = tpu.memref_slice %arg6[%dma_start3A_214, %dma_start3A_215] : memref<16x128xi32, #tpu.memory_space<vmem>> -> memref<1x128xi32, #tpu.memory_space<vmem>>
      %dma_start3A_217 = tpu.memref_squeeze %dma_start3A_216 : memref<1x128xi32, #tpu.memory_space<vmem>> -> memref<128xi32, #tpu.memory_space<vmem>>
      %dma_start3A_218 = arith.constant 0 : i32
      %dma_start3A_219 = arith.constant 0 : i32
      %dma_start3A_220 = tpu.memref_slice %arg11[%dma_start3A_218, %dma_start3A_219] : memref<5120x128xf32, #tpu.memory_space<vmem_shared>> -> memref<5120x128xf32, #tpu.memory_space<vmem_shared>>
      tpu.enqueue_indirect_dma source(%dma_start3A_220 : memref<5120x128xf32, #tpu.memory_space<vmem_shared>>) target(%arg9 : memref<128x128xf32, #tpu.memory_space<vmem>>) offsets(%dma_start3A_217 : memref<128xi32, #tpu.memory_space<vmem>>) semaphore(%arg13 : memref<!tpu.dma_semaphore, #tpu.memory_space<semaphore_mem>>)
      %dma_wait3A_221 = arith.constant 6 : i32
      %dma_wait3A_222 = arith.constant 0 : i32
      %dma_wait3A_223 = tpu.memref_slice %arg6[%dma_wait3A_221, %dma_wait3A_222] : memref<16x128xi32, #tpu.memory_space<vmem>> -> memref<1x128xi32, #tpu.memory_space<vmem>>
      %dma_wait3A_224 = tpu.memref_squeeze %dma_wait3A_223 : memref<1x128xi32, #tpu.memory_space<vmem>> -> memref<128xi32, #tpu.memory_space<vmem>>
      %dma_wait3A_225 = arith.constant 0 : i32
      %dma_wait3A_226 = arith.constant 0 : i32
      %dma_wait3A_227 = tpu.memref_slice %arg11[%dma_wait3A_225, %dma_wait3A_226] : memref<5120x128xf32, #tpu.memory_space<vmem_shared>> -> memref<5120x128xf32, #tpu.memory_space<vmem_shared>>
      tpu.wait_indirect_dma semaphore(%arg12 : memref<!tpu.dma_semaphore, #tpu.memory_space<semaphore_mem>>) src(%dma_wait3A_227 : memref<5120x128xf32, #tpu.memory_space<vmem_shared>>) dst(%arg8 : memref<128x128xf32, #tpu.memory_space<vmem>>)
      %dma_start3A_228 = arith.constant 6 : i32
      %dma_start3A_229 = arith.constant 0 : i32
      %dma_start3A_230 = tpu.memref_slice %arg7[%dma_start3A_228, %dma_start3A_229] : memref<16x128xi32, #tpu.memory_space<vmem>> -> memref<1x128xi32, #tpu.memory_space<vmem>>
      %dma_start3A_231 = tpu.memref_squeeze %dma_start3A_230 : memref<1x128xi32, #tpu.memory_space<vmem>> -> memref<128xi32, #tpu.memory_space<vmem>>
      %dma_start3A_232 = arith.constant 0 : i32
      %dma_start3A_233 = arith.constant 0 : i32
      %dma_start3A_234 = tpu.memref_slice %arg10[%dma_start3A_232, %dma_start3A_233] : memref<5120x128xf32, #tpu.memory_space<vmem_shared>> -> memref<5120x128xf32, #tpu.memory_space<vmem_shared>>
      tpu.enqueue_indirect_dma source(%arg8 : memref<128x128xf32, #tpu.memory_space<vmem>>) target(%dma_start3A_234 : memref<5120x128xf32, #tpu.memory_space<vmem_shared>>) offsets(%dma_start3A_231 : memref<128xi32, #tpu.memory_space<vmem>>) semaphore(%arg14 : memref<!tpu.dma_semaphore, #tpu.memory_space<semaphore_mem>>) {add = true}
      %dma_wait3A_235 = arith.constant 6 : i32
      %dma_wait3A_236 = arith.constant 0 : i32
      %dma_wait3A_237 = tpu.memref_slice %arg7[%dma_wait3A_235, %dma_wait3A_236] : memref<16x128xi32, #tpu.memory_space<vmem>> -> memref<1x128xi32, #tpu.memory_space<vmem>>
      %dma_wait3A_238 = tpu.memref_squeeze %dma_wait3A_237 : memref<1x128xi32, #tpu.memory_space<vmem>> -> memref<128xi32, #tpu.memory_space<vmem>>
      %dma_wait3A_239 = arith.constant 0 : i32
      %dma_wait3A_240 = arith.constant 0 : i32
      %dma_wait3A_241 = tpu.memref_slice %arg10[%dma_wait3A_239, %dma_wait3A_240] : memref<5120x128xf32, #tpu.memory_space<vmem_shared>> -> memref<5120x128xf32, #tpu.memory_space<vmem_shared>>
      tpu.wait_indirect_dma semaphore(%arg14 : memref<!tpu.dma_semaphore, #tpu.memory_space<semaphore_mem>>) src(%arg8 : memref<128x128xf32, #tpu.memory_space<vmem>>) dst(%dma_wait3A_241 : memref<5120x128xf32, #tpu.memory_space<vmem_shared>>)
      %dma_start3A_242 = arith.constant 8 : i32
      %dma_start3A_243 = arith.constant 0 : i32
      %dma_start3A_244 = tpu.memref_slice %arg6[%dma_start3A_242, %dma_start3A_243] : memref<16x128xi32, #tpu.memory_space<vmem>> -> memref<1x128xi32, #tpu.memory_space<vmem>>
      %dma_start3A_245 = tpu.memref_squeeze %dma_start3A_244 : memref<1x128xi32, #tpu.memory_space<vmem>> -> memref<128xi32, #tpu.memory_space<vmem>>
      %dma_start3A_246 = arith.constant 0 : i32
      %dma_start3A_247 = arith.constant 0 : i32
      %dma_start3A_248 = tpu.memref_slice %arg11[%dma_start3A_246, %dma_start3A_247] : memref<5120x128xf32, #tpu.memory_space<vmem_shared>> -> memref<5120x128xf32, #tpu.memory_space<vmem_shared>>
      tpu.enqueue_indirect_dma source(%dma_start3A_248 : memref<5120x128xf32, #tpu.memory_space<vmem_shared>>) target(%arg8 : memref<128x128xf32, #tpu.memory_space<vmem>>) offsets(%dma_start3A_245 : memref<128xi32, #tpu.memory_space<vmem>>) semaphore(%arg12 : memref<!tpu.dma_semaphore, #tpu.memory_space<semaphore_mem>>)
      %dma_wait3A_249 = arith.constant 7 : i32
      %dma_wait3A_250 = arith.constant 0 : i32
      %dma_wait3A_251 = tpu.memref_slice %arg6[%dma_wait3A_249, %dma_wait3A_250] : memref<16x128xi32, #tpu.memory_space<vmem>> -> memref<1x128xi32, #tpu.memory_space<vmem>>
      %dma_wait3A_252 = tpu.memref_squeeze %dma_wait3A_251 : memref<1x128xi32, #tpu.memory_space<vmem>> -> memref<128xi32, #tpu.memory_space<vmem>>
      %dma_wait3A_253 = arith.constant 0 : i32
      %dma_wait3A_254 = arith.constant 0 : i32
      %dma_wait3A_255 = tpu.memref_slice %arg11[%dma_wait3A_253, %dma_wait3A_254] : memref<5120x128xf32, #tpu.memory_space<vmem_shared>> -> memref<5120x128xf32, #tpu.memory_space<vmem_shared>>
      tpu.wait_indirect_dma semaphore(%arg13 : memref<!tpu.dma_semaphore, #tpu.memory_space<semaphore_mem>>) src(%dma_wait3A_255 : memref<5120x128xf32, #tpu.memory_space<vmem_shared>>) dst(%arg9 : memref<128x128xf32, #tpu.memory_space<vmem>>)
      %dma_start3A_256 = arith.constant 7 : i32
      %dma_start3A_257 = arith.constant 0 : i32
      %dma_start3A_258 = tpu.memref_slice %arg7[%dma_start3A_256, %dma_start3A_257] : memref<16x128xi32, #tpu.memory_space<vmem>> -> memref<1x128xi32, #tpu.memory_space<vmem>>
      %dma_start3A_259 = tpu.memref_squeeze %dma_start3A_258 : memref<1x128xi32, #tpu.memory_space<vmem>> -> memref<128xi32, #tpu.memory_space<vmem>>
      %dma_start3A_260 = arith.constant 0 : i32
      %dma_start3A_261 = arith.constant 0 : i32
      %dma_start3A_262 = tpu.memref_slice %arg10[%dma_start3A_260, %dma_start3A_261] : memref<5120x128xf32, #tpu.memory_space<vmem_shared>> -> memref<5120x128xf32, #tpu.memory_space<vmem_shared>>
      tpu.enqueue_indirect_dma source(%arg9 : memref<128x128xf32, #tpu.memory_space<vmem>>) target(%dma_start3A_262 : memref<5120x128xf32, #tpu.memory_space<vmem_shared>>) offsets(%dma_start3A_259 : memref<128xi32, #tpu.memory_space<vmem>>) semaphore(%arg15 : memref<!tpu.dma_semaphore, #tpu.memory_space<semaphore_mem>>) {add = true}
      %dma_wait3A_263 = arith.constant 7 : i32
      %dma_wait3A_264 = arith.constant 0 : i32
      %dma_wait3A_265 = tpu.memref_slice %arg7[%dma_wait3A_263, %dma_wait3A_264] : memref<16x128xi32, #tpu.memory_space<vmem>> -> memref<1x128xi32, #tpu.memory_space<vmem>>
      %dma_wait3A_266 = tpu.memref_squeeze %dma_wait3A_265 : memref<1x128xi32, #tpu.memory_space<vmem>> -> memref<128xi32, #tpu.memory_space<vmem>>
      %dma_wait3A_267 = arith.constant 0 : i32
      %dma_wait3A_268 = arith.constant 0 : i32
      %dma_wait3A_269 = tpu.memref_slice %arg10[%dma_wait3A_267, %dma_wait3A_268] : memref<5120x128xf32, #tpu.memory_space<vmem_shared>> -> memref<5120x128xf32, #tpu.memory_space<vmem_shared>>
      tpu.wait_indirect_dma semaphore(%arg15 : memref<!tpu.dma_semaphore, #tpu.memory_space<semaphore_mem>>) src(%arg9 : memref<128x128xf32, #tpu.memory_space<vmem>>) dst(%dma_wait3A_269 : memref<5120x128xf32, #tpu.memory_space<vmem_shared>>)
      %dma_start3A_270 = arith.constant 9 : i32
      %dma_start3A_271 = arith.constant 0 : i32
      %dma_start3A_272 = tpu.memref_slice %arg6[%dma_start3A_270, %dma_start3A_271] : memref<16x128xi32, #tpu.memory_space<vmem>> -> memref<1x128xi32, #tpu.memory_space<vmem>>
      %dma_start3A_273 = tpu.memref_squeeze %dma_start3A_272 : memref<1x128xi32, #tpu.memory_space<vmem>> -> memref<128xi32, #tpu.memory_space<vmem>>
      %dma_start3A_274 = arith.constant 0 : i32
      %dma_start3A_275 = arith.constant 0 : i32
      %dma_start3A_276 = tpu.memref_slice %arg11[%dma_start3A_274, %dma_start3A_275] : memref<5120x128xf32, #tpu.memory_space<vmem_shared>> -> memref<5120x128xf32, #tpu.memory_space<vmem_shared>>
      tpu.enqueue_indirect_dma source(%dma_start3A_276 : memref<5120x128xf32, #tpu.memory_space<vmem_shared>>) target(%arg9 : memref<128x128xf32, #tpu.memory_space<vmem>>) offsets(%dma_start3A_273 : memref<128xi32, #tpu.memory_space<vmem>>) semaphore(%arg13 : memref<!tpu.dma_semaphore, #tpu.memory_space<semaphore_mem>>)
      %dma_wait3A_277 = arith.constant 8 : i32
      %dma_wait3A_278 = arith.constant 0 : i32
      %dma_wait3A_279 = tpu.memref_slice %arg6[%dma_wait3A_277, %dma_wait3A_278] : memref<16x128xi32, #tpu.memory_space<vmem>> -> memref<1x128xi32, #tpu.memory_space<vmem>>
      %dma_wait3A_280 = tpu.memref_squeeze %dma_wait3A_279 : memref<1x128xi32, #tpu.memory_space<vmem>> -> memref<128xi32, #tpu.memory_space<vmem>>
      %dma_wait3A_281 = arith.constant 0 : i32
      %dma_wait3A_282 = arith.constant 0 : i32
      %dma_wait3A_283 = tpu.memref_slice %arg11[%dma_wait3A_281, %dma_wait3A_282] : memref<5120x128xf32, #tpu.memory_space<vmem_shared>> -> memref<5120x128xf32, #tpu.memory_space<vmem_shared>>
      tpu.wait_indirect_dma semaphore(%arg12 : memref<!tpu.dma_semaphore, #tpu.memory_space<semaphore_mem>>) src(%dma_wait3A_283 : memref<5120x128xf32, #tpu.memory_space<vmem_shared>>) dst(%arg8 : memref<128x128xf32, #tpu.memory_space<vmem>>)
      %dma_start3A_284 = arith.constant 8 : i32
      %dma_start3A_285 = arith.constant 0 : i32
      %dma_start3A_286 = tpu.memref_slice %arg7[%dma_start3A_284, %dma_start3A_285] : memref<16x128xi32, #tpu.memory_space<vmem>> -> memref<1x128xi32, #tpu.memory_space<vmem>>
      %dma_start3A_287 = tpu.memref_squeeze %dma_start3A_286 : memref<1x128xi32, #tpu.memory_space<vmem>> -> memref<128xi32, #tpu.memory_space<vmem>>
      %dma_start3A_288 = arith.constant 0 : i32
      %dma_start3A_289 = arith.constant 0 : i32
      %dma_start3A_290 = tpu.memref_slice %arg10[%dma_start3A_288, %dma_start3A_289] : memref<5120x128xf32, #tpu.memory_space<vmem_shared>> -> memref<5120x128xf32, #tpu.memory_space<vmem_shared>>
      tpu.enqueue_indirect_dma source(%arg8 : memref<128x128xf32, #tpu.memory_space<vmem>>) target(%dma_start3A_290 : memref<5120x128xf32, #tpu.memory_space<vmem_shared>>) offsets(%dma_start3A_287 : memref<128xi32, #tpu.memory_space<vmem>>) semaphore(%arg14 : memref<!tpu.dma_semaphore, #tpu.memory_space<semaphore_mem>>) {add = true}
      %dma_wait3A_291 = arith.constant 8 : i32
      %dma_wait3A_292 = arith.constant 0 : i32
      %dma_wait3A_293 = tpu.memref_slice %arg7[%dma_wait3A_291, %dma_wait3A_292] : memref<16x128xi32, #tpu.memory_space<vmem>> -> memref<1x128xi32, #tpu.memory_space<vmem>>
      %dma_wait3A_294 = tpu.memref_squeeze %dma_wait3A_293 : memref<1x128xi32, #tpu.memory_space<vmem>> -> memref<128xi32, #tpu.memory_space<vmem>>
      %dma_wait3A_295 = arith.constant 0 : i32
      %dma_wait3A_296 = arith.constant 0 : i32
      %dma_wait3A_297 = tpu.memref_slice %arg10[%dma_wait3A_295, %dma_wait3A_296] : memref<5120x128xf32, #tpu.memory_space<vmem_shared>> -> memref<5120x128xf32, #tpu.memory_space<vmem_shared>>
      tpu.wait_indirect_dma semaphore(%arg14 : memref<!tpu.dma_semaphore, #tpu.memory_space<semaphore_mem>>) src(%arg8 : memref<128x128xf32, #tpu.memory_space<vmem>>) dst(%dma_wait3A_297 : memref<5120x128xf32, #tpu.memory_space<vmem_shared>>)
      %dma_start3A_298 = arith.constant 10 : i32
      %dma_start3A_299 = arith.constant 0 : i32
      %dma_start3A_300 = tpu.memref_slice %arg6[%dma_start3A_298, %dma_start3A_299] : memref<16x128xi32, #tpu.memory_space<vmem>> -> memref<1x128xi32, #tpu.memory_space<vmem>>
      %dma_start3A_301 = tpu.memref_squeeze %dma_start3A_300 : memref<1x128xi32, #tpu.memory_space<vmem>> -> memref<128xi32, #tpu.memory_space<vmem>>
      %dma_start3A_302 = arith.constant 0 : i32
      %dma_start3A_303 = arith.constant 0 : i32
      %dma_start3A_304 = tpu.memref_slice %arg11[%dma_start3A_302, %dma_start3A_303] : memref<5120x128xf32, #tpu.memory_space<vmem_shared>> -> memref<5120x128xf32, #tpu.memory_space<vmem_shared>>
      tpu.enqueue_indirect_dma source(%dma_start3A_304 : memref<5120x128xf32, #tpu.memory_space<vmem_shared>>) target(%arg8 : memref<128x128xf32, #tpu.memory_space<vmem>>) offsets(%dma_start3A_301 : memref<128xi32, #tpu.memory_space<vmem>>) semaphore(%arg12 : memref<!tpu.dma_semaphore, #tpu.memory_space<semaphore_mem>>)
      %dma_wait3A_305 = arith.constant 9 : i32
      %dma_wait3A_306 = arith.constant 0 : i32
      %dma_wait3A_307 = tpu.memref_slice %arg6[%dma_wait3A_305, %dma_wait3A_306] : memref<16x128xi32, #tpu.memory_space<vmem>> -> memref<1x128xi32, #tpu.memory_space<vmem>>
      %dma_wait3A_308 = tpu.memref_squeeze %dma_wait3A_307 : memref<1x128xi32, #tpu.memory_space<vmem>> -> memref<128xi32, #tpu.memory_space<vmem>>
      %dma_wait3A_309 = arith.constant 0 : i32
      %dma_wait3A_310 = arith.constant 0 : i32
      %dma_wait3A_311 = tpu.memref_slice %arg11[%dma_wait3A_309, %dma_wait3A_310] : memref<5120x128xf32, #tpu.memory_space<vmem_shared>> -> memref<5120x128xf32, #tpu.memory_space<vmem_shared>>
      tpu.wait_indirect_dma semaphore(%arg13 : memref<!tpu.dma_semaphore, #tpu.memory_space<semaphore_mem>>) src(%dma_wait3A_311 : memref<5120x128xf32, #tpu.memory_space<vmem_shared>>) dst(%arg9 : memref<128x128xf32, #tpu.memory_space<vmem>>)
      %dma_start3A_312 = arith.constant 9 : i32
      %dma_start3A_313 = arith.constant 0 : i32
      %dma_start3A_314 = tpu.memref_slice %arg7[%dma_start3A_312, %dma_start3A_313] : memref<16x128xi32, #tpu.memory_space<vmem>> -> memref<1x128xi32, #tpu.memory_space<vmem>>
      %dma_start3A_315 = tpu.memref_squeeze %dma_start3A_314 : memref<1x128xi32, #tpu.memory_space<vmem>> -> memref<128xi32, #tpu.memory_space<vmem>>
      %dma_start3A_316 = arith.constant 0 : i32
      %dma_start3A_317 = arith.constant 0 : i32
      %dma_start3A_318 = tpu.memref_slice %arg10[%dma_start3A_316, %dma_start3A_317] : memref<5120x128xf32, #tpu.memory_space<vmem_shared>> -> memref<5120x128xf32, #tpu.memory_space<vmem_shared>>
      tpu.enqueue_indirect_dma source(%arg9 : memref<128x128xf32, #tpu.memory_space<vmem>>) target(%dma_start3A_318 : memref<5120x128xf32, #tpu.memory_space<vmem_shared>>) offsets(%dma_start3A_315 : memref<128xi32, #tpu.memory_space<vmem>>) semaphore(%arg15 : memref<!tpu.dma_semaphore, #tpu.memory_space<semaphore_mem>>) {add = true}
      %dma_wait3A_319 = arith.constant 9 : i32
      %dma_wait3A_320 = arith.constant 0 : i32
      %dma_wait3A_321 = tpu.memref_slice %arg7[%dma_wait3A_319, %dma_wait3A_320] : memref<16x128xi32, #tpu.memory_space<vmem>> -> memref<1x128xi32, #tpu.memory_space<vmem>>
      %dma_wait3A_322 = tpu.memref_squeeze %dma_wait3A_321 : memref<1x128xi32, #tpu.memory_space<vmem>> -> memref<128xi32, #tpu.memory_space<vmem>>
      %dma_wait3A_323 = arith.constant 0 : i32
      %dma_wait3A_324 = arith.constant 0 : i32
      %dma_wait3A_325 = tpu.memref_slice %arg10[%dma_wait3A_323, %dma_wait3A_324] : memref<5120x128xf32, #tpu.memory_space<vmem_shared>> -> memref<5120x128xf32, #tpu.memory_space<vmem_shared>>
      tpu.wait_indirect_dma semaphore(%arg15 : memref<!tpu.dma_semaphore, #tpu.memory_space<semaphore_mem>>) src(%arg9 : memref<128x128xf32, #tpu.memory_space<vmem>>) dst(%dma_wait3A_325 : memref<5120x128xf32, #tpu.memory_space<vmem_shared>>)
      %dma_start3A_326 = arith.constant 11 : i32
      %dma_start3A_327 = arith.constant 0 : i32
      %dma_start3A_328 = tpu.memref_slice %arg6[%dma_start3A_326, %dma_start3A_327] : memref<16x128xi32, #tpu.memory_space<vmem>> -> memref<1x128xi32, #tpu.memory_space<vmem>>
      %dma_start3A_329 = tpu.memref_squeeze %dma_start3A_328 : memref<1x128xi32, #tpu.memory_space<vmem>> -> memref<128xi32, #tpu.memory_space<vmem>>
      %dma_start3A_330 = arith.constant 0 : i32
      %dma_start3A_331 = arith.constant 0 : i32
      %dma_start3A_332 = tpu.memref_slice %arg11[%dma_start3A_330, %dma_start3A_331] : memref<5120x128xf32, #tpu.memory_space<vmem_shared>> -> memref<5120x128xf32, #tpu.memory_space<vmem_shared>>
      tpu.enqueue_indirect_dma source(%dma_start3A_332 : memref<5120x128xf32, #tpu.memory_space<vmem_shared>>) target(%arg9 : memref<128x128xf32, #tpu.memory_space<vmem>>) offsets(%dma_start3A_329 : memref<128xi32, #tpu.memory_space<vmem>>) semaphore(%arg13 : memref<!tpu.dma_semaphore, #tpu.memory_space<semaphore_mem>>)
      %dma_wait3A_333 = arith.constant 10 : i32
      %dma_wait3A_334 = arith.constant 0 : i32
      %dma_wait3A_335 = tpu.memref_slice %arg6[%dma_wait3A_333, %dma_wait3A_334] : memref<16x128xi32, #tpu.memory_space<vmem>> -> memref<1x128xi32, #tpu.memory_space<vmem>>
      %dma_wait3A_336 = tpu.memref_squeeze %dma_wait3A_335 : memref<1x128xi32, #tpu.memory_space<vmem>> -> memref<128xi32, #tpu.memory_space<vmem>>
      %dma_wait3A_337 = arith.constant 0 : i32
      %dma_wait3A_338 = arith.constant 0 : i32
      %dma_wait3A_339 = tpu.memref_slice %arg11[%dma_wait3A_337, %dma_wait3A_338] : memref<5120x128xf32, #tpu.memory_space<vmem_shared>> -> memref<5120x128xf32, #tpu.memory_space<vmem_shared>>
      tpu.wait_indirect_dma semaphore(%arg12 : memref<!tpu.dma_semaphore, #tpu.memory_space<semaphore_mem>>) src(%dma_wait3A_339 : memref<5120x128xf32, #tpu.memory_space<vmem_shared>>) dst(%arg8 : memref<128x128xf32, #tpu.memory_space<vmem>>)
      %dma_start3A_340 = arith.constant 10 : i32
      %dma_start3A_341 = arith.constant 0 : i32
      %dma_start3A_342 = tpu.memref_slice %arg7[%dma_start3A_340, %dma_start3A_341] : memref<16x128xi32, #tpu.memory_space<vmem>> -> memref<1x128xi32, #tpu.memory_space<vmem>>
      %dma_start3A_343 = tpu.memref_squeeze %dma_start3A_342 : memref<1x128xi32, #tpu.memory_space<vmem>> -> memref<128xi32, #tpu.memory_space<vmem>>
      %dma_start3A_344 = arith.constant 0 : i32
      %dma_start3A_345 = arith.constant 0 : i32
      %dma_start3A_346 = tpu.memref_slice %arg10[%dma_start3A_344, %dma_start3A_345] : memref<5120x128xf32, #tpu.memory_space<vmem_shared>> -> memref<5120x128xf32, #tpu.memory_space<vmem_shared>>
      tpu.enqueue_indirect_dma source(%arg8 : memref<128x128xf32, #tpu.memory_space<vmem>>) target(%dma_start3A_346 : memref<5120x128xf32, #tpu.memory_space<vmem_shared>>) offsets(%dma_start3A_343 : memref<128xi32, #tpu.memory_space<vmem>>) semaphore(%arg14 : memref<!tpu.dma_semaphore, #tpu.memory_space<semaphore_mem>>) {add = true}
      %dma_wait3A_347 = arith.constant 10 : i32
      %dma_wait3A_348 = arith.constant 0 : i32
      %dma_wait3A_349 = tpu.memref_slice %arg7[%dma_wait3A_347, %dma_wait3A_348] : memref<16x128xi32, #tpu.memory_space<vmem>> -> memref<1x128xi32, #tpu.memory_space<vmem>>
      %dma_wait3A_350 = tpu.memref_squeeze %dma_wait3A_349 : memref<1x128xi32, #tpu.memory_space<vmem>> -> memref<128xi32, #tpu.memory_space<vmem>>
      %dma_wait3A_351 = arith.constant 0 : i32
      %dma_wait3A_352 = arith.constant 0 : i32
      %dma_wait3A_353 = tpu.memref_slice %arg10[%dma_wait3A_351, %dma_wait3A_352] : memref<5120x128xf32, #tpu.memory_space<vmem_shared>> -> memref<5120x128xf32, #tpu.memory_space<vmem_shared>>
      tpu.wait_indirect_dma semaphore(%arg14 : memref<!tpu.dma_semaphore, #tpu.memory_space<semaphore_mem>>) src(%arg8 : memref<128x128xf32, #tpu.memory_space<vmem>>) dst(%dma_wait3A_353 : memref<5120x128xf32, #tpu.memory_space<vmem_shared>>)
      %dma_start3A_354 = arith.constant 12 : i32
      %dma_start3A_355 = arith.constant 0 : i32
      %dma_start3A_356 = tpu.memref_slice %arg6[%dma_start3A_354, %dma_start3A_355] : memref<16x128xi32, #tpu.memory_space<vmem>> -> memref<1x128xi32, #tpu.memory_space<vmem>>
      %dma_start3A_357 = tpu.memref_squeeze %dma_start3A_356 : memref<1x128xi32, #tpu.memory_space<vmem>> -> memref<128xi32, #tpu.memory_space<vmem>>
      %dma_start3A_358 = arith.constant 0 : i32
      %dma_start3A_359 = arith.constant 0 : i32
      %dma_start3A_360 = tpu.memref_slice %arg11[%dma_start3A_358, %dma_start3A_359] : memref<5120x128xf32, #tpu.memory_space<vmem_shared>> -> memref<5120x128xf32, #tpu.memory_space<vmem_shared>>
      tpu.enqueue_indirect_dma source(%dma_start3A_360 : memref<5120x128xf32, #tpu.memory_space<vmem_shared>>) target(%arg8 : memref<128x128xf32, #tpu.memory_space<vmem>>) offsets(%dma_start3A_357 : memref<128xi32, #tpu.memory_space<vmem>>) semaphore(%arg12 : memref<!tpu.dma_semaphore, #tpu.memory_space<semaphore_mem>>)
      %dma_wait3A_361 = arith.constant 11 : i32
      %dma_wait3A_362 = arith.constant 0 : i32
      %dma_wait3A_363 = tpu.memref_slice %arg6[%dma_wait3A_361, %dma_wait3A_362] : memref<16x128xi32, #tpu.memory_space<vmem>> -> memref<1x128xi32, #tpu.memory_space<vmem>>
      %dma_wait3A_364 = tpu.memref_squeeze %dma_wait3A_363 : memref<1x128xi32, #tpu.memory_space<vmem>> -> memref<128xi32, #tpu.memory_space<vmem>>
      %dma_wait3A_365 = arith.constant 0 : i32
      %dma_wait3A_366 = arith.constant 0 : i32
      %dma_wait3A_367 = tpu.memref_slice %arg11[%dma_wait3A_365, %dma_wait3A_366] : memref<5120x128xf32, #tpu.memory_space<vmem_shared>> -> memref<5120x128xf32, #tpu.memory_space<vmem_shared>>
      tpu.wait_indirect_dma semaphore(%arg13 : memref<!tpu.dma_semaphore, #tpu.memory_space<semaphore_mem>>) src(%dma_wait3A_367 : memref<5120x128xf32, #tpu.memory_space<vmem_shared>>) dst(%arg9 : memref<128x128xf32, #tpu.memory_space<vmem>>)
      %dma_start3A_368 = arith.constant 11 : i32
      %dma_start3A_369 = arith.constant 0 : i32
      %dma_start3A_370 = tpu.memref_slice %arg7[%dma_start3A_368, %dma_start3A_369] : memref<16x128xi32, #tpu.memory_space<vmem>> -> memref<1x128xi32, #tpu.memory_space<vmem>>
      %dma_start3A_371 = tpu.memref_squeeze %dma_start3A_370 : memref<1x128xi32, #tpu.memory_space<vmem>> -> memref<128xi32, #tpu.memory_space<vmem>>
      %dma_start3A_372 = arith.constant 0 : i32
      %dma_start3A_373 = arith.constant 0 : i32
      %dma_start3A_374 = tpu.memref_slice %arg10[%dma_start3A_372, %dma_start3A_373] : memref<5120x128xf32, #tpu.memory_space<vmem_shared>> -> memref<5120x128xf32, #tpu.memory_space<vmem_shared>>
      tpu.enqueue_indirect_dma source(%arg9 : memref<128x128xf32, #tpu.memory_space<vmem>>) target(%dma_start3A_374 : memref<5120x128xf32, #tpu.memory_space<vmem_shared>>) offsets(%dma_start3A_371 : memref<128xi32, #tpu.memory_space<vmem>>) semaphore(%arg15 : memref<!tpu.dma_semaphore, #tpu.memory_space<semaphore_mem>>) {add = true}
      %dma_wait3A_375 = arith.constant 11 : i32
      %dma_wait3A_376 = arith.constant 0 : i32
      %dma_wait3A_377 = tpu.memref_slice %arg7[%dma_wait3A_375, %dma_wait3A_376] : memref<16x128xi32, #tpu.memory_space<vmem>> -> memref<1x128xi32, #tpu.memory_space<vmem>>
      %dma_wait3A_378 = tpu.memref_squeeze %dma_wait3A_377 : memref<1x128xi32, #tpu.memory_space<vmem>> -> memref<128xi32, #tpu.memory_space<vmem>>
      %dma_wait3A_379 = arith.constant 0 : i32
      %dma_wait3A_380 = arith.constant 0 : i32
      %dma_wait3A_381 = tpu.memref_slice %arg10[%dma_wait3A_379, %dma_wait3A_380] : memref<5120x128xf32, #tpu.memory_space<vmem_shared>> -> memref<5120x128xf32, #tpu.memory_space<vmem_shared>>
      tpu.wait_indirect_dma semaphore(%arg15 : memref<!tpu.dma_semaphore, #tpu.memory_space<semaphore_mem>>) src(%arg9 : memref<128x128xf32, #tpu.memory_space<vmem>>) dst(%dma_wait3A_381 : memref<5120x128xf32, #tpu.memory_space<vmem_shared>>)
      %dma_start3A_382 = arith.constant 13 : i32
      %dma_start3A_383 = arith.constant 0 : i32
      %dma_start3A_384 = tpu.memref_slice %arg6[%dma_start3A_382, %dma_start3A_383] : memref<16x128xi32, #tpu.memory_space<vmem>> -> memref<1x128xi32, #tpu.memory_space<vmem>>
      %dma_start3A_385 = tpu.memref_squeeze %dma_start3A_384 : memref<1x128xi32, #tpu.memory_space<vmem>> -> memref<128xi32, #tpu.memory_space<vmem>>
      %dma_start3A_386 = arith.constant 0 : i32
      %dma_start3A_387 = arith.constant 0 : i32
      %dma_start3A_388 = tpu.memref_slice %arg11[%dma_start3A_386, %dma_start3A_387] : memref<5120x128xf32, #tpu.memory_space<vmem_shared>> -> memref<5120x128xf32, #tpu.memory_space<vmem_shared>>
      tpu.enqueue_indirect_dma source(%dma_start3A_388 : memref<5120x128xf32, #tpu.memory_space<vmem_shared>>) target(%arg9 : memref<128x128xf32, #tpu.memory_space<vmem>>) offsets(%dma_start3A_385 : memref<128xi32, #tpu.memory_space<vmem>>) semaphore(%arg13 : memref<!tpu.dma_semaphore, #tpu.memory_space<semaphore_mem>>)
      %dma_wait3A_389 = arith.constant 12 : i32
      %dma_wait3A_390 = arith.constant 0 : i32
      %dma_wait3A_391 = tpu.memref_slice %arg6[%dma_wait3A_389, %dma_wait3A_390] : memref<16x128xi32, #tpu.memory_space<vmem>> -> memref<1x128xi32, #tpu.memory_space<vmem>>
      %dma_wait3A_392 = tpu.memref_squeeze %dma_wait3A_391 : memref<1x128xi32, #tpu.memory_space<vmem>> -> memref<128xi32, #tpu.memory_space<vmem>>
      %dma_wait3A_393 = arith.constant 0 : i32
      %dma_wait3A_394 = arith.constant 0 : i32
      %dma_wait3A_395 = tpu.memref_slice %arg11[%dma_wait3A_393, %dma_wait3A_394] : memref<5120x128xf32, #tpu.memory_space<vmem_shared>> -> memref<5120x128xf32, #tpu.memory_space<vmem_shared>>
      tpu.wait_indirect_dma semaphore(%arg12 : memref<!tpu.dma_semaphore, #tpu.memory_space<semaphore_mem>>) src(%dma_wait3A_395 : memref<5120x128xf32, #tpu.memory_space<vmem_shared>>) dst(%arg8 : memref<128x128xf32, #tpu.memory_space<vmem>>)
      %dma_start3A_396 = arith.constant 12 : i32
      %dma_start3A_397 = arith.constant 0 : i32
      %dma_start3A_398 = tpu.memref_slice %arg7[%dma_start3A_396, %dma_start3A_397] : memref<16x128xi32, #tpu.memory_space<vmem>> -> memref<1x128xi32, #tpu.memory_space<vmem>>
      %dma_start3A_399 = tpu.memref_squeeze %dma_start3A_398 : memref<1x128xi32, #tpu.memory_space<vmem>> -> memref<128xi32, #tpu.memory_space<vmem>>
      %dma_start3A_400 = arith.constant 0 : i32
      %dma_start3A_401 = arith.constant 0 : i32
      %dma_start3A_402 = tpu.memref_slice %arg10[%dma_start3A_400, %dma_start3A_401] : memref<5120x128xf32, #tpu.memory_space<vmem_shared>> -> memref<5120x128xf32, #tpu.memory_space<vmem_shared>>
      tpu.enqueue_indirect_dma source(%arg8 : memref<128x128xf32, #tpu.memory_space<vmem>>) target(%dma_start3A_402 : memref<5120x128xf32, #tpu.memory_space<vmem_shared>>) offsets(%dma_start3A_399 : memref<128xi32, #tpu.memory_space<vmem>>) semaphore(%arg14 : memref<!tpu.dma_semaphore, #tpu.memory_space<semaphore_mem>>) {add = true}
      %dma_wait3A_403 = arith.constant 12 : i32
      %dma_wait3A_404 = arith.constant 0 : i32
      %dma_wait3A_405 = tpu.memref_slice %arg7[%dma_wait3A_403, %dma_wait3A_404] : memref<16x128xi32, #tpu.memory_space<vmem>> -> memref<1x128xi32, #tpu.memory_space<vmem>>
      %dma_wait3A_406 = tpu.memref_squeeze %dma_wait3A_405 : memref<1x128xi32, #tpu.memory_space<vmem>> -> memref<128xi32, #tpu.memory_space<vmem>>
      %dma_wait3A_407 = arith.constant 0 : i32
      %dma_wait3A_408 = arith.constant 0 : i32
      %dma_wait3A_409 = tpu.memref_slice %arg10[%dma_wait3A_407, %dma_wait3A_408] : memref<5120x128xf32, #tpu.memory_space<vmem_shared>> -> memref<5120x128xf32, #tpu.memory_space<vmem_shared>>
      tpu.wait_indirect_dma semaphore(%arg14 : memref<!tpu.dma_semaphore, #tpu.memory_space<semaphore_mem>>) src(%arg8 : memref<128x128xf32, #tpu.memory_space<vmem>>) dst(%dma_wait3A_409 : memref<5120x128xf32, #tpu.memory_space<vmem_shared>>)
      %dma_start3A_410 = arith.constant 14 : i32
      %dma_start3A_411 = arith.constant 0 : i32
      %dma_start3A_412 = tpu.memref_slice %arg6[%dma_start3A_410, %dma_start3A_411] : memref<16x128xi32, #tpu.memory_space<vmem>> -> memref<1x128xi32, #tpu.memory_space<vmem>>
      %dma_start3A_413 = tpu.memref_squeeze %dma_start3A_412 : memref<1x128xi32, #tpu.memory_space<vmem>> -> memref<128xi32, #tpu.memory_space<vmem>>
      %dma_start3A_414 = arith.constant 0 : i32
      %dma_start3A_415 = arith.constant 0 : i32
      %dma_start3A_416 = tpu.memref_slice %arg11[%dma_start3A_414, %dma_start3A_415] : memref<5120x128xf32, #tpu.memory_space<vmem_shared>> -> memref<5120x128xf32, #tpu.memory_space<vmem_shared>>
      tpu.enqueue_indirect_dma source(%dma_start3A_416 : memref<5120x128xf32, #tpu.memory_space<vmem_shared>>) target(%arg8 : memref<128x128xf32, #tpu.memory_space<vmem>>) offsets(%dma_start3A_413 : memref<128xi32, #tpu.memory_space<vmem>>) semaphore(%arg12 : memref<!tpu.dma_semaphore, #tpu.memory_space<semaphore_mem>>)
      %dma_wait3A_417 = arith.constant 13 : i32
      %dma_wait3A_418 = arith.constant 0 : i32
      %dma_wait3A_419 = tpu.memref_slice %arg6[%dma_wait3A_417, %dma_wait3A_418] : memref<16x128xi32, #tpu.memory_space<vmem>> -> memref<1x128xi32, #tpu.memory_space<vmem>>
      %dma_wait3A_420 = tpu.memref_squeeze %dma_wait3A_419 : memref<1x128xi32, #tpu.memory_space<vmem>> -> memref<128xi32, #tpu.memory_space<vmem>>
      %dma_wait3A_421 = arith.constant 0 : i32
      %dma_wait3A_422 = arith.constant 0 : i32
      %dma_wait3A_423 = tpu.memref_slice %arg11[%dma_wait3A_421, %dma_wait3A_422] : memref<5120x128xf32, #tpu.memory_space<vmem_shared>> -> memref<5120x128xf32, #tpu.memory_space<vmem_shared>>
      tpu.wait_indirect_dma semaphore(%arg13 : memref<!tpu.dma_semaphore, #tpu.memory_space<semaphore_mem>>) src(%dma_wait3A_423 : memref<5120x128xf32, #tpu.memory_space<vmem_shared>>) dst(%arg9 : memref<128x128xf32, #tpu.memory_space<vmem>>)
      %dma_start3A_424 = arith.constant 13 : i32
      %dma_start3A_425 = arith.constant 0 : i32
      %dma_start3A_426 = tpu.memref_slice %arg7[%dma_start3A_424, %dma_start3A_425] : memref<16x128xi32, #tpu.memory_space<vmem>> -> memref<1x128xi32, #tpu.memory_space<vmem>>
      %dma_start3A_427 = tpu.memref_squeeze %dma_start3A_426 : memref<1x128xi32, #tpu.memory_space<vmem>> -> memref<128xi32, #tpu.memory_space<vmem>>
      %dma_start3A_428 = arith.constant 0 : i32
      %dma_start3A_429 = arith.constant 0 : i32
      %dma_start3A_430 = tpu.memref_slice %arg10[%dma_start3A_428, %dma_start3A_429] : memref<5120x128xf32, #tpu.memory_space<vmem_shared>> -> memref<5120x128xf32, #tpu.memory_space<vmem_shared>>
      tpu.enqueue_indirect_dma source(%arg9 : memref<128x128xf32, #tpu.memory_space<vmem>>) target(%dma_start3A_430 : memref<5120x128xf32, #tpu.memory_space<vmem_shared>>) offsets(%dma_start3A_427 : memref<128xi32, #tpu.memory_space<vmem>>) semaphore(%arg15 : memref<!tpu.dma_semaphore, #tpu.memory_space<semaphore_mem>>) {add = true}
      %dma_wait3A_431 = arith.constant 13 : i32
      %dma_wait3A_432 = arith.constant 0 : i32
      %dma_wait3A_433 = tpu.memref_slice %arg7[%dma_wait3A_431, %dma_wait3A_432] : memref<16x128xi32, #tpu.memory_space<vmem>> -> memref<1x128xi32, #tpu.memory_space<vmem>>
      %dma_wait3A_434 = tpu.memref_squeeze %dma_wait3A_433 : memref<1x128xi32, #tpu.memory_space<vmem>> -> memref<128xi32, #tpu.memory_space<vmem>>
      %dma_wait3A_435 = arith.constant 0 : i32
      %dma_wait3A_436 = arith.constant 0 : i32
      %dma_wait3A_437 = tpu.memref_slice %arg10[%dma_wait3A_435, %dma_wait3A_436] : memref<5120x128xf32, #tpu.memory_space<vmem_shared>> -> memref<5120x128xf32, #tpu.memory_space<vmem_shared>>
      tpu.wait_indirect_dma semaphore(%arg15 : memref<!tpu.dma_semaphore, #tpu.memory_space<semaphore_mem>>) src(%arg9 : memref<128x128xf32, #tpu.memory_space<vmem>>) dst(%dma_wait3A_437 : memref<5120x128xf32, #tpu.memory_space<vmem_shared>>)
      %dma_start3A_438 = arith.constant 15 : i32
      %dma_start3A_439 = arith.constant 0 : i32
      %dma_start3A_440 = tpu.memref_slice %arg6[%dma_start3A_438, %dma_start3A_439] : memref<16x128xi32, #tpu.memory_space<vmem>> -> memref<1x128xi32, #tpu.memory_space<vmem>>
      %dma_start3A_441 = tpu.memref_squeeze %dma_start3A_440 : memref<1x128xi32, #tpu.memory_space<vmem>> -> memref<128xi32, #tpu.memory_space<vmem>>
      %dma_start3A_442 = arith.constant 0 : i32
      %dma_start3A_443 = arith.constant 0 : i32
      %dma_start3A_444 = tpu.memref_slice %arg11[%dma_start3A_442, %dma_start3A_443] : memref<5120x128xf32, #tpu.memory_space<vmem_shared>> -> memref<5120x128xf32, #tpu.memory_space<vmem_shared>>
      tpu.enqueue_indirect_dma source(%dma_start3A_444 : memref<5120x128xf32, #tpu.memory_space<vmem_shared>>) target(%arg9 : memref<128x128xf32, #tpu.memory_space<vmem>>) offsets(%dma_start3A_441 : memref<128xi32, #tpu.memory_space<vmem>>) semaphore(%arg13 : memref<!tpu.dma_semaphore, #tpu.memory_space<semaphore_mem>>)
      %dma_wait3A_445 = arith.constant 14 : i32
      %dma_wait3A_446 = arith.constant 0 : i32
      %dma_wait3A_447 = tpu.memref_slice %arg6[%dma_wait3A_445, %dma_wait3A_446] : memref<16x128xi32, #tpu.memory_space<vmem>> -> memref<1x128xi32, #tpu.memory_space<vmem>>
      %dma_wait3A_448 = tpu.memref_squeeze %dma_wait3A_447 : memref<1x128xi32, #tpu.memory_space<vmem>> -> memref<128xi32, #tpu.memory_space<vmem>>
      %dma_wait3A_449 = arith.constant 0 : i32
      %dma_wait3A_450 = arith.constant 0 : i32
      %dma_wait3A_451 = tpu.memref_slice %arg11[%dma_wait3A_449, %dma_wait3A_450] : memref<5120x128xf32, #tpu.memory_space<vmem_shared>> -> memref<5120x128xf32, #tpu.memory_space<vmem_shared>>
      tpu.wait_indirect_dma semaphore(%arg12 : memref<!tpu.dma_semaphore, #tpu.memory_space<semaphore_mem>>) src(%dma_wait3A_451 : memref<5120x128xf32, #tpu.memory_space<vmem_shared>>) dst(%arg8 : memref<128x128xf32, #tpu.memory_space<vmem>>)
      %dma_start3A_452 = arith.constant 14 : i32
      %dma_start3A_453 = arith.constant 0 : i32
      %dma_start3A_454 = tpu.memref_slice %arg7[%dma_start3A_452, %dma_start3A_453] : memref<16x128xi32, #tpu.memory_space<vmem>> -> memref<1x128xi32, #tpu.memory_space<vmem>>
      %dma_start3A_455 = tpu.memref_squeeze %dma_start3A_454 : memref<1x128xi32, #tpu.memory_space<vmem>> -> memref<128xi32, #tpu.memory_space<vmem>>
      %dma_start3A_456 = arith.constant 0 : i32
      %dma_start3A_457 = arith.constant 0 : i32
      %dma_start3A_458 = tpu.memref_slice %arg10[%dma_start3A_456, %dma_start3A_457] : memref<5120x128xf32, #tpu.memory_space<vmem_shared>> -> memref<5120x128xf32, #tpu.memory_space<vmem_shared>>
      tpu.enqueue_indirect_dma source(%arg8 : memref<128x128xf32, #tpu.memory_space<vmem>>) target(%dma_start3A_458 : memref<5120x128xf32, #tpu.memory_space<vmem_shared>>) offsets(%dma_start3A_455 : memref<128xi32, #tpu.memory_space<vmem>>) semaphore(%arg14 : memref<!tpu.dma_semaphore, #tpu.memory_space<semaphore_mem>>) {add = true}
      %dma_wait3A_459 = arith.constant 14 : i32
      %dma_wait3A_460 = arith.constant 0 : i32
      %dma_wait3A_461 = tpu.memref_slice %arg7[%dma_wait3A_459, %dma_wait3A_460] : memref<16x128xi32, #tpu.memory_space<vmem>> -> memref<1x128xi32, #tpu.memory_space<vmem>>
      %dma_wait3A_462 = tpu.memref_squeeze %dma_wait3A_461 : memref<1x128xi32, #tpu.memory_space<vmem>> -> memref<128xi32, #tpu.memory_space<vmem>>
      %dma_wait3A_463 = arith.constant 0 : i32
      %dma_wait3A_464 = arith.constant 0 : i32
      %dma_wait3A_465 = tpu.memref_slice %arg10[%dma_wait3A_463, %dma_wait3A_464] : memref<5120x128xf32, #tpu.memory_space<vmem_shared>> -> memref<5120x128xf32, #tpu.memory_space<vmem_shared>>
      tpu.wait_indirect_dma semaphore(%arg14 : memref<!tpu.dma_semaphore, #tpu.memory_space<semaphore_mem>>) src(%arg8 : memref<128x128xf32, #tpu.memory_space<vmem>>) dst(%dma_wait3A_465 : memref<5120x128xf32, #tpu.memory_space<vmem_shared>>)
      %dma_wait3A_466 = arith.constant 15 : i32
      %dma_wait3A_467 = arith.constant 0 : i32
      %dma_wait3A_468 = tpu.memref_slice %arg6[%dma_wait3A_466, %dma_wait3A_467] : memref<16x128xi32, #tpu.memory_space<vmem>> -> memref<1x128xi32, #tpu.memory_space<vmem>>
      %dma_wait3A_469 = tpu.memref_squeeze %dma_wait3A_468 : memref<1x128xi32, #tpu.memory_space<vmem>> -> memref<128xi32, #tpu.memory_space<vmem>>
      %dma_wait3A_470 = arith.constant 0 : i32
      %dma_wait3A_471 = arith.constant 0 : i32
      %dma_wait3A_472 = tpu.memref_slice %arg11[%dma_wait3A_470, %dma_wait3A_471] : memref<5120x128xf32, #tpu.memory_space<vmem_shared>> -> memref<5120x128xf32, #tpu.memory_space<vmem_shared>>
      tpu.wait_indirect_dma semaphore(%arg13 : memref<!tpu.dma_semaphore, #tpu.memory_space<semaphore_mem>>) src(%dma_wait3A_472 : memref<5120x128xf32, #tpu.memory_space<vmem_shared>>) dst(%arg9 : memref<128x128xf32, #tpu.memory_space<vmem>>)
      %dma_start3A_473 = arith.constant 15 : i32
      %dma_start3A_474 = arith.constant 0 : i32
      %dma_start3A_475 = tpu.memref_slice %arg7[%dma_start3A_473, %dma_start3A_474] : memref<16x128xi32, #tpu.memory_space<vmem>> -> memref<1x128xi32, #tpu.memory_space<vmem>>
      %dma_start3A_476 = tpu.memref_squeeze %dma_start3A_475 : memref<1x128xi32, #tpu.memory_space<vmem>> -> memref<128xi32, #tpu.memory_space<vmem>>
      %dma_start3A_477 = arith.constant 0 : i32
      %dma_start3A_478 = arith.constant 0 : i32
      %dma_start3A_479 = tpu.memref_slice %arg10[%dma_start3A_477, %dma_start3A_478] : memref<5120x128xf32, #tpu.memory_space<vmem_shared>> -> memref<5120x128xf32, #tpu.memory_space<vmem_shared>>
      tpu.enqueue_indirect_dma source(%arg9 : memref<128x128xf32, #tpu.memory_space<vmem>>) target(%dma_start3A_479 : memref<5120x128xf32, #tpu.memory_space<vmem_shared>>) offsets(%dma_start3A_476 : memref<128xi32, #tpu.memory_space<vmem>>) semaphore(%arg15 : memref<!tpu.dma_semaphore, #tpu.memory_space<semaphore_mem>>) {add = true}
      %dma_wait3A_480 = arith.constant 15 : i32
      %dma_wait3A_481 = arith.constant 0 : i32
      %dma_wait3A_482 = tpu.memref_slice %arg7[%dma_wait3A_480, %dma_wait3A_481] : memref<16x128xi32, #tpu.memory_space<vmem>> -> memref<1x128xi32, #tpu.memory_space<vmem>>
      %dma_wait3A_483 = tpu.memref_squeeze %dma_wait3A_482 : memref<1x128xi32, #tpu.memory_space<vmem>> -> memref<128xi32, #tpu.memory_space<vmem>>
      %dma_wait3A_484 = arith.constant 0 : i32
      %dma_wait3A_485 = arith.constant 0 : i32
      %dma_wait3A_486 = tpu.memref_slice %arg10[%dma_wait3A_484, %dma_wait3A_485] : memref<5120x128xf32, #tpu.memory_space<vmem_shared>> -> memref<5120x128xf32, #tpu.memory_space<vmem_shared>>
      tpu.wait_indirect_dma semaphore(%arg15 : memref<!tpu.dma_semaphore, #tpu.memory_space<semaphore_mem>>) src(%arg9 : memref<128x128xf32, #tpu.memory_space<vmem>>) dst(%dma_wait3A_486 : memref<5120x128xf32, #tpu.memory_space<vmem_shared>>)
    }
    %scan3A_26 = arith.constant 5 : i32
    %barrier3A_27 = arith.constant 0 : index
    tpu.barrier barrier_id(%barrier3A_27)
    %lt3A_28 = arith.constant 15 : i32
    %lt3A_29 = arith.cmpi slt, %arg1, %lt3A_28 : i32
    %convert_element_type3A_30 = arith.extui %lt3A_29 : i1 to i32
    %cond3A_31 = arith.constant 0 : i32
    %cond3A_32 = arith.cmpi ne, %convert_element_type3A_30, %cond3A_31 : i32
    scf.if %cond3A_32 {
      %mul3A_38 = arith.constant 320 : i32
      %mul3A_39 = arith.muli %arg1, %mul3A_38 : i32
      %add3A_40 = arith.constant 0 : i32
      %add3A_41 = arith.addi %mul3A_39, %add3A_40 : i32
      %mul3A_42 = arith.constant 5000 : i32
      %mul3A_43 = arith.muli %arg0, %mul3A_42 : i32
      %mul3A_44 = arith.constant 320 : i32
      %mul3A_45 = arith.muli %arg1, %mul3A_44 : i32
      %add3A_46 = arith.addi %mul3A_43, %mul3A_45 : i32
      %add3A_47 = arith.constant 0 : i32
      %add3A_48 = arith.addi %add3A_46, %add3A_47 : i32
      "tpu.region"() ({
        %run_scoped3A = tpu.sem_alloc : memref<!tpu.dma_semaphore, #tpu.memory_space<semaphore_mem>>
        %dma_start3A = arith.constant 0 : i32
        %dma_start3A_71 = tpu.memref_slice %arg10[%add3A_41, %dma_start3A] : memref<5120x128xf32, #tpu.memory_space<vmem_shared>> -> memref<128x128xf32, #tpu.memory_space<vmem_shared>>
        %dma_start3A_72 = arith.constant 0 : i32
        %dma_start3A_73 = tpu.memref_slice %arg10[%add3A_41, %dma_start3A_72] : memref<5120x128xf32, #tpu.memory_space<vmem_shared>> -> memref<128x128xf32, #tpu.memory_space<vmem_shared>>
        tpu.enqueue_dma source(%dma_start3A_73 : memref<128x128xf32, #tpu.memory_space<vmem_shared>>) target(%arg8 : memref<128x128xf32, #tpu.memory_space<vmem>>) target_semaphore(%run_scoped3A : memref<!tpu.dma_semaphore, #tpu.memory_space<semaphore_mem>>)
        %dma_wait3A = arith.constant 0 : i32
        %dma_wait3A_74 = tpu.memref_slice %arg10[%add3A_41, %dma_wait3A] : memref<5120x128xf32, #tpu.memory_space<vmem_shared>> -> memref<128x128xf32, #tpu.memory_space<vmem_shared>>
        %dma_wait3A_75 = arith.constant 0 : i32
        %dma_wait3A_76 = tpu.memref_slice %arg10[%add3A_41, %dma_wait3A_75] : memref<5120x128xf32, #tpu.memory_space<vmem_shared>> -> memref<128x128xf32, #tpu.memory_space<vmem_shared>>
        tpu.wait_dma2 semaphore(%run_scoped3A : memref<!tpu.dma_semaphore, #tpu.memory_space<semaphore_mem>>) src(%dma_wait3A_76 : memref<128x128xf32, #tpu.memory_space<vmem_shared>>) dst(%arg8 : memref<128x128xf32, #tpu.memory_space<vmem>>)
        tpu.yield
      }) : () -> ()
      "tpu.region"() ({
        %run_scoped3A = tpu.sem_alloc : memref<!tpu.dma_semaphore, #tpu.memory_space<semaphore_mem>>
        %dma_start3A = arith.constant 0 : i32
        %dma_start3A_71 = tpu.memref_slice %arg5[%add3A_48, %dma_start3A] : memref<10000x128xf32, #tpu.memory_space<hbm>> -> memref<128x128xf32, #tpu.memory_space<hbm>>
        %dma_start3A_72 = arith.constant 0 : i32
        %dma_start3A_73 = tpu.memref_slice %arg5[%add3A_48, %dma_start3A_72] : memref<10000x128xf32, #tpu.memory_space<hbm>> -> memref<128x128xf32, #tpu.memory_space<hbm>>
        tpu.enqueue_dma source(%arg8 : memref<128x128xf32, #tpu.memory_space<vmem>>) target(%dma_start3A_73 : memref<128x128xf32, #tpu.memory_space<hbm>>) target_semaphore(%run_scoped3A : memref<!tpu.dma_semaphore, #tpu.memory_space<semaphore_mem>>)
        %dma_wait3A = arith.constant 0 : i32
        %dma_wait3A_74 = tpu.memref_slice %arg5[%add3A_48, %dma_wait3A] : memref<10000x128xf32, #tpu.memory_space<hbm>> -> memref<128x128xf32, #tpu.memory_space<hbm>>
        %dma_wait3A_75 = arith.constant 0 : i32
        %dma_wait3A_76 = tpu.memref_slice %arg5[%add3A_48, %dma_wait3A_75] : memref<10000x128xf32, #tpu.memory_space<hbm>> -> memref<128x128xf32, #tpu.memory_space<hbm>>
        tpu.wait_dma2 semaphore(%run_scoped3A : memref<!tpu.dma_semaphore, #tpu.memory_space<semaphore_mem>>) src(%arg8 : memref<128x128xf32, #tpu.memory_space<vmem>>) dst(%dma_wait3A_76 : memref<128x128xf32, #tpu.memory_space<hbm>>)
        tpu.yield
      }) : () -> ()
      %mul3A_49 = arith.constant 320 : i32
      %mul3A_50 = arith.muli %arg1, %mul3A_49 : i32
      %add3A_51 = arith.constant 128 : i32
      %add3A_52 = arith.addi %mul3A_50, %add3A_51 : i32
      %mul3A_53 = arith.constant 5000 : i32
      %mul3A_54 = arith.muli %arg0, %mul3A_53 : i32
      %mul3A_55 = arith.constant 320 : i32
      %mul3A_56 = arith.muli %arg1, %mul3A_55 : i32
      %add3A_57 = arith.addi %mul3A_54, %mul3A_56 : i32
      %add3A_58 = arith.constant 128 : i32
      %add3A_59 = arith.addi %add3A_57, %add3A_58 : i32
      "tpu.region"() ({
        %run_scoped3A = tpu.sem_alloc : memref<!tpu.dma_semaphore, #tpu.memory_space<semaphore_mem>>
        %dma_start3A = arith.constant 0 : i32
        %dma_start3A_71 = tpu.memref_slice %arg10[%add3A_52, %dma_start3A] : memref<5120x128xf32, #tpu.memory_space<vmem_shared>> -> memref<128x128xf32, #tpu.memory_space<vmem_shared>>
        %dma_start3A_72 = arith.constant 0 : i32
        %dma_start3A_73 = tpu.memref_slice %arg10[%add3A_52, %dma_start3A_72] : memref<5120x128xf32, #tpu.memory_space<vmem_shared>> -> memref<128x128xf32, #tpu.memory_space<vmem_shared>>
        tpu.enqueue_dma source(%dma_start3A_73 : memref<128x128xf32, #tpu.memory_space<vmem_shared>>) target(%arg8 : memref<128x128xf32, #tpu.memory_space<vmem>>) target_semaphore(%run_scoped3A : memref<!tpu.dma_semaphore, #tpu.memory_space<semaphore_mem>>)
        %dma_wait3A = arith.constant 0 : i32
        %dma_wait3A_74 = tpu.memref_slice %arg10[%add3A_52, %dma_wait3A] : memref<5120x128xf32, #tpu.memory_space<vmem_shared>> -> memref<128x128xf32, #tpu.memory_space<vmem_shared>>
        %dma_wait3A_75 = arith.constant 0 : i32
        %dma_wait3A_76 = tpu.memref_slice %arg10[%add3A_52, %dma_wait3A_75] : memref<5120x128xf32, #tpu.memory_space<vmem_shared>> -> memref<128x128xf32, #tpu.memory_space<vmem_shared>>
        tpu.wait_dma2 semaphore(%run_scoped3A : memref<!tpu.dma_semaphore, #tpu.memory_space<semaphore_mem>>) src(%dma_wait3A_76 : memref<128x128xf32, #tpu.memory_space<vmem_shared>>) dst(%arg8 : memref<128x128xf32, #tpu.memory_space<vmem>>)
        tpu.yield
      }) : () -> ()
      "tpu.region"() ({
        %run_scoped3A = tpu.sem_alloc : memref<!tpu.dma_semaphore, #tpu.memory_space<semaphore_mem>>
        %dma_start3A = arith.constant 0 : i32
        %dma_start3A_71 = tpu.memref_slice %arg5[%add3A_59, %dma_start3A] : memref<10000x128xf32, #tpu.memory_space<hbm>> -> memref<128x128xf32, #tpu.memory_space<hbm>>
        %dma_start3A_72 = arith.constant 0 : i32
        %dma_start3A_73 = tpu.memref_slice %arg5[%add3A_59, %dma_start3A_72] : memref<10000x128xf32, #tpu.memory_space<hbm>> -> memref<128x128xf32, #tpu.memory_space<hbm>>
        tpu.enqueue_dma source(%arg8 : memref<128x128xf32, #tpu.memory_space<vmem>>) target(%dma_start3A_73 : memref<128x128xf32, #tpu.memory_space<hbm>>) target_semaphore(%run_scoped3A : memref<!tpu.dma_semaphore, #tpu.memory_space<semaphore_mem>>)
        %dma_wait3A = arith.constant 0 : i32
        %dma_wait3A_74 = tpu.memref_slice %arg5[%add3A_59, %dma_wait3A] : memref<10000x128xf32, #tpu.memory_space<hbm>> -> memref<128x128xf32, #tpu.memory_space<hbm>>
        %dma_wait3A_75 = arith.constant 0 : i32
        %dma_wait3A_76 = tpu.memref_slice %arg5[%add3A_59, %dma_wait3A_75] : memref<10000x128xf32, #tpu.memory_space<hbm>> -> memref<128x128xf32, #tpu.memory_space<hbm>>
        tpu.wait_dma2 semaphore(%run_scoped3A : memref<!tpu.dma_semaphore, #tpu.memory_space<semaphore_mem>>) src(%arg8 : memref<128x128xf32, #tpu.memory_space<vmem>>) dst(%dma_wait3A_76 : memref<128x128xf32, #tpu.memory_space<hbm>>)
        tpu.yield
      }) : () -> ()
      %mul3A_60 = arith.constant 320 : i32
      %mul3A_61 = arith.muli %arg1, %mul3A_60 : i32
      %add3A_62 = arith.constant 256 : i32
      %add3A_63 = arith.addi %mul3A_61, %add3A_62 : i32
      %mul3A_64 = arith.constant 5000 : i32
      %mul3A_65 = arith.muli %arg0, %mul3A_64 : i32
      %mul3A_66 = arith.constant 320 : i32
      %mul3A_67 = arith.muli %arg1, %mul3A_66 : i32
      %add3A_68 = arith.addi %mul3A_65, %mul3A_67 : i32
      %add3A_69 = arith.constant 256 : i32
      %add3A_70 = arith.addi %add3A_68, %add3A_69 : i32
      "tpu.region"() ({
        %run_scoped3A = tpu.sem_alloc : memref<!tpu.dma_semaphore, #tpu.memory_space<semaphore_mem>>
        %dma_start3A = arith.constant 0 : i32
        %dma_start3A_71 = arith.constant 0 : i32
        %dma_start3A_72 = tpu.memref_slice %arg8[%dma_start3A, %dma_start3A_71] : memref<128x128xf32, #tpu.memory_space<vmem>> -> memref<64x128xf32, #tpu.memory_space<vmem>>
        %dma_start3A_73 = arith.constant 0 : i32
        %dma_start3A_74 = tpu.memref_slice %arg10[%add3A_63, %dma_start3A_73] : memref<5120x128xf32, #tpu.memory_space<vmem_shared>> -> memref<64x128xf32, #tpu.memory_space<vmem_shared>>
        %dma_start3A_75 = arith.constant 0 : i32
        %dma_start3A_76 = arith.constant 0 : i32
        %dma_start3A_77 = tpu.memref_slice %arg8[%dma_start3A_75, %dma_start3A_76] : memref<128x128xf32, #tpu.memory_space<vmem>> -> memref<64x128xf32, #tpu.memory_space<vmem>>
        %dma_start3A_78 = arith.constant 0 : i32
        %dma_start3A_79 = tpu.memref_slice %arg10[%add3A_63, %dma_start3A_78] : memref<5120x128xf32, #tpu.memory_space<vmem_shared>> -> memref<64x128xf32, #tpu.memory_space<vmem_shared>>
        tpu.enqueue_dma source(%dma_start3A_79 : memref<64x128xf32, #tpu.memory_space<vmem_shared>>) target(%dma_start3A_77 : memref<64x128xf32, #tpu.memory_space<vmem>>) target_semaphore(%run_scoped3A : memref<!tpu.dma_semaphore, #tpu.memory_space<semaphore_mem>>)
        %dma_wait3A = arith.constant 0 : i32
        %dma_wait3A_80 = arith.constant 0 : i32
        %dma_wait3A_81 = tpu.memref_slice %arg8[%dma_wait3A, %dma_wait3A_80] : memref<128x128xf32, #tpu.memory_space<vmem>> -> memref<64x128xf32, #tpu.memory_space<vmem>>
        %dma_wait3A_82 = arith.constant 0 : i32
        %dma_wait3A_83 = tpu.memref_slice %arg10[%add3A_63, %dma_wait3A_82] : memref<5120x128xf32, #tpu.memory_space<vmem_shared>> -> memref<64x128xf32, #tpu.memory_space<vmem_shared>>
        %dma_wait3A_84 = arith.constant 0 : i32
        %dma_wait3A_85 = arith.constant 0 : i32
        %dma_wait3A_86 = tpu.memref_slice %arg8[%dma_wait3A_84, %dma_wait3A_85] : memref<128x128xf32, #tpu.memory_space<vmem>> -> memref<64x128xf32, #tpu.memory_space<vmem>>
        %dma_wait3A_87 = arith.constant 0 : i32
        %dma_wait3A_88 = tpu.memref_slice %arg10[%add3A_63, %dma_wait3A_87] : memref<5120x128xf32, #tpu.memory_space<vmem_shared>> -> memref<64x128xf32, #tpu.memory_space<vmem_shared>>
        tpu.wait_dma2 semaphore(%run_scoped3A : memref<!tpu.dma_semaphore, #tpu.memory_space<semaphore_mem>>) src(%dma_wait3A_88 : memref<64x128xf32, #tpu.memory_space<vmem_shared>>) dst(%dma_wait3A_86 : memref<64x128xf32, #tpu.memory_space<vmem>>)
        tpu.yield
      }) : () -> ()
      "tpu.region"() ({
        %run_scoped3A = tpu.sem_alloc : memref<!tpu.dma_semaphore, #tpu.memory_space<semaphore_mem>>
        %dma_start3A = arith.constant 0 : i32
        %dma_start3A_71 = arith.constant 0 : i32
        %dma_start3A_72 = tpu.memref_slice %arg8[%dma_start3A, %dma_start3A_71] : memref<128x128xf32, #tpu.memory_space<vmem>> -> memref<64x128xf32, #tpu.memory_space<vmem>>
        %dma_start3A_73 = arith.constant 0 : i32
        %dma_start3A_74 = tpu.memref_slice %arg5[%add3A_70, %dma_start3A_73] : memref<10000x128xf32, #tpu.memory_space<hbm>> -> memref<64x128xf32, #tpu.memory_space<hbm>>
        %dma_start3A_75 = arith.constant 0 : i32
        %dma_start3A_76 = tpu.memref_slice %arg5[%add3A_70, %dma_start3A_75] : memref<10000x128xf32, #tpu.memory_space<hbm>> -> memref<64x128xf32, #tpu.memory_space<hbm>>
        %dma_start3A_77 = arith.constant 0 : i32
        %dma_start3A_78 = arith.constant 0 : i32
        %dma_start3A_79 = tpu.memref_slice %arg8[%dma_start3A_77, %dma_start3A_78] : memref<128x128xf32, #tpu.memory_space<vmem>> -> memref<64x128xf32, #tpu.memory_space<vmem>>
        tpu.enqueue_dma source(%dma_start3A_79 : memref<64x128xf32, #tpu.memory_space<vmem>>) target(%dma_start3A_76 : memref<64x128xf32, #tpu.memory_space<hbm>>) target_semaphore(%run_scoped3A : memref<!tpu.dma_semaphore, #tpu.memory_space<semaphore_mem>>)
        %dma_wait3A = arith.constant 0 : i32
        %dma_wait3A_80 = arith.constant 0 : i32
        %dma_wait3A_81 = tpu.memref_slice %arg8[%dma_wait3A, %dma_wait3A_80] : memref<128x128xf32, #tpu.memory_space<vmem>> -> memref<64x128xf32, #tpu.memory_space<vmem>>
        %dma_wait3A_82 = arith.constant 0 : i32
        %dma_wait3A_83 = tpu.memref_slice %arg5[%add3A_70, %dma_wait3A_82] : memref<10000x128xf32, #tpu.memory_space<hbm>> -> memref<64x128xf32, #tpu.memory_space<hbm>>
        %dma_wait3A_84 = arith.constant 0 : i32
        %dma_wait3A_85 = tpu.memref_slice %arg5[%add3A_70, %dma_wait3A_84] : memref<10000x128xf32, #tpu.memory_space<hbm>> -> memref<64x128xf32, #tpu.memory_space<hbm>>
        %dma_wait3A_86 = arith.constant 0 : i32
        %dma_wait3A_87 = arith.constant 0 : i32
        %dma_wait3A_88 = tpu.memref_slice %arg8[%dma_wait3A_86, %dma_wait3A_87] : memref<128x128xf32, #tpu.memory_space<vmem>> -> memref<64x128xf32, #tpu.memory_space<vmem>>
        tpu.wait_dma2 semaphore(%run_scoped3A : memref<!tpu.dma_semaphore, #tpu.memory_space<semaphore_mem>>) src(%dma_wait3A_88 : memref<64x128xf32, #tpu.memory_space<vmem>>) dst(%dma_wait3A_85 : memref<64x128xf32, #tpu.memory_space<hbm>>)
        tpu.yield
      }) : () -> ()
    } else {
    }
    %eq3A_33 = arith.constant 15 : i32
    %eq3A_34 = arith.cmpi eq, %arg1, %eq3A_33 : i32
    %convert_element_type3A_35 = arith.extui %eq3A_34 : i1 to i32
    %cond3A_36 = arith.constant 0 : i32
    %cond3A_37 = arith.cmpi ne, %convert_element_type3A_35, %cond3A_36 : i32
    scf.if %cond3A_37 {
      %mul3A_38 = arith.constant 320 : i32
      %mul3A_39 = arith.muli %arg1, %mul3A_38 : i32
      %add3A_40 = arith.constant 0 : i32
      %add3A_41 = arith.addi %mul3A_39, %add3A_40 : i32
      %mul3A_42 = arith.constant 5000 : i32
      %mul3A_43 = arith.muli %arg0, %mul3A_42 : i32
      %mul3A_44 = arith.constant 320 : i32
      %mul3A_45 = arith.muli %arg1, %mul3A_44 : i32
      %add3A_46 = arith.addi %mul3A_43, %mul3A_45 : i32
      %add3A_47 = arith.constant 0 : i32
      %add3A_48 = arith.addi %add3A_46, %add3A_47 : i32
      "tpu.region"() ({
        %run_scoped3A = tpu.sem_alloc : memref<!tpu.dma_semaphore, #tpu.memory_space<semaphore_mem>>
        %dma_start3A = arith.constant 0 : i32
        %dma_start3A_60 = tpu.memref_slice %arg10[%add3A_41, %dma_start3A] : memref<5120x128xf32, #tpu.memory_space<vmem_shared>> -> memref<128x128xf32, #tpu.memory_space<vmem_shared>>
        %dma_start3A_61 = arith.constant 0 : i32
        %dma_start3A_62 = tpu.memref_slice %arg10[%add3A_41, %dma_start3A_61] : memref<5120x128xf32, #tpu.memory_space<vmem_shared>> -> memref<128x128xf32, #tpu.memory_space<vmem_shared>>
        tpu.enqueue_dma source(%dma_start3A_62 : memref<128x128xf32, #tpu.memory_space<vmem_shared>>) target(%arg8 : memref<128x128xf32, #tpu.memory_space<vmem>>) target_semaphore(%run_scoped3A : memref<!tpu.dma_semaphore, #tpu.memory_space<semaphore_mem>>)
        %dma_wait3A = arith.constant 0 : i32
        %dma_wait3A_63 = tpu.memref_slice %arg10[%add3A_41, %dma_wait3A] : memref<5120x128xf32, #tpu.memory_space<vmem_shared>> -> memref<128x128xf32, #tpu.memory_space<vmem_shared>>
        %dma_wait3A_64 = arith.constant 0 : i32
        %dma_wait3A_65 = tpu.memref_slice %arg10[%add3A_41, %dma_wait3A_64] : memref<5120x128xf32, #tpu.memory_space<vmem_shared>> -> memref<128x128xf32, #tpu.memory_space<vmem_shared>>
        tpu.wait_dma2 semaphore(%run_scoped3A : memref<!tpu.dma_semaphore, #tpu.memory_space<semaphore_mem>>) src(%dma_wait3A_65 : memref<128x128xf32, #tpu.memory_space<vmem_shared>>) dst(%arg8 : memref<128x128xf32, #tpu.memory_space<vmem>>)
        tpu.yield
      }) : () -> ()
      "tpu.region"() ({
        %run_scoped3A = tpu.sem_alloc : memref<!tpu.dma_semaphore, #tpu.memory_space<semaphore_mem>>
        %dma_start3A = arith.constant 0 : i32
        %dma_start3A_60 = tpu.memref_slice %arg5[%add3A_48, %dma_start3A] : memref<10000x128xf32, #tpu.memory_space<hbm>> -> memref<128x128xf32, #tpu.memory_space<hbm>>
        %dma_start3A_61 = arith.constant 0 : i32
        %dma_start3A_62 = tpu.memref_slice %arg5[%add3A_48, %dma_start3A_61] : memref<10000x128xf32, #tpu.memory_space<hbm>> -> memref<128x128xf32, #tpu.memory_space<hbm>>
        tpu.enqueue_dma source(%arg8 : memref<128x128xf32, #tpu.memory_space<vmem>>) target(%dma_start3A_62 : memref<128x128xf32, #tpu.memory_space<hbm>>) target_semaphore(%run_scoped3A : memref<!tpu.dma_semaphore, #tpu.memory_space<semaphore_mem>>)
        %dma_wait3A = arith.constant 0 : i32
        %dma_wait3A_63 = tpu.memref_slice %arg5[%add3A_48, %dma_wait3A] : memref<10000x128xf32, #tpu.memory_space<hbm>> -> memref<128x128xf32, #tpu.memory_space<hbm>>
        %dma_wait3A_64 = arith.constant 0 : i32
        %dma_wait3A_65 = tpu.memref_slice %arg5[%add3A_48, %dma_wait3A_64] : memref<10000x128xf32, #tpu.memory_space<hbm>> -> memref<128x128xf32, #tpu.memory_space<hbm>>
        tpu.wait_dma2 semaphore(%run_scoped3A : memref<!tpu.dma_semaphore, #tpu.memory_space<semaphore_mem>>) src(%arg8 : memref<128x128xf32, #tpu.memory_space<vmem>>) dst(%dma_wait3A_65 : memref<128x128xf32, #tpu.memory_space<hbm>>)
        tpu.yield
      }) : () -> ()
      %mul3A_49 = arith.constant 320 : i32
      %mul3A_50 = arith.muli %arg1, %mul3A_49 : i32
      %add3A_51 = arith.constant 128 : i32
      %add3A_52 = arith.addi %mul3A_50, %add3A_51 : i32
      %mul3A_53 = arith.constant 5000 : i32
      %mul3A_54 = arith.muli %arg0, %mul3A_53 : i32
      %mul3A_55 = arith.constant 320 : i32
      %mul3A_56 = arith.muli %arg1, %mul3A_55 : i32
      %add3A_57 = arith.addi %mul3A_54, %mul3A_56 : i32
      %add3A_58 = arith.constant 128 : i32
      %add3A_59 = arith.addi %add3A_57, %add3A_58 : i32
      "tpu.region"() ({
        %run_scoped3A = tpu.sem_alloc : memref<!tpu.dma_semaphore, #tpu.memory_space<semaphore_mem>>
        %dma_start3A = arith.constant 0 : i32
        %dma_start3A_60 = arith.constant 0 : i32
        %dma_start3A_61 = tpu.memref_slice %arg8[%dma_start3A, %dma_start3A_60] : memref<128x128xf32, #tpu.memory_space<vmem>> -> memref<72x128xf32, #tpu.memory_space<vmem>>
        %dma_start3A_62 = arith.constant 0 : i32
        %dma_start3A_63 = tpu.memref_slice %arg10[%add3A_52, %dma_start3A_62] : memref<5120x128xf32, #tpu.memory_space<vmem_shared>> -> memref<72x128xf32, #tpu.memory_space<vmem_shared>>
        %dma_start3A_64 = arith.constant 0 : i32
        %dma_start3A_65 = arith.constant 0 : i32
        %dma_start3A_66 = tpu.memref_slice %arg8[%dma_start3A_64, %dma_start3A_65] : memref<128x128xf32, #tpu.memory_space<vmem>> -> memref<72x128xf32, #tpu.memory_space<vmem>>
        %dma_start3A_67 = arith.constant 0 : i32
        %dma_start3A_68 = tpu.memref_slice %arg10[%add3A_52, %dma_start3A_67] : memref<5120x128xf32, #tpu.memory_space<vmem_shared>> -> memref<72x128xf32, #tpu.memory_space<vmem_shared>>
        tpu.enqueue_dma source(%dma_start3A_68 : memref<72x128xf32, #tpu.memory_space<vmem_shared>>) target(%dma_start3A_66 : memref<72x128xf32, #tpu.memory_space<vmem>>) target_semaphore(%run_scoped3A : memref<!tpu.dma_semaphore, #tpu.memory_space<semaphore_mem>>)
        %dma_wait3A = arith.constant 0 : i32
        %dma_wait3A_69 = arith.constant 0 : i32
        %dma_wait3A_70 = tpu.memref_slice %arg8[%dma_wait3A, %dma_wait3A_69] : memref<128x128xf32, #tpu.memory_space<vmem>> -> memref<72x128xf32, #tpu.memory_space<vmem>>
        %dma_wait3A_71 = arith.constant 0 : i32
        %dma_wait3A_72 = tpu.memref_slice %arg10[%add3A_52, %dma_wait3A_71] : memref<5120x128xf32, #tpu.memory_space<vmem_shared>> -> memref<72x128xf32, #tpu.memory_space<vmem_shared>>
        %dma_wait3A_73 = arith.constant 0 : i32
        %dma_wait3A_74 = arith.constant 0 : i32
        %dma_wait3A_75 = tpu.memref_slice %arg8[%dma_wait3A_73, %dma_wait3A_74] : memref<128x128xf32, #tpu.memory_space<vmem>> -> memref<72x128xf32, #tpu.memory_space<vmem>>
        %dma_wait3A_76 = arith.constant 0 : i32
        %dma_wait3A_77 = tpu.memref_slice %arg10[%add3A_52, %dma_wait3A_76] : memref<5120x128xf32, #tpu.memory_space<vmem_shared>> -> memref<72x128xf32, #tpu.memory_space<vmem_shared>>
        tpu.wait_dma2 semaphore(%run_scoped3A : memref<!tpu.dma_semaphore, #tpu.memory_space<semaphore_mem>>) src(%dma_wait3A_77 : memref<72x128xf32, #tpu.memory_space<vmem_shared>>) dst(%dma_wait3A_75 : memref<72x128xf32, #tpu.memory_space<vmem>>)
        tpu.yield
      }) : () -> ()
      "tpu.region"() ({
        %run_scoped3A = tpu.sem_alloc : memref<!tpu.dma_semaphore, #tpu.memory_space<semaphore_mem>>
        %dma_start3A = arith.constant 0 : i32
        %dma_start3A_60 = arith.constant 0 : i32
        %dma_start3A_61 = tpu.memref_slice %arg8[%dma_start3A, %dma_start3A_60] : memref<128x128xf32, #tpu.memory_space<vmem>> -> memref<72x128xf32, #tpu.memory_space<vmem>>
        %dma_start3A_62 = arith.constant 0 : i32
        %dma_start3A_63 = tpu.memref_slice %arg5[%add3A_59, %dma_start3A_62] : memref<10000x128xf32, #tpu.memory_space<hbm>> -> memref<72x128xf32, #tpu.memory_space<hbm>>
        %dma_start3A_64 = arith.constant 0 : i32
        %dma_start3A_65 = tpu.memref_slice %arg5[%add3A_59, %dma_start3A_64] : memref<10000x128xf32, #tpu.memory_space<hbm>> -> memref<72x128xf32, #tpu.memory_space<hbm>>
        %dma_start3A_66 = arith.constant 0 : i32
        %dma_start3A_67 = arith.constant 0 : i32
        %dma_start3A_68 = tpu.memref_slice %arg8[%dma_start3A_66, %dma_start3A_67] : memref<128x128xf32, #tpu.memory_space<vmem>> -> memref<72x128xf32, #tpu.memory_space<vmem>>
        tpu.enqueue_dma source(%dma_start3A_68 : memref<72x128xf32, #tpu.memory_space<vmem>>) target(%dma_start3A_65 : memref<72x128xf32, #tpu.memory_space<hbm>>) target_semaphore(%run_scoped3A : memref<!tpu.dma_semaphore, #tpu.memory_space<semaphore_mem>>)
        %dma_wait3A = arith.constant 0 : i32
        %dma_wait3A_69 = arith.constant 0 : i32
        %dma_wait3A_70 = tpu.memref_slice %arg8[%dma_wait3A, %dma_wait3A_69] : memref<128x128xf32, #tpu.memory_space<vmem>> -> memref<72x128xf32, #tpu.memory_space<vmem>>
        %dma_wait3A_71 = arith.constant 0 : i32
        %dma_wait3A_72 = tpu.memref_slice %arg5[%add3A_59, %dma_wait3A_71] : memref<10000x128xf32, #tpu.memory_space<hbm>> -> memref<72x128xf32, #tpu.memory_space<hbm>>
        %dma_wait3A_73 = arith.constant 0 : i32
        %dma_wait3A_74 = tpu.memref_slice %arg5[%add3A_59, %dma_wait3A_73] : memref<10000x128xf32, #tpu.memory_space<hbm>> -> memref<72x128xf32, #tpu.memory_space<hbm>>
        %dma_wait3A_75 = arith.constant 0 : i32
        %dma_wait3A_76 = arith.constant 0 : i32
        %dma_wait3A_77 = tpu.memref_slice %arg8[%dma_wait3A_75, %dma_wait3A_76] : memref<128x128xf32, #tpu.memory_space<vmem>> -> memref<72x128xf32, #tpu.memory_space<vmem>>
        tpu.wait_dma2 semaphore(%run_scoped3A : memref<!tpu.dma_semaphore, #tpu.memory_space<semaphore_mem>>) src(%dma_wait3A_77 : memref<72x128xf32, #tpu.memory_space<vmem>>) dst(%dma_wait3A_74 : memref<72x128xf32, #tpu.memory_space<hbm>>)
        tpu.yield
      }) : () -> ()
    } else {
    }
    return
  }
}

#map = affine_map<(d0, d1) -> (0, 0, 0, 0)>
#map1 = affine_map<(d0, d1) -> (0, 0)>
module attributes {stable_mosaic.version = 14 : i64} {
  func.func @body(%arg0: i32, %arg1: i32, %arg2: memref<2x16x80x128xi32, #tpu.memory_space<hbm>>, %arg3: memref<2x16x80x128xi32, #tpu.memory_space<hbm>>, %arg4: memref<10000x128xf32, #tpu.memory_space<hbm>>, %arg5: memref<10000x128xf32, #tpu.memory_space<hbm>>, %arg6: memref<16x128xi32, #tpu.memory_space<vmem>>, %arg7: memref<16x128xi32, #tpu.memory_space<vmem>>, %arg8: memref<128x128xf32, #tpu.memory_space<vmem>>, %arg9: memref<128x128xf32, #tpu.memory_space<vmem>>, %arg10: memref<5120x128xf32, #tpu.memory_space<vmem_shared>>, %arg11: memref<5120x128xf32, #tpu.memory_space<vmem_shared>>, %arg12: memref<!tpu.dma_semaphore, #tpu.memory_space<semaphore_mem>>, %arg13: memref<!tpu.dma_semaphore, #tpu.memory_space<semaphore_mem>>, %arg14: memref<!tpu.dma_semaphore, #tpu.memory_space<semaphore_mem>>, %arg15: memref<!tpu.dma_semaphore, #tpu.memory_space<semaphore_mem>>) attributes {dimension_semantics = [#tpu.dimension_semantics<core_parallel>, #tpu.dimension_semantics<subcore_parallel>], iteration_bounds = array<i64: 2, 16>, scalar_prefetch = 0 : i64, scratch_operands = 10 : i64, tpu.core_type = #tpu.core_type<sc_vector_subcore>, window_params = [{transform_indices = #map}, {transform_indices = #map}, {transform_indices = #map1}, {transform_indices = #map1}]} {
    %sub3A = arith.constant 1 : i32
    %sub3A_0 = arith.subi %sub3A, %arg0 : i32
    %mul3A = arith.constant 5000 : i32
    %mul3A_1 = arith.muli %sub3A_0, %mul3A : i32
    %mul3A_2 = arith.constant 320 : i32
    %mul3A_3 = arith.muli %arg1, %mul3A_2 : i32
    %add3A = arith.addi %mul3A_1, %mul3A_3 : i32
    %lt3A = arith.constant 15 : i32
    %lt3A_4 = arith.cmpi slt, %arg1, %lt3A : i32
    %convert_element_type3A = arith.extui %lt3A_4 : i1 to i32
    %cond3A = arith.constant 0 : i32
    %cond3A_5 = arith.cmpi ne, %convert_element_type3A, %cond3A : i32
    scf.if %cond3A_5 {
      %mul3A_38 = arith.constant 320 : i32
      %mul3A_39 = arith.muli %arg1, %mul3A_38 : i32
      "tpu.region"() ({
        %run_scoped3A = tpu.sem_alloc : memref<!tpu.dma_semaphore, #tpu.memory_space<semaphore_mem>>
        %dma_start3A = arith.constant 0 : i32
        %dma_start3A_40 = tpu.memref_slice %arg11[%mul3A_39, %dma_start3A] : memref<5120x128xf32, #tpu.memory_space<vmem_shared>> -> memref<320x128xf32, #tpu.memory_space<vmem_shared>>
        %dma_start3A_41 = arith.constant 0 : i32
        %dma_start3A_42 = tpu.memref_slice %arg4[%add3A, %dma_start3A_41] : memref<10000x128xf32, #tpu.memory_space<hbm>> -> memref<320x128xf32, #tpu.memory_space<hbm>>
        tpu.enqueue_dma source(%dma_start3A_42 : memref<320x128xf32, #tpu.memory_space<hbm>>) target(%dma_start3A_40 : memref<320x128xf32, #tpu.memory_space<vmem_shared>>) target_semaphore(%run_scoped3A : memref<!tpu.dma_semaphore, #tpu.memory_space<semaphore_mem>>)
        %dma_wait3A = arith.constant 0 : i32
        %dma_wait3A_43 = tpu.memref_slice %arg11[%mul3A_39, %dma_wait3A] : memref<5120x128xf32, #tpu.memory_space<vmem_shared>> -> memref<320x128xf32, #tpu.memory_space<vmem_shared>>
        %dma_wait3A_44 = arith.constant 0 : i32
        %dma_wait3A_45 = tpu.memref_slice %arg4[%add3A, %dma_wait3A_44] : memref<10000x128xf32, #tpu.memory_space<hbm>> -> memref<320x128xf32, #tpu.memory_space<hbm>>
        tpu.wait_dma2 semaphore(%run_scoped3A : memref<!tpu.dma_semaphore, #tpu.memory_space<semaphore_mem>>) src(%dma_wait3A_45 : memref<320x128xf32, #tpu.memory_space<hbm>>) dst(%dma_wait3A_43 : memref<320x128xf32, #tpu.memory_space<vmem_shared>>)
        tpu.yield
      }) : () -> ()
    } else {
    }
    %eq3A = arith.constant 15 : i32
    %eq3A_6 = arith.cmpi eq, %arg1, %eq3A : i32
    %convert_element_type3A_7 = arith.extui %eq3A_6 : i1 to i32
    %cond3A_8 = arith.constant 0 : i32
    %cond3A_9 = arith.cmpi ne, %convert_element_type3A_7, %cond3A_8 : i32
    scf.if %cond3A_9 {
      %mul3A_38 = arith.constant 320 : i32
      %mul3A_39 = arith.muli %arg1, %mul3A_38 : i32
      "tpu.region"() ({
        %run_scoped3A = tpu.sem_alloc : memref<!tpu.dma_semaphore, #tpu.memory_space<semaphore_mem>>
        %dma_start3A = arith.constant 0 : i32
        %dma_start3A_40 = tpu.memref_slice %arg11[%mul3A_39, %dma_start3A] : memref<5120x128xf32, #tpu.memory_space<vmem_shared>> -> memref<200x128xf32, #tpu.memory_space<vmem_shared>>
        %dma_start3A_41 = arith.constant 0 : i32
        %dma_start3A_42 = tpu.memref_slice %arg4[%add3A, %dma_start3A_41] : memref<10000x128xf32, #tpu.memory_space<hbm>> -> memref<200x128xf32, #tpu.memory_space<hbm>>
        tpu.enqueue_dma source(%dma_start3A_42 : memref<200x128xf32, #tpu.memory_space<hbm>>) target(%dma_start3A_40 : memref<200x128xf32, #tpu.memory_space<vmem_shared>>) target_semaphore(%run_scoped3A : memref<!tpu.dma_semaphore, #tpu.memory_space<semaphore_mem>>)
        %dma_wait3A = arith.constant 0 : i32
        %dma_wait3A_43 = tpu.memref_slice %arg11[%mul3A_39, %dma_wait3A] : memref<5120x128xf32, #tpu.memory_space<vmem_shared>> -> memref<200x128xf32, #tpu.memory_space<vmem_shared>>
        %dma_wait3A_44 = arith.constant 0 : i32
        %dma_wait3A_45 = tpu.memref_slice %arg4[%add3A, %dma_wait3A_44] : memref<10000x128xf32, #tpu.memory_space<hbm>> -> memref<200x128xf32, #tpu.memory_space<hbm>>
        tpu.wait_dma2 semaphore(%run_scoped3A : memref<!tpu.dma_semaphore, #tpu.memory_space<semaphore_mem>>) src(%dma_wait3A_45 : memref<200x128xf32, #tpu.memory_space<hbm>>) dst(%dma_wait3A_43 : memref<200x128xf32, #tpu.memory_space<vmem_shared>>)
        tpu.yield
      }) : () -> ()
    } else {
    }
    %scan3A = arith.constant 0 : i32
    %scan3A_10 = arith.constant 0 : i32
    %scan3A_11 = arith.constant 1024 : i32
    %scan3A_12 = arith.addi %scan3A_10, %scan3A_11 : i32
    %scan3A_13 = arith.constant 1 : i32
    scf.for %scan3A_38 = %scan3A_10 to %scan3A_12 step %scan3A_13  : i32 {
      %broadcast_in_dim3A = arith.constant 0.000000e+00 : f32
      %broadcast_in_dim3A_39 = vector.broadcast %broadcast_in_dim3A : f32 to vector<16xf32>
      %jit3A = arith.constant 8 : i32
      %div3A = arith.divsi %scan3A_38, %jit3A : i32
      %sign3A = arith.constant 0 : i32
      %sign3A_40 = arith.cmpi sgt, %scan3A_38, %sign3A : i32
      %sign3A_41 = arith.extui %sign3A_40 : i1 to i32
      %sign3A_42 = arith.constant 0 : i32
      %sign3A_43 = arith.cmpi slt, %scan3A_38, %sign3A_42 : i32
      %sign3A_44 = arith.extui %sign3A_43 : i1 to i32
      %sign3A_45 = arith.subi %sign3A_41, %sign3A_44 : i32
      %sign3A_46 = arith.constant 0 : i32
      %sign3A_47 = arith.cmpi sgt, %jit3A, %sign3A_46 : i32
      %sign3A_48 = arith.extui %sign3A_47 : i1 to i32
      %sign3A_49 = arith.constant 0 : i32
      %sign3A_50 = arith.cmpi slt, %jit3A, %sign3A_49 : i32
      %sign3A_51 = arith.extui %sign3A_50 : i1 to i32
      %sign3A_52 = arith.subi %sign3A_48, %sign3A_51 : i32
      %ne3A = arith.cmpi ne, %sign3A_45, %sign3A_52 : i32
      %rem3A = arith.remsi %scan3A_38, %jit3A : i32
      %ne3A_53 = arith.constant 0 : i32
      %ne3A_54 = arith.cmpi ne, %rem3A, %ne3A_53 : i32
      %and3A = arith.andi %ne3A, %ne3A_54 : i1
      %sub3A_55 = arith.constant 1 : i32
      %sub3A_56 = arith.subi %div3A, %sub3A_55 : i32
      %select_n3A = arith.select %and3A, %sub3A_56, %div3A : i32
      %jit3A_57 = arith.constant 8 : i32
      %eq3A_58 = arith.constant 0 : i32
      %eq3A_59 = arith.cmpi eq, %jit3A_57, %eq3A_58 : i32
      %jit3A_60 = arith.constant 1 : i32
      %select_n3A_61 = arith.select %eq3A_59, %jit3A_60, %jit3A_57 : i32
      %rem3A_62 = arith.remsi %scan3A_38, %select_n3A_61 : i32
      %ne3A_63 = arith.constant 0 : i32
      %ne3A_64 = arith.cmpi ne, %rem3A_62, %ne3A_63 : i32
      %lt3A_65 = arith.constant 0 : i32
      %lt3A_66 = arith.cmpi slt, %rem3A_62, %lt3A_65 : i32
      %lt3A_67 = arith.constant 0 : i32
      %lt3A_68 = arith.cmpi slt, %select_n3A_61, %lt3A_67 : i32
      %ne3A_69 = arith.xori %lt3A_66, %lt3A_68 : i1
      %and3A_70 = arith.andi %ne3A_69, %ne3A_64 : i1
      %add3A_71 = arith.addi %rem3A_62, %select_n3A_61 : i32
      %select_n3A_72 = arith.select %and3A_70, %add3A_71, %rem3A_62 : i32
      %mul3A_73 = arith.constant 16 : i32
      %mul3A_74 = arith.muli %select_n3A_72, %mul3A_73 : i32
      %swap3A = arith.index_cast %select_n3A : i32 to index
      %swap3A_75 = arith.index_cast %mul3A_74 : i32 to index
      %swap3A_76 = tpu.vector_load %arg8[%swap3A, %swap3A_75] {strides = array<i32>} : memref<128x128xf32, #tpu.memory_space<vmem>>, vector<1x16xf32>,
      %swap3A_77 = vector.shape_cast %swap3A_76 : vector<1x16xf32> to vector<16xf32>
      %swap3A_78 = vector.shape_cast %broadcast_in_dim3A_39 : vector<16xf32> to vector<1x16xf32>
      tpu.vector_store %arg8[%swap3A, %swap3A_75], %swap3A_78 {strides = array<i32>} : memref<128x128xf32, #tpu.memory_space<vmem>>, vector<1x16xf32>,
    }
    %scan3A_14 = arith.constant 1024 : i32
    %mul3A_15 = arith.constant 320 : i32
    %mul3A_16 = arith.muli %arg1, %mul3A_15 : i32
    "tpu.region"() ({
      %run_scoped3A = tpu.sem_alloc : memref<!tpu.dma_semaphore, #tpu.memory_space<semaphore_mem>>
      %dma_start3A = arith.constant 0 : i32
      %dma_start3A_38 = tpu.memref_slice %arg10[%mul3A_16, %dma_start3A] : memref<5120x128xf32, #tpu.memory_space<vmem_shared>> -> memref<128x128xf32, #tpu.memory_space<vmem_shared>>
      %dma_start3A_39 = arith.constant 0 : i32
      %dma_start3A_40 = tpu.memref_slice %arg10[%mul3A_16, %dma_start3A_39] : memref<5120x128xf32, #tpu.memory_space<vmem_shared>> -> memref<128x128xf32, #tpu.memory_space<vmem_shared>>
      tpu.enqueue_dma source(%arg8 : memref<128x128xf32, #tpu.memory_space<vmem>>) target(%dma_start3A_40 : memref<128x128xf32, #tpu.memory_space<vmem_shared>>) target_semaphore(%run_scoped3A : memref<!tpu.dma_semaphore, #tpu.memory_space<semaphore_mem>>)
      %dma_wait3A = arith.constant 0 : i32
      %dma_wait3A_41 = tpu.memref_slice %arg10[%mul3A_16, %dma_wait3A] : memref<5120x128xf32, #tpu.memory_space<vmem_shared>> -> memref<128x128xf32, #tpu.memory_space<vmem_shared>>
      %dma_wait3A_42 = arith.constant 0 : i32
      %dma_wait3A_43 = tpu.memref_slice %arg10[%mul3A_16, %dma_wait3A_42] : memref<5120x128xf32, #tpu.memory_space<vmem_shared>> -> memref<128x128xf32, #tpu.memory_space<vmem_shared>>
      tpu.wait_dma2 semaphore(%run_scoped3A : memref<!tpu.dma_semaphore, #tpu.memory_space<semaphore_mem>>) src(%arg8 : memref<128x128xf32, #tpu.memory_space<vmem>>) dst(%dma_wait3A_43 : memref<128x128xf32, #tpu.memory_space<vmem_shared>>)
      tpu.yield
    }) : () -> ()
    %add3A_17 = arith.constant 128 : i32
    %add3A_18 = arith.addi %mul3A_16, %add3A_17 : i32
    "tpu.region"() ({
      %run_scoped3A = tpu.sem_alloc : memref<!tpu.dma_semaphore, #tpu.memory_space<semaphore_mem>>
      %dma_start3A = arith.constant 0 : i32
      %dma_start3A_38 = tpu.memref_slice %arg10[%add3A_18, %dma_start3A] : memref<5120x128xf32, #tpu.memory_space<vmem_shared>> -> memref<128x128xf32, #tpu.memory_space<vmem_shared>>
      %dma_start3A_39 = arith.constant 0 : i32
      %dma_start3A_40 = tpu.memref_slice %arg10[%add3A_18, %dma_start3A_39] : memref<5120x128xf32, #tpu.memory_space<vmem_shared>> -> memref<128x128xf32, #tpu.memory_space<vmem_shared>>
      tpu.enqueue_dma source(%arg8 : memref<128x128xf32, #tpu.memory_space<vmem>>) target(%dma_start3A_40 : memref<128x128xf32, #tpu.memory_space<vmem_shared>>) target_semaphore(%run_scoped3A : memref<!tpu.dma_semaphore, #tpu.memory_space<semaphore_mem>>)
      %dma_wait3A = arith.constant 0 : i32
      %dma_wait3A_41 = tpu.memref_slice %arg10[%add3A_18, %dma_wait3A] : memref<5120x128xf32, #tpu.memory_space<vmem_shared>> -> memref<128x128xf32, #tpu.memory_space<vmem_shared>>
      %dma_wait3A_42 = arith.constant 0 : i32
      %dma_wait3A_43 = tpu.memref_slice %arg10[%add3A_18, %dma_wait3A_42] : memref<5120x128xf32, #tpu.memory_space<vmem_shared>> -> memref<128x128xf32, #tpu.memory_space<vmem_shared>>
      tpu.wait_dma2 semaphore(%run_scoped3A : memref<!tpu.dma_semaphore, #tpu.memory_space<semaphore_mem>>) src(%arg8 : memref<128x128xf32, #tpu.memory_space<vmem>>) dst(%dma_wait3A_43 : memref<128x128xf32, #tpu.memory_space<vmem_shared>>)
      tpu.yield
    }) : () -> ()
    %add3A_19 = arith.constant 256 : i32
    %add3A_20 = arith.addi %mul3A_16, %add3A_19 : i32
    "tpu.region"() ({
      %run_scoped3A = tpu.sem_alloc : memref<!tpu.dma_semaphore, #tpu.memory_space<semaphore_mem>>
      %dma_start3A = arith.constant 0 : i32
      %dma_start3A_38 = arith.constant 0 : i32
      %dma_start3A_39 = tpu.memref_slice %arg8[%dma_start3A, %dma_start3A_38] : memref<128x128xf32, #tpu.memory_space<vmem>> -> memref<64x128xf32, #tpu.memory_space<vmem>>
      %dma_start3A_40 = arith.constant 0 : i32
      %dma_start3A_41 = tpu.memref_slice %arg10[%add3A_20, %dma_start3A_40] : memref<5120x128xf32, #tpu.memory_space<vmem_shared>> -> memref<64x128xf32, #tpu.memory_space<vmem_shared>>
      %dma_start3A_42 = arith.constant 0 : i32
      %dma_start3A_43 = tpu.memref_slice %arg10[%add3A_20, %dma_start3A_42] : memref<5120x128xf32, #tpu.memory_space<vmem_shared>> -> memref<64x128xf32, #tpu.memory_space<vmem_shared>>
      %dma_start3A_44 = arith.constant 0 : i32
      %dma_start3A_45 = arith.constant 0 : i32
      %dma_start3A_46 = tpu.memref_slice %arg8[%dma_start3A_44, %dma_start3A_45] : memref<128x128xf32, #tpu.memory_space<vmem>> -> memref<64x128xf32, #tpu.memory_space<vmem>>
      tpu.enqueue_dma source(%dma_start3A_46 : memref<64x128xf32, #tpu.memory_space<vmem>>) target(%dma_start3A_43 : memref<64x128xf32, #tpu.memory_space<vmem_shared>>) target_semaphore(%run_scoped3A : memref<!tpu.dma_semaphore, #tpu.memory_space<semaphore_mem>>)
      %dma_wait3A = arith.constant 0 : i32
      %dma_wait3A_47 = arith.constant 0 : i32
      %dma_wait3A_48 = tpu.memref_slice %arg8[%dma_wait3A, %dma_wait3A_47] : memref<128x128xf32, #tpu.memory_space<vmem>> -> memref<64x128xf32, #tpu.memory_space<vmem>>
      %dma_wait3A_49 = arith.constant 0 : i32
      %dma_wait3A_50 = tpu.memref_slice %arg10[%add3A_20, %dma_wait3A_49] : memref<5120x128xf32, #tpu.memory_space<vmem_shared>> -> memref<64x128xf32, #tpu.memory_space<vmem_shared>>
      %dma_wait3A_51 = arith.constant 0 : i32
      %dma_wait3A_52 = tpu.memref_slice %arg10[%add3A_20, %dma_wait3A_51] : memref<5120x128xf32, #tpu.memory_space<vmem_shared>> -> memref<64x128xf32, #tpu.memory_space<vmem_shared>>
      %dma_wait3A_53 = arith.constant 0 : i32
      %dma_wait3A_54 = arith.constant 0 : i32
      %dma_wait3A_55 = tpu.memref_slice %arg8[%dma_wait3A_53, %dma_wait3A_54] : memref<128x128xf32, #tpu.memory_space<vmem>> -> memref<64x128xf32, #tpu.memory_space<vmem>>
      tpu.wait_dma2 semaphore(%run_scoped3A : memref<!tpu.dma_semaphore, #tpu.memory_space<semaphore_mem>>) src(%dma_wait3A_55 : memref<64x128xf32, #tpu.memory_space<vmem>>) dst(%dma_wait3A_52 : memref<64x128xf32, #tpu.memory_space<vmem_shared>>)
      tpu.yield
    }) : () -> ()
    %barrier3A = arith.constant 0 : index
    tpu.barrier barrier_id(%barrier3A)
    %scan3A_21 = arith.constant 0 : i32
    %scan3A_22 = arith.constant 0 : i32
    %scan3A_23 = arith.constant 5 : i32
    %scan3A_24 = arith.addi %scan3A_22, %scan3A_23 : i32
    %scan3A_25 = arith.constant 1 : i32
    scf.for %scan3A_38 = %scan3A_22 to %scan3A_24 step %scan3A_25  : i32 {
      %mul3A_39 = arith.constant 16 : i32
      %mul3A_40 = arith.muli %scan3A_38, %mul3A_39 : i32
      "tpu.region"() ({
        %run_scoped3A = tpu.sem_alloc : memref<!tpu.dma_semaphore, #tpu.memory_space<semaphore_mem>>
        %dma_start3A_487 = arith.constant 0 : i32
        %dma_start3A_488 = arith.constant 0 : i32
        %dma_start3A_489 = tpu.memref_slice %arg2[%arg0, %arg1, %dma_start3A_487, %dma_start3A_488] : memref<2x16x80x128xi32, #tpu.memory_space<hbm>> -> memref<1x1x80x128xi32, #tpu.memory_space<hbm>>
        %dma_start3A_490 = tpu.memref_squeeze %dma_start3A_489 : memref<1x1x80x128xi32, #tpu.memory_space<hbm>> -> memref<80x128xi32, #tpu.memory_space<hbm>>
        %dma_start3A_491 = arith.constant 0 : i32
        %dma_start3A_492 = tpu.memref_slice %dma_start3A_490[%mul3A_40, %dma_start3A_491] : memref<80x128xi32, #tpu.memory_space<hbm>> -> memref<16x128xi32, #tpu.memory_space<hbm>>
        %dma_start3A_493 = arith.constant 0 : i32
        %dma_start3A_494 = arith.constant 0 : i32
        %dma_start3A_495 = tpu.memref_slice %arg2[%arg0, %arg1, %dma_start3A_493, %dma_start3A_494] : memref<2x16x80x128xi32, #tpu.memory_space<hbm>> -> memref<1x1x80x128xi32, #tpu.memory_space<hbm>>
        %dma_start3A_496 = tpu.memref_squeeze %dma_start3A_495 : memref<1x1x80x128xi32, #tpu.memory_space<hbm>> -> memref<80x128xi32, #tpu.memory_space<hbm>>
        %dma_start3A_497 = arith.constant 0 : i32
        %dma_start3A_498 = tpu.memref_slice %dma_start3A_496[%mul3A_40, %dma_start3A_497] : memref<80x128xi32, #tpu.memory_space<hbm>> -> memref<16x128xi32, #tpu.memory_space<hbm>>
        tpu.enqueue_dma source(%dma_start3A_498 : memref<16x128xi32, #tpu.memory_space<hbm>>) target(%arg6 : memref<16x128xi32, #tpu.memory_space<vmem>>) target_semaphore(%run_scoped3A : memref<!tpu.dma_semaphore, #tpu.memory_space<semaphore_mem>>)
        %dma_wait3A_499 = arith.constant 0 : i32
        %dma_wait3A_500 = arith.constant 0 : i32
        %dma_wait3A_501 = tpu.memref_slice %arg2[%arg0, %arg1, %dma_wait3A_499, %dma_wait3A_500] : memref<2x16x80x128xi32, #tpu.memory_space<hbm>> -> memref<1x1x80x128xi32, #tpu.memory_space<hbm>>
        %dma_wait3A_502 = tpu.memref_squeeze %dma_wait3A_501 : memref<1x1x80x128xi32, #tpu.memory_space<hbm>> -> memref<80x128xi32, #tpu.memory_space<hbm>>
        %dma_wait3A_503 = arith.constant 0 : i32
        %dma_wait3A_504 = tpu.memref_slice %dma_wait3A_502[%mul3A_40, %dma_wait3A_503] : memref<80x128xi32, #tpu.memory_space<hbm>> -> memref<16x128xi32, #tpu.memory_space<hbm>>
        %dma_wait3A_505 = arith.constant 0 : i32
        %dma_wait3A_506 = arith.constant 0 : i32
        %dma_wait3A_507 = tpu.memref_slice %arg2[%arg0, %arg1, %dma_wait3A_505, %dma_wait3A_506] : memref<2x16x80x128xi32, #tpu.memory_space<hbm>> -> memref<1x1x80x128xi32, #tpu.memory_space<hbm>>
        %dma_wait3A_508 = tpu.memref_squeeze %dma_wait3A_507 : memref<1x1x80x128xi32, #tpu.memory_space<hbm>> -> memref<80x128xi32, #tpu.memory_space<hbm>>
        %dma_wait3A_509 = arith.constant 0 : i32
        %dma_wait3A_510 = tpu.memref_slice %dma_wait3A_508[%mul3A_40, %dma_wait3A_509] : memref<80x128xi32, #tpu.memory_space<hbm>> -> memref<16x128xi32, #tpu.memory_space<hbm>>
        tpu.wait_dma2 semaphore(%run_scoped3A : memref<!tpu.dma_semaphore, #tpu.memory_space<semaphore_mem>>) src(%dma_wait3A_510 : memref<16x128xi32, #tpu.memory_space<hbm>>) dst(%arg6 : memref<16x128xi32, #tpu.memory_space<vmem>>)
        tpu.yield
      }) : () -> ()
      "tpu.region"() ({
        %run_scoped3A = tpu.sem_alloc : memref<!tpu.dma_semaphore, #tpu.memory_space<semaphore_mem>>
        %dma_start3A_487 = arith.constant 0 : i32
        %dma_start3A_488 = arith.constant 0 : i32
        %dma_start3A_489 = tpu.memref_slice %arg3[%arg0, %arg1, %dma_start3A_487, %dma_start3A_488] : memref<2x16x80x128xi32, #tpu.memory_space<hbm>> -> memref<1x1x80x128xi32, #tpu.memory_space<hbm>>
        %dma_start3A_490 = tpu.memref_squeeze %dma_start3A_489 : memref<1x1x80x128xi32, #tpu.memory_space<hbm>> -> memref<80x128xi32, #tpu.memory_space<hbm>>
        %dma_start3A_491 = arith.constant 0 : i32
        %dma_start3A_492 = tpu.memref_slice %dma_start3A_490[%mul3A_40, %dma_start3A_491] : memref<80x128xi32, #tpu.memory_space<hbm>> -> memref<16x128xi32, #tpu.memory_space<hbm>>
        %dma_start3A_493 = arith.constant 0 : i32
        %dma_start3A_494 = arith.constant 0 : i32
        %dma_start3A_495 = tpu.memref_slice %arg3[%arg0, %arg1, %dma_start3A_493, %dma_start3A_494] : memref<2x16x80x128xi32, #tpu.memory_space<hbm>> -> memref<1x1x80x128xi32, #tpu.memory_space<hbm>>
        %dma_start3A_496 = tpu.memref_squeeze %dma_start3A_495 : memref<1x1x80x128xi32, #tpu.memory_space<hbm>> -> memref<80x128xi32, #tpu.memory_space<hbm>>
        %dma_start3A_497 = arith.constant 0 : i32
        %dma_start3A_498 = tpu.memref_slice %dma_start3A_496[%mul3A_40, %dma_start3A_497] : memref<80x128xi32, #tpu.memory_space<hbm>> -> memref<16x128xi32, #tpu.memory_space<hbm>>
        tpu.enqueue_dma source(%dma_start3A_498 : memref<16x128xi32, #tpu.memory_space<hbm>>) target(%arg7 : memref<16x128xi32, #tpu.memory_space<vmem>>) target_semaphore(%run_scoped3A : memref<!tpu.dma_semaphore, #tpu.memory_space<semaphore_mem>>)
        %dma_wait3A_499 = arith.constant 0 : i32
        %dma_wait3A_500 = arith.constant 0 : i32
        %dma_wait3A_501 = tpu.memref_slice %arg3[%arg0, %arg1, %dma_wait3A_499, %dma_wait3A_500] : memref<2x16x80x128xi32, #tpu.memory_space<hbm>> -> memref<1x1x80x128xi32, #tpu.memory_space<hbm>>
        %dma_wait3A_502 = tpu.memref_squeeze %dma_wait3A_501 : memref<1x1x80x128xi32, #tpu.memory_space<hbm>> -> memref<80x128xi32, #tpu.memory_space<hbm>>
        %dma_wait3A_503 = arith.constant 0 : i32
        %dma_wait3A_504 = tpu.memref_slice %dma_wait3A_502[%mul3A_40, %dma_wait3A_503] : memref<80x128xi32, #tpu.memory_space<hbm>> -> memref<16x128xi32, #tpu.memory_space<hbm>>
        %dma_wait3A_505 = arith.constant 0 : i32
        %dma_wait3A_506 = arith.constant 0 : i32
        %dma_wait3A_507 = tpu.memref_slice %arg3[%arg0, %arg1, %dma_wait3A_505, %dma_wait3A_506] : memref<2x16x80x128xi32, #tpu.memory_space<hbm>> -> memref<1x1x80x128xi32, #tpu.memory_space<hbm>>
        %dma_wait3A_508 = tpu.memref_squeeze %dma_wait3A_507 : memref<1x1x80x128xi32, #tpu.memory_space<hbm>> -> memref<80x128xi32, #tpu.memory_space<hbm>>
        %dma_wait3A_509 = arith.constant 0 : i32
        %dma_wait3A_510 = tpu.memref_slice %dma_wait3A_508[%mul3A_40, %dma_wait3A_509] : memref<80x128xi32, #tpu.memory_space<hbm>> -> memref<16x128xi32, #tpu.memory_space<hbm>>
        tpu.wait_dma2 semaphore(%run_scoped3A : memref<!tpu.dma_semaphore, #tpu.memory_space<semaphore_mem>>) src(%dma_wait3A_510 : memref<16x128xi32, #tpu.memory_space<hbm>>) dst(%arg7 : memref<16x128xi32, #tpu.memory_space<vmem>>)
        tpu.yield
      }) : () -> ()
      %dma_start3A = arith.constant 0 : i32
      %dma_start3A_41 = arith.constant 0 : i32
      %dma_start3A_42 = tpu.memref_slice %arg6[%dma_start3A, %dma_start3A_41] : memref<16x128xi32, #tpu.memory_space<vmem>> -> memref<1x128xi32, #tpu.memory_space<vmem>>
      %dma_start3A_43 = tpu.memref_squeeze %dma_start3A_42 : memref<1x128xi32, #tpu.memory_space<vmem>> -> memref<128xi32, #tpu.memory_space<vmem>>
      %dma_start3A_44 = arith.constant 0 : i32
      %dma_start3A_45 = arith.constant 0 : i32
      %dma_start3A_46 = tpu.memref_slice %arg11[%dma_start3A_44, %dma_start3A_45] : memref<5120x128xf32, #tpu.memory_space<vmem_shared>> -> memref<5120x128xf32, #tpu.memory_space<vmem_shared>>
      tpu.enqueue_indirect_dma source(%dma_start3A_46 : memref<5120x128xf32, #tpu.memory_space<vmem_shared>>) target(%arg8 : memref<128x128xf32, #tpu.memory_space<vmem>>) offsets(%dma_start3A_43 : memref<128xi32, #tpu.memory_space<vmem>>) semaphore(%arg12 : memref<!tpu.dma_semaphore, #tpu.memory_space<semaphore_mem>>)
      %dma_start3A_47 = arith.constant 1 : i32
      %dma_start3A_48 = arith.constant 0 : i32
      %dma_start3A_49 = tpu.memref_slice %arg6[%dma_start3A_47, %dma_start3A_48] : memref<16x128xi32, #tpu.memory_space<vmem>> -> memref<1x128xi32, #tpu.memory_space<vmem>>
      %dma_start3A_50 = tpu.memref_squeeze %dma_start3A_49 : memref<1x128xi32, #tpu.memory_space<vmem>> -> memref<128xi32, #tpu.memory_space<vmem>>
      %dma_start3A_51 = arith.constant 0 : i32
      %dma_start3A_52 = arith.constant 0 : i32
      %dma_start3A_53 = tpu.memref_slice %arg11[%dma_start3A_51, %dma_start3A_52] : memref<5120x128xf32, #tpu.memory_space<vmem_shared>> -> memref<5120x128xf32, #tpu.memory_space<vmem_shared>>
      tpu.enqueue_indirect_dma source(%dma_start3A_53 : memref<5120x128xf32, #tpu.memory_space<vmem_shared>>) target(%arg9 : memref<128x128xf32, #tpu.memory_space<vmem>>) offsets(%dma_start3A_50 : memref<128xi32, #tpu.memory_space<vmem>>) semaphore(%arg13 : memref<!tpu.dma_semaphore, #tpu.memory_space<semaphore_mem>>)
      %dma_wait3A = arith.constant 0 : i32
      %dma_wait3A_54 = arith.constant 0 : i32
      %dma_wait3A_55 = tpu.memref_slice %arg6[%dma_wait3A, %dma_wait3A_54] : memref<16x128xi32, #tpu.memory_space<vmem>> -> memref<1x128xi32, #tpu.memory_space<vmem>>
      %dma_wait3A_56 = tpu.memref_squeeze %dma_wait3A_55 : memref<1x128xi32, #tpu.memory_space<vmem>> -> memref<128xi32, #tpu.memory_space<vmem>>
      %dma_wait3A_57 = arith.constant 0 : i32
      %dma_wait3A_58 = arith.constant 0 : i32
      %dma_wait3A_59 = tpu.memref_slice %arg11[%dma_wait3A_57, %dma_wait3A_58] : memref<5120x128xf32, #tpu.memory_space<vmem_shared>> -> memref<5120x128xf32, #tpu.memory_space<vmem_shared>>
      tpu.wait_indirect_dma semaphore(%arg12 : memref<!tpu.dma_semaphore, #tpu.memory_space<semaphore_mem>>) src(%dma_wait3A_59 : memref<5120x128xf32, #tpu.memory_space<vmem_shared>>) dst(%arg8 : memref<128x128xf32, #tpu.memory_space<vmem>>)
      %dma_start3A_60 = arith.constant 0 : i32
      %dma_start3A_61 = arith.constant 0 : i32
      %dma_start3A_62 = tpu.memref_slice %arg7[%dma_start3A_60, %dma_start3A_61] : memref<16x128xi32, #tpu.memory_space<vmem>> -> memref<1x128xi32, #tpu.memory_space<vmem>>
      %dma_start3A_63 = tpu.memref_squeeze %dma_start3A_62 : memref<1x128xi32, #tpu.memory_space<vmem>> -> memref<128xi32, #tpu.memory_space<vmem>>
      %dma_start3A_64 = arith.constant 0 : i32
      %dma_start3A_65 = arith.constant 0 : i32
      %dma_start3A_66 = tpu.memref_slice %arg10[%dma_start3A_64, %dma_start3A_65] : memref<5120x128xf32, #tpu.memory_space<vmem_shared>> -> memref<5120x128xf32, #tpu.memory_space<vmem_shared>>
      tpu.enqueue_indirect_dma source(%arg8 : memref<128x128xf32, #tpu.memory_space<vmem>>) target(%dma_start3A_66 : memref<5120x128xf32, #tpu.memory_space<vmem_shared>>) offsets(%dma_start3A_63 : memref<128xi32, #tpu.memory_space<vmem>>) semaphore(%arg14 : memref<!tpu.dma_semaphore, #tpu.memory_space<semaphore_mem>>) {add = true}
      %dma_wait3A_67 = arith.constant 0 : i32
      %dma_wait3A_68 = arith.constant 0 : i32
      %dma_wait3A_69 = tpu.memref_slice %arg7[%dma_wait3A_67, %dma_wait3A_68] : memref<16x128xi32, #tpu.memory_space<vmem>> -> memref<1x128xi32, #tpu.memory_space<vmem>>
      %dma_wait3A_70 = tpu.memref_squeeze %dma_wait3A_69 : memref<1x128xi32, #tpu.memory_space<vmem>> -> memref<128xi32, #tpu.memory_space<vmem>>
      %dma_wait3A_71 = arith.constant 0 : i32
      %dma_wait3A_72 = arith.constant 0 : i32
      %dma_wait3A_73 = tpu.memref_slice %arg10[%dma_wait3A_71, %dma_wait3A_72] : memref<5120x128xf32, #tpu.memory_space<vmem_shared>> -> memref<5120x128xf32, #tpu.memory_space<vmem_shared>>
      tpu.wait_indirect_dma semaphore(%arg14 : memref<!tpu.dma_semaphore, #tpu.memory_space<semaphore_mem>>) src(%arg8 : memref<128x128xf32, #tpu.memory_space<vmem>>) dst(%dma_wait3A_73 : memref<5120x128xf32, #tpu.memory_space<vmem_shared>>)
      %dma_start3A_74 = arith.constant 2 : i32
      %dma_start3A_75 = arith.constant 0 : i32
      %dma_start3A_76 = tpu.memref_slice %arg6[%dma_start3A_74, %dma_start3A_75] : memref<16x128xi32, #tpu.memory_space<vmem>> -> memref<1x128xi32, #tpu.memory_space<vmem>>
      %dma_start3A_77 = tpu.memref_squeeze %dma_start3A_76 : memref<1x128xi32, #tpu.memory_space<vmem>> -> memref<128xi32, #tpu.memory_space<vmem>>
      %dma_start3A_78 = arith.constant 0 : i32
      %dma_start3A_79 = arith.constant 0 : i32
      %dma_start3A_80 = tpu.memref_slice %arg11[%dma_start3A_78, %dma_start3A_79] : memref<5120x128xf32, #tpu.memory_space<vmem_shared>> -> memref<5120x128xf32, #tpu.memory_space<vmem_shared>>
      tpu.enqueue_indirect_dma source(%dma_start3A_80 : memref<5120x128xf32, #tpu.memory_space<vmem_shared>>) target(%arg8 : memref<128x128xf32, #tpu.memory_space<vmem>>) offsets(%dma_start3A_77 : memref<128xi32, #tpu.memory_space<vmem>>) semaphore(%arg12 : memref<!tpu.dma_semaphore, #tpu.memory_space<semaphore_mem>>)
      %dma_wait3A_81 = arith.constant 1 : i32
      %dma_wait3A_82 = arith.constant 0 : i32
      %dma_wait3A_83 = tpu.memref_slice %arg6[%dma_wait3A_81, %dma_wait3A_82] : memref<16x128xi32, #tpu.memory_space<vmem>> -> memref<1x128xi32, #tpu.memory_space<vmem>>
      %dma_wait3A_84 = tpu.memref_squeeze %dma_wait3A_83 : memref<1x128xi32, #tpu.memory_space<vmem>> -> memref<128xi32, #tpu.memory_space<vmem>>
      %dma_wait3A_85 = arith.constant 0 : i32
      %dma_wait3A_86 = arith.constant 0 : i32
      %dma_wait3A_87 = tpu.memref_slice %arg11[%dma_wait3A_85, %dma_wait3A_86] : memref<5120x128xf32, #tpu.memory_space<vmem_shared>> -> memref<5120x128xf32, #tpu.memory_space<vmem_shared>>
      tpu.wait_indirect_dma semaphore(%arg13 : memref<!tpu.dma_semaphore, #tpu.memory_space<semaphore_mem>>) src(%dma_wait3A_87 : memref<5120x128xf32, #tpu.memory_space<vmem_shared>>) dst(%arg9 : memref<128x128xf32, #tpu.memory_space<vmem>>)
      %dma_start3A_88 = arith.constant 1 : i32
      %dma_start3A_89 = arith.constant 0 : i32
      %dma_start3A_90 = tpu.memref_slice %arg7[%dma_start3A_88, %dma_start3A_89] : memref<16x128xi32, #tpu.memory_space<vmem>> -> memref<1x128xi32, #tpu.memory_space<vmem>>
      %dma_start3A_91 = tpu.memref_squeeze %dma_start3A_90 : memref<1x128xi32, #tpu.memory_space<vmem>> -> memref<128xi32, #tpu.memory_space<vmem>>
      %dma_start3A_92 = arith.constant 0 : i32
      %dma_start3A_93 = arith.constant 0 : i32
      %dma_start3A_94 = tpu.memref_slice %arg10[%dma_start3A_92, %dma_start3A_93] : memref<5120x128xf32, #tpu.memory_space<vmem_shared>> -> memref<5120x128xf32, #tpu.memory_space<vmem_shared>>
      tpu.enqueue_indirect_dma source(%arg9 : memref<128x128xf32, #tpu.memory_space<vmem>>) target(%dma_start3A_94 : memref<5120x128xf32, #tpu.memory_space<vmem_shared>>) offsets(%dma_start3A_91 : memref<128xi32, #tpu.memory_space<vmem>>) semaphore(%arg15 : memref<!tpu.dma_semaphore, #tpu.memory_space<semaphore_mem>>) {add = true}
      %dma_wait3A_95 = arith.constant 1 : i32
      %dma_wait3A_96 = arith.constant 0 : i32
      %dma_wait3A_97 = tpu.memref_slice %arg7[%dma_wait3A_95, %dma_wait3A_96] : memref<16x128xi32, #tpu.memory_space<vmem>> -> memref<1x128xi32, #tpu.memory_space<vmem>>
      %dma_wait3A_98 = tpu.memref_squeeze %dma_wait3A_97 : memref<1x128xi32, #tpu.memory_space<vmem>> -> memref<128xi32, #tpu.memory_space<vmem>>
      %dma_wait3A_99 = arith.constant 0 : i32
      %dma_wait3A_100 = arith.constant 0 : i32
      %dma_wait3A_101 = tpu.memref_slice %arg10[%dma_wait3A_99, %dma_wait3A_100] : memref<5120x128xf32, #tpu.memory_space<vmem_shared>> -> memref<5120x128xf32, #tpu.memory_space<vmem_shared>>
      tpu.wait_indirect_dma semaphore(%arg15 : memref<!tpu.dma_semaphore, #tpu.memory_space<semaphore_mem>>) src(%arg9 : memref<128x128xf32, #tpu.memory_space<vmem>>) dst(%dma_wait3A_101 : memref<5120x128xf32, #tpu.memory_space<vmem_shared>>)
      %dma_start3A_102 = arith.constant 3 : i32
      %dma_start3A_103 = arith.constant 0 : i32
      %dma_start3A_104 = tpu.memref_slice %arg6[%dma_start3A_102, %dma_start3A_103] : memref<16x128xi32, #tpu.memory_space<vmem>> -> memref<1x128xi32, #tpu.memory_space<vmem>>
      %dma_start3A_105 = tpu.memref_squeeze %dma_start3A_104 : memref<1x128xi32, #tpu.memory_space<vmem>> -> memref<128xi32, #tpu.memory_space<vmem>>
      %dma_start3A_106 = arith.constant 0 : i32
      %dma_start3A_107 = arith.constant 0 : i32
      %dma_start3A_108 = tpu.memref_slice %arg11[%dma_start3A_106, %dma_start3A_107] : memref<5120x128xf32, #tpu.memory_space<vmem_shared>> -> memref<5120x128xf32, #tpu.memory_space<vmem_shared>>
      tpu.enqueue_indirect_dma source(%dma_start3A_108 : memref<5120x128xf32, #tpu.memory_space<vmem_shared>>) target(%arg9 : memref<128x128xf32, #tpu.memory_space<vmem>>) offsets(%dma_start3A_105 : memref<128xi32, #tpu.memory_space<vmem>>) semaphore(%arg13 : memref<!tpu.dma_semaphore, #tpu.memory_space<semaphore_mem>>)
      %dma_wait3A_109 = arith.constant 2 : i32
      %dma_wait3A_110 = arith.constant 0 : i32
      %dma_wait3A_111 = tpu.memref_slice %arg6[%dma_wait3A_109, %dma_wait3A_110] : memref<16x128xi32, #tpu.memory_space<vmem>> -> memref<1x128xi32, #tpu.memory_space<vmem>>
      %dma_wait3A_112 = tpu.memref_squeeze %dma_wait3A_111 : memref<1x128xi32, #tpu.memory_space<vmem>> -> memref<128xi32, #tpu.memory_space<vmem>>
      %dma_wait3A_113 = arith.constant 0 : i32
      %dma_wait3A_114 = arith.constant 0 : i32
      %dma_wait3A_115 = tpu.memref_slice %arg11[%dma_wait3A_113, %dma_wait3A_114] : memref<5120x128xf32, #tpu.memory_space<vmem_shared>> -> memref<5120x128xf32, #tpu.memory_space<vmem_shared>>
      tpu.wait_indirect_dma semaphore(%arg12 : memref<!tpu.dma_semaphore, #tpu.memory_space<semaphore_mem>>) src(%dma_wait3A_115 : memref<5120x128xf32, #tpu.memory_space<vmem_shared>>) dst(%arg8 : memref<128x128xf32, #tpu.memory_space<vmem>>)
      %dma_start3A_116 = arith.constant 2 : i32
      %dma_start3A_117 = arith.constant 0 : i32
      %dma_start3A_118 = tpu.memref_slice %arg7[%dma_start3A_116, %dma_start3A_117] : memref<16x128xi32, #tpu.memory_space<vmem>> -> memref<1x128xi32, #tpu.memory_space<vmem>>
      %dma_start3A_119 = tpu.memref_squeeze %dma_start3A_118 : memref<1x128xi32, #tpu.memory_space<vmem>> -> memref<128xi32, #tpu.memory_space<vmem>>
      %dma_start3A_120 = arith.constant 0 : i32
      %dma_start3A_121 = arith.constant 0 : i32
      %dma_start3A_122 = tpu.memref_slice %arg10[%dma_start3A_120, %dma_start3A_121] : memref<5120x128xf32, #tpu.memory_space<vmem_shared>> -> memref<5120x128xf32, #tpu.memory_space<vmem_shared>>
      tpu.enqueue_indirect_dma source(%arg8 : memref<128x128xf32, #tpu.memory_space<vmem>>) target(%dma_start3A_122 : memref<5120x128xf32, #tpu.memory_space<vmem_shared>>) offsets(%dma_start3A_119 : memref<128xi32, #tpu.memory_space<vmem>>) semaphore(%arg14 : memref<!tpu.dma_semaphore, #tpu.memory_space<semaphore_mem>>) {add = true}
      %dma_wait3A_123 = arith.constant 2 : i32
      %dma_wait3A_124 = arith.constant 0 : i32
      %dma_wait3A_125 = tpu.memref_slice %arg7[%dma_wait3A_123, %dma_wait3A_124] : memref<16x128xi32, #tpu.memory_space<vmem>> -> memref<1x128xi32, #tpu.memory_space<vmem>>
      %dma_wait3A_126 = tpu.memref_squeeze %dma_wait3A_125 : memref<1x128xi32, #tpu.memory_space<vmem>> -> memref<128xi32, #tpu.memory_space<vmem>>
      %dma_wait3A_127 = arith.constant 0 : i32
      %dma_wait3A_128 = arith.constant 0 : i32
      %dma_wait3A_129 = tpu.memref_slice %arg10[%dma_wait3A_127, %dma_wait3A_128] : memref<5120x128xf32, #tpu.memory_space<vmem_shared>> -> memref<5120x128xf32, #tpu.memory_space<vmem_shared>>
      tpu.wait_indirect_dma semaphore(%arg14 : memref<!tpu.dma_semaphore, #tpu.memory_space<semaphore_mem>>) src(%arg8 : memref<128x128xf32, #tpu.memory_space<vmem>>) dst(%dma_wait3A_129 : memref<5120x128xf32, #tpu.memory_space<vmem_shared>>)
      %dma_start3A_130 = arith.constant 4 : i32
      %dma_start3A_131 = arith.constant 0 : i32
      %dma_start3A_132 = tpu.memref_slice %arg6[%dma_start3A_130, %dma_start3A_131] : memref<16x128xi32, #tpu.memory_space<vmem>> -> memref<1x128xi32, #tpu.memory_space<vmem>>
      %dma_start3A_133 = tpu.memref_squeeze %dma_start3A_132 : memref<1x128xi32, #tpu.memory_space<vmem>> -> memref<128xi32, #tpu.memory_space<vmem>>
      %dma_start3A_134 = arith.constant 0 : i32
      %dma_start3A_135 = arith.constant 0 : i32
      %dma_start3A_136 = tpu.memref_slice %arg11[%dma_start3A_134, %dma_start3A_135] : memref<5120x128xf32, #tpu.memory_space<vmem_shared>> -> memref<5120x128xf32, #tpu.memory_space<vmem_shared>>
      tpu.enqueue_indirect_dma source(%dma_start3A_136 : memref<5120x128xf32, #tpu.memory_space<vmem_shared>>) target(%arg8 : memref<128x128xf32, #tpu.memory_space<vmem>>) offsets(%dma_start3A_133 : memref<128xi32, #tpu.memory_space<vmem>>) semaphore(%arg12 : memref<!tpu.dma_semaphore, #tpu.memory_space<semaphore_mem>>)
      %dma_wait3A_137 = arith.constant 3 : i32
      %dma_wait3A_138 = arith.constant 0 : i32
      %dma_wait3A_139 = tpu.memref_slice %arg6[%dma_wait3A_137, %dma_wait3A_138] : memref<16x128xi32, #tpu.memory_space<vmem>> -> memref<1x128xi32, #tpu.memory_space<vmem>>
      %dma_wait3A_140 = tpu.memref_squeeze %dma_wait3A_139 : memref<1x128xi32, #tpu.memory_space<vmem>> -> memref<128xi32, #tpu.memory_space<vmem>>
      %dma_wait3A_141 = arith.constant 0 : i32
      %dma_wait3A_142 = arith.constant 0 : i32
      %dma_wait3A_143 = tpu.memref_slice %arg11[%dma_wait3A_141, %dma_wait3A_142] : memref<5120x128xf32, #tpu.memory_space<vmem_shared>> -> memref<5120x128xf32, #tpu.memory_space<vmem_shared>>
      tpu.wait_indirect_dma semaphore(%arg13 : memref<!tpu.dma_semaphore, #tpu.memory_space<semaphore_mem>>) src(%dma_wait3A_143 : memref<5120x128xf32, #tpu.memory_space<vmem_shared>>) dst(%arg9 : memref<128x128xf32, #tpu.memory_space<vmem>>)
      %dma_start3A_144 = arith.constant 3 : i32
      %dma_start3A_145 = arith.constant 0 : i32
      %dma_start3A_146 = tpu.memref_slice %arg7[%dma_start3A_144, %dma_start3A_145] : memref<16x128xi32, #tpu.memory_space<vmem>> -> memref<1x128xi32, #tpu.memory_space<vmem>>
      %dma_start3A_147 = tpu.memref_squeeze %dma_start3A_146 : memref<1x128xi32, #tpu.memory_space<vmem>> -> memref<128xi32, #tpu.memory_space<vmem>>
      %dma_start3A_148 = arith.constant 0 : i32
      %dma_start3A_149 = arith.constant 0 : i32
      %dma_start3A_150 = tpu.memref_slice %arg10[%dma_start3A_148, %dma_start3A_149] : memref<5120x128xf32, #tpu.memory_space<vmem_shared>> -> memref<5120x128xf32, #tpu.memory_space<vmem_shared>>
      tpu.enqueue_indirect_dma source(%arg9 : memref<128x128xf32, #tpu.memory_space<vmem>>) target(%dma_start3A_150 : memref<5120x128xf32, #tpu.memory_space<vmem_shared>>) offsets(%dma_start3A_147 : memref<128xi32, #tpu.memory_space<vmem>>) semaphore(%arg15 : memref<!tpu.dma_semaphore, #tpu.memory_space<semaphore_mem>>) {add = true}
      %dma_wait3A_151 = arith.constant 3 : i32
      %dma_wait3A_152 = arith.constant 0 : i32
      %dma_wait3A_153 = tpu.memref_slice %arg7[%dma_wait3A_151, %dma_wait3A_152] : memref<16x128xi32, #tpu.memory_space<vmem>> -> memref<1x128xi32, #tpu.memory_space<vmem>>
      %dma_wait3A_154 = tpu.memref_squeeze %dma_wait3A_153 : memref<1x128xi32, #tpu.memory_space<vmem>> -> memref<128xi32, #tpu.memory_space<vmem>>
      %dma_wait3A_155 = arith.constant 0 : i32
      %dma_wait3A_156 = arith.constant 0 : i32
      %dma_wait3A_157 = tpu.memref_slice %arg10[%dma_wait3A_155, %dma_wait3A_156] : memref<5120x128xf32, #tpu.memory_space<vmem_shared>> -> memref<5120x128xf32, #tpu.memory_space<vmem_shared>>
      tpu.wait_indirect_dma semaphore(%arg15 : memref<!tpu.dma_semaphore, #tpu.memory_space<semaphore_mem>>) src(%arg9 : memref<128x128xf32, #tpu.memory_space<vmem>>) dst(%dma_wait3A_157 : memref<5120x128xf32, #tpu.memory_space<vmem_shared>>)
      %dma_start3A_158 = arith.constant 5 : i32
      %dma_start3A_159 = arith.constant 0 : i32
      %dma_start3A_160 = tpu.memref_slice %arg6[%dma_start3A_158, %dma_start3A_159] : memref<16x128xi32, #tpu.memory_space<vmem>> -> memref<1x128xi32, #tpu.memory_space<vmem>>
      %dma_start3A_161 = tpu.memref_squeeze %dma_start3A_160 : memref<1x128xi32, #tpu.memory_space<vmem>> -> memref<128xi32, #tpu.memory_space<vmem>>
      %dma_start3A_162 = arith.constant 0 : i32
      %dma_start3A_163 = arith.constant 0 : i32
      %dma_start3A_164 = tpu.memref_slice %arg11[%dma_start3A_162, %dma_start3A_163] : memref<5120x128xf32, #tpu.memory_space<vmem_shared>> -> memref<5120x128xf32, #tpu.memory_space<vmem_shared>>
      tpu.enqueue_indirect_dma source(%dma_start3A_164 : memref<5120x128xf32, #tpu.memory_space<vmem_shared>>) target(%arg9 : memref<128x128xf32, #tpu.memory_space<vmem>>) offsets(%dma_start3A_161 : memref<128xi32, #tpu.memory_space<vmem>>) semaphore(%arg13 : memref<!tpu.dma_semaphore, #tpu.memory_space<semaphore_mem>>)
      %dma_wait3A_165 = arith.constant 4 : i32
      %dma_wait3A_166 = arith.constant 0 : i32
      %dma_wait3A_167 = tpu.memref_slice %arg6[%dma_wait3A_165, %dma_wait3A_166] : memref<16x128xi32, #tpu.memory_space<vmem>> -> memref<1x128xi32, #tpu.memory_space<vmem>>
      %dma_wait3A_168 = tpu.memref_squeeze %dma_wait3A_167 : memref<1x128xi32, #tpu.memory_space<vmem>> -> memref<128xi32, #tpu.memory_space<vmem>>
      %dma_wait3A_169 = arith.constant 0 : i32
      %dma_wait3A_170 = arith.constant 0 : i32
      %dma_wait3A_171 = tpu.memref_slice %arg11[%dma_wait3A_169, %dma_wait3A_170] : memref<5120x128xf32, #tpu.memory_space<vmem_shared>> -> memref<5120x128xf32, #tpu.memory_space<vmem_shared>>
      tpu.wait_indirect_dma semaphore(%arg12 : memref<!tpu.dma_semaphore, #tpu.memory_space<semaphore_mem>>) src(%dma_wait3A_171 : memref<5120x128xf32, #tpu.memory_space<vmem_shared>>) dst(%arg8 : memref<128x128xf32, #tpu.memory_space<vmem>>)
      %dma_start3A_172 = arith.constant 4 : i32
      %dma_start3A_173 = arith.constant 0 : i32
      %dma_start3A_174 = tpu.memref_slice %arg7[%dma_start3A_172, %dma_start3A_173] : memref<16x128xi32, #tpu.memory_space<vmem>> -> memref<1x128xi32, #tpu.memory_space<vmem>>
      %dma_start3A_175 = tpu.memref_squeeze %dma_start3A_174 : memref<1x128xi32, #tpu.memory_space<vmem>> -> memref<128xi32, #tpu.memory_space<vmem>>
      %dma_start3A_176 = arith.constant 0 : i32
      %dma_start3A_177 = arith.constant 0 : i32
      %dma_start3A_178 = tpu.memref_slice %arg10[%dma_start3A_176, %dma_start3A_177] : memref<5120x128xf32, #tpu.memory_space<vmem_shared>> -> memref<5120x128xf32, #tpu.memory_space<vmem_shared>>
      tpu.enqueue_indirect_dma source(%arg8 : memref<128x128xf32, #tpu.memory_space<vmem>>) target(%dma_start3A_178 : memref<5120x128xf32, #tpu.memory_space<vmem_shared>>) offsets(%dma_start3A_175 : memref<128xi32, #tpu.memory_space<vmem>>) semaphore(%arg14 : memref<!tpu.dma_semaphore, #tpu.memory_space<semaphore_mem>>) {add = true}
      %dma_wait3A_179 = arith.constant 4 : i32
      %dma_wait3A_180 = arith.constant 0 : i32
      %dma_wait3A_181 = tpu.memref_slice %arg7[%dma_wait3A_179, %dma_wait3A_180] : memref<16x128xi32, #tpu.memory_space<vmem>> -> memref<1x128xi32, #tpu.memory_space<vmem>>
      %dma_wait3A_182 = tpu.memref_squeeze %dma_wait3A_181 : memref<1x128xi32, #tpu.memory_space<vmem>> -> memref<128xi32, #tpu.memory_space<vmem>>
      %dma_wait3A_183 = arith.constant 0 : i32
      %dma_wait3A_184 = arith.constant 0 : i32
      %dma_wait3A_185 = tpu.memref_slice %arg10[%dma_wait3A_183, %dma_wait3A_184] : memref<5120x128xf32, #tpu.memory_space<vmem_shared>> -> memref<5120x128xf32, #tpu.memory_space<vmem_shared>>
      tpu.wait_indirect_dma semaphore(%arg14 : memref<!tpu.dma_semaphore, #tpu.memory_space<semaphore_mem>>) src(%arg8 : memref<128x128xf32, #tpu.memory_space<vmem>>) dst(%dma_wait3A_185 : memref<5120x128xf32, #tpu.memory_space<vmem_shared>>)
      %dma_start3A_186 = arith.constant 6 : i32
      %dma_start3A_187 = arith.constant 0 : i32
      %dma_start3A_188 = tpu.memref_slice %arg6[%dma_start3A_186, %dma_start3A_187] : memref<16x128xi32, #tpu.memory_space<vmem>> -> memref<1x128xi32, #tpu.memory_space<vmem>>
      %dma_start3A_189 = tpu.memref_squeeze %dma_start3A_188 : memref<1x128xi32, #tpu.memory_space<vmem>> -> memref<128xi32, #tpu.memory_space<vmem>>
      %dma_start3A_190 = arith.constant 0 : i32
      %dma_start3A_191 = arith.constant 0 : i32
      %dma_start3A_192 = tpu.memref_slice %arg11[%dma_start3A_190, %dma_start3A_191] : memref<5120x128xf32, #tpu.memory_space<vmem_shared>> -> memref<5120x128xf32, #tpu.memory_space<vmem_shared>>
      tpu.enqueue_indirect_dma source(%dma_start3A_192 : memref<5120x128xf32, #tpu.memory_space<vmem_shared>>) target(%arg8 : memref<128x128xf32, #tpu.memory_space<vmem>>) offsets(%dma_start3A_189 : memref<128xi32, #tpu.memory_space<vmem>>) semaphore(%arg12 : memref<!tpu.dma_semaphore, #tpu.memory_space<semaphore_mem>>)
      %dma_wait3A_193 = arith.constant 5 : i32
      %dma_wait3A_194 = arith.constant 0 : i32
      %dma_wait3A_195 = tpu.memref_slice %arg6[%dma_wait3A_193, %dma_wait3A_194] : memref<16x128xi32, #tpu.memory_space<vmem>> -> memref<1x128xi32, #tpu.memory_space<vmem>>
      %dma_wait3A_196 = tpu.memref_squeeze %dma_wait3A_195 : memref<1x128xi32, #tpu.memory_space<vmem>> -> memref<128xi32, #tpu.memory_space<vmem>>
      %dma_wait3A_197 = arith.constant 0 : i32
      %dma_wait3A_198 = arith.constant 0 : i32
      %dma_wait3A_199 = tpu.memref_slice %arg11[%dma_wait3A_197, %dma_wait3A_198] : memref<5120x128xf32, #tpu.memory_space<vmem_shared>> -> memref<5120x128xf32, #tpu.memory_space<vmem_shared>>
      tpu.wait_indirect_dma semaphore(%arg13 : memref<!tpu.dma_semaphore, #tpu.memory_space<semaphore_mem>>) src(%dma_wait3A_199 : memref<5120x128xf32, #tpu.memory_space<vmem_shared>>) dst(%arg9 : memref<128x128xf32, #tpu.memory_space<vmem>>)
      %dma_start3A_200 = arith.constant 5 : i32
      %dma_start3A_201 = arith.constant 0 : i32
      %dma_start3A_202 = tpu.memref_slice %arg7[%dma_start3A_200, %dma_start3A_201] : memref<16x128xi32, #tpu.memory_space<vmem>> -> memref<1x128xi32, #tpu.memory_space<vmem>>
      %dma_start3A_203 = tpu.memref_squeeze %dma_start3A_202 : memref<1x128xi32, #tpu.memory_space<vmem>> -> memref<128xi32, #tpu.memory_space<vmem>>
      %dma_start3A_204 = arith.constant 0 : i32
      %dma_start3A_205 = arith.constant 0 : i32
      %dma_start3A_206 = tpu.memref_slice %arg10[%dma_start3A_204, %dma_start3A_205] : memref<5120x128xf32, #tpu.memory_space<vmem_shared>> -> memref<5120x128xf32, #tpu.memory_space<vmem_shared>>
      tpu.enqueue_indirect_dma source(%arg9 : memref<128x128xf32, #tpu.memory_space<vmem>>) target(%dma_start3A_206 : memref<5120x128xf32, #tpu.memory_space<vmem_shared>>) offsets(%dma_start3A_203 : memref<128xi32, #tpu.memory_space<vmem>>) semaphore(%arg15 : memref<!tpu.dma_semaphore, #tpu.memory_space<semaphore_mem>>) {add = true}
      %dma_wait3A_207 = arith.constant 5 : i32
      %dma_wait3A_208 = arith.constant 0 : i32
      %dma_wait3A_209 = tpu.memref_slice %arg7[%dma_wait3A_207, %dma_wait3A_208] : memref<16x128xi32, #tpu.memory_space<vmem>> -> memref<1x128xi32, #tpu.memory_space<vmem>>
      %dma_wait3A_210 = tpu.memref_squeeze %dma_wait3A_209 : memref<1x128xi32, #tpu.memory_space<vmem>> -> memref<128xi32, #tpu.memory_space<vmem>>
      %dma_wait3A_211 = arith.constant 0 : i32
      %dma_wait3A_212 = arith.constant 0 : i32
      %dma_wait3A_213 = tpu.memref_slice %arg10[%dma_wait3A_211, %dma_wait3A_212] : memref<5120x128xf32, #tpu.memory_space<vmem_shared>> -> memref<5120x128xf32, #tpu.memory_space<vmem_shared>>
      tpu.wait_indirect_dma semaphore(%arg15 : memref<!tpu.dma_semaphore, #tpu.memory_space<semaphore_mem>>) src(%arg9 : memref<128x128xf32, #tpu.memory_space<vmem>>) dst(%dma_wait3A_213 : memref<5120x128xf32, #tpu.memory_space<vmem_shared>>)
      %dma_start3A_214 = arith.constant 7 : i32
      %dma_start3A_215 = arith.constant 0 : i32
      %dma_start3A_216 = tpu.memref_slice %arg6[%dma_start3A_214, %dma_start3A_215] : memref<16x128xi32, #tpu.memory_space<vmem>> -> memref<1x128xi32, #tpu.memory_space<vmem>>
      %dma_start3A_217 = tpu.memref_squeeze %dma_start3A_216 : memref<1x128xi32, #tpu.memory_space<vmem>> -> memref<128xi32, #tpu.memory_space<vmem>>
      %dma_start3A_218 = arith.constant 0 : i32
      %dma_start3A_219 = arith.constant 0 : i32
      %dma_start3A_220 = tpu.memref_slice %arg11[%dma_start3A_218, %dma_start3A_219] : memref<5120x128xf32, #tpu.memory_space<vmem_shared>> -> memref<5120x128xf32, #tpu.memory_space<vmem_shared>>
      tpu.enqueue_indirect_dma source(%dma_start3A_220 : memref<5120x128xf32, #tpu.memory_space<vmem_shared>>) target(%arg9 : memref<128x128xf32, #tpu.memory_space<vmem>>) offsets(%dma_start3A_217 : memref<128xi32, #tpu.memory_space<vmem>>) semaphore(%arg13 : memref<!tpu.dma_semaphore, #tpu.memory_space<semaphore_mem>>)
      %dma_wait3A_221 = arith.constant 6 : i32
      %dma_wait3A_222 = arith.constant 0 : i32
      %dma_wait3A_223 = tpu.memref_slice %arg6[%dma_wait3A_221, %dma_wait3A_222] : memref<16x128xi32, #tpu.memory_space<vmem>> -> memref<1x128xi32, #tpu.memory_space<vmem>>
      %dma_wait3A_224 = tpu.memref_squeeze %dma_wait3A_223 : memref<1x128xi32, #tpu.memory_space<vmem>> -> memref<128xi32, #tpu.memory_space<vmem>>
      %dma_wait3A_225 = arith.constant 0 : i32
      %dma_wait3A_226 = arith.constant 0 : i32
      %dma_wait3A_227 = tpu.memref_slice %arg11[%dma_wait3A_225, %dma_wait3A_226] : memref<5120x128xf32, #tpu.memory_space<vmem_shared>> -> memref<5120x128xf32, #tpu.memory_space<vmem_shared>>
      tpu.wait_indirect_dma semaphore(%arg12 : memref<!tpu.dma_semaphore, #tpu.memory_space<semaphore_mem>>) src(%dma_wait3A_227 : memref<5120x128xf32, #tpu.memory_space<vmem_shared>>) dst(%arg8 : memref<128x128xf32, #tpu.memory_space<vmem>>)
      %dma_start3A_228 = arith.constant 6 : i32
      %dma_start3A_229 = arith.constant 0 : i32
      %dma_start3A_230 = tpu.memref_slice %arg7[%dma_start3A_228, %dma_start3A_229] : memref<16x128xi32, #tpu.memory_space<vmem>> -> memref<1x128xi32, #tpu.memory_space<vmem>>
      %dma_start3A_231 = tpu.memref_squeeze %dma_start3A_230 : memref<1x128xi32, #tpu.memory_space<vmem>> -> memref<128xi32, #tpu.memory_space<vmem>>
      %dma_start3A_232 = arith.constant 0 : i32
      %dma_start3A_233 = arith.constant 0 : i32
      %dma_start3A_234 = tpu.memref_slice %arg10[%dma_start3A_232, %dma_start3A_233] : memref<5120x128xf32, #tpu.memory_space<vmem_shared>> -> memref<5120x128xf32, #tpu.memory_space<vmem_shared>>
      tpu.enqueue_indirect_dma source(%arg8 : memref<128x128xf32, #tpu.memory_space<vmem>>) target(%dma_start3A_234 : memref<5120x128xf32, #tpu.memory_space<vmem_shared>>) offsets(%dma_start3A_231 : memref<128xi32, #tpu.memory_space<vmem>>) semaphore(%arg14 : memref<!tpu.dma_semaphore, #tpu.memory_space<semaphore_mem>>) {add = true}
      %dma_wait3A_235 = arith.constant 6 : i32
      %dma_wait3A_236 = arith.constant 0 : i32
      %dma_wait3A_237 = tpu.memref_slice %arg7[%dma_wait3A_235, %dma_wait3A_236] : memref<16x128xi32, #tpu.memory_space<vmem>> -> memref<1x128xi32, #tpu.memory_space<vmem>>
      %dma_wait3A_238 = tpu.memref_squeeze %dma_wait3A_237 : memref<1x128xi32, #tpu.memory_space<vmem>> -> memref<128xi32, #tpu.memory_space<vmem>>
      %dma_wait3A_239 = arith.constant 0 : i32
      %dma_wait3A_240 = arith.constant 0 : i32
      %dma_wait3A_241 = tpu.memref_slice %arg10[%dma_wait3A_239, %dma_wait3A_240] : memref<5120x128xf32, #tpu.memory_space<vmem_shared>> -> memref<5120x128xf32, #tpu.memory_space<vmem_shared>>
      tpu.wait_indirect_dma semaphore(%arg14 : memref<!tpu.dma_semaphore, #tpu.memory_space<semaphore_mem>>) src(%arg8 : memref<128x128xf32, #tpu.memory_space<vmem>>) dst(%dma_wait3A_241 : memref<5120x128xf32, #tpu.memory_space<vmem_shared>>)
      %dma_start3A_242 = arith.constant 8 : i32
      %dma_start3A_243 = arith.constant 0 : i32
      %dma_start3A_244 = tpu.memref_slice %arg6[%dma_start3A_242, %dma_start3A_243] : memref<16x128xi32, #tpu.memory_space<vmem>> -> memref<1x128xi32, #tpu.memory_space<vmem>>
      %dma_start3A_245 = tpu.memref_squeeze %dma_start3A_244 : memref<1x128xi32, #tpu.memory_space<vmem>> -> memref<128xi32, #tpu.memory_space<vmem>>
      %dma_start3A_246 = arith.constant 0 : i32
      %dma_start3A_247 = arith.constant 0 : i32
      %dma_start3A_248 = tpu.memref_slice %arg11[%dma_start3A_246, %dma_start3A_247] : memref<5120x128xf32, #tpu.memory_space<vmem_shared>> -> memref<5120x128xf32, #tpu.memory_space<vmem_shared>>
      tpu.enqueue_indirect_dma source(%dma_start3A_248 : memref<5120x128xf32, #tpu.memory_space<vmem_shared>>) target(%arg8 : memref<128x128xf32, #tpu.memory_space<vmem>>) offsets(%dma_start3A_245 : memref<128xi32, #tpu.memory_space<vmem>>) semaphore(%arg12 : memref<!tpu.dma_semaphore, #tpu.memory_space<semaphore_mem>>)
      %dma_wait3A_249 = arith.constant 7 : i32
      %dma_wait3A_250 = arith.constant 0 : i32
      %dma_wait3A_251 = tpu.memref_slice %arg6[%dma_wait3A_249, %dma_wait3A_250] : memref<16x128xi32, #tpu.memory_space<vmem>> -> memref<1x128xi32, #tpu.memory_space<vmem>>
      %dma_wait3A_252 = tpu.memref_squeeze %dma_wait3A_251 : memref<1x128xi32, #tpu.memory_space<vmem>> -> memref<128xi32, #tpu.memory_space<vmem>>
      %dma_wait3A_253 = arith.constant 0 : i32
      %dma_wait3A_254 = arith.constant 0 : i32
      %dma_wait3A_255 = tpu.memref_slice %arg11[%dma_wait3A_253, %dma_wait3A_254] : memref<5120x128xf32, #tpu.memory_space<vmem_shared>> -> memref<5120x128xf32, #tpu.memory_space<vmem_shared>>
      tpu.wait_indirect_dma semaphore(%arg13 : memref<!tpu.dma_semaphore, #tpu.memory_space<semaphore_mem>>) src(%dma_wait3A_255 : memref<5120x128xf32, #tpu.memory_space<vmem_shared>>) dst(%arg9 : memref<128x128xf32, #tpu.memory_space<vmem>>)
      %dma_start3A_256 = arith.constant 7 : i32
      %dma_start3A_257 = arith.constant 0 : i32
      %dma_start3A_258 = tpu.memref_slice %arg7[%dma_start3A_256, %dma_start3A_257] : memref<16x128xi32, #tpu.memory_space<vmem>> -> memref<1x128xi32, #tpu.memory_space<vmem>>
      %dma_start3A_259 = tpu.memref_squeeze %dma_start3A_258 : memref<1x128xi32, #tpu.memory_space<vmem>> -> memref<128xi32, #tpu.memory_space<vmem>>
      %dma_start3A_260 = arith.constant 0 : i32
      %dma_start3A_261 = arith.constant 0 : i32
      %dma_start3A_262 = tpu.memref_slice %arg10[%dma_start3A_260, %dma_start3A_261] : memref<5120x128xf32, #tpu.memory_space<vmem_shared>> -> memref<5120x128xf32, #tpu.memory_space<vmem_shared>>
      tpu.enqueue_indirect_dma source(%arg9 : memref<128x128xf32, #tpu.memory_space<vmem>>) target(%dma_start3A_262 : memref<5120x128xf32, #tpu.memory_space<vmem_shared>>) offsets(%dma_start3A_259 : memref<128xi32, #tpu.memory_space<vmem>>) semaphore(%arg15 : memref<!tpu.dma_semaphore, #tpu.memory_space<semaphore_mem>>) {add = true}
      %dma_wait3A_263 = arith.constant 7 : i32
      %dma_wait3A_264 = arith.constant 0 : i32
      %dma_wait3A_265 = tpu.memref_slice %arg7[%dma_wait3A_263, %dma_wait3A_264] : memref<16x128xi32, #tpu.memory_space<vmem>> -> memref<1x128xi32, #tpu.memory_space<vmem>>
      %dma_wait3A_266 = tpu.memref_squeeze %dma_wait3A_265 : memref<1x128xi32, #tpu.memory_space<vmem>> -> memref<128xi32, #tpu.memory_space<vmem>>
      %dma_wait3A_267 = arith.constant 0 : i32
      %dma_wait3A_268 = arith.constant 0 : i32
      %dma_wait3A_269 = tpu.memref_slice %arg10[%dma_wait3A_267, %dma_wait3A_268] : memref<5120x128xf32, #tpu.memory_space<vmem_shared>> -> memref<5120x128xf32, #tpu.memory_space<vmem_shared>>
      tpu.wait_indirect_dma semaphore(%arg15 : memref<!tpu.dma_semaphore, #tpu.memory_space<semaphore_mem>>) src(%arg9 : memref<128x128xf32, #tpu.memory_space<vmem>>) dst(%dma_wait3A_269 : memref<5120x128xf32, #tpu.memory_space<vmem_shared>>)
      %dma_start3A_270 = arith.constant 9 : i32
      %dma_start3A_271 = arith.constant 0 : i32
      %dma_start3A_272 = tpu.memref_slice %arg6[%dma_start3A_270, %dma_start3A_271] : memref<16x128xi32, #tpu.memory_space<vmem>> -> memref<1x128xi32, #tpu.memory_space<vmem>>
      %dma_start3A_273 = tpu.memref_squeeze %dma_start3A_272 : memref<1x128xi32, #tpu.memory_space<vmem>> -> memref<128xi32, #tpu.memory_space<vmem>>
      %dma_start3A_274 = arith.constant 0 : i32
      %dma_start3A_275 = arith.constant 0 : i32
      %dma_start3A_276 = tpu.memref_slice %arg11[%dma_start3A_274, %dma_start3A_275] : memref<5120x128xf32, #tpu.memory_space<vmem_shared>> -> memref<5120x128xf32, #tpu.memory_space<vmem_shared>>
      tpu.enqueue_indirect_dma source(%dma_start3A_276 : memref<5120x128xf32, #tpu.memory_space<vmem_shared>>) target(%arg9 : memref<128x128xf32, #tpu.memory_space<vmem>>) offsets(%dma_start3A_273 : memref<128xi32, #tpu.memory_space<vmem>>) semaphore(%arg13 : memref<!tpu.dma_semaphore, #tpu.memory_space<semaphore_mem>>)
      %dma_wait3A_277 = arith.constant 8 : i32
      %dma_wait3A_278 = arith.constant 0 : i32
      %dma_wait3A_279 = tpu.memref_slice %arg6[%dma_wait3A_277, %dma_wait3A_278] : memref<16x128xi32, #tpu.memory_space<vmem>> -> memref<1x128xi32, #tpu.memory_space<vmem>>
      %dma_wait3A_280 = tpu.memref_squeeze %dma_wait3A_279 : memref<1x128xi32, #tpu.memory_space<vmem>> -> memref<128xi32, #tpu.memory_space<vmem>>
      %dma_wait3A_281 = arith.constant 0 : i32
      %dma_wait3A_282 = arith.constant 0 : i32
      %dma_wait3A_283 = tpu.memref_slice %arg11[%dma_wait3A_281, %dma_wait3A_282] : memref<5120x128xf32, #tpu.memory_space<vmem_shared>> -> memref<5120x128xf32, #tpu.memory_space<vmem_shared>>
      tpu.wait_indirect_dma semaphore(%arg12 : memref<!tpu.dma_semaphore, #tpu.memory_space<semaphore_mem>>) src(%dma_wait3A_283 : memref<5120x128xf32, #tpu.memory_space<vmem_shared>>) dst(%arg8 : memref<128x128xf32, #tpu.memory_space<vmem>>)
      %dma_start3A_284 = arith.constant 8 : i32
      %dma_start3A_285 = arith.constant 0 : i32
      %dma_start3A_286 = tpu.memref_slice %arg7[%dma_start3A_284, %dma_start3A_285] : memref<16x128xi32, #tpu.memory_space<vmem>> -> memref<1x128xi32, #tpu.memory_space<vmem>>
      %dma_start3A_287 = tpu.memref_squeeze %dma_start3A_286 : memref<1x128xi32, #tpu.memory_space<vmem>> -> memref<128xi32, #tpu.memory_space<vmem>>
      %dma_start3A_288 = arith.constant 0 : i32
      %dma_start3A_289 = arith.constant 0 : i32
      %dma_start3A_290 = tpu.memref_slice %arg10[%dma_start3A_288, %dma_start3A_289] : memref<5120x128xf32, #tpu.memory_space<vmem_shared>> -> memref<5120x128xf32, #tpu.memory_space<vmem_shared>>
      tpu.enqueue_indirect_dma source(%arg8 : memref<128x128xf32, #tpu.memory_space<vmem>>) target(%dma_start3A_290 : memref<5120x128xf32, #tpu.memory_space<vmem_shared>>) offsets(%dma_start3A_287 : memref<128xi32, #tpu.memory_space<vmem>>) semaphore(%arg14 : memref<!tpu.dma_semaphore, #tpu.memory_space<semaphore_mem>>) {add = true}
      %dma_wait3A_291 = arith.constant 8 : i32
      %dma_wait3A_292 = arith.constant 0 : i32
      %dma_wait3A_293 = tpu.memref_slice %arg7[%dma_wait3A_291, %dma_wait3A_292] : memref<16x128xi32, #tpu.memory_space<vmem>> -> memref<1x128xi32, #tpu.memory_space<vmem>>
      %dma_wait3A_294 = tpu.memref_squeeze %dma_wait3A_293 : memref<1x128xi32, #tpu.memory_space<vmem>> -> memref<128xi32, #tpu.memory_space<vmem>>
      %dma_wait3A_295 = arith.constant 0 : i32
      %dma_wait3A_296 = arith.constant 0 : i32
      %dma_wait3A_297 = tpu.memref_slice %arg10[%dma_wait3A_295, %dma_wait3A_296] : memref<5120x128xf32, #tpu.memory_space<vmem_shared>> -> memref<5120x128xf32, #tpu.memory_space<vmem_shared>>
      tpu.wait_indirect_dma semaphore(%arg14 : memref<!tpu.dma_semaphore, #tpu.memory_space<semaphore_mem>>) src(%arg8 : memref<128x128xf32, #tpu.memory_space<vmem>>) dst(%dma_wait3A_297 : memref<5120x128xf32, #tpu.memory_space<vmem_shared>>)
      %dma_start3A_298 = arith.constant 10 : i32
      %dma_start3A_299 = arith.constant 0 : i32
      %dma_start3A_300 = tpu.memref_slice %arg6[%dma_start3A_298, %dma_start3A_299] : memref<16x128xi32, #tpu.memory_space<vmem>> -> memref<1x128xi32, #tpu.memory_space<vmem>>
      %dma_start3A_301 = tpu.memref_squeeze %dma_start3A_300 : memref<1x128xi32, #tpu.memory_space<vmem>> -> memref<128xi32, #tpu.memory_space<vmem>>
      %dma_start3A_302 = arith.constant 0 : i32
      %dma_start3A_303 = arith.constant 0 : i32
      %dma_start3A_304 = tpu.memref_slice %arg11[%dma_start3A_302, %dma_start3A_303] : memref<5120x128xf32, #tpu.memory_space<vmem_shared>> -> memref<5120x128xf32, #tpu.memory_space<vmem_shared>>
      tpu.enqueue_indirect_dma source(%dma_start3A_304 : memref<5120x128xf32, #tpu.memory_space<vmem_shared>>) target(%arg8 : memref<128x128xf32, #tpu.memory_space<vmem>>) offsets(%dma_start3A_301 : memref<128xi32, #tpu.memory_space<vmem>>) semaphore(%arg12 : memref<!tpu.dma_semaphore, #tpu.memory_space<semaphore_mem>>)
      %dma_wait3A_305 = arith.constant 9 : i32
      %dma_wait3A_306 = arith.constant 0 : i32
      %dma_wait3A_307 = tpu.memref_slice %arg6[%dma_wait3A_305, %dma_wait3A_306] : memref<16x128xi32, #tpu.memory_space<vmem>> -> memref<1x128xi32, #tpu.memory_space<vmem>>
      %dma_wait3A_308 = tpu.memref_squeeze %dma_wait3A_307 : memref<1x128xi32, #tpu.memory_space<vmem>> -> memref<128xi32, #tpu.memory_space<vmem>>
      %dma_wait3A_309 = arith.constant 0 : i32
      %dma_wait3A_310 = arith.constant 0 : i32
      %dma_wait3A_311 = tpu.memref_slice %arg11[%dma_wait3A_309, %dma_wait3A_310] : memref<5120x128xf32, #tpu.memory_space<vmem_shared>> -> memref<5120x128xf32, #tpu.memory_space<vmem_shared>>
      tpu.wait_indirect_dma semaphore(%arg13 : memref<!tpu.dma_semaphore, #tpu.memory_space<semaphore_mem>>) src(%dma_wait3A_311 : memref<5120x128xf32, #tpu.memory_space<vmem_shared>>) dst(%arg9 : memref<128x128xf32, #tpu.memory_space<vmem>>)
      %dma_start3A_312 = arith.constant 9 : i32
      %dma_start3A_313 = arith.constant 0 : i32
      %dma_start3A_314 = tpu.memref_slice %arg7[%dma_start3A_312, %dma_start3A_313] : memref<16x128xi32, #tpu.memory_space<vmem>> -> memref<1x128xi32, #tpu.memory_space<vmem>>
      %dma_start3A_315 = tpu.memref_squeeze %dma_start3A_314 : memref<1x128xi32, #tpu.memory_space<vmem>> -> memref<128xi32, #tpu.memory_space<vmem>>
      %dma_start3A_316 = arith.constant 0 : i32
      %dma_start3A_317 = arith.constant 0 : i32
      %dma_start3A_318 = tpu.memref_slice %arg10[%dma_start3A_316, %dma_start3A_317] : memref<5120x128xf32, #tpu.memory_space<vmem_shared>> -> memref<5120x128xf32, #tpu.memory_space<vmem_shared>>
      tpu.enqueue_indirect_dma source(%arg9 : memref<128x128xf32, #tpu.memory_space<vmem>>) target(%dma_start3A_318 : memref<5120x128xf32, #tpu.memory_space<vmem_shared>>) offsets(%dma_start3A_315 : memref<128xi32, #tpu.memory_space<vmem>>) semaphore(%arg15 : memref<!tpu.dma_semaphore, #tpu.memory_space<semaphore_mem>>) {add = true}
      %dma_wait3A_319 = arith.constant 9 : i32
      %dma_wait3A_320 = arith.constant 0 : i32
      %dma_wait3A_321 = tpu.memref_slice %arg7[%dma_wait3A_319, %dma_wait3A_320] : memref<16x128xi32, #tpu.memory_space<vmem>> -> memref<1x128xi32, #tpu.memory_space<vmem>>
      %dma_wait3A_322 = tpu.memref_squeeze %dma_wait3A_321 : memref<1x128xi32, #tpu.memory_space<vmem>> -> memref<128xi32, #tpu.memory_space<vmem>>
      %dma_wait3A_323 = arith.constant 0 : i32
      %dma_wait3A_324 = arith.constant 0 : i32
      %dma_wait3A_325 = tpu.memref_slice %arg10[%dma_wait3A_323, %dma_wait3A_324] : memref<5120x128xf32, #tpu.memory_space<vmem_shared>> -> memref<5120x128xf32, #tpu.memory_space<vmem_shared>>
      tpu.wait_indirect_dma semaphore(%arg15 : memref<!tpu.dma_semaphore, #tpu.memory_space<semaphore_mem>>) src(%arg9 : memref<128x128xf32, #tpu.memory_space<vmem>>) dst(%dma_wait3A_325 : memref<5120x128xf32, #tpu.memory_space<vmem_shared>>)
      %dma_start3A_326 = arith.constant 11 : i32
      %dma_start3A_327 = arith.constant 0 : i32
      %dma_start3A_328 = tpu.memref_slice %arg6[%dma_start3A_326, %dma_start3A_327] : memref<16x128xi32, #tpu.memory_space<vmem>> -> memref<1x128xi32, #tpu.memory_space<vmem>>
      %dma_start3A_329 = tpu.memref_squeeze %dma_start3A_328 : memref<1x128xi32, #tpu.memory_space<vmem>> -> memref<128xi32, #tpu.memory_space<vmem>>
      %dma_start3A_330 = arith.constant 0 : i32
      %dma_start3A_331 = arith.constant 0 : i32
      %dma_start3A_332 = tpu.memref_slice %arg11[%dma_start3A_330, %dma_start3A_331] : memref<5120x128xf32, #tpu.memory_space<vmem_shared>> -> memref<5120x128xf32, #tpu.memory_space<vmem_shared>>
      tpu.enqueue_indirect_dma source(%dma_start3A_332 : memref<5120x128xf32, #tpu.memory_space<vmem_shared>>) target(%arg9 : memref<128x128xf32, #tpu.memory_space<vmem>>) offsets(%dma_start3A_329 : memref<128xi32, #tpu.memory_space<vmem>>) semaphore(%arg13 : memref<!tpu.dma_semaphore, #tpu.memory_space<semaphore_mem>>)
      %dma_wait3A_333 = arith.constant 10 : i32
      %dma_wait3A_334 = arith.constant 0 : i32
      %dma_wait3A_335 = tpu.memref_slice %arg6[%dma_wait3A_333, %dma_wait3A_334] : memref<16x128xi32, #tpu.memory_space<vmem>> -> memref<1x128xi32, #tpu.memory_space<vmem>>
      %dma_wait3A_336 = tpu.memref_squeeze %dma_wait3A_335 : memref<1x128xi32, #tpu.memory_space<vmem>> -> memref<128xi32, #tpu.memory_space<vmem>>
      %dma_wait3A_337 = arith.constant 0 : i32
      %dma_wait3A_338 = arith.constant 0 : i32
      %dma_wait3A_339 = tpu.memref_slice %arg11[%dma_wait3A_337, %dma_wait3A_338] : memref<5120x128xf32, #tpu.memory_space<vmem_shared>> -> memref<5120x128xf32, #tpu.memory_space<vmem_shared>>
      tpu.wait_indirect_dma semaphore(%arg12 : memref<!tpu.dma_semaphore, #tpu.memory_space<semaphore_mem>>) src(%dma_wait3A_339 : memref<5120x128xf32, #tpu.memory_space<vmem_shared>>) dst(%arg8 : memref<128x128xf32, #tpu.memory_space<vmem>>)
      %dma_start3A_340 = arith.constant 10 : i32
      %dma_start3A_341 = arith.constant 0 : i32
      %dma_start3A_342 = tpu.memref_slice %arg7[%dma_start3A_340, %dma_start3A_341] : memref<16x128xi32, #tpu.memory_space<vmem>> -> memref<1x128xi32, #tpu.memory_space<vmem>>
      %dma_start3A_343 = tpu.memref_squeeze %dma_start3A_342 : memref<1x128xi32, #tpu.memory_space<vmem>> -> memref<128xi32, #tpu.memory_space<vmem>>
      %dma_start3A_344 = arith.constant 0 : i32
      %dma_start3A_345 = arith.constant 0 : i32
      %dma_start3A_346 = tpu.memref_slice %arg10[%dma_start3A_344, %dma_start3A_345] : memref<5120x128xf32, #tpu.memory_space<vmem_shared>> -> memref<5120x128xf32, #tpu.memory_space<vmem_shared>>
      tpu.enqueue_indirect_dma source(%arg8 : memref<128x128xf32, #tpu.memory_space<vmem>>) target(%dma_start3A_346 : memref<5120x128xf32, #tpu.memory_space<vmem_shared>>) offsets(%dma_start3A_343 : memref<128xi32, #tpu.memory_space<vmem>>) semaphore(%arg14 : memref<!tpu.dma_semaphore, #tpu.memory_space<semaphore_mem>>) {add = true}
      %dma_wait3A_347 = arith.constant 10 : i32
      %dma_wait3A_348 = arith.constant 0 : i32
      %dma_wait3A_349 = tpu.memref_slice %arg7[%dma_wait3A_347, %dma_wait3A_348] : memref<16x128xi32, #tpu.memory_space<vmem>> -> memref<1x128xi32, #tpu.memory_space<vmem>>
      %dma_wait3A_350 = tpu.memref_squeeze %dma_wait3A_349 : memref<1x128xi32, #tpu.memory_space<vmem>> -> memref<128xi32, #tpu.memory_space<vmem>>
      %dma_wait3A_351 = arith.constant 0 : i32
      %dma_wait3A_352 = arith.constant 0 : i32
      %dma_wait3A_353 = tpu.memref_slice %arg10[%dma_wait3A_351, %dma_wait3A_352] : memref<5120x128xf32, #tpu.memory_space<vmem_shared>> -> memref<5120x128xf32, #tpu.memory_space<vmem_shared>>
      tpu.wait_indirect_dma semaphore(%arg14 : memref<!tpu.dma_semaphore, #tpu.memory_space<semaphore_mem>>) src(%arg8 : memref<128x128xf32, #tpu.memory_space<vmem>>) dst(%dma_wait3A_353 : memref<5120x128xf32, #tpu.memory_space<vmem_shared>>)
      %dma_start3A_354 = arith.constant 12 : i32
      %dma_start3A_355 = arith.constant 0 : i32
      %dma_start3A_356 = tpu.memref_slice %arg6[%dma_start3A_354, %dma_start3A_355] : memref<16x128xi32, #tpu.memory_space<vmem>> -> memref<1x128xi32, #tpu.memory_space<vmem>>
      %dma_start3A_357 = tpu.memref_squeeze %dma_start3A_356 : memref<1x128xi32, #tpu.memory_space<vmem>> -> memref<128xi32, #tpu.memory_space<vmem>>
      %dma_start3A_358 = arith.constant 0 : i32
      %dma_start3A_359 = arith.constant 0 : i32
      %dma_start3A_360 = tpu.memref_slice %arg11[%dma_start3A_358, %dma_start3A_359] : memref<5120x128xf32, #tpu.memory_space<vmem_shared>> -> memref<5120x128xf32, #tpu.memory_space<vmem_shared>>
      tpu.enqueue_indirect_dma source(%dma_start3A_360 : memref<5120x128xf32, #tpu.memory_space<vmem_shared>>) target(%arg8 : memref<128x128xf32, #tpu.memory_space<vmem>>) offsets(%dma_start3A_357 : memref<128xi32, #tpu.memory_space<vmem>>) semaphore(%arg12 : memref<!tpu.dma_semaphore, #tpu.memory_space<semaphore_mem>>)
      %dma_wait3A_361 = arith.constant 11 : i32
      %dma_wait3A_362 = arith.constant 0 : i32
      %dma_wait3A_363 = tpu.memref_slice %arg6[%dma_wait3A_361, %dma_wait3A_362] : memref<16x128xi32, #tpu.memory_space<vmem>> -> memref<1x128xi32, #tpu.memory_space<vmem>>
      %dma_wait3A_364 = tpu.memref_squeeze %dma_wait3A_363 : memref<1x128xi32, #tpu.memory_space<vmem>> -> memref<128xi32, #tpu.memory_space<vmem>>
      %dma_wait3A_365 = arith.constant 0 : i32
      %dma_wait3A_366 = arith.constant 0 : i32
      %dma_wait3A_367 = tpu.memref_slice %arg11[%dma_wait3A_365, %dma_wait3A_366] : memref<5120x128xf32, #tpu.memory_space<vmem_shared>> -> memref<5120x128xf32, #tpu.memory_space<vmem_shared>>
      tpu.wait_indirect_dma semaphore(%arg13 : memref<!tpu.dma_semaphore, #tpu.memory_space<semaphore_mem>>) src(%dma_wait3A_367 : memref<5120x128xf32, #tpu.memory_space<vmem_shared>>) dst(%arg9 : memref<128x128xf32, #tpu.memory_space<vmem>>)
      %dma_start3A_368 = arith.constant 11 : i32
      %dma_start3A_369 = arith.constant 0 : i32
      %dma_start3A_370 = tpu.memref_slice %arg7[%dma_start3A_368, %dma_start3A_369] : memref<16x128xi32, #tpu.memory_space<vmem>> -> memref<1x128xi32, #tpu.memory_space<vmem>>
      %dma_start3A_371 = tpu.memref_squeeze %dma_start3A_370 : memref<1x128xi32, #tpu.memory_space<vmem>> -> memref<128xi32, #tpu.memory_space<vmem>>
      %dma_start3A_372 = arith.constant 0 : i32
      %dma_start3A_373 = arith.constant 0 : i32
      %dma_start3A_374 = tpu.memref_slice %arg10[%dma_start3A_372, %dma_start3A_373] : memref<5120x128xf32, #tpu.memory_space<vmem_shared>> -> memref<5120x128xf32, #tpu.memory_space<vmem_shared>>
      tpu.enqueue_indirect_dma source(%arg9 : memref<128x128xf32, #tpu.memory_space<vmem>>) target(%dma_start3A_374 : memref<5120x128xf32, #tpu.memory_space<vmem_shared>>) offsets(%dma_start3A_371 : memref<128xi32, #tpu.memory_space<vmem>>) semaphore(%arg15 : memref<!tpu.dma_semaphore, #tpu.memory_space<semaphore_mem>>) {add = true}
      %dma_wait3A_375 = arith.constant 11 : i32
      %dma_wait3A_376 = arith.constant 0 : i32
      %dma_wait3A_377 = tpu.memref_slice %arg7[%dma_wait3A_375, %dma_wait3A_376] : memref<16x128xi32, #tpu.memory_space<vmem>> -> memref<1x128xi32, #tpu.memory_space<vmem>>
      %dma_wait3A_378 = tpu.memref_squeeze %dma_wait3A_377 : memref<1x128xi32, #tpu.memory_space<vmem>> -> memref<128xi32, #tpu.memory_space<vmem>>
      %dma_wait3A_379 = arith.constant 0 : i32
      %dma_wait3A_380 = arith.constant 0 : i32
      %dma_wait3A_381 = tpu.memref_slice %arg10[%dma_wait3A_379, %dma_wait3A_380] : memref<5120x128xf32, #tpu.memory_space<vmem_shared>> -> memref<5120x128xf32, #tpu.memory_space<vmem_shared>>
      tpu.wait_indirect_dma semaphore(%arg15 : memref<!tpu.dma_semaphore, #tpu.memory_space<semaphore_mem>>) src(%arg9 : memref<128x128xf32, #tpu.memory_space<vmem>>) dst(%dma_wait3A_381 : memref<5120x128xf32, #tpu.memory_space<vmem_shared>>)
      %dma_start3A_382 = arith.constant 13 : i32
      %dma_start3A_383 = arith.constant 0 : i32
      %dma_start3A_384 = tpu.memref_slice %arg6[%dma_start3A_382, %dma_start3A_383] : memref<16x128xi32, #tpu.memory_space<vmem>> -> memref<1x128xi32, #tpu.memory_space<vmem>>
      %dma_start3A_385 = tpu.memref_squeeze %dma_start3A_384 : memref<1x128xi32, #tpu.memory_space<vmem>> -> memref<128xi32, #tpu.memory_space<vmem>>
      %dma_start3A_386 = arith.constant 0 : i32
      %dma_start3A_387 = arith.constant 0 : i32
      %dma_start3A_388 = tpu.memref_slice %arg11[%dma_start3A_386, %dma_start3A_387] : memref<5120x128xf32, #tpu.memory_space<vmem_shared>> -> memref<5120x128xf32, #tpu.memory_space<vmem_shared>>
      tpu.enqueue_indirect_dma source(%dma_start3A_388 : memref<5120x128xf32, #tpu.memory_space<vmem_shared>>) target(%arg9 : memref<128x128xf32, #tpu.memory_space<vmem>>) offsets(%dma_start3A_385 : memref<128xi32, #tpu.memory_space<vmem>>) semaphore(%arg13 : memref<!tpu.dma_semaphore, #tpu.memory_space<semaphore_mem>>)
      %dma_wait3A_389 = arith.constant 12 : i32
      %dma_wait3A_390 = arith.constant 0 : i32
      %dma_wait3A_391 = tpu.memref_slice %arg6[%dma_wait3A_389, %dma_wait3A_390] : memref<16x128xi32, #tpu.memory_space<vmem>> -> memref<1x128xi32, #tpu.memory_space<vmem>>
      %dma_wait3A_392 = tpu.memref_squeeze %dma_wait3A_391 : memref<1x128xi32, #tpu.memory_space<vmem>> -> memref<128xi32, #tpu.memory_space<vmem>>
      %dma_wait3A_393 = arith.constant 0 : i32
      %dma_wait3A_394 = arith.constant 0 : i32
      %dma_wait3A_395 = tpu.memref_slice %arg11[%dma_wait3A_393, %dma_wait3A_394] : memref<5120x128xf32, #tpu.memory_space<vmem_shared>> -> memref<5120x128xf32, #tpu.memory_space<vmem_shared>>
      tpu.wait_indirect_dma semaphore(%arg12 : memref<!tpu.dma_semaphore, #tpu.memory_space<semaphore_mem>>) src(%dma_wait3A_395 : memref<5120x128xf32, #tpu.memory_space<vmem_shared>>) dst(%arg8 : memref<128x128xf32, #tpu.memory_space<vmem>>)
      %dma_start3A_396 = arith.constant 12 : i32
      %dma_start3A_397 = arith.constant 0 : i32
      %dma_start3A_398 = tpu.memref_slice %arg7[%dma_start3A_396, %dma_start3A_397] : memref<16x128xi32, #tpu.memory_space<vmem>> -> memref<1x128xi32, #tpu.memory_space<vmem>>
      %dma_start3A_399 = tpu.memref_squeeze %dma_start3A_398 : memref<1x128xi32, #tpu.memory_space<vmem>> -> memref<128xi32, #tpu.memory_space<vmem>>
      %dma_start3A_400 = arith.constant 0 : i32
      %dma_start3A_401 = arith.constant 0 : i32
      %dma_start3A_402 = tpu.memref_slice %arg10[%dma_start3A_400, %dma_start3A_401] : memref<5120x128xf32, #tpu.memory_space<vmem_shared>> -> memref<5120x128xf32, #tpu.memory_space<vmem_shared>>
      tpu.enqueue_indirect_dma source(%arg8 : memref<128x128xf32, #tpu.memory_space<vmem>>) target(%dma_start3A_402 : memref<5120x128xf32, #tpu.memory_space<vmem_shared>>) offsets(%dma_start3A_399 : memref<128xi32, #tpu.memory_space<vmem>>) semaphore(%arg14 : memref<!tpu.dma_semaphore, #tpu.memory_space<semaphore_mem>>) {add = true}
      %dma_wait3A_403 = arith.constant 12 : i32
      %dma_wait3A_404 = arith.constant 0 : i32
      %dma_wait3A_405 = tpu.memref_slice %arg7[%dma_wait3A_403, %dma_wait3A_404] : memref<16x128xi32, #tpu.memory_space<vmem>> -> memref<1x128xi32, #tpu.memory_space<vmem>>
      %dma_wait3A_406 = tpu.memref_squeeze %dma_wait3A_405 : memref<1x128xi32, #tpu.memory_space<vmem>> -> memref<128xi32, #tpu.memory_space<vmem>>
      %dma_wait3A_407 = arith.constant 0 : i32
      %dma_wait3A_408 = arith.constant 0 : i32
      %dma_wait3A_409 = tpu.memref_slice %arg10[%dma_wait3A_407, %dma_wait3A_408] : memref<5120x128xf32, #tpu.memory_space<vmem_shared>> -> memref<5120x128xf32, #tpu.memory_space<vmem_shared>>
      tpu.wait_indirect_dma semaphore(%arg14 : memref<!tpu.dma_semaphore, #tpu.memory_space<semaphore_mem>>) src(%arg8 : memref<128x128xf32, #tpu.memory_space<vmem>>) dst(%dma_wait3A_409 : memref<5120x128xf32, #tpu.memory_space<vmem_shared>>)
      %dma_start3A_410 = arith.constant 14 : i32
      %dma_start3A_411 = arith.constant 0 : i32
      %dma_start3A_412 = tpu.memref_slice %arg6[%dma_start3A_410, %dma_start3A_411] : memref<16x128xi32, #tpu.memory_space<vmem>> -> memref<1x128xi32, #tpu.memory_space<vmem>>
      %dma_start3A_413 = tpu.memref_squeeze %dma_start3A_412 : memref<1x128xi32, #tpu.memory_space<vmem>> -> memref<128xi32, #tpu.memory_space<vmem>>
      %dma_start3A_414 = arith.constant 0 : i32
      %dma_start3A_415 = arith.constant 0 : i32
      %dma_start3A_416 = tpu.memref_slice %arg11[%dma_start3A_414, %dma_start3A_415] : memref<5120x128xf32, #tpu.memory_space<vmem_shared>> -> memref<5120x128xf32, #tpu.memory_space<vmem_shared>>
      tpu.enqueue_indirect_dma source(%dma_start3A_416 : memref<5120x128xf32, #tpu.memory_space<vmem_shared>>) target(%arg8 : memref<128x128xf32, #tpu.memory_space<vmem>>) offsets(%dma_start3A_413 : memref<128xi32, #tpu.memory_space<vmem>>) semaphore(%arg12 : memref<!tpu.dma_semaphore, #tpu.memory_space<semaphore_mem>>)
      %dma_wait3A_417 = arith.constant 13 : i32
      %dma_wait3A_418 = arith.constant 0 : i32
      %dma_wait3A_419 = tpu.memref_slice %arg6[%dma_wait3A_417, %dma_wait3A_418] : memref<16x128xi32, #tpu.memory_space<vmem>> -> memref<1x128xi32, #tpu.memory_space<vmem>>
      %dma_wait3A_420 = tpu.memref_squeeze %dma_wait3A_419 : memref<1x128xi32, #tpu.memory_space<vmem>> -> memref<128xi32, #tpu.memory_space<vmem>>
      %dma_wait3A_421 = arith.constant 0 : i32
      %dma_wait3A_422 = arith.constant 0 : i32
      %dma_wait3A_423 = tpu.memref_slice %arg11[%dma_wait3A_421, %dma_wait3A_422] : memref<5120x128xf32, #tpu.memory_space<vmem_shared>> -> memref<5120x128xf32, #tpu.memory_space<vmem_shared>>
      tpu.wait_indirect_dma semaphore(%arg13 : memref<!tpu.dma_semaphore, #tpu.memory_space<semaphore_mem>>) src(%dma_wait3A_423 : memref<5120x128xf32, #tpu.memory_space<vmem_shared>>) dst(%arg9 : memref<128x128xf32, #tpu.memory_space<vmem>>)
      %dma_start3A_424 = arith.constant 13 : i32
      %dma_start3A_425 = arith.constant 0 : i32
      %dma_start3A_426 = tpu.memref_slice %arg7[%dma_start3A_424, %dma_start3A_425] : memref<16x128xi32, #tpu.memory_space<vmem>> -> memref<1x128xi32, #tpu.memory_space<vmem>>
      %dma_start3A_427 = tpu.memref_squeeze %dma_start3A_426 : memref<1x128xi32, #tpu.memory_space<vmem>> -> memref<128xi32, #tpu.memory_space<vmem>>
      %dma_start3A_428 = arith.constant 0 : i32
      %dma_start3A_429 = arith.constant 0 : i32
      %dma_start3A_430 = tpu.memref_slice %arg10[%dma_start3A_428, %dma_start3A_429] : memref<5120x128xf32, #tpu.memory_space<vmem_shared>> -> memref<5120x128xf32, #tpu.memory_space<vmem_shared>>
      tpu.enqueue_indirect_dma source(%arg9 : memref<128x128xf32, #tpu.memory_space<vmem>>) target(%dma_start3A_430 : memref<5120x128xf32, #tpu.memory_space<vmem_shared>>) offsets(%dma_start3A_427 : memref<128xi32, #tpu.memory_space<vmem>>) semaphore(%arg15 : memref<!tpu.dma_semaphore, #tpu.memory_space<semaphore_mem>>) {add = true}
      %dma_wait3A_431 = arith.constant 13 : i32
      %dma_wait3A_432 = arith.constant 0 : i32
      %dma_wait3A_433 = tpu.memref_slice %arg7[%dma_wait3A_431, %dma_wait3A_432] : memref<16x128xi32, #tpu.memory_space<vmem>> -> memref<1x128xi32, #tpu.memory_space<vmem>>
      %dma_wait3A_434 = tpu.memref_squeeze %dma_wait3A_433 : memref<1x128xi32, #tpu.memory_space<vmem>> -> memref<128xi32, #tpu.memory_space<vmem>>
      %dma_wait3A_435 = arith.constant 0 : i32
      %dma_wait3A_436 = arith.constant 0 : i32
      %dma_wait3A_437 = tpu.memref_slice %arg10[%dma_wait3A_435, %dma_wait3A_436] : memref<5120x128xf32, #tpu.memory_space<vmem_shared>> -> memref<5120x128xf32, #tpu.memory_space<vmem_shared>>
      tpu.wait_indirect_dma semaphore(%arg15 : memref<!tpu.dma_semaphore, #tpu.memory_space<semaphore_mem>>) src(%arg9 : memref<128x128xf32, #tpu.memory_space<vmem>>) dst(%dma_wait3A_437 : memref<5120x128xf32, #tpu.memory_space<vmem_shared>>)
      %dma_start3A_438 = arith.constant 15 : i32
      %dma_start3A_439 = arith.constant 0 : i32
      %dma_start3A_440 = tpu.memref_slice %arg6[%dma_start3A_438, %dma_start3A_439] : memref<16x128xi32, #tpu.memory_space<vmem>> -> memref<1x128xi32, #tpu.memory_space<vmem>>
      %dma_start3A_441 = tpu.memref_squeeze %dma_start3A_440 : memref<1x128xi32, #tpu.memory_space<vmem>> -> memref<128xi32, #tpu.memory_space<vmem>>
      %dma_start3A_442 = arith.constant 0 : i32
      %dma_start3A_443 = arith.constant 0 : i32
      %dma_start3A_444 = tpu.memref_slice %arg11[%dma_start3A_442, %dma_start3A_443] : memref<5120x128xf32, #tpu.memory_space<vmem_shared>> -> memref<5120x128xf32, #tpu.memory_space<vmem_shared>>
      tpu.enqueue_indirect_dma source(%dma_start3A_444 : memref<5120x128xf32, #tpu.memory_space<vmem_shared>>) target(%arg9 : memref<128x128xf32, #tpu.memory_space<vmem>>) offsets(%dma_start3A_441 : memref<128xi32, #tpu.memory_space<vmem>>) semaphore(%arg13 : memref<!tpu.dma_semaphore, #tpu.memory_space<semaphore_mem>>)
      %dma_wait3A_445 = arith.constant 14 : i32
      %dma_wait3A_446 = arith.constant 0 : i32
      %dma_wait3A_447 = tpu.memref_slice %arg6[%dma_wait3A_445, %dma_wait3A_446] : memref<16x128xi32, #tpu.memory_space<vmem>> -> memref<1x128xi32, #tpu.memory_space<vmem>>
      %dma_wait3A_448 = tpu.memref_squeeze %dma_wait3A_447 : memref<1x128xi32, #tpu.memory_space<vmem>> -> memref<128xi32, #tpu.memory_space<vmem>>
      %dma_wait3A_449 = arith.constant 0 : i32
      %dma_wait3A_450 = arith.constant 0 : i32
      %dma_wait3A_451 = tpu.memref_slice %arg11[%dma_wait3A_449, %dma_wait3A_450] : memref<5120x128xf32, #tpu.memory_space<vmem_shared>> -> memref<5120x128xf32, #tpu.memory_space<vmem_shared>>
      tpu.wait_indirect_dma semaphore(%arg12 : memref<!tpu.dma_semaphore, #tpu.memory_space<semaphore_mem>>) src(%dma_wait3A_451 : memref<5120x128xf32, #tpu.memory_space<vmem_shared>>) dst(%arg8 : memref<128x128xf32, #tpu.memory_space<vmem>>)
      %dma_start3A_452 = arith.constant 14 : i32
      %dma_start3A_453 = arith.constant 0 : i32
      %dma_start3A_454 = tpu.memref_slice %arg7[%dma_start3A_452, %dma_start3A_453] : memref<16x128xi32, #tpu.memory_space<vmem>> -> memref<1x128xi32, #tpu.memory_space<vmem>>
      %dma_start3A_455 = tpu.memref_squeeze %dma_start3A_454 : memref<1x128xi32, #tpu.memory_space<vmem>> -> memref<128xi32, #tpu.memory_space<vmem>>
      %dma_start3A_456 = arith.constant 0 : i32
      %dma_start3A_457 = arith.constant 0 : i32
      %dma_start3A_458 = tpu.memref_slice %arg10[%dma_start3A_456, %dma_start3A_457] : memref<5120x128xf32, #tpu.memory_space<vmem_shared>> -> memref<5120x128xf32, #tpu.memory_space<vmem_shared>>
      tpu.enqueue_indirect_dma source(%arg8 : memref<128x128xf32, #tpu.memory_space<vmem>>) target(%dma_start3A_458 : memref<5120x128xf32, #tpu.memory_space<vmem_shared>>) offsets(%dma_start3A_455 : memref<128xi32, #tpu.memory_space<vmem>>) semaphore(%arg14 : memref<!tpu.dma_semaphore, #tpu.memory_space<semaphore_mem>>) {add = true}
      %dma_wait3A_459 = arith.constant 14 : i32
      %dma_wait3A_460 = arith.constant 0 : i32
      %dma_wait3A_461 = tpu.memref_slice %arg7[%dma_wait3A_459, %dma_wait3A_460] : memref<16x128xi32, #tpu.memory_space<vmem>> -> memref<1x128xi32, #tpu.memory_space<vmem>>
      %dma_wait3A_462 = tpu.memref_squeeze %dma_wait3A_461 : memref<1x128xi32, #tpu.memory_space<vmem>> -> memref<128xi32, #tpu.memory_space<vmem>>
      %dma_wait3A_463 = arith.constant 0 : i32
      %dma_wait3A_464 = arith.constant 0 : i32
      %dma_wait3A_465 = tpu.memref_slice %arg10[%dma_wait3A_463, %dma_wait3A_464] : memref<5120x128xf32, #tpu.memory_space<vmem_shared>> -> memref<5120x128xf32, #tpu.memory_space<vmem_shared>>
      tpu.wait_indirect_dma semaphore(%arg14 : memref<!tpu.dma_semaphore, #tpu.memory_space<semaphore_mem>>) src(%arg8 : memref<128x128xf32, #tpu.memory_space<vmem>>) dst(%dma_wait3A_465 : memref<5120x128xf32, #tpu.memory_space<vmem_shared>>)
      %dma_wait3A_466 = arith.constant 15 : i32
      %dma_wait3A_467 = arith.constant 0 : i32
      %dma_wait3A_468 = tpu.memref_slice %arg6[%dma_wait3A_466, %dma_wait3A_467] : memref<16x128xi32, #tpu.memory_space<vmem>> -> memref<1x128xi32, #tpu.memory_space<vmem>>
      %dma_wait3A_469 = tpu.memref_squeeze %dma_wait3A_468 : memref<1x128xi32, #tpu.memory_space<vmem>> -> memref<128xi32, #tpu.memory_space<vmem>>
      %dma_wait3A_470 = arith.constant 0 : i32
      %dma_wait3A_471 = arith.constant 0 : i32
      %dma_wait3A_472 = tpu.memref_slice %arg11[%dma_wait3A_470, %dma_wait3A_471] : memref<5120x128xf32, #tpu.memory_space<vmem_shared>> -> memref<5120x128xf32, #tpu.memory_space<vmem_shared>>
      tpu.wait_indirect_dma semaphore(%arg13 : memref<!tpu.dma_semaphore, #tpu.memory_space<semaphore_mem>>) src(%dma_wait3A_472 : memref<5120x128xf32, #tpu.memory_space<vmem_shared>>) dst(%arg9 : memref<128x128xf32, #tpu.memory_space<vmem>>)
      %dma_start3A_473 = arith.constant 15 : i32
      %dma_start3A_474 = arith.constant 0 : i32
      %dma_start3A_475 = tpu.memref_slice %arg7[%dma_start3A_473, %dma_start3A_474] : memref<16x128xi32, #tpu.memory_space<vmem>> -> memref<1x128xi32, #tpu.memory_space<vmem>>
      %dma_start3A_476 = tpu.memref_squeeze %dma_start3A_475 : memref<1x128xi32, #tpu.memory_space<vmem>> -> memref<128xi32, #tpu.memory_space<vmem>>
      %dma_start3A_477 = arith.constant 0 : i32
      %dma_start3A_478 = arith.constant 0 : i32
      %dma_start3A_479 = tpu.memref_slice %arg10[%dma_start3A_477, %dma_start3A_478] : memref<5120x128xf32, #tpu.memory_space<vmem_shared>> -> memref<5120x128xf32, #tpu.memory_space<vmem_shared>>
      tpu.enqueue_indirect_dma source(%arg9 : memref<128x128xf32, #tpu.memory_space<vmem>>) target(%dma_start3A_479 : memref<5120x128xf32, #tpu.memory_space<vmem_shared>>) offsets(%dma_start3A_476 : memref<128xi32, #tpu.memory_space<vmem>>) semaphore(%arg15 : memref<!tpu.dma_semaphore, #tpu.memory_space<semaphore_mem>>) {add = true}
      %dma_wait3A_480 = arith.constant 15 : i32
      %dma_wait3A_481 = arith.constant 0 : i32
      %dma_wait3A_482 = tpu.memref_slice %arg7[%dma_wait3A_480, %dma_wait3A_481] : memref<16x128xi32, #tpu.memory_space<vmem>> -> memref<1x128xi32, #tpu.memory_space<vmem>>
      %dma_wait3A_483 = tpu.memref_squeeze %dma_wait3A_482 : memref<1x128xi32, #tpu.memory_space<vmem>> -> memref<128xi32, #tpu.memory_space<vmem>>
      %dma_wait3A_484 = arith.constant 0 : i32
      %dma_wait3A_485 = arith.constant 0 : i32
      %dma_wait3A_486 = tpu.memref_slice %arg10[%dma_wait3A_484, %dma_wait3A_485] : memref<5120x128xf32, #tpu.memory_space<vmem_shared>> -> memref<5120x128xf32, #tpu.memory_space<vmem_shared>>
      tpu.wait_indirect_dma semaphore(%arg15 : memref<!tpu.dma_semaphore, #tpu.memory_space<semaphore_mem>>) src(%arg9 : memref<128x128xf32, #tpu.memory_space<vmem>>) dst(%dma_wait3A_486 : memref<5120x128xf32, #tpu.memory_space<vmem_shared>>)
    }
    %scan3A_26 = arith.constant 5 : i32
    %barrier3A_27 = arith.constant 0 : index
    tpu.barrier barrier_id(%barrier3A_27)
    %lt3A_28 = arith.constant 15 : i32
    %lt3A_29 = arith.cmpi slt, %arg1, %lt3A_28 : i32
    %convert_element_type3A_30 = arith.extui %lt3A_29 : i1 to i32
    %cond3A_31 = arith.constant 0 : i32
    %cond3A_32 = arith.cmpi ne, %convert_element_type3A_30, %cond3A_31 : i32
    scf.if %cond3A_32 {
      %mul3A_38 = arith.constant 320 : i32
      %mul3A_39 = arith.muli %arg1, %mul3A_38 : i32
      %add3A_40 = arith.constant 0 : i32
      %add3A_41 = arith.addi %mul3A_39, %add3A_40 : i32
      %mul3A_42 = arith.constant 5000 : i32
      %mul3A_43 = arith.muli %arg0, %mul3A_42 : i32
      %mul3A_44 = arith.constant 320 : i32
      %mul3A_45 = arith.muli %arg1, %mul3A_44 : i32
      %add3A_46 = arith.addi %mul3A_43, %mul3A_45 : i32
      %add3A_47 = arith.constant 0 : i32
      %add3A_48 = arith.addi %add3A_46, %add3A_47 : i32
      "tpu.region"() ({
        %run_scoped3A = tpu.sem_alloc : memref<!tpu.dma_semaphore, #tpu.memory_space<semaphore_mem>>
        %dma_start3A = arith.constant 0 : i32
        %dma_start3A_71 = tpu.memref_slice %arg10[%add3A_41, %dma_start3A] : memref<5120x128xf32, #tpu.memory_space<vmem_shared>> -> memref<128x128xf32, #tpu.memory_space<vmem_shared>>
        %dma_start3A_72 = arith.constant 0 : i32
        %dma_start3A_73 = tpu.memref_slice %arg10[%add3A_41, %dma_start3A_72] : memref<5120x128xf32, #tpu.memory_space<vmem_shared>> -> memref<128x128xf32, #tpu.memory_space<vmem_shared>>
        tpu.enqueue_dma source(%dma_start3A_73 : memref<128x128xf32, #tpu.memory_space<vmem_shared>>) target(%arg8 : memref<128x128xf32, #tpu.memory_space<vmem>>) target_semaphore(%run_scoped3A : memref<!tpu.dma_semaphore, #tpu.memory_space<semaphore_mem>>)
        %dma_wait3A = arith.constant 0 : i32
        %dma_wait3A_74 = tpu.memref_slice %arg10[%add3A_41, %dma_wait3A] : memref<5120x128xf32, #tpu.memory_space<vmem_shared>> -> memref<128x128xf32, #tpu.memory_space<vmem_shared>>
        %dma_wait3A_75 = arith.constant 0 : i32
        %dma_wait3A_76 = tpu.memref_slice %arg10[%add3A_41, %dma_wait3A_75] : memref<5120x128xf32, #tpu.memory_space<vmem_shared>> -> memref<128x128xf32, #tpu.memory_space<vmem_shared>>
        tpu.wait_dma2 semaphore(%run_scoped3A : memref<!tpu.dma_semaphore, #tpu.memory_space<semaphore_mem>>) src(%dma_wait3A_76 : memref<128x128xf32, #tpu.memory_space<vmem_shared>>) dst(%arg8 : memref<128x128xf32, #tpu.memory_space<vmem>>)
        tpu.yield
      }) : () -> ()
      "tpu.region"() ({
        %run_scoped3A = tpu.sem_alloc : memref<!tpu.dma_semaphore, #tpu.memory_space<semaphore_mem>>
        %dma_start3A = arith.constant 0 : i32
        %dma_start3A_71 = tpu.memref_slice %arg5[%add3A_48, %dma_start3A] : memref<10000x128xf32, #tpu.memory_space<hbm>> -> memref<128x128xf32, #tpu.memory_space<hbm>>
        %dma_start3A_72 = arith.constant 0 : i32
        %dma_start3A_73 = tpu.memref_slice %arg5[%add3A_48, %dma_start3A_72] : memref<10000x128xf32, #tpu.memory_space<hbm>> -> memref<128x128xf32, #tpu.memory_space<hbm>>
        tpu.enqueue_dma source(%arg8 : memref<128x128xf32, #tpu.memory_space<vmem>>) target(%dma_start3A_73 : memref<128x128xf32, #tpu.memory_space<hbm>>) target_semaphore(%run_scoped3A : memref<!tpu.dma_semaphore, #tpu.memory_space<semaphore_mem>>)
        %dma_wait3A = arith.constant 0 : i32
        %dma_wait3A_74 = tpu.memref_slice %arg5[%add3A_48, %dma_wait3A] : memref<10000x128xf32, #tpu.memory_space<hbm>> -> memref<128x128xf32, #tpu.memory_space<hbm>>
        %dma_wait3A_75 = arith.constant 0 : i32
        %dma_wait3A_76 = tpu.memref_slice %arg5[%add3A_48, %dma_wait3A_75] : memref<10000x128xf32, #tpu.memory_space<hbm>> -> memref<128x128xf32, #tpu.memory_space<hbm>>
        tpu.wait_dma2 semaphore(%run_scoped3A : memref<!tpu.dma_semaphore, #tpu.memory_space<semaphore_mem>>) src(%arg8 : memref<128x128xf32, #tpu.memory_space<vmem>>) dst(%dma_wait3A_76 : memref<128x128xf32, #tpu.memory_space<hbm>>)
        tpu.yield
      }) : () -> ()
      %mul3A_49 = arith.constant 320 : i32
      %mul3A_50 = arith.muli %arg1, %mul3A_49 : i32
      %add3A_51 = arith.constant 128 : i32
      %add3A_52 = arith.addi %mul3A_50, %add3A_51 : i32
      %mul3A_53 = arith.constant 5000 : i32
      %mul3A_54 = arith.muli %arg0, %mul3A_53 : i32
      %mul3A_55 = arith.constant 320 : i32
      %mul3A_56 = arith.muli %arg1, %mul3A_55 : i32
      %add3A_57 = arith.addi %mul3A_54, %mul3A_56 : i32
      %add3A_58 = arith.constant 128 : i32
      %add3A_59 = arith.addi %add3A_57, %add3A_58 : i32
      "tpu.region"() ({
        %run_scoped3A = tpu.sem_alloc : memref<!tpu.dma_semaphore, #tpu.memory_space<semaphore_mem>>
        %dma_start3A = arith.constant 0 : i32
        %dma_start3A_71 = tpu.memref_slice %arg10[%add3A_52, %dma_start3A] : memref<5120x128xf32, #tpu.memory_space<vmem_shared>> -> memref<128x128xf32, #tpu.memory_space<vmem_shared>>
        %dma_start3A_72 = arith.constant 0 : i32
        %dma_start3A_73 = tpu.memref_slice %arg10[%add3A_52, %dma_start3A_72] : memref<5120x128xf32, #tpu.memory_space<vmem_shared>> -> memref<128x128xf32, #tpu.memory_space<vmem_shared>>
        tpu.enqueue_dma source(%dma_start3A_73 : memref<128x128xf32, #tpu.memory_space<vmem_shared>>) target(%arg8 : memref<128x128xf32, #tpu.memory_space<vmem>>) target_semaphore(%run_scoped3A : memref<!tpu.dma_semaphore, #tpu.memory_space<semaphore_mem>>)
        %dma_wait3A = arith.constant 0 : i32
        %dma_wait3A_74 = tpu.memref_slice %arg10[%add3A_52, %dma_wait3A] : memref<5120x128xf32, #tpu.memory_space<vmem_shared>> -> memref<128x128xf32, #tpu.memory_space<vmem_shared>>
        %dma_wait3A_75 = arith.constant 0 : i32
        %dma_wait3A_76 = tpu.memref_slice %arg10[%add3A_52, %dma_wait3A_75] : memref<5120x128xf32, #tpu.memory_space<vmem_shared>> -> memref<128x128xf32, #tpu.memory_space<vmem_shared>>
        tpu.wait_dma2 semaphore(%run_scoped3A : memref<!tpu.dma_semaphore, #tpu.memory_space<semaphore_mem>>) src(%dma_wait3A_76 : memref<128x128xf32, #tpu.memory_space<vmem_shared>>) dst(%arg8 : memref<128x128xf32, #tpu.memory_space<vmem>>)
        tpu.yield
      }) : () -> ()
      "tpu.region"() ({
        %run_scoped3A = tpu.sem_alloc : memref<!tpu.dma_semaphore, #tpu.memory_space<semaphore_mem>>
        %dma_start3A = arith.constant 0 : i32
        %dma_start3A_71 = tpu.memref_slice %arg5[%add3A_59, %dma_start3A] : memref<10000x128xf32, #tpu.memory_space<hbm>> -> memref<128x128xf32, #tpu.memory_space<hbm>>
        %dma_start3A_72 = arith.constant 0 : i32
        %dma_start3A_73 = tpu.memref_slice %arg5[%add3A_59, %dma_start3A_72] : memref<10000x128xf32, #tpu.memory_space<hbm>> -> memref<128x128xf32, #tpu.memory_space<hbm>>
        tpu.enqueue_dma source(%arg8 : memref<128x128xf32, #tpu.memory_space<vmem>>) target(%dma_start3A_73 : memref<128x128xf32, #tpu.memory_space<hbm>>) target_semaphore(%run_scoped3A : memref<!tpu.dma_semaphore, #tpu.memory_space<semaphore_mem>>)
        %dma_wait3A = arith.constant 0 : i32
        %dma_wait3A_74 = tpu.memref_slice %arg5[%add3A_59, %dma_wait3A] : memref<10000x128xf32, #tpu.memory_space<hbm>> -> memref<128x128xf32, #tpu.memory_space<hbm>>
        %dma_wait3A_75 = arith.constant 0 : i32
        %dma_wait3A_76 = tpu.memref_slice %arg5[%add3A_59, %dma_wait3A_75] : memref<10000x128xf32, #tpu.memory_space<hbm>> -> memref<128x128xf32, #tpu.memory_space<hbm>>
        tpu.wait_dma2 semaphore(%run_scoped3A : memref<!tpu.dma_semaphore, #tpu.memory_space<semaphore_mem>>) src(%arg8 : memref<128x128xf32, #tpu.memory_space<vmem>>) dst(%dma_wait3A_76 : memref<128x128xf32, #tpu.memory_space<hbm>>)
        tpu.yield
      }) : () -> ()
      %mul3A_60 = arith.constant 320 : i32
      %mul3A_61 = arith.muli %arg1, %mul3A_60 : i32
      %add3A_62 = arith.constant 256 : i32
      %add3A_63 = arith.addi %mul3A_61, %add3A_62 : i32
      %mul3A_64 = arith.constant 5000 : i32
      %mul3A_65 = arith.muli %arg0, %mul3A_64 : i32
      %mul3A_66 = arith.constant 320 : i32
      %mul3A_67 = arith.muli %arg1, %mul3A_66 : i32
      %add3A_68 = arith.addi %mul3A_65, %mul3A_67 : i32
      %add3A_69 = arith.constant 256 : i32
      %add3A_70 = arith.addi %add3A_68, %add3A_69 : i32
      "tpu.region"() ({
        %run_scoped3A = tpu.sem_alloc : memref<!tpu.dma_semaphore, #tpu.memory_space<semaphore_mem>>
        %dma_start3A = arith.constant 0 : i32
        %dma_start3A_71 = arith.constant 0 : i32
        %dma_start3A_72 = tpu.memref_slice %arg8[%dma_start3A, %dma_start3A_71] : memref<128x128xf32, #tpu.memory_space<vmem>> -> memref<64x128xf32, #tpu.memory_space<vmem>>
        %dma_start3A_73 = arith.constant 0 : i32
        %dma_start3A_74 = tpu.memref_slice %arg10[%add3A_63, %dma_start3A_73] : memref<5120x128xf32, #tpu.memory_space<vmem_shared>> -> memref<64x128xf32, #tpu.memory_space<vmem_shared>>
        %dma_start3A_75 = arith.constant 0 : i32
        %dma_start3A_76 = arith.constant 0 : i32
        %dma_start3A_77 = tpu.memref_slice %arg8[%dma_start3A_75, %dma_start3A_76] : memref<128x128xf32, #tpu.memory_space<vmem>> -> memref<64x128xf32, #tpu.memory_space<vmem>>
        %dma_start3A_78 = arith.constant 0 : i32
        %dma_start3A_79 = tpu.memref_slice %arg10[%add3A_63, %dma_start3A_78] : memref<5120x128xf32, #tpu.memory_space<vmem_shared>> -> memref<64x128xf32, #tpu.memory_space<vmem_shared>>
        tpu.enqueue_dma source(%dma_start3A_79 : memref<64x128xf32, #tpu.memory_space<vmem_shared>>) target(%dma_start3A_77 : memref<64x128xf32, #tpu.memory_space<vmem>>) target_semaphore(%run_scoped3A : memref<!tpu.dma_semaphore, #tpu.memory_space<semaphore_mem>>)
        %dma_wait3A = arith.constant 0 : i32
        %dma_wait3A_80 = arith.constant 0 : i32
        %dma_wait3A_81 = tpu.memref_slice %arg8[%dma_wait3A, %dma_wait3A_80] : memref<128x128xf32, #tpu.memory_space<vmem>> -> memref<64x128xf32, #tpu.memory_space<vmem>>
        %dma_wait3A_82 = arith.constant 0 : i32
        %dma_wait3A_83 = tpu.memref_slice %arg10[%add3A_63, %dma_wait3A_82] : memref<5120x128xf32, #tpu.memory_space<vmem_shared>> -> memref<64x128xf32, #tpu.memory_space<vmem_shared>>
        %dma_wait3A_84 = arith.constant 0 : i32
        %dma_wait3A_85 = arith.constant 0 : i32
        %dma_wait3A_86 = tpu.memref_slice %arg8[%dma_wait3A_84, %dma_wait3A_85] : memref<128x128xf32, #tpu.memory_space<vmem>> -> memref<64x128xf32, #tpu.memory_space<vmem>>
        %dma_wait3A_87 = arith.constant 0 : i32
        %dma_wait3A_88 = tpu.memref_slice %arg10[%add3A_63, %dma_wait3A_87] : memref<5120x128xf32, #tpu.memory_space<vmem_shared>> -> memref<64x128xf32, #tpu.memory_space<vmem_shared>>
        tpu.wait_dma2 semaphore(%run_scoped3A : memref<!tpu.dma_semaphore, #tpu.memory_space<semaphore_mem>>) src(%dma_wait3A_88 : memref<64x128xf32, #tpu.memory_space<vmem_shared>>) dst(%dma_wait3A_86 : memref<64x128xf32, #tpu.memory_space<vmem>>)
        tpu.yield
      }) : () -> ()
      "tpu.region"() ({
        %run_scoped3A = tpu.sem_alloc : memref<!tpu.dma_semaphore, #tpu.memory_space<semaphore_mem>>
        %dma_start3A = arith.constant 0 : i32
        %dma_start3A_71 = arith.constant 0 : i32
        %dma_start3A_72 = tpu.memref_slice %arg8[%dma_start3A, %dma_start3A_71] : memref<128x128xf32, #tpu.memory_space<vmem>> -> memref<64x128xf32, #tpu.memory_space<vmem>>
        %dma_start3A_73 = arith.constant 0 : i32
        %dma_start3A_74 = tpu.memref_slice %arg5[%add3A_70, %dma_start3A_73] : memref<10000x128xf32, #tpu.memory_space<hbm>> -> memref<64x128xf32, #tpu.memory_space<hbm>>
        %dma_start3A_75 = arith.constant 0 : i32
        %dma_start3A_76 = tpu.memref_slice %arg5[%add3A_70, %dma_start3A_75] : memref<10000x128xf32, #tpu.memory_space<hbm>> -> memref<64x128xf32, #tpu.memory_space<hbm>>
        %dma_start3A_77 = arith.constant 0 : i32
        %dma_start3A_78 = arith.constant 0 : i32
        %dma_start3A_79 = tpu.memref_slice %arg8[%dma_start3A_77, %dma_start3A_78] : memref<128x128xf32, #tpu.memory_space<vmem>> -> memref<64x128xf32, #tpu.memory_space<vmem>>
        tpu.enqueue_dma source(%dma_start3A_79 : memref<64x128xf32, #tpu.memory_space<vmem>>) target(%dma_start3A_76 : memref<64x128xf32, #tpu.memory_space<hbm>>) target_semaphore(%run_scoped3A : memref<!tpu.dma_semaphore, #tpu.memory_space<semaphore_mem>>)
        %dma_wait3A = arith.constant 0 : i32
        %dma_wait3A_80 = arith.constant 0 : i32
        %dma_wait3A_81 = tpu.memref_slice %arg8[%dma_wait3A, %dma_wait3A_80] : memref<128x128xf32, #tpu.memory_space<vmem>> -> memref<64x128xf32, #tpu.memory_space<vmem>>
        %dma_wait3A_82 = arith.constant 0 : i32
        %dma_wait3A_83 = tpu.memref_slice %arg5[%add3A_70, %dma_wait3A_82] : memref<10000x128xf32, #tpu.memory_space<hbm>> -> memref<64x128xf32, #tpu.memory_space<hbm>>
        %dma_wait3A_84 = arith.constant 0 : i32
        %dma_wait3A_85 = tpu.memref_slice %arg5[%add3A_70, %dma_wait3A_84] : memref<10000x128xf32, #tpu.memory_space<hbm>> -> memref<64x128xf32, #tpu.memory_space<hbm>>
        %dma_wait3A_86 = arith.constant 0 : i32
        %dma_wait3A_87 = arith.constant 0 : i32
        %dma_wait3A_88 = tpu.memref_slice %arg8[%dma_wait3A_86, %dma_wait3A_87] : memref<128x128xf32, #tpu.memory_space<vmem>> -> memref<64x128xf32, #tpu.memory_space<vmem>>
        tpu.wait_dma2 semaphore(%run_scoped3A : memref<!tpu.dma_semaphore, #tpu.memory_space<semaphore_mem>>) src(%dma_wait3A_88 : memref<64x128xf32, #tpu.memory_space<vmem>>) dst(%dma_wait3A_85 : memref<64x128xf32, #tpu.memory_space<hbm>>)
        tpu.yield
      }) : () -> ()
    } else {
    }
    %eq3A_33 = arith.constant 15 : i32
    %eq3A_34 = arith.cmpi eq, %arg1, %eq3A_33 : i32
    %convert_element_type3A_35 = arith.extui %eq3A_34 : i1 to i32
    %cond3A_36 = arith.constant 0 : i32
    %cond3A_37 = arith.cmpi ne, %convert_element_type3A_35, %cond3A_36 : i32
    scf.if %cond3A_37 {
      %mul3A_38 = arith.constant 320 : i32
      %mul3A_39 = arith.muli %arg1, %mul3A_38 : i32
      %add3A_40 = arith.constant 0 : i32
      %add3A_41 = arith.addi %mul3A_39, %add3A_40 : i32
      %mul3A_42 = arith.constant 5000 : i32
      %mul3A_43 = arith.muli %arg0, %mul3A_42 : i32
      %mul3A_44 = arith.constant 320 : i32
      %mul3A_45 = arith.muli %arg1, %mul3A_44 : i32
      %add3A_46 = arith.addi %mul3A_43, %mul3A_45 : i32
      %add3A_47 = arith.constant 0 : i32
      %add3A_48 = arith.addi %add3A_46, %add3A_47 : i32
      "tpu.region"() ({
        %run_scoped3A = tpu.sem_alloc : memref<!tpu.dma_semaphore, #tpu.memory_space<semaphore_mem>>
        %dma_start3A = arith.constant 0 : i32
        %dma_start3A_60 = tpu.memref_slice %arg10[%add3A_41, %dma_start3A] : memref<5120x128xf32, #tpu.memory_space<vmem_shared>> -> memref<128x128xf32, #tpu.memory_space<vmem_shared>>
        %dma_start3A_61 = arith.constant 0 : i32
        %dma_start3A_62 = tpu.memref_slice %arg10[%add3A_41, %dma_start3A_61] : memref<5120x128xf32, #tpu.memory_space<vmem_shared>> -> memref<128x128xf32, #tpu.memory_space<vmem_shared>>
        tpu.enqueue_dma source(%dma_start3A_62 : memref<128x128xf32, #tpu.memory_space<vmem_shared>>) target(%arg8 : memref<128x128xf32, #tpu.memory_space<vmem>>) target_semaphore(%run_scoped3A : memref<!tpu.dma_semaphore, #tpu.memory_space<semaphore_mem>>)
        %dma_wait3A = arith.constant 0 : i32
        %dma_wait3A_63 = tpu.memref_slice %arg10[%add3A_41, %dma_wait3A] : memref<5120x128xf32, #tpu.memory_space<vmem_shared>> -> memref<128x128xf32, #tpu.memory_space<vmem_shared>>
        %dma_wait3A_64 = arith.constant 0 : i32
        %dma_wait3A_65 = tpu.memref_slice %arg10[%add3A_41, %dma_wait3A_64] : memref<5120x128xf32, #tpu.memory_space<vmem_shared>> -> memref<128x128xf32, #tpu.memory_space<vmem_shared>>
        tpu.wait_dma2 semaphore(%run_scoped3A : memref<!tpu.dma_semaphore, #tpu.memory_space<semaphore_mem>>) src(%dma_wait3A_65 : memref<128x128xf32, #tpu.memory_space<vmem_shared>>) dst(%arg8 : memref<128x128xf32, #tpu.memory_space<vmem>>)
        tpu.yield
      }) : () -> ()
      "tpu.region"() ({
        %run_scoped3A = tpu.sem_alloc : memref<!tpu.dma_semaphore, #tpu.memory_space<semaphore_mem>>
        %dma_start3A = arith.constant 0 : i32
        %dma_start3A_60 = tpu.memref_slice %arg5[%add3A_48, %dma_start3A] : memref<10000x128xf32, #tpu.memory_space<hbm>> -> memref<128x128xf32, #tpu.memory_space<hbm>>
        %dma_start3A_61 = arith.constant 0 : i32
        %dma_start3A_62 = tpu.memref_slice %arg5[%add3A_48, %dma_start3A_61] : memref<10000x128xf32, #tpu.memory_space<hbm>> -> memref<128x128xf32, #tpu.memory_space<hbm>>
        tpu.enqueue_dma source(%arg8 : memref<128x128xf32, #tpu.memory_space<vmem>>) target(%dma_start3A_62 : memref<128x128xf32, #tpu.memory_space<hbm>>) target_semaphore(%run_scoped3A : memref<!tpu.dma_semaphore, #tpu.memory_space<semaphore_mem>>)
        %dma_wait3A = arith.constant 0 : i32
        %dma_wait3A_63 = tpu.memref_slice %arg5[%add3A_48, %dma_wait3A] : memref<10000x128xf32, #tpu.memory_space<hbm>> -> memref<128x128xf32, #tpu.memory_space<hbm>>
        %dma_wait3A_64 = arith.constant 0 : i32
        %dma_wait3A_65 = tpu.memref_slice %arg5[%add3A_48, %dma_wait3A_64] : memref<10000x128xf32, #tpu.memory_space<hbm>> -> memref<128x128xf32, #tpu.memory_space<hbm>>
        tpu.wait_dma2 semaphore(%run_scoped3A : memref<!tpu.dma_semaphore, #tpu.memory_space<semaphore_mem>>) src(%arg8 : memref<128x128xf32, #tpu.memory_space<vmem>>) dst(%dma_wait3A_65 : memref<128x128xf32, #tpu.memory_space<hbm>>)
        tpu.yield
      }) : () -> ()
      %mul3A_49 = arith.constant 320 : i32
      %mul3A_50 = arith.muli %arg1, %mul3A_49 : i32
      %add3A_51 = arith.constant 128 : i32
      %add3A_52 = arith.addi %mul3A_50, %add3A_51 : i32
      %mul3A_53 = arith.constant 5000 : i32
      %mul3A_54 = arith.muli %arg0, %mul3A_53 : i32
      %mul3A_55 = arith.constant 320 : i32
      %mul3A_56 = arith.muli %arg1, %mul3A_55 : i32
      %add3A_57 = arith.addi %mul3A_54, %mul3A_56 : i32
      %add3A_58 = arith.constant 128 : i32
      %add3A_59 = arith.addi %add3A_57, %add3A_58 : i32
      "tpu.region"() ({
        %run_scoped3A = tpu.sem_alloc : memref<!tpu.dma_semaphore, #tpu.memory_space<semaphore_mem>>
        %dma_start3A = arith.constant 0 : i32
        %dma_start3A_60 = arith.constant 0 : i32
        %dma_start3A_61 = tpu.memref_slice %arg8[%dma_start3A, %dma_start3A_60] : memref<128x128xf32, #tpu.memory_space<vmem>> -> memref<72x128xf32, #tpu.memory_space<vmem>>
        %dma_start3A_62 = arith.constant 0 : i32
        %dma_start3A_63 = tpu.memref_slice %arg10[%add3A_52, %dma_start3A_62] : memref<5120x128xf32, #tpu.memory_space<vmem_shared>> -> memref<72x128xf32, #tpu.memory_space<vmem_shared>>
        %dma_start3A_64 = arith.constant 0 : i32
        %dma_start3A_65 = arith.constant 0 : i32
        %dma_start3A_66 = tpu.memref_slice %arg8[%dma_start3A_64, %dma_start3A_65] : memref<128x128xf32, #tpu.memory_space<vmem>> -> memref<72x128xf32, #tpu.memory_space<vmem>>
        %dma_start3A_67 = arith.constant 0 : i32
        %dma_start3A_68 = tpu.memref_slice %arg10[%add3A_52, %dma_start3A_67] : memref<5120x128xf32, #tpu.memory_space<vmem_shared>> -> memref<72x128xf32, #tpu.memory_space<vmem_shared>>
        tpu.enqueue_dma source(%dma_start3A_68 : memref<72x128xf32, #tpu.memory_space<vmem_shared>>) target(%dma_start3A_66 : memref<72x128xf32, #tpu.memory_space<vmem>>) target_semaphore(%run_scoped3A : memref<!tpu.dma_semaphore, #tpu.memory_space<semaphore_mem>>)
        %dma_wait3A = arith.constant 0 : i32
        %dma_wait3A_69 = arith.constant 0 : i32
        %dma_wait3A_70 = tpu.memref_slice %arg8[%dma_wait3A, %dma_wait3A_69] : memref<128x128xf32, #tpu.memory_space<vmem>> -> memref<72x128xf32, #tpu.memory_space<vmem>>
        %dma_wait3A_71 = arith.constant 0 : i32
        %dma_wait3A_72 = tpu.memref_slice %arg10[%add3A_52, %dma_wait3A_71] : memref<5120x128xf32, #tpu.memory_space<vmem_shared>> -> memref<72x128xf32, #tpu.memory_space<vmem_shared>>
        %dma_wait3A_73 = arith.constant 0 : i32
        %dma_wait3A_74 = arith.constant 0 : i32
        %dma_wait3A_75 = tpu.memref_slice %arg8[%dma_wait3A_73, %dma_wait3A_74] : memref<128x128xf32, #tpu.memory_space<vmem>> -> memref<72x128xf32, #tpu.memory_space<vmem>>
        %dma_wait3A_76 = arith.constant 0 : i32
        %dma_wait3A_77 = tpu.memref_slice %arg10[%add3A_52, %dma_wait3A_76] : memref<5120x128xf32, #tpu.memory_space<vmem_shared>> -> memref<72x128xf32, #tpu.memory_space<vmem_shared>>
        tpu.wait_dma2 semaphore(%run_scoped3A : memref<!tpu.dma_semaphore, #tpu.memory_space<semaphore_mem>>) src(%dma_wait3A_77 : memref<72x128xf32, #tpu.memory_space<vmem_shared>>) dst(%dma_wait3A_75 : memref<72x128xf32, #tpu.memory_space<vmem>>)
        tpu.yield
      }) : () -> ()
      "tpu.region"() ({
        %run_scoped3A = tpu.sem_alloc : memref<!tpu.dma_semaphore, #tpu.memory_space<semaphore_mem>>
        %dma_start3A = arith.constant 0 : i32
        %dma_start3A_60 = arith.constant 0 : i32
        %dma_start3A_61 = tpu.memref_slice %arg8[%dma_start3A, %dma_start3A_60] : memref<128x128xf32, #tpu.memory_space<vmem>> -> memref<72x128xf32, #tpu.memory_space<vmem>>
        %dma_start3A_62 = arith.constant 0 : i32
        %dma_start3A_63 = tpu.memref_slice %arg5[%add3A_59, %dma_start3A_62] : memref<10000x128xf32, #tpu.memory_space<hbm>> -> memref<72x128xf32, #tpu.memory_space<hbm>>
        %dma_start3A_64 = arith.constant 0 : i32
        %dma_start3A_65 = tpu.memref_slice %arg5[%add3A_59, %dma_start3A_64] : memref<10000x128xf32, #tpu.memory_space<hbm>> -> memref<72x128xf32, #tpu.memory_space<hbm>>
        %dma_start3A_66 = arith.constant 0 : i32
        %dma_start3A_67 = arith.constant 0 : i32
        %dma_start3A_68 = tpu.memref_slice %arg8[%dma_start3A_66, %dma_start3A_67] : memref<128x128xf32, #tpu.memory_space<vmem>> -> memref<72x128xf32, #tpu.memory_space<vmem>>
        tpu.enqueue_dma source(%dma_start3A_68 : memref<72x128xf32, #tpu.memory_space<vmem>>) target(%dma_start3A_65 : memref<72x128xf32, #tpu.memory_space<hbm>>) target_semaphore(%run_scoped3A : memref<!tpu.dma_semaphore, #tpu.memory_space<semaphore_mem>>)
        %dma_wait3A = arith.constant 0 : i32
        %dma_wait3A_69 = arith.constant 0 : i32
        %dma_wait3A_70 = tpu.memref_slice %arg8[%dma_wait3A, %dma_wait3A_69] : memref<128x128xf32, #tpu.memory_space<vmem>> -> memref<72x128xf32, #tpu.memory_space<vmem>>
        %dma_wait3A_71 = arith.constant 0 : i32
        %dma_wait3A_72 = tpu.memref_slice %arg5[%add3A_59, %dma_wait3A_71] : memref<10000x128xf32, #tpu.memory_space<hbm>> -> memref<72x128xf32, #tpu.memory_space<hbm>>
        %dma_wait3A_73 = arith.constant 0 : i32
        %dma_wait3A_74 = tpu.memref_slice %arg5[%add3A_59, %dma_wait3A_73] : memref<10000x128xf32, #tpu.memory_space<hbm>> -> memref<72x128xf32, #tpu.memory_space<hbm>>
        %dma_wait3A_75 = arith.constant 0 : i32
        %dma_wait3A_76 = arith.constant 0 : i32
        %dma_wait3A_77 = tpu.memref_slice %arg8[%dma_wait3A_75, %dma_wait3A_76] : memref<128x128xf32, #tpu.memory_space<vmem>> -> memref<72x128xf32, #tpu.memory_space<vmem>>
        tpu.wait_dma2 semaphore(%run_scoped3A : memref<!tpu.dma_semaphore, #tpu.memory_space<semaphore_mem>>) src(%dma_wait3A_77 : memref<72x128xf32, #tpu.memory_space<vmem>>) dst(%dma_wait3A_74 : memref<72x128xf32, #tpu.memory_space<hbm>>)
        tpu.yield
      }) : () -> ()
    } else {
    }
    return
  }
}

#map = affine_map<(d0, d1) -> (0, 0, 0, 0)>
#map1 = affine_map<(d0, d1) -> (0, 0)>
module attributes {stable_mosaic.version = 14 : i64} {
  func.func @body(%arg0: i32, %arg1: i32, %arg2: memref<2x16x80x128xi32, #tpu.memory_space<hbm>>, %arg3: memref<2x16x80x128xi32, #tpu.memory_space<hbm>>, %arg4: memref<10000x128xf32, #tpu.memory_space<hbm>>, %arg5: memref<10000x128xf32, #tpu.memory_space<hbm>>, %arg6: memref<16x128xi32, #tpu.memory_space<vmem>>, %arg7: memref<16x128xi32, #tpu.memory_space<vmem>>, %arg8: memref<128x128xf32, #tpu.memory_space<vmem>>, %arg9: memref<128x128xf32, #tpu.memory_space<vmem>>, %arg10: memref<5120x128xf32, #tpu.memory_space<vmem_shared>>, %arg11: memref<5120x128xf32, #tpu.memory_space<vmem_shared>>, %arg12: memref<!tpu.dma_semaphore, #tpu.memory_space<semaphore_mem>>, %arg13: memref<!tpu.dma_semaphore, #tpu.memory_space<semaphore_mem>>, %arg14: memref<!tpu.dma_semaphore, #tpu.memory_space<semaphore_mem>>, %arg15: memref<!tpu.dma_semaphore, #tpu.memory_space<semaphore_mem>>) attributes {dimension_semantics = [#tpu.dimension_semantics<core_parallel>, #tpu.dimension_semantics<subcore_parallel>], iteration_bounds = array<i64: 2, 16>, scalar_prefetch = 0 : i64, scratch_operands = 10 : i64, tpu.core_type = #tpu.core_type<sc_vector_subcore>, window_params = [{transform_indices = #map}, {transform_indices = #map}, {transform_indices = #map1}, {transform_indices = #map1}]} {
    %sub3A = arith.constant 1 : i32
    %sub3A_0 = arith.subi %sub3A, %arg0 : i32
    %mul3A = arith.constant 5000 : i32
    %mul3A_1 = arith.muli %sub3A_0, %mul3A : i32
    %mul3A_2 = arith.constant 320 : i32
    %mul3A_3 = arith.muli %arg1, %mul3A_2 : i32
    %add3A = arith.addi %mul3A_1, %mul3A_3 : i32
    %lt3A = arith.constant 15 : i32
    %lt3A_4 = arith.cmpi slt, %arg1, %lt3A : i32
    %convert_element_type3A = arith.extui %lt3A_4 : i1 to i32
    %cond3A = arith.constant 0 : i32
    %cond3A_5 = arith.cmpi ne, %convert_element_type3A, %cond3A : i32
    scf.if %cond3A_5 {
      %mul3A_38 = arith.constant 320 : i32
      %mul3A_39 = arith.muli %arg1, %mul3A_38 : i32
      "tpu.region"() ({
        %run_scoped3A = tpu.sem_alloc : memref<!tpu.dma_semaphore, #tpu.memory_space<semaphore_mem>>
        %dma_start3A = arith.constant 0 : i32
        %dma_start3A_40 = tpu.memref_slice %arg11[%mul3A_39, %dma_start3A] : memref<5120x128xf32, #tpu.memory_space<vmem_shared>> -> memref<320x128xf32, #tpu.memory_space<vmem_shared>>
        %dma_start3A_41 = arith.constant 0 : i32
        %dma_start3A_42 = tpu.memref_slice %arg4[%add3A, %dma_start3A_41] : memref<10000x128xf32, #tpu.memory_space<hbm>> -> memref<320x128xf32, #tpu.memory_space<hbm>>
        tpu.enqueue_dma source(%dma_start3A_42 : memref<320x128xf32, #tpu.memory_space<hbm>>) target(%dma_start3A_40 : memref<320x128xf32, #tpu.memory_space<vmem_shared>>) target_semaphore(%run_scoped3A : memref<!tpu.dma_semaphore, #tpu.memory_space<semaphore_mem>>)
        %dma_wait3A = arith.constant 0 : i32
        %dma_wait3A_43 = tpu.memref_slice %arg11[%mul3A_39, %dma_wait3A] : memref<5120x128xf32, #tpu.memory_space<vmem_shared>> -> memref<320x128xf32, #tpu.memory_space<vmem_shared>>
        %dma_wait3A_44 = arith.constant 0 : i32
        %dma_wait3A_45 = tpu.memref_slice %arg4[%add3A, %dma_wait3A_44] : memref<10000x128xf32, #tpu.memory_space<hbm>> -> memref<320x128xf32, #tpu.memory_space<hbm>>
        tpu.wait_dma2 semaphore(%run_scoped3A : memref<!tpu.dma_semaphore, #tpu.memory_space<semaphore_mem>>) src(%dma_wait3A_45 : memref<320x128xf32, #tpu.memory_space<hbm>>) dst(%dma_wait3A_43 : memref<320x128xf32, #tpu.memory_space<vmem_shared>>)
        tpu.yield
      }) : () -> ()
    } else {
    }
    %eq3A = arith.constant 15 : i32
    %eq3A_6 = arith.cmpi eq, %arg1, %eq3A : i32
    %convert_element_type3A_7 = arith.extui %eq3A_6 : i1 to i32
    %cond3A_8 = arith.constant 0 : i32
    %cond3A_9 = arith.cmpi ne, %convert_element_type3A_7, %cond3A_8 : i32
    scf.if %cond3A_9 {
      %mul3A_38 = arith.constant 320 : i32
      %mul3A_39 = arith.muli %arg1, %mul3A_38 : i32
      "tpu.region"() ({
        %run_scoped3A = tpu.sem_alloc : memref<!tpu.dma_semaphore, #tpu.memory_space<semaphore_mem>>
        %dma_start3A = arith.constant 0 : i32
        %dma_start3A_40 = tpu.memref_slice %arg11[%mul3A_39, %dma_start3A] : memref<5120x128xf32, #tpu.memory_space<vmem_shared>> -> memref<200x128xf32, #tpu.memory_space<vmem_shared>>
        %dma_start3A_41 = arith.constant 0 : i32
        %dma_start3A_42 = tpu.memref_slice %arg4[%add3A, %dma_start3A_41] : memref<10000x128xf32, #tpu.memory_space<hbm>> -> memref<200x128xf32, #tpu.memory_space<hbm>>
        tpu.enqueue_dma source(%dma_start3A_42 : memref<200x128xf32, #tpu.memory_space<hbm>>) target(%dma_start3A_40 : memref<200x128xf32, #tpu.memory_space<vmem_shared>>) target_semaphore(%run_scoped3A : memref<!tpu.dma_semaphore, #tpu.memory_space<semaphore_mem>>)
        %dma_wait3A = arith.constant 0 : i32
        %dma_wait3A_43 = tpu.memref_slice %arg11[%mul3A_39, %dma_wait3A] : memref<5120x128xf32, #tpu.memory_space<vmem_shared>> -> memref<200x128xf32, #tpu.memory_space<vmem_shared>>
        %dma_wait3A_44 = arith.constant 0 : i32
        %dma_wait3A_45 = tpu.memref_slice %arg4[%add3A, %dma_wait3A_44] : memref<10000x128xf32, #tpu.memory_space<hbm>> -> memref<200x128xf32, #tpu.memory_space<hbm>>
        tpu.wait_dma2 semaphore(%run_scoped3A : memref<!tpu.dma_semaphore, #tpu.memory_space<semaphore_mem>>) src(%dma_wait3A_45 : memref<200x128xf32, #tpu.memory_space<hbm>>) dst(%dma_wait3A_43 : memref<200x128xf32, #tpu.memory_space<vmem_shared>>)
        tpu.yield
      }) : () -> ()
    } else {
    }
    %scan3A = arith.constant 0 : i32
    %scan3A_10 = arith.constant 0 : i32
    %scan3A_11 = arith.constant 1024 : i32
    %scan3A_12 = arith.addi %scan3A_10, %scan3A_11 : i32
    %scan3A_13 = arith.constant 1 : i32
    scf.for %scan3A_38 = %scan3A_10 to %scan3A_12 step %scan3A_13  : i32 {
      %broadcast_in_dim3A = arith.constant 0.000000e+00 : f32
      %broadcast_in_dim3A_39 = vector.broadcast %broadcast_in_dim3A : f32 to vector<16xf32>
      %jit3A = arith.constant 8 : i32
      %div3A = arith.divsi %scan3A_38, %jit3A : i32
      %sign3A = arith.constant 0 : i32
      %sign3A_40 = arith.cmpi sgt, %scan3A_38, %sign3A : i32
      %sign3A_41 = arith.extui %sign3A_40 : i1 to i32
      %sign3A_42 = arith.constant 0 : i32
      %sign3A_43 = arith.cmpi slt, %scan3A_38, %sign3A_42 : i32
      %sign3A_44 = arith.extui %sign3A_43 : i1 to i32
      %sign3A_45 = arith.subi %sign3A_41, %sign3A_44 : i32
      %sign3A_46 = arith.constant 0 : i32
      %sign3A_47 = arith.cmpi sgt, %jit3A, %sign3A_46 : i32
      %sign3A_48 = arith.extui %sign3A_47 : i1 to i32
      %sign3A_49 = arith.constant 0 : i32
      %sign3A_50 = arith.cmpi slt, %jit3A, %sign3A_49 : i32
      %sign3A_51 = arith.extui %sign3A_50 : i1 to i32
      %sign3A_52 = arith.subi %sign3A_48, %sign3A_51 : i32
      %ne3A = arith.cmpi ne, %sign3A_45, %sign3A_52 : i32
      %rem3A = arith.remsi %scan3A_38, %jit3A : i32
      %ne3A_53 = arith.constant 0 : i32
      %ne3A_54 = arith.cmpi ne, %rem3A, %ne3A_53 : i32
      %and3A = arith.andi %ne3A, %ne3A_54 : i1
      %sub3A_55 = arith.constant 1 : i32
      %sub3A_56 = arith.subi %div3A, %sub3A_55 : i32
      %select_n3A = arith.select %and3A, %sub3A_56, %div3A : i32
      %jit3A_57 = arith.constant 8 : i32
      %eq3A_58 = arith.constant 0 : i32
      %eq3A_59 = arith.cmpi eq, %jit3A_57, %eq3A_58 : i32
      %jit3A_60 = arith.constant 1 : i32
      %select_n3A_61 = arith.select %eq3A_59, %jit3A_60, %jit3A_57 : i32
      %rem3A_62 = arith.remsi %scan3A_38, %select_n3A_61 : i32
      %ne3A_63 = arith.constant 0 : i32
      %ne3A_64 = arith.cmpi ne, %rem3A_62, %ne3A_63 : i32
      %lt3A_65 = arith.constant 0 : i32
      %lt3A_66 = arith.cmpi slt, %rem3A_62, %lt3A_65 : i32
      %lt3A_67 = arith.constant 0 : i32
      %lt3A_68 = arith.cmpi slt, %select_n3A_61, %lt3A_67 : i32
      %ne3A_69 = arith.xori %lt3A_66, %lt3A_68 : i1
      %and3A_70 = arith.andi %ne3A_69, %ne3A_64 : i1
      %add3A_71 = arith.addi %rem3A_62, %select_n3A_61 : i32
      %select_n3A_72 = arith.select %and3A_70, %add3A_71, %rem3A_62 : i32
      %mul3A_73 = arith.constant 16 : i32
      %mul3A_74 = arith.muli %select_n3A_72, %mul3A_73 : i32
      %swap3A = arith.index_cast %select_n3A : i32 to index
      %swap3A_75 = arith.index_cast %mul3A_74 : i32 to index
      %swap3A_76 = tpu.vector_load %arg8[%swap3A, %swap3A_75] {strides = array<i32>} : memref<128x128xf32, #tpu.memory_space<vmem>>, vector<1x16xf32>,
      %swap3A_77 = vector.shape_cast %swap3A_76 : vector<1x16xf32> to vector<16xf32>
      %swap3A_78 = vector.shape_cast %broadcast_in_dim3A_39 : vector<16xf32> to vector<1x16xf32>
      tpu.vector_store %arg8[%swap3A, %swap3A_75], %swap3A_78 {strides = array<i32>} : memref<128x128xf32, #tpu.memory_space<vmem>>, vector<1x16xf32>,
    }
    %scan3A_14 = arith.constant 1024 : i32
    %mul3A_15 = arith.constant 320 : i32
    %mul3A_16 = arith.muli %arg1, %mul3A_15 : i32
    "tpu.region"() ({
      %run_scoped3A = tpu.sem_alloc : memref<!tpu.dma_semaphore, #tpu.memory_space<semaphore_mem>>
      %dma_start3A = arith.constant 0 : i32
      %dma_start3A_38 = tpu.memref_slice %arg10[%mul3A_16, %dma_start3A] : memref<5120x128xf32, #tpu.memory_space<vmem_shared>> -> memref<128x128xf32, #tpu.memory_space<vmem_shared>>
      %dma_start3A_39 = arith.constant 0 : i32
      %dma_start3A_40 = tpu.memref_slice %arg10[%mul3A_16, %dma_start3A_39] : memref<5120x128xf32, #tpu.memory_space<vmem_shared>> -> memref<128x128xf32, #tpu.memory_space<vmem_shared>>
      tpu.enqueue_dma source(%arg8 : memref<128x128xf32, #tpu.memory_space<vmem>>) target(%dma_start3A_40 : memref<128x128xf32, #tpu.memory_space<vmem_shared>>) target_semaphore(%run_scoped3A : memref<!tpu.dma_semaphore, #tpu.memory_space<semaphore_mem>>)
      %dma_wait3A = arith.constant 0 : i32
      %dma_wait3A_41 = tpu.memref_slice %arg10[%mul3A_16, %dma_wait3A] : memref<5120x128xf32, #tpu.memory_space<vmem_shared>> -> memref<128x128xf32, #tpu.memory_space<vmem_shared>>
      %dma_wait3A_42 = arith.constant 0 : i32
      %dma_wait3A_43 = tpu.memref_slice %arg10[%mul3A_16, %dma_wait3A_42] : memref<5120x128xf32, #tpu.memory_space<vmem_shared>> -> memref<128x128xf32, #tpu.memory_space<vmem_shared>>
      tpu.wait_dma2 semaphore(%run_scoped3A : memref<!tpu.dma_semaphore, #tpu.memory_space<semaphore_mem>>) src(%arg8 : memref<128x128xf32, #tpu.memory_space<vmem>>) dst(%dma_wait3A_43 : memref<128x128xf32, #tpu.memory_space<vmem_shared>>)
      tpu.yield
    }) : () -> ()
    %add3A_17 = arith.constant 128 : i32
    %add3A_18 = arith.addi %mul3A_16, %add3A_17 : i32
    "tpu.region"() ({
      %run_scoped3A = tpu.sem_alloc : memref<!tpu.dma_semaphore, #tpu.memory_space<semaphore_mem>>
      %dma_start3A = arith.constant 0 : i32
      %dma_start3A_38 = tpu.memref_slice %arg10[%add3A_18, %dma_start3A] : memref<5120x128xf32, #tpu.memory_space<vmem_shared>> -> memref<128x128xf32, #tpu.memory_space<vmem_shared>>
      %dma_start3A_39 = arith.constant 0 : i32
      %dma_start3A_40 = tpu.memref_slice %arg10[%add3A_18, %dma_start3A_39] : memref<5120x128xf32, #tpu.memory_space<vmem_shared>> -> memref<128x128xf32, #tpu.memory_space<vmem_shared>>
      tpu.enqueue_dma source(%arg8 : memref<128x128xf32, #tpu.memory_space<vmem>>) target(%dma_start3A_40 : memref<128x128xf32, #tpu.memory_space<vmem_shared>>) target_semaphore(%run_scoped3A : memref<!tpu.dma_semaphore, #tpu.memory_space<semaphore_mem>>)
      %dma_wait3A = arith.constant 0 : i32
      %dma_wait3A_41 = tpu.memref_slice %arg10[%add3A_18, %dma_wait3A] : memref<5120x128xf32, #tpu.memory_space<vmem_shared>> -> memref<128x128xf32, #tpu.memory_space<vmem_shared>>
      %dma_wait3A_42 = arith.constant 0 : i32
      %dma_wait3A_43 = tpu.memref_slice %arg10[%add3A_18, %dma_wait3A_42] : memref<5120x128xf32, #tpu.memory_space<vmem_shared>> -> memref<128x128xf32, #tpu.memory_space<vmem_shared>>
      tpu.wait_dma2 semaphore(%run_scoped3A : memref<!tpu.dma_semaphore, #tpu.memory_space<semaphore_mem>>) src(%arg8 : memref<128x128xf32, #tpu.memory_space<vmem>>) dst(%dma_wait3A_43 : memref<128x128xf32, #tpu.memory_space<vmem_shared>>)
      tpu.yield
    }) : () -> ()
    %add3A_19 = arith.constant 256 : i32
    %add3A_20 = arith.addi %mul3A_16, %add3A_19 : i32
    "tpu.region"() ({
      %run_scoped3A = tpu.sem_alloc : memref<!tpu.dma_semaphore, #tpu.memory_space<semaphore_mem>>
      %dma_start3A = arith.constant 0 : i32
      %dma_start3A_38 = arith.constant 0 : i32
      %dma_start3A_39 = tpu.memref_slice %arg8[%dma_start3A, %dma_start3A_38] : memref<128x128xf32, #tpu.memory_space<vmem>> -> memref<64x128xf32, #tpu.memory_space<vmem>>
      %dma_start3A_40 = arith.constant 0 : i32
      %dma_start3A_41 = tpu.memref_slice %arg10[%add3A_20, %dma_start3A_40] : memref<5120x128xf32, #tpu.memory_space<vmem_shared>> -> memref<64x128xf32, #tpu.memory_space<vmem_shared>>
      %dma_start3A_42 = arith.constant 0 : i32
      %dma_start3A_43 = tpu.memref_slice %arg10[%add3A_20, %dma_start3A_42] : memref<5120x128xf32, #tpu.memory_space<vmem_shared>> -> memref<64x128xf32, #tpu.memory_space<vmem_shared>>
      %dma_start3A_44 = arith.constant 0 : i32
      %dma_start3A_45 = arith.constant 0 : i32
      %dma_start3A_46 = tpu.memref_slice %arg8[%dma_start3A_44, %dma_start3A_45] : memref<128x128xf32, #tpu.memory_space<vmem>> -> memref<64x128xf32, #tpu.memory_space<vmem>>
      tpu.enqueue_dma source(%dma_start3A_46 : memref<64x128xf32, #tpu.memory_space<vmem>>) target(%dma_start3A_43 : memref<64x128xf32, #tpu.memory_space<vmem_shared>>) target_semaphore(%run_scoped3A : memref<!tpu.dma_semaphore, #tpu.memory_space<semaphore_mem>>)
      %dma_wait3A = arith.constant 0 : i32
      %dma_wait3A_47 = arith.constant 0 : i32
      %dma_wait3A_48 = tpu.memref_slice %arg8[%dma_wait3A, %dma_wait3A_47] : memref<128x128xf32, #tpu.memory_space<vmem>> -> memref<64x128xf32, #tpu.memory_space<vmem>>
      %dma_wait3A_49 = arith.constant 0 : i32
      %dma_wait3A_50 = tpu.memref_slice %arg10[%add3A_20, %dma_wait3A_49] : memref<5120x128xf32, #tpu.memory_space<vmem_shared>> -> memref<64x128xf32, #tpu.memory_space<vmem_shared>>
      %dma_wait3A_51 = arith.constant 0 : i32
      %dma_wait3A_52 = tpu.memref_slice %arg10[%add3A_20, %dma_wait3A_51] : memref<5120x128xf32, #tpu.memory_space<vmem_shared>> -> memref<64x128xf32, #tpu.memory_space<vmem_shared>>
      %dma_wait3A_53 = arith.constant 0 : i32
      %dma_wait3A_54 = arith.constant 0 : i32
      %dma_wait3A_55 = tpu.memref_slice %arg8[%dma_wait3A_53, %dma_wait3A_54] : memref<128x128xf32, #tpu.memory_space<vmem>> -> memref<64x128xf32, #tpu.memory_space<vmem>>
      tpu.wait_dma2 semaphore(%run_scoped3A : memref<!tpu.dma_semaphore, #tpu.memory_space<semaphore_mem>>) src(%dma_wait3A_55 : memref<64x128xf32, #tpu.memory_space<vmem>>) dst(%dma_wait3A_52 : memref<64x128xf32, #tpu.memory_space<vmem_shared>>)
      tpu.yield
    }) : () -> ()
    %barrier3A = arith.constant 0 : index
    tpu.barrier barrier_id(%barrier3A)
    %scan3A_21 = arith.constant 0 : i32
    %scan3A_22 = arith.constant 0 : i32
    %scan3A_23 = arith.constant 5 : i32
    %scan3A_24 = arith.addi %scan3A_22, %scan3A_23 : i32
    %scan3A_25 = arith.constant 1 : i32
    scf.for %scan3A_38 = %scan3A_22 to %scan3A_24 step %scan3A_25  : i32 {
      %mul3A_39 = arith.constant 16 : i32
      %mul3A_40 = arith.muli %scan3A_38, %mul3A_39 : i32
      "tpu.region"() ({
        %run_scoped3A = tpu.sem_alloc : memref<!tpu.dma_semaphore, #tpu.memory_space<semaphore_mem>>
        %dma_start3A_487 = arith.constant 0 : i32
        %dma_start3A_488 = arith.constant 0 : i32
        %dma_start3A_489 = tpu.memref_slice %arg2[%arg0, %arg1, %dma_start3A_487, %dma_start3A_488] : memref<2x16x80x128xi32, #tpu.memory_space<hbm>> -> memref<1x1x80x128xi32, #tpu.memory_space<hbm>>
        %dma_start3A_490 = tpu.memref_squeeze %dma_start3A_489 : memref<1x1x80x128xi32, #tpu.memory_space<hbm>> -> memref<80x128xi32, #tpu.memory_space<hbm>>
        %dma_start3A_491 = arith.constant 0 : i32
        %dma_start3A_492 = tpu.memref_slice %dma_start3A_490[%mul3A_40, %dma_start3A_491] : memref<80x128xi32, #tpu.memory_space<hbm>> -> memref<16x128xi32, #tpu.memory_space<hbm>>
        %dma_start3A_493 = arith.constant 0 : i32
        %dma_start3A_494 = arith.constant 0 : i32
        %dma_start3A_495 = tpu.memref_slice %arg2[%arg0, %arg1, %dma_start3A_493, %dma_start3A_494] : memref<2x16x80x128xi32, #tpu.memory_space<hbm>> -> memref<1x1x80x128xi32, #tpu.memory_space<hbm>>
        %dma_start3A_496 = tpu.memref_squeeze %dma_start3A_495 : memref<1x1x80x128xi32, #tpu.memory_space<hbm>> -> memref<80x128xi32, #tpu.memory_space<hbm>>
        %dma_start3A_497 = arith.constant 0 : i32
        %dma_start3A_498 = tpu.memref_slice %dma_start3A_496[%mul3A_40, %dma_start3A_497] : memref<80x128xi32, #tpu.memory_space<hbm>> -> memref<16x128xi32, #tpu.memory_space<hbm>>
        tpu.enqueue_dma source(%dma_start3A_498 : memref<16x128xi32, #tpu.memory_space<hbm>>) target(%arg6 : memref<16x128xi32, #tpu.memory_space<vmem>>) target_semaphore(%run_scoped3A : memref<!tpu.dma_semaphore, #tpu.memory_space<semaphore_mem>>)
        %dma_wait3A_499 = arith.constant 0 : i32
        %dma_wait3A_500 = arith.constant 0 : i32
        %dma_wait3A_501 = tpu.memref_slice %arg2[%arg0, %arg1, %dma_wait3A_499, %dma_wait3A_500] : memref<2x16x80x128xi32, #tpu.memory_space<hbm>> -> memref<1x1x80x128xi32, #tpu.memory_space<hbm>>
        %dma_wait3A_502 = tpu.memref_squeeze %dma_wait3A_501 : memref<1x1x80x128xi32, #tpu.memory_space<hbm>> -> memref<80x128xi32, #tpu.memory_space<hbm>>
        %dma_wait3A_503 = arith.constant 0 : i32
        %dma_wait3A_504 = tpu.memref_slice %dma_wait3A_502[%mul3A_40, %dma_wait3A_503] : memref<80x128xi32, #tpu.memory_space<hbm>> -> memref<16x128xi32, #tpu.memory_space<hbm>>
        %dma_wait3A_505 = arith.constant 0 : i32
        %dma_wait3A_506 = arith.constant 0 : i32
        %dma_wait3A_507 = tpu.memref_slice %arg2[%arg0, %arg1, %dma_wait3A_505, %dma_wait3A_506] : memref<2x16x80x128xi32, #tpu.memory_space<hbm>> -> memref<1x1x80x128xi32, #tpu.memory_space<hbm>>
        %dma_wait3A_508 = tpu.memref_squeeze %dma_wait3A_507 : memref<1x1x80x128xi32, #tpu.memory_space<hbm>> -> memref<80x128xi32, #tpu.memory_space<hbm>>
        %dma_wait3A_509 = arith.constant 0 : i32
        %dma_wait3A_510 = tpu.memref_slice %dma_wait3A_508[%mul3A_40, %dma_wait3A_509] : memref<80x128xi32, #tpu.memory_space<hbm>> -> memref<16x128xi32, #tpu.memory_space<hbm>>
        tpu.wait_dma2 semaphore(%run_scoped3A : memref<!tpu.dma_semaphore, #tpu.memory_space<semaphore_mem>>) src(%dma_wait3A_510 : memref<16x128xi32, #tpu.memory_space<hbm>>) dst(%arg6 : memref<16x128xi32, #tpu.memory_space<vmem>>)
        tpu.yield
      }) : () -> ()
      "tpu.region"() ({
        %run_scoped3A = tpu.sem_alloc : memref<!tpu.dma_semaphore, #tpu.memory_space<semaphore_mem>>
        %dma_start3A_487 = arith.constant 0 : i32
        %dma_start3A_488 = arith.constant 0 : i32
        %dma_start3A_489 = tpu.memref_slice %arg3[%arg0, %arg1, %dma_start3A_487, %dma_start3A_488] : memref<2x16x80x128xi32, #tpu.memory_space<hbm>> -> memref<1x1x80x128xi32, #tpu.memory_space<hbm>>
        %dma_start3A_490 = tpu.memref_squeeze %dma_start3A_489 : memref<1x1x80x128xi32, #tpu.memory_space<hbm>> -> memref<80x128xi32, #tpu.memory_space<hbm>>
        %dma_start3A_491 = arith.constant 0 : i32
        %dma_start3A_492 = tpu.memref_slice %dma_start3A_490[%mul3A_40, %dma_start3A_491] : memref<80x128xi32, #tpu.memory_space<hbm>> -> memref<16x128xi32, #tpu.memory_space<hbm>>
        %dma_start3A_493 = arith.constant 0 : i32
        %dma_start3A_494 = arith.constant 0 : i32
        %dma_start3A_495 = tpu.memref_slice %arg3[%arg0, %arg1, %dma_start3A_493, %dma_start3A_494] : memref<2x16x80x128xi32, #tpu.memory_space<hbm>> -> memref<1x1x80x128xi32, #tpu.memory_space<hbm>>
        %dma_start3A_496 = tpu.memref_squeeze %dma_start3A_495 : memref<1x1x80x128xi32, #tpu.memory_space<hbm>> -> memref<80x128xi32, #tpu.memory_space<hbm>>
        %dma_start3A_497 = arith.constant 0 : i32
        %dma_start3A_498 = tpu.memref_slice %dma_start3A_496[%mul3A_40, %dma_start3A_497] : memref<80x128xi32, #tpu.memory_space<hbm>> -> memref<16x128xi32, #tpu.memory_space<hbm>>
        tpu.enqueue_dma source(%dma_start3A_498 : memref<16x128xi32, #tpu.memory_space<hbm>>) target(%arg7 : memref<16x128xi32, #tpu.memory_space<vmem>>) target_semaphore(%run_scoped3A : memref<!tpu.dma_semaphore, #tpu.memory_space<semaphore_mem>>)
        %dma_wait3A_499 = arith.constant 0 : i32
        %dma_wait3A_500 = arith.constant 0 : i32
        %dma_wait3A_501 = tpu.memref_slice %arg3[%arg0, %arg1, %dma_wait3A_499, %dma_wait3A_500] : memref<2x16x80x128xi32, #tpu.memory_space<hbm>> -> memref<1x1x80x128xi32, #tpu.memory_space<hbm>>
        %dma_wait3A_502 = tpu.memref_squeeze %dma_wait3A_501 : memref<1x1x80x128xi32, #tpu.memory_space<hbm>> -> memref<80x128xi32, #tpu.memory_space<hbm>>
        %dma_wait3A_503 = arith.constant 0 : i32
        %dma_wait3A_504 = tpu.memref_slice %dma_wait3A_502[%mul3A_40, %dma_wait3A_503] : memref<80x128xi32, #tpu.memory_space<hbm>> -> memref<16x128xi32, #tpu.memory_space<hbm>>
        %dma_wait3A_505 = arith.constant 0 : i32
        %dma_wait3A_506 = arith.constant 0 : i32
        %dma_wait3A_507 = tpu.memref_slice %arg3[%arg0, %arg1, %dma_wait3A_505, %dma_wait3A_506] : memref<2x16x80x128xi32, #tpu.memory_space<hbm>> -> memref<1x1x80x128xi32, #tpu.memory_space<hbm>>
        %dma_wait3A_508 = tpu.memref_squeeze %dma_wait3A_507 : memref<1x1x80x128xi32, #tpu.memory_space<hbm>> -> memref<80x128xi32, #tpu.memory_space<hbm>>
        %dma_wait3A_509 = arith.constant 0 : i32
        %dma_wait3A_510 = tpu.memref_slice %dma_wait3A_508[%mul3A_40, %dma_wait3A_509] : memref<80x128xi32, #tpu.memory_space<hbm>> -> memref<16x128xi32, #tpu.memory_space<hbm>>
        tpu.wait_dma2 semaphore(%run_scoped3A : memref<!tpu.dma_semaphore, #tpu.memory_space<semaphore_mem>>) src(%dma_wait3A_510 : memref<16x128xi32, #tpu.memory_space<hbm>>) dst(%arg7 : memref<16x128xi32, #tpu.memory_space<vmem>>)
        tpu.yield
      }) : () -> ()
      %dma_start3A = arith.constant 0 : i32
      %dma_start3A_41 = arith.constant 0 : i32
      %dma_start3A_42 = tpu.memref_slice %arg6[%dma_start3A, %dma_start3A_41] : memref<16x128xi32, #tpu.memory_space<vmem>> -> memref<1x128xi32, #tpu.memory_space<vmem>>
      %dma_start3A_43 = tpu.memref_squeeze %dma_start3A_42 : memref<1x128xi32, #tpu.memory_space<vmem>> -> memref<128xi32, #tpu.memory_space<vmem>>
      %dma_start3A_44 = arith.constant 0 : i32
      %dma_start3A_45 = arith.constant 0 : i32
      %dma_start3A_46 = tpu.memref_slice %arg11[%dma_start3A_44, %dma_start3A_45] : memref<5120x128xf32, #tpu.memory_space<vmem_shared>> -> memref<5120x128xf32, #tpu.memory_space<vmem_shared>>
      tpu.enqueue_indirect_dma source(%dma_start3A_46 : memref<5120x128xf32, #tpu.memory_space<vmem_shared>>) target(%arg8 : memref<128x128xf32, #tpu.memory_space<vmem>>) offsets(%dma_start3A_43 : memref<128xi32, #tpu.memory_space<vmem>>) semaphore(%arg12 : memref<!tpu.dma_semaphore, #tpu.memory_space<semaphore_mem>>)
      %dma_start3A_47 = arith.constant 1 : i32
      %dma_start3A_48 = arith.constant 0 : i32
      %dma_start3A_49 = tpu.memref_slice %arg6[%dma_start3A_47, %dma_start3A_48] : memref<16x128xi32, #tpu.memory_space<vmem>> -> memref<1x128xi32, #tpu.memory_space<vmem>>
      %dma_start3A_50 = tpu.memref_squeeze %dma_start3A_49 : memref<1x128xi32, #tpu.memory_space<vmem>> -> memref<128xi32, #tpu.memory_space<vmem>>
      %dma_start3A_51 = arith.constant 0 : i32
      %dma_start3A_52 = arith.constant 0 : i32
      %dma_start3A_53 = tpu.memref_slice %arg11[%dma_start3A_51, %dma_start3A_52] : memref<5120x128xf32, #tpu.memory_space<vmem_shared>> -> memref<5120x128xf32, #tpu.memory_space<vmem_shared>>
      tpu.enqueue_indirect_dma source(%dma_start3A_53 : memref<5120x128xf32, #tpu.memory_space<vmem_shared>>) target(%arg9 : memref<128x128xf32, #tpu.memory_space<vmem>>) offsets(%dma_start3A_50 : memref<128xi32, #tpu.memory_space<vmem>>) semaphore(%arg13 : memref<!tpu.dma_semaphore, #tpu.memory_space<semaphore_mem>>)
      %dma_wait3A = arith.constant 0 : i32
      %dma_wait3A_54 = arith.constant 0 : i32
      %dma_wait3A_55 = tpu.memref_slice %arg6[%dma_wait3A, %dma_wait3A_54] : memref<16x128xi32, #tpu.memory_space<vmem>> -> memref<1x128xi32, #tpu.memory_space<vmem>>
      %dma_wait3A_56 = tpu.memref_squeeze %dma_wait3A_55 : memref<1x128xi32, #tpu.memory_space<vmem>> -> memref<128xi32, #tpu.memory_space<vmem>>
      %dma_wait3A_57 = arith.constant 0 : i32
      %dma_wait3A_58 = arith.constant 0 : i32
      %dma_wait3A_59 = tpu.memref_slice %arg11[%dma_wait3A_57, %dma_wait3A_58] : memref<5120x128xf32, #tpu.memory_space<vmem_shared>> -> memref<5120x128xf32, #tpu.memory_space<vmem_shared>>
      tpu.wait_indirect_dma semaphore(%arg12 : memref<!tpu.dma_semaphore, #tpu.memory_space<semaphore_mem>>) src(%dma_wait3A_59 : memref<5120x128xf32, #tpu.memory_space<vmem_shared>>) dst(%arg8 : memref<128x128xf32, #tpu.memory_space<vmem>>)
      %dma_start3A_60 = arith.constant 0 : i32
      %dma_start3A_61 = arith.constant 0 : i32
      %dma_start3A_62 = tpu.memref_slice %arg7[%dma_start3A_60, %dma_start3A_61] : memref<16x128xi32, #tpu.memory_space<vmem>> -> memref<1x128xi32, #tpu.memory_space<vmem>>
      %dma_start3A_63 = tpu.memref_squeeze %dma_start3A_62 : memref<1x128xi32, #tpu.memory_space<vmem>> -> memref<128xi32, #tpu.memory_space<vmem>>
      %dma_start3A_64 = arith.constant 0 : i32
      %dma_start3A_65 = arith.constant 0 : i32
      %dma_start3A_66 = tpu.memref_slice %arg10[%dma_start3A_64, %dma_start3A_65] : memref<5120x128xf32, #tpu.memory_space<vmem_shared>> -> memref<5120x128xf32, #tpu.memory_space<vmem_shared>>
      tpu.enqueue_indirect_dma source(%arg8 : memref<128x128xf32, #tpu.memory_space<vmem>>) target(%dma_start3A_66 : memref<5120x128xf32, #tpu.memory_space<vmem_shared>>) offsets(%dma_start3A_63 : memref<128xi32, #tpu.memory_space<vmem>>) semaphore(%arg14 : memref<!tpu.dma_semaphore, #tpu.memory_space<semaphore_mem>>) {add = true}
      %dma_wait3A_67 = arith.constant 0 : i32
      %dma_wait3A_68 = arith.constant 0 : i32
      %dma_wait3A_69 = tpu.memref_slice %arg7[%dma_wait3A_67, %dma_wait3A_68] : memref<16x128xi32, #tpu.memory_space<vmem>> -> memref<1x128xi32, #tpu.memory_space<vmem>>
      %dma_wait3A_70 = tpu.memref_squeeze %dma_wait3A_69 : memref<1x128xi32, #tpu.memory_space<vmem>> -> memref<128xi32, #tpu.memory_space<vmem>>
      %dma_wait3A_71 = arith.constant 0 : i32
      %dma_wait3A_72 = arith.constant 0 : i32
      %dma_wait3A_73 = tpu.memref_slice %arg10[%dma_wait3A_71, %dma_wait3A_72] : memref<5120x128xf32, #tpu.memory_space<vmem_shared>> -> memref<5120x128xf32, #tpu.memory_space<vmem_shared>>
      tpu.wait_indirect_dma semaphore(%arg14 : memref<!tpu.dma_semaphore, #tpu.memory_space<semaphore_mem>>) src(%arg8 : memref<128x128xf32, #tpu.memory_space<vmem>>) dst(%dma_wait3A_73 : memref<5120x128xf32, #tpu.memory_space<vmem_shared>>)
      %dma_start3A_74 = arith.constant 2 : i32
      %dma_start3A_75 = arith.constant 0 : i32
      %dma_start3A_76 = tpu.memref_slice %arg6[%dma_start3A_74, %dma_start3A_75] : memref<16x128xi32, #tpu.memory_space<vmem>> -> memref<1x128xi32, #tpu.memory_space<vmem>>
      %dma_start3A_77 = tpu.memref_squeeze %dma_start3A_76 : memref<1x128xi32, #tpu.memory_space<vmem>> -> memref<128xi32, #tpu.memory_space<vmem>>
      %dma_start3A_78 = arith.constant 0 : i32
      %dma_start3A_79 = arith.constant 0 : i32
      %dma_start3A_80 = tpu.memref_slice %arg11[%dma_start3A_78, %dma_start3A_79] : memref<5120x128xf32, #tpu.memory_space<vmem_shared>> -> memref<5120x128xf32, #tpu.memory_space<vmem_shared>>
      tpu.enqueue_indirect_dma source(%dma_start3A_80 : memref<5120x128xf32, #tpu.memory_space<vmem_shared>>) target(%arg8 : memref<128x128xf32, #tpu.memory_space<vmem>>) offsets(%dma_start3A_77 : memref<128xi32, #tpu.memory_space<vmem>>) semaphore(%arg12 : memref<!tpu.dma_semaphore, #tpu.memory_space<semaphore_mem>>)
      %dma_wait3A_81 = arith.constant 1 : i32
      %dma_wait3A_82 = arith.constant 0 : i32
      %dma_wait3A_83 = tpu.memref_slice %arg6[%dma_wait3A_81, %dma_wait3A_82] : memref<16x128xi32, #tpu.memory_space<vmem>> -> memref<1x128xi32, #tpu.memory_space<vmem>>
      %dma_wait3A_84 = tpu.memref_squeeze %dma_wait3A_83 : memref<1x128xi32, #tpu.memory_space<vmem>> -> memref<128xi32, #tpu.memory_space<vmem>>
      %dma_wait3A_85 = arith.constant 0 : i32
      %dma_wait3A_86 = arith.constant 0 : i32
      %dma_wait3A_87 = tpu.memref_slice %arg11[%dma_wait3A_85, %dma_wait3A_86] : memref<5120x128xf32, #tpu.memory_space<vmem_shared>> -> memref<5120x128xf32, #tpu.memory_space<vmem_shared>>
      tpu.wait_indirect_dma semaphore(%arg13 : memref<!tpu.dma_semaphore, #tpu.memory_space<semaphore_mem>>) src(%dma_wait3A_87 : memref<5120x128xf32, #tpu.memory_space<vmem_shared>>) dst(%arg9 : memref<128x128xf32, #tpu.memory_space<vmem>>)
      %dma_start3A_88 = arith.constant 1 : i32
      %dma_start3A_89 = arith.constant 0 : i32
      %dma_start3A_90 = tpu.memref_slice %arg7[%dma_start3A_88, %dma_start3A_89] : memref<16x128xi32, #tpu.memory_space<vmem>> -> memref<1x128xi32, #tpu.memory_space<vmem>>
      %dma_start3A_91 = tpu.memref_squeeze %dma_start3A_90 : memref<1x128xi32, #tpu.memory_space<vmem>> -> memref<128xi32, #tpu.memory_space<vmem>>
      %dma_start3A_92 = arith.constant 0 : i32
      %dma_start3A_93 = arith.constant 0 : i32
      %dma_start3A_94 = tpu.memref_slice %arg10[%dma_start3A_92, %dma_start3A_93] : memref<5120x128xf32, #tpu.memory_space<vmem_shared>> -> memref<5120x128xf32, #tpu.memory_space<vmem_shared>>
      tpu.enqueue_indirect_dma source(%arg9 : memref<128x128xf32, #tpu.memory_space<vmem>>) target(%dma_start3A_94 : memref<5120x128xf32, #tpu.memory_space<vmem_shared>>) offsets(%dma_start3A_91 : memref<128xi32, #tpu.memory_space<vmem>>) semaphore(%arg15 : memref<!tpu.dma_semaphore, #tpu.memory_space<semaphore_mem>>) {add = true}
      %dma_wait3A_95 = arith.constant 1 : i32
      %dma_wait3A_96 = arith.constant 0 : i32
      %dma_wait3A_97 = tpu.memref_slice %arg7[%dma_wait3A_95, %dma_wait3A_96] : memref<16x128xi32, #tpu.memory_space<vmem>> -> memref<1x128xi32, #tpu.memory_space<vmem>>
      %dma_wait3A_98 = tpu.memref_squeeze %dma_wait3A_97 : memref<1x128xi32, #tpu.memory_space<vmem>> -> memref<128xi32, #tpu.memory_space<vmem>>
      %dma_wait3A_99 = arith.constant 0 : i32
      %dma_wait3A_100 = arith.constant 0 : i32
      %dma_wait3A_101 = tpu.memref_slice %arg10[%dma_wait3A_99, %dma_wait3A_100] : memref<5120x128xf32, #tpu.memory_space<vmem_shared>> -> memref<5120x128xf32, #tpu.memory_space<vmem_shared>>
      tpu.wait_indirect_dma semaphore(%arg15 : memref<!tpu.dma_semaphore, #tpu.memory_space<semaphore_mem>>) src(%arg9 : memref<128x128xf32, #tpu.memory_space<vmem>>) dst(%dma_wait3A_101 : memref<5120x128xf32, #tpu.memory_space<vmem_shared>>)
      %dma_start3A_102 = arith.constant 3 : i32
      %dma_start3A_103 = arith.constant 0 : i32
      %dma_start3A_104 = tpu.memref_slice %arg6[%dma_start3A_102, %dma_start3A_103] : memref<16x128xi32, #tpu.memory_space<vmem>> -> memref<1x128xi32, #tpu.memory_space<vmem>>
      %dma_start3A_105 = tpu.memref_squeeze %dma_start3A_104 : memref<1x128xi32, #tpu.memory_space<vmem>> -> memref<128xi32, #tpu.memory_space<vmem>>
      %dma_start3A_106 = arith.constant 0 : i32
      %dma_start3A_107 = arith.constant 0 : i32
      %dma_start3A_108 = tpu.memref_slice %arg11[%dma_start3A_106, %dma_start3A_107] : memref<5120x128xf32, #tpu.memory_space<vmem_shared>> -> memref<5120x128xf32, #tpu.memory_space<vmem_shared>>
      tpu.enqueue_indirect_dma source(%dma_start3A_108 : memref<5120x128xf32, #tpu.memory_space<vmem_shared>>) target(%arg9 : memref<128x128xf32, #tpu.memory_space<vmem>>) offsets(%dma_start3A_105 : memref<128xi32, #tpu.memory_space<vmem>>) semaphore(%arg13 : memref<!tpu.dma_semaphore, #tpu.memory_space<semaphore_mem>>)
      %dma_wait3A_109 = arith.constant 2 : i32
      %dma_wait3A_110 = arith.constant 0 : i32
      %dma_wait3A_111 = tpu.memref_slice %arg6[%dma_wait3A_109, %dma_wait3A_110] : memref<16x128xi32, #tpu.memory_space<vmem>> -> memref<1x128xi32, #tpu.memory_space<vmem>>
      %dma_wait3A_112 = tpu.memref_squeeze %dma_wait3A_111 : memref<1x128xi32, #tpu.memory_space<vmem>> -> memref<128xi32, #tpu.memory_space<vmem>>
      %dma_wait3A_113 = arith.constant 0 : i32
      %dma_wait3A_114 = arith.constant 0 : i32
      %dma_wait3A_115 = tpu.memref_slice %arg11[%dma_wait3A_113, %dma_wait3A_114] : memref<5120x128xf32, #tpu.memory_space<vmem_shared>> -> memref<5120x128xf32, #tpu.memory_space<vmem_shared>>
      tpu.wait_indirect_dma semaphore(%arg12 : memref<!tpu.dma_semaphore, #tpu.memory_space<semaphore_mem>>) src(%dma_wait3A_115 : memref<5120x128xf32, #tpu.memory_space<vmem_shared>>) dst(%arg8 : memref<128x128xf32, #tpu.memory_space<vmem>>)
      %dma_start3A_116 = arith.constant 2 : i32
      %dma_start3A_117 = arith.constant 0 : i32
      %dma_start3A_118 = tpu.memref_slice %arg7[%dma_start3A_116, %dma_start3A_117] : memref<16x128xi32, #tpu.memory_space<vmem>> -> memref<1x128xi32, #tpu.memory_space<vmem>>
      %dma_start3A_119 = tpu.memref_squeeze %dma_start3A_118 : memref<1x128xi32, #tpu.memory_space<vmem>> -> memref<128xi32, #tpu.memory_space<vmem>>
      %dma_start3A_120 = arith.constant 0 : i32
      %dma_start3A_121 = arith.constant 0 : i32
      %dma_start3A_122 = tpu.memref_slice %arg10[%dma_start3A_120, %dma_start3A_121] : memref<5120x128xf32, #tpu.memory_space<vmem_shared>> -> memref<5120x128xf32, #tpu.memory_space<vmem_shared>>
      tpu.enqueue_indirect_dma source(%arg8 : memref<128x128xf32, #tpu.memory_space<vmem>>) target(%dma_start3A_122 : memref<5120x128xf32, #tpu.memory_space<vmem_shared>>) offsets(%dma_start3A_119 : memref<128xi32, #tpu.memory_space<vmem>>) semaphore(%arg14 : memref<!tpu.dma_semaphore, #tpu.memory_space<semaphore_mem>>) {add = true}
      %dma_wait3A_123 = arith.constant 2 : i32
      %dma_wait3A_124 = arith.constant 0 : i32
      %dma_wait3A_125 = tpu.memref_slice %arg7[%dma_wait3A_123, %dma_wait3A_124] : memref<16x128xi32, #tpu.memory_space<vmem>> -> memref<1x128xi32, #tpu.memory_space<vmem>>
      %dma_wait3A_126 = tpu.memref_squeeze %dma_wait3A_125 : memref<1x128xi32, #tpu.memory_space<vmem>> -> memref<128xi32, #tpu.memory_space<vmem>>
      %dma_wait3A_127 = arith.constant 0 : i32
      %dma_wait3A_128 = arith.constant 0 : i32
      %dma_wait3A_129 = tpu.memref_slice %arg10[%dma_wait3A_127, %dma_wait3A_128] : memref<5120x128xf32, #tpu.memory_space<vmem_shared>> -> memref<5120x128xf32, #tpu.memory_space<vmem_shared>>
      tpu.wait_indirect_dma semaphore(%arg14 : memref<!tpu.dma_semaphore, #tpu.memory_space<semaphore_mem>>) src(%arg8 : memref<128x128xf32, #tpu.memory_space<vmem>>) dst(%dma_wait3A_129 : memref<5120x128xf32, #tpu.memory_space<vmem_shared>>)
      %dma_start3A_130 = arith.constant 4 : i32
      %dma_start3A_131 = arith.constant 0 : i32
      %dma_start3A_132 = tpu.memref_slice %arg6[%dma_start3A_130, %dma_start3A_131] : memref<16x128xi32, #tpu.memory_space<vmem>> -> memref<1x128xi32, #tpu.memory_space<vmem>>
      %dma_start3A_133 = tpu.memref_squeeze %dma_start3A_132 : memref<1x128xi32, #tpu.memory_space<vmem>> -> memref<128xi32, #tpu.memory_space<vmem>>
      %dma_start3A_134 = arith.constant 0 : i32
      %dma_start3A_135 = arith.constant 0 : i32
      %dma_start3A_136 = tpu.memref_slice %arg11[%dma_start3A_134, %dma_start3A_135] : memref<5120x128xf32, #tpu.memory_space<vmem_shared>> -> memref<5120x128xf32, #tpu.memory_space<vmem_shared>>
      tpu.enqueue_indirect_dma source(%dma_start3A_136 : memref<5120x128xf32, #tpu.memory_space<vmem_shared>>) target(%arg8 : memref<128x128xf32, #tpu.memory_space<vmem>>) offsets(%dma_start3A_133 : memref<128xi32, #tpu.memory_space<vmem>>) semaphore(%arg12 : memref<!tpu.dma_semaphore, #tpu.memory_space<semaphore_mem>>)
      %dma_wait3A_137 = arith.constant 3 : i32
      %dma_wait3A_138 = arith.constant 0 : i32
      %dma_wait3A_139 = tpu.memref_slice %arg6[%dma_wait3A_137, %dma_wait3A_138] : memref<16x128xi32, #tpu.memory_space<vmem>> -> memref<1x128xi32, #tpu.memory_space<vmem>>
      %dma_wait3A_140 = tpu.memref_squeeze %dma_wait3A_139 : memref<1x128xi32, #tpu.memory_space<vmem>> -> memref<128xi32, #tpu.memory_space<vmem>>
      %dma_wait3A_141 = arith.constant 0 : i32
      %dma_wait3A_142 = arith.constant 0 : i32
      %dma_wait3A_143 = tpu.memref_slice %arg11[%dma_wait3A_141, %dma_wait3A_142] : memref<5120x128xf32, #tpu.memory_space<vmem_shared>> -> memref<5120x128xf32, #tpu.memory_space<vmem_shared>>
      tpu.wait_indirect_dma semaphore(%arg13 : memref<!tpu.dma_semaphore, #tpu.memory_space<semaphore_mem>>) src(%dma_wait3A_143 : memref<5120x128xf32, #tpu.memory_space<vmem_shared>>) dst(%arg9 : memref<128x128xf32, #tpu.memory_space<vmem>>)
      %dma_start3A_144 = arith.constant 3 : i32
      %dma_start3A_145 = arith.constant 0 : i32
      %dma_start3A_146 = tpu.memref_slice %arg7[%dma_start3A_144, %dma_start3A_145] : memref<16x128xi32, #tpu.memory_space<vmem>> -> memref<1x128xi32, #tpu.memory_space<vmem>>
      %dma_start3A_147 = tpu.memref_squeeze %dma_start3A_146 : memref<1x128xi32, #tpu.memory_space<vmem>> -> memref<128xi32, #tpu.memory_space<vmem>>
      %dma_start3A_148 = arith.constant 0 : i32
      %dma_start3A_149 = arith.constant 0 : i32
      %dma_start3A_150 = tpu.memref_slice %arg10[%dma_start3A_148, %dma_start3A_149] : memref<5120x128xf32, #tpu.memory_space<vmem_shared>> -> memref<5120x128xf32, #tpu.memory_space<vmem_shared>>
      tpu.enqueue_indirect_dma source(%arg9 : memref<128x128xf32, #tpu.memory_space<vmem>>) target(%dma_start3A_150 : memref<5120x128xf32, #tpu.memory_space<vmem_shared>>) offsets(%dma_start3A_147 : memref<128xi32, #tpu.memory_space<vmem>>) semaphore(%arg15 : memref<!tpu.dma_semaphore, #tpu.memory_space<semaphore_mem>>) {add = true}
      %dma_wait3A_151 = arith.constant 3 : i32
      %dma_wait3A_152 = arith.constant 0 : i32
      %dma_wait3A_153 = tpu.memref_slice %arg7[%dma_wait3A_151, %dma_wait3A_152] : memref<16x128xi32, #tpu.memory_space<vmem>> -> memref<1x128xi32, #tpu.memory_space<vmem>>
      %dma_wait3A_154 = tpu.memref_squeeze %dma_wait3A_153 : memref<1x128xi32, #tpu.memory_space<vmem>> -> memref<128xi32, #tpu.memory_space<vmem>>
      %dma_wait3A_155 = arith.constant 0 : i32
      %dma_wait3A_156 = arith.constant 0 : i32
      %dma_wait3A_157 = tpu.memref_slice %arg10[%dma_wait3A_155, %dma_wait3A_156] : memref<5120x128xf32, #tpu.memory_space<vmem_shared>> -> memref<5120x128xf32, #tpu.memory_space<vmem_shared>>
      tpu.wait_indirect_dma semaphore(%arg15 : memref<!tpu.dma_semaphore, #tpu.memory_space<semaphore_mem>>) src(%arg9 : memref<128x128xf32, #tpu.memory_space<vmem>>) dst(%dma_wait3A_157 : memref<5120x128xf32, #tpu.memory_space<vmem_shared>>)
      %dma_start3A_158 = arith.constant 5 : i32
      %dma_start3A_159 = arith.constant 0 : i32
      %dma_start3A_160 = tpu.memref_slice %arg6[%dma_start3A_158, %dma_start3A_159] : memref<16x128xi32, #tpu.memory_space<vmem>> -> memref<1x128xi32, #tpu.memory_space<vmem>>
      %dma_start3A_161 = tpu.memref_squeeze %dma_start3A_160 : memref<1x128xi32, #tpu.memory_space<vmem>> -> memref<128xi32, #tpu.memory_space<vmem>>
      %dma_start3A_162 = arith.constant 0 : i32
      %dma_start3A_163 = arith.constant 0 : i32
      %dma_start3A_164 = tpu.memref_slice %arg11[%dma_start3A_162, %dma_start3A_163] : memref<5120x128xf32, #tpu.memory_space<vmem_shared>> -> memref<5120x128xf32, #tpu.memory_space<vmem_shared>>
      tpu.enqueue_indirect_dma source(%dma_start3A_164 : memref<5120x128xf32, #tpu.memory_space<vmem_shared>>) target(%arg9 : memref<128x128xf32, #tpu.memory_space<vmem>>) offsets(%dma_start3A_161 : memref<128xi32, #tpu.memory_space<vmem>>) semaphore(%arg13 : memref<!tpu.dma_semaphore, #tpu.memory_space<semaphore_mem>>)
      %dma_wait3A_165 = arith.constant 4 : i32
      %dma_wait3A_166 = arith.constant 0 : i32
      %dma_wait3A_167 = tpu.memref_slice %arg6[%dma_wait3A_165, %dma_wait3A_166] : memref<16x128xi32, #tpu.memory_space<vmem>> -> memref<1x128xi32, #tpu.memory_space<vmem>>
      %dma_wait3A_168 = tpu.memref_squeeze %dma_wait3A_167 : memref<1x128xi32, #tpu.memory_space<vmem>> -> memref<128xi32, #tpu.memory_space<vmem>>
      %dma_wait3A_169 = arith.constant 0 : i32
      %dma_wait3A_170 = arith.constant 0 : i32
      %dma_wait3A_171 = tpu.memref_slice %arg11[%dma_wait3A_169, %dma_wait3A_170] : memref<5120x128xf32, #tpu.memory_space<vmem_shared>> -> memref<5120x128xf32, #tpu.memory_space<vmem_shared>>
      tpu.wait_indirect_dma semaphore(%arg12 : memref<!tpu.dma_semaphore, #tpu.memory_space<semaphore_mem>>) src(%dma_wait3A_171 : memref<5120x128xf32, #tpu.memory_space<vmem_shared>>) dst(%arg8 : memref<128x128xf32, #tpu.memory_space<vmem>>)
      %dma_start3A_172 = arith.constant 4 : i32
      %dma_start3A_173 = arith.constant 0 : i32
      %dma_start3A_174 = tpu.memref_slice %arg7[%dma_start3A_172, %dma_start3A_173] : memref<16x128xi32, #tpu.memory_space<vmem>> -> memref<1x128xi32, #tpu.memory_space<vmem>>
      %dma_start3A_175 = tpu.memref_squeeze %dma_start3A_174 : memref<1x128xi32, #tpu.memory_space<vmem>> -> memref<128xi32, #tpu.memory_space<vmem>>
      %dma_start3A_176 = arith.constant 0 : i32
      %dma_start3A_177 = arith.constant 0 : i32
      %dma_start3A_178 = tpu.memref_slice %arg10[%dma_start3A_176, %dma_start3A_177] : memref<5120x128xf32, #tpu.memory_space<vmem_shared>> -> memref<5120x128xf32, #tpu.memory_space<vmem_shared>>
      tpu.enqueue_indirect_dma source(%arg8 : memref<128x128xf32, #tpu.memory_space<vmem>>) target(%dma_start3A_178 : memref<5120x128xf32, #tpu.memory_space<vmem_shared>>) offsets(%dma_start3A_175 : memref<128xi32, #tpu.memory_space<vmem>>) semaphore(%arg14 : memref<!tpu.dma_semaphore, #tpu.memory_space<semaphore_mem>>) {add = true}
      %dma_wait3A_179 = arith.constant 4 : i32
      %dma_wait3A_180 = arith.constant 0 : i32
      %dma_wait3A_181 = tpu.memref_slice %arg7[%dma_wait3A_179, %dma_wait3A_180] : memref<16x128xi32, #tpu.memory_space<vmem>> -> memref<1x128xi32, #tpu.memory_space<vmem>>
      %dma_wait3A_182 = tpu.memref_squeeze %dma_wait3A_181 : memref<1x128xi32, #tpu.memory_space<vmem>> -> memref<128xi32, #tpu.memory_space<vmem>>
      %dma_wait3A_183 = arith.constant 0 : i32
      %dma_wait3A_184 = arith.constant 0 : i32
      %dma_wait3A_185 = tpu.memref_slice %arg10[%dma_wait3A_183, %dma_wait3A_184] : memref<5120x128xf32, #tpu.memory_space<vmem_shared>> -> memref<5120x128xf32, #tpu.memory_space<vmem_shared>>
      tpu.wait_indirect_dma semaphore(%arg14 : memref<!tpu.dma_semaphore, #tpu.memory_space<semaphore_mem>>) src(%arg8 : memref<128x128xf32, #tpu.memory_space<vmem>>) dst(%dma_wait3A_185 : memref<5120x128xf32, #tpu.memory_space<vmem_shared>>)
      %dma_start3A_186 = arith.constant 6 : i32
      %dma_start3A_187 = arith.constant 0 : i32
      %dma_start3A_188 = tpu.memref_slice %arg6[%dma_start3A_186, %dma_start3A_187] : memref<16x128xi32, #tpu.memory_space<vmem>> -> memref<1x128xi32, #tpu.memory_space<vmem>>
      %dma_start3A_189 = tpu.memref_squeeze %dma_start3A_188 : memref<1x128xi32, #tpu.memory_space<vmem>> -> memref<128xi32, #tpu.memory_space<vmem>>
      %dma_start3A_190 = arith.constant 0 : i32
      %dma_start3A_191 = arith.constant 0 : i32
      %dma_start3A_192 = tpu.memref_slice %arg11[%dma_start3A_190, %dma_start3A_191] : memref<5120x128xf32, #tpu.memory_space<vmem_shared>> -> memref<5120x128xf32, #tpu.memory_space<vmem_shared>>
      tpu.enqueue_indirect_dma source(%dma_start3A_192 : memref<5120x128xf32, #tpu.memory_space<vmem_shared>>) target(%arg8 : memref<128x128xf32, #tpu.memory_space<vmem>>) offsets(%dma_start3A_189 : memref<128xi32, #tpu.memory_space<vmem>>) semaphore(%arg12 : memref<!tpu.dma_semaphore, #tpu.memory_space<semaphore_mem>>)
      %dma_wait3A_193 = arith.constant 5 : i32
      %dma_wait3A_194 = arith.constant 0 : i32
      %dma_wait3A_195 = tpu.memref_slice %arg6[%dma_wait3A_193, %dma_wait3A_194] : memref<16x128xi32, #tpu.memory_space<vmem>> -> memref<1x128xi32, #tpu.memory_space<vmem>>
      %dma_wait3A_196 = tpu.memref_squeeze %dma_wait3A_195 : memref<1x128xi32, #tpu.memory_space<vmem>> -> memref<128xi32, #tpu.memory_space<vmem>>
      %dma_wait3A_197 = arith.constant 0 : i32
      %dma_wait3A_198 = arith.constant 0 : i32
      %dma_wait3A_199 = tpu.memref_slice %arg11[%dma_wait3A_197, %dma_wait3A_198] : memref<5120x128xf32, #tpu.memory_space<vmem_shared>> -> memref<5120x128xf32, #tpu.memory_space<vmem_shared>>
      tpu.wait_indirect_dma semaphore(%arg13 : memref<!tpu.dma_semaphore, #tpu.memory_space<semaphore_mem>>) src(%dma_wait3A_199 : memref<5120x128xf32, #tpu.memory_space<vmem_shared>>) dst(%arg9 : memref<128x128xf32, #tpu.memory_space<vmem>>)
      %dma_start3A_200 = arith.constant 5 : i32
      %dma_start3A_201 = arith.constant 0 : i32
      %dma_start3A_202 = tpu.memref_slice %arg7[%dma_start3A_200, %dma_start3A_201] : memref<16x128xi32, #tpu.memory_space<vmem>> -> memref<1x128xi32, #tpu.memory_space<vmem>>
      %dma_start3A_203 = tpu.memref_squeeze %dma_start3A_202 : memref<1x128xi32, #tpu.memory_space<vmem>> -> memref<128xi32, #tpu.memory_space<vmem>>
      %dma_start3A_204 = arith.constant 0 : i32
      %dma_start3A_205 = arith.constant 0 : i32
      %dma_start3A_206 = tpu.memref_slice %arg10[%dma_start3A_204, %dma_start3A_205] : memref<5120x128xf32, #tpu.memory_space<vmem_shared>> -> memref<5120x128xf32, #tpu.memory_space<vmem_shared>>
      tpu.enqueue_indirect_dma source(%arg9 : memref<128x128xf32, #tpu.memory_space<vmem>>) target(%dma_start3A_206 : memref<5120x128xf32, #tpu.memory_space<vmem_shared>>) offsets(%dma_start3A_203 : memref<128xi32, #tpu.memory_space<vmem>>) semaphore(%arg15 : memref<!tpu.dma_semaphore, #tpu.memory_space<semaphore_mem>>) {add = true}
      %dma_wait3A_207 = arith.constant 5 : i32
      %dma_wait3A_208 = arith.constant 0 : i32
      %dma_wait3A_209 = tpu.memref_slice %arg7[%dma_wait3A_207, %dma_wait3A_208] : memref<16x128xi32, #tpu.memory_space<vmem>> -> memref<1x128xi32, #tpu.memory_space<vmem>>
      %dma_wait3A_210 = tpu.memref_squeeze %dma_wait3A_209 : memref<1x128xi32, #tpu.memory_space<vmem>> -> memref<128xi32, #tpu.memory_space<vmem>>
      %dma_wait3A_211 = arith.constant 0 : i32
      %dma_wait3A_212 = arith.constant 0 : i32
      %dma_wait3A_213 = tpu.memref_slice %arg10[%dma_wait3A_211, %dma_wait3A_212] : memref<5120x128xf32, #tpu.memory_space<vmem_shared>> -> memref<5120x128xf32, #tpu.memory_space<vmem_shared>>
      tpu.wait_indirect_dma semaphore(%arg15 : memref<!tpu.dma_semaphore, #tpu.memory_space<semaphore_mem>>) src(%arg9 : memref<128x128xf32, #tpu.memory_space<vmem>>) dst(%dma_wait3A_213 : memref<5120x128xf32, #tpu.memory_space<vmem_shared>>)
      %dma_start3A_214 = arith.constant 7 : i32
      %dma_start3A_215 = arith.constant 0 : i32
      %dma_start3A_216 = tpu.memref_slice %arg6[%dma_start3A_214, %dma_start3A_215] : memref<16x128xi32, #tpu.memory_space<vmem>> -> memref<1x128xi32, #tpu.memory_space<vmem>>
      %dma_start3A_217 = tpu.memref_squeeze %dma_start3A_216 : memref<1x128xi32, #tpu.memory_space<vmem>> -> memref<128xi32, #tpu.memory_space<vmem>>
      %dma_start3A_218 = arith.constant 0 : i32
      %dma_start3A_219 = arith.constant 0 : i32
      %dma_start3A_220 = tpu.memref_slice %arg11[%dma_start3A_218, %dma_start3A_219] : memref<5120x128xf32, #tpu.memory_space<vmem_shared>> -> memref<5120x128xf32, #tpu.memory_space<vmem_shared>>
      tpu.enqueue_indirect_dma source(%dma_start3A_220 : memref<5120x128xf32, #tpu.memory_space<vmem_shared>>) target(%arg9 : memref<128x128xf32, #tpu.memory_space<vmem>>) offsets(%dma_start3A_217 : memref<128xi32, #tpu.memory_space<vmem>>) semaphore(%arg13 : memref<!tpu.dma_semaphore, #tpu.memory_space<semaphore_mem>>)
      %dma_wait3A_221 = arith.constant 6 : i32
      %dma_wait3A_222 = arith.constant 0 : i32
      %dma_wait3A_223 = tpu.memref_slice %arg6[%dma_wait3A_221, %dma_wait3A_222] : memref<16x128xi32, #tpu.memory_space<vmem>> -> memref<1x128xi32, #tpu.memory_space<vmem>>
      %dma_wait3A_224 = tpu.memref_squeeze %dma_wait3A_223 : memref<1x128xi32, #tpu.memory_space<vmem>> -> memref<128xi32, #tpu.memory_space<vmem>>
      %dma_wait3A_225 = arith.constant 0 : i32
      %dma_wait3A_226 = arith.constant 0 : i32
      %dma_wait3A_227 = tpu.memref_slice %arg11[%dma_wait3A_225, %dma_wait3A_226] : memref<5120x128xf32, #tpu.memory_space<vmem_shared>> -> memref<5120x128xf32, #tpu.memory_space<vmem_shared>>
      tpu.wait_indirect_dma semaphore(%arg12 : memref<!tpu.dma_semaphore, #tpu.memory_space<semaphore_mem>>) src(%dma_wait3A_227 : memref<5120x128xf32, #tpu.memory_space<vmem_shared>>) dst(%arg8 : memref<128x128xf32, #tpu.memory_space<vmem>>)
      %dma_start3A_228 = arith.constant 6 : i32
      %dma_start3A_229 = arith.constant 0 : i32
      %dma_start3A_230 = tpu.memref_slice %arg7[%dma_start3A_228, %dma_start3A_229] : memref<16x128xi32, #tpu.memory_space<vmem>> -> memref<1x128xi32, #tpu.memory_space<vmem>>
      %dma_start3A_231 = tpu.memref_squeeze %dma_start3A_230 : memref<1x128xi32, #tpu.memory_space<vmem>> -> memref<128xi32, #tpu.memory_space<vmem>>
      %dma_start3A_232 = arith.constant 0 : i32
      %dma_start3A_233 = arith.constant 0 : i32
      %dma_start3A_234 = tpu.memref_slice %arg10[%dma_start3A_232, %dma_start3A_233] : memref<5120x128xf32, #tpu.memory_space<vmem_shared>> -> memref<5120x128xf32, #tpu.memory_space<vmem_shared>>
      tpu.enqueue_indirect_dma source(%arg8 : memref<128x128xf32, #tpu.memory_space<vmem>>) target(%dma_start3A_234 : memref<5120x128xf32, #tpu.memory_space<vmem_shared>>) offsets(%dma_start3A_231 : memref<128xi32, #tpu.memory_space<vmem>>) semaphore(%arg14 : memref<!tpu.dma_semaphore, #tpu.memory_space<semaphore_mem>>) {add = true}
      %dma_wait3A_235 = arith.constant 6 : i32
      %dma_wait3A_236 = arith.constant 0 : i32
      %dma_wait3A_237 = tpu.memref_slice %arg7[%dma_wait3A_235, %dma_wait3A_236] : memref<16x128xi32, #tpu.memory_space<vmem>> -> memref<1x128xi32, #tpu.memory_space<vmem>>
      %dma_wait3A_238 = tpu.memref_squeeze %dma_wait3A_237 : memref<1x128xi32, #tpu.memory_space<vmem>> -> memref<128xi32, #tpu.memory_space<vmem>>
      %dma_wait3A_239 = arith.constant 0 : i32
      %dma_wait3A_240 = arith.constant 0 : i32
      %dma_wait3A_241 = tpu.memref_slice %arg10[%dma_wait3A_239, %dma_wait3A_240] : memref<5120x128xf32, #tpu.memory_space<vmem_shared>> -> memref<5120x128xf32, #tpu.memory_space<vmem_shared>>
      tpu.wait_indirect_dma semaphore(%arg14 : memref<!tpu.dma_semaphore, #tpu.memory_space<semaphore_mem>>) src(%arg8 : memref<128x128xf32, #tpu.memory_space<vmem>>) dst(%dma_wait3A_241 : memref<5120x128xf32, #tpu.memory_space<vmem_shared>>)
      %dma_start3A_242 = arith.constant 8 : i32
      %dma_start3A_243 = arith.constant 0 : i32
      %dma_start3A_244 = tpu.memref_slice %arg6[%dma_start3A_242, %dma_start3A_243] : memref<16x128xi32, #tpu.memory_space<vmem>> -> memref<1x128xi32, #tpu.memory_space<vmem>>
      %dma_start3A_245 = tpu.memref_squeeze %dma_start3A_244 : memref<1x128xi32, #tpu.memory_space<vmem>> -> memref<128xi32, #tpu.memory_space<vmem>>
      %dma_start3A_246 = arith.constant 0 : i32
      %dma_start3A_247 = arith.constant 0 : i32
      %dma_start3A_248 = tpu.memref_slice %arg11[%dma_start3A_246, %dma_start3A_247] : memref<5120x128xf32, #tpu.memory_space<vmem_shared>> -> memref<5120x128xf32, #tpu.memory_space<vmem_shared>>
      tpu.enqueue_indirect_dma source(%dma_start3A_248 : memref<5120x128xf32, #tpu.memory_space<vmem_shared>>) target(%arg8 : memref<128x128xf32, #tpu.memory_space<vmem>>) offsets(%dma_start3A_245 : memref<128xi32, #tpu.memory_space<vmem>>) semaphore(%arg12 : memref<!tpu.dma_semaphore, #tpu.memory_space<semaphore_mem>>)
      %dma_wait3A_249 = arith.constant 7 : i32
      %dma_wait3A_250 = arith.constant 0 : i32
      %dma_wait3A_251 = tpu.memref_slice %arg6[%dma_wait3A_249, %dma_wait3A_250] : memref<16x128xi32, #tpu.memory_space<vmem>> -> memref<1x128xi32, #tpu.memory_space<vmem>>
      %dma_wait3A_252 = tpu.memref_squeeze %dma_wait3A_251 : memref<1x128xi32, #tpu.memory_space<vmem>> -> memref<128xi32, #tpu.memory_space<vmem>>
      %dma_wait3A_253 = arith.constant 0 : i32
      %dma_wait3A_254 = arith.constant 0 : i32
      %dma_wait3A_255 = tpu.memref_slice %arg11[%dma_wait3A_253, %dma_wait3A_254] : memref<5120x128xf32, #tpu.memory_space<vmem_shared>> -> memref<5120x128xf32, #tpu.memory_space<vmem_shared>>
      tpu.wait_indirect_dma semaphore(%arg13 : memref<!tpu.dma_semaphore, #tpu.memory_space<semaphore_mem>>) src(%dma_wait3A_255 : memref<5120x128xf32, #tpu.memory_space<vmem_shared>>) dst(%arg9 : memref<128x128xf32, #tpu.memory_space<vmem>>)
      %dma_start3A_256 = arith.constant 7 : i32
      %dma_start3A_257 = arith.constant 0 : i32
      %dma_start3A_258 = tpu.memref_slice %arg7[%dma_start3A_256, %dma_start3A_257] : memref<16x128xi32, #tpu.memory_space<vmem>> -> memref<1x128xi32, #tpu.memory_space<vmem>>
      %dma_start3A_259 = tpu.memref_squeeze %dma_start3A_258 : memref<1x128xi32, #tpu.memory_space<vmem>> -> memref<128xi32, #tpu.memory_space<vmem>>
      %dma_start3A_260 = arith.constant 0 : i32
      %dma_start3A_261 = arith.constant 0 : i32
      %dma_start3A_262 = tpu.memref_slice %arg10[%dma_start3A_260, %dma_start3A_261] : memref<5120x128xf32, #tpu.memory_space<vmem_shared>> -> memref<5120x128xf32, #tpu.memory_space<vmem_shared>>
      tpu.enqueue_indirect_dma source(%arg9 : memref<128x128xf32, #tpu.memory_space<vmem>>) target(%dma_start3A_262 : memref<5120x128xf32, #tpu.memory_space<vmem_shared>>) offsets(%dma_start3A_259 : memref<128xi32, #tpu.memory_space<vmem>>) semaphore(%arg15 : memref<!tpu.dma_semaphore, #tpu.memory_space<semaphore_mem>>) {add = true}
      %dma_wait3A_263 = arith.constant 7 : i32
      %dma_wait3A_264 = arith.constant 0 : i32
      %dma_wait3A_265 = tpu.memref_slice %arg7[%dma_wait3A_263, %dma_wait3A_264] : memref<16x128xi32, #tpu.memory_space<vmem>> -> memref<1x128xi32, #tpu.memory_space<vmem>>
      %dma_wait3A_266 = tpu.memref_squeeze %dma_wait3A_265 : memref<1x128xi32, #tpu.memory_space<vmem>> -> memref<128xi32, #tpu.memory_space<vmem>>
      %dma_wait3A_267 = arith.constant 0 : i32
      %dma_wait3A_268 = arith.constant 0 : i32
      %dma_wait3A_269 = tpu.memref_slice %arg10[%dma_wait3A_267, %dma_wait3A_268] : memref<5120x128xf32, #tpu.memory_space<vmem_shared>> -> memref<5120x128xf32, #tpu.memory_space<vmem_shared>>
      tpu.wait_indirect_dma semaphore(%arg15 : memref<!tpu.dma_semaphore, #tpu.memory_space<semaphore_mem>>) src(%arg9 : memref<128x128xf32, #tpu.memory_space<vmem>>) dst(%dma_wait3A_269 : memref<5120x128xf32, #tpu.memory_space<vmem_shared>>)
      %dma_start3A_270 = arith.constant 9 : i32
      %dma_start3A_271 = arith.constant 0 : i32
      %dma_start3A_272 = tpu.memref_slice %arg6[%dma_start3A_270, %dma_start3A_271] : memref<16x128xi32, #tpu.memory_space<vmem>> -> memref<1x128xi32, #tpu.memory_space<vmem>>
      %dma_start3A_273 = tpu.memref_squeeze %dma_start3A_272 : memref<1x128xi32, #tpu.memory_space<vmem>> -> memref<128xi32, #tpu.memory_space<vmem>>
      %dma_start3A_274 = arith.constant 0 : i32
      %dma_start3A_275 = arith.constant 0 : i32
      %dma_start3A_276 = tpu.memref_slice %arg11[%dma_start3A_274, %dma_start3A_275] : memref<5120x128xf32, #tpu.memory_space<vmem_shared>> -> memref<5120x128xf32, #tpu.memory_space<vmem_shared>>
      tpu.enqueue_indirect_dma source(%dma_start3A_276 : memref<5120x128xf32, #tpu.memory_space<vmem_shared>>) target(%arg9 : memref<128x128xf32, #tpu.memory_space<vmem>>) offsets(%dma_start3A_273 : memref<128xi32, #tpu.memory_space<vmem>>) semaphore(%arg13 : memref<!tpu.dma_semaphore, #tpu.memory_space<semaphore_mem>>)
      %dma_wait3A_277 = arith.constant 8 : i32
      %dma_wait3A_278 = arith.constant 0 : i32
      %dma_wait3A_279 = tpu.memref_slice %arg6[%dma_wait3A_277, %dma_wait3A_278] : memref<16x128xi32, #tpu.memory_space<vmem>> -> memref<1x128xi32, #tpu.memory_space<vmem>>
      %dma_wait3A_280 = tpu.memref_squeeze %dma_wait3A_279 : memref<1x128xi32, #tpu.memory_space<vmem>> -> memref<128xi32, #tpu.memory_space<vmem>>
      %dma_wait3A_281 = arith.constant 0 : i32
      %dma_wait3A_282 = arith.constant 0 : i32
      %dma_wait3A_283 = tpu.memref_slice %arg11[%dma_wait3A_281, %dma_wait3A_282] : memref<5120x128xf32, #tpu.memory_space<vmem_shared>> -> memref<5120x128xf32, #tpu.memory_space<vmem_shared>>
      tpu.wait_indirect_dma semaphore(%arg12 : memref<!tpu.dma_semaphore, #tpu.memory_space<semaphore_mem>>) src(%dma_wait3A_283 : memref<5120x128xf32, #tpu.memory_space<vmem_shared>>) dst(%arg8 : memref<128x128xf32, #tpu.memory_space<vmem>>)
      %dma_start3A_284 = arith.constant 8 : i32
      %dma_start3A_285 = arith.constant 0 : i32
      %dma_start3A_286 = tpu.memref_slice %arg7[%dma_start3A_284, %dma_start3A_285] : memref<16x128xi32, #tpu.memory_space<vmem>> -> memref<1x128xi32, #tpu.memory_space<vmem>>
      %dma_start3A_287 = tpu.memref_squeeze %dma_start3A_286 : memref<1x128xi32, #tpu.memory_space<vmem>> -> memref<128xi32, #tpu.memory_space<vmem>>
      %dma_start3A_288 = arith.constant 0 : i32
      %dma_start3A_289 = arith.constant 0 : i32
      %dma_start3A_290 = tpu.memref_slice %arg10[%dma_start3A_288, %dma_start3A_289] : memref<5120x128xf32, #tpu.memory_space<vmem_shared>> -> memref<5120x128xf32, #tpu.memory_space<vmem_shared>>
      tpu.enqueue_indirect_dma source(%arg8 : memref<128x128xf32, #tpu.memory_space<vmem>>) target(%dma_start3A_290 : memref<5120x128xf32, #tpu.memory_space<vmem_shared>>) offsets(%dma_start3A_287 : memref<128xi32, #tpu.memory_space<vmem>>) semaphore(%arg14 : memref<!tpu.dma_semaphore, #tpu.memory_space<semaphore_mem>>) {add = true}
      %dma_wait3A_291 = arith.constant 8 : i32
      %dma_wait3A_292 = arith.constant 0 : i32
      %dma_wait3A_293 = tpu.memref_slice %arg7[%dma_wait3A_291, %dma_wait3A_292] : memref<16x128xi32, #tpu.memory_space<vmem>> -> memref<1x128xi32, #tpu.memory_space<vmem>>
      %dma_wait3A_294 = tpu.memref_squeeze %dma_wait3A_293 : memref<1x128xi32, #tpu.memory_space<vmem>> -> memref<128xi32, #tpu.memory_space<vmem>>
      %dma_wait3A_295 = arith.constant 0 : i32
      %dma_wait3A_296 = arith.constant 0 : i32
      %dma_wait3A_297 = tpu.memref_slice %arg10[%dma_wait3A_295, %dma_wait3A_296] : memref<5120x128xf32, #tpu.memory_space<vmem_shared>> -> memref<5120x128xf32, #tpu.memory_space<vmem_shared>>
      tpu.wait_indirect_dma semaphore(%arg14 : memref<!tpu.dma_semaphore, #tpu.memory_space<semaphore_mem>>) src(%arg8 : memref<128x128xf32, #tpu.memory_space<vmem>>) dst(%dma_wait3A_297 : memref<5120x128xf32, #tpu.memory_space<vmem_shared>>)
      %dma_start3A_298 = arith.constant 10 : i32
      %dma_start3A_299 = arith.constant 0 : i32
      %dma_start3A_300 = tpu.memref_slice %arg6[%dma_start3A_298, %dma_start3A_299] : memref<16x128xi32, #tpu.memory_space<vmem>> -> memref<1x128xi32, #tpu.memory_space<vmem>>
      %dma_start3A_301 = tpu.memref_squeeze %dma_start3A_300 : memref<1x128xi32, #tpu.memory_space<vmem>> -> memref<128xi32, #tpu.memory_space<vmem>>
      %dma_start3A_302 = arith.constant 0 : i32
      %dma_start3A_303 = arith.constant 0 : i32
      %dma_start3A_304 = tpu.memref_slice %arg11[%dma_start3A_302, %dma_start3A_303] : memref<5120x128xf32, #tpu.memory_space<vmem_shared>> -> memref<5120x128xf32, #tpu.memory_space<vmem_shared>>
      tpu.enqueue_indirect_dma source(%dma_start3A_304 : memref<5120x128xf32, #tpu.memory_space<vmem_shared>>) target(%arg8 : memref<128x128xf32, #tpu.memory_space<vmem>>) offsets(%dma_start3A_301 : memref<128xi32, #tpu.memory_space<vmem>>) semaphore(%arg12 : memref<!tpu.dma_semaphore, #tpu.memory_space<semaphore_mem>>)
      %dma_wait3A_305 = arith.constant 9 : i32
      %dma_wait3A_306 = arith.constant 0 : i32
      %dma_wait3A_307 = tpu.memref_slice %arg6[%dma_wait3A_305, %dma_wait3A_306] : memref<16x128xi32, #tpu.memory_space<vmem>> -> memref<1x128xi32, #tpu.memory_space<vmem>>
      %dma_wait3A_308 = tpu.memref_squeeze %dma_wait3A_307 : memref<1x128xi32, #tpu.memory_space<vmem>> -> memref<128xi32, #tpu.memory_space<vmem>>
      %dma_wait3A_309 = arith.constant 0 : i32
      %dma_wait3A_310 = arith.constant 0 : i32
      %dma_wait3A_311 = tpu.memref_slice %arg11[%dma_wait3A_309, %dma_wait3A_310] : memref<5120x128xf32, #tpu.memory_space<vmem_shared>> -> memref<5120x128xf32, #tpu.memory_space<vmem_shared>>
      tpu.wait_indirect_dma semaphore(%arg13 : memref<!tpu.dma_semaphore, #tpu.memory_space<semaphore_mem>>) src(%dma_wait3A_311 : memref<5120x128xf32, #tpu.memory_space<vmem_shared>>) dst(%arg9 : memref<128x128xf32, #tpu.memory_space<vmem>>)
      %dma_start3A_312 = arith.constant 9 : i32
      %dma_start3A_313 = arith.constant 0 : i32
      %dma_start3A_314 = tpu.memref_slice %arg7[%dma_start3A_312, %dma_start3A_313] : memref<16x128xi32, #tpu.memory_space<vmem>> -> memref<1x128xi32, #tpu.memory_space<vmem>>
      %dma_start3A_315 = tpu.memref_squeeze %dma_start3A_314 : memref<1x128xi32, #tpu.memory_space<vmem>> -> memref<128xi32, #tpu.memory_space<vmem>>
      %dma_start3A_316 = arith.constant 0 : i32
      %dma_start3A_317 = arith.constant 0 : i32
      %dma_start3A_318 = tpu.memref_slice %arg10[%dma_start3A_316, %dma_start3A_317] : memref<5120x128xf32, #tpu.memory_space<vmem_shared>> -> memref<5120x128xf32, #tpu.memory_space<vmem_shared>>
      tpu.enqueue_indirect_dma source(%arg9 : memref<128x128xf32, #tpu.memory_space<vmem>>) target(%dma_start3A_318 : memref<5120x128xf32, #tpu.memory_space<vmem_shared>>) offsets(%dma_start3A_315 : memref<128xi32, #tpu.memory_space<vmem>>) semaphore(%arg15 : memref<!tpu.dma_semaphore, #tpu.memory_space<semaphore_mem>>) {add = true}
      %dma_wait3A_319 = arith.constant 9 : i32
      %dma_wait3A_320 = arith.constant 0 : i32
      %dma_wait3A_321 = tpu.memref_slice %arg7[%dma_wait3A_319, %dma_wait3A_320] : memref<16x128xi32, #tpu.memory_space<vmem>> -> memref<1x128xi32, #tpu.memory_space<vmem>>
      %dma_wait3A_322 = tpu.memref_squeeze %dma_wait3A_321 : memref<1x128xi32, #tpu.memory_space<vmem>> -> memref<128xi32, #tpu.memory_space<vmem>>
      %dma_wait3A_323 = arith.constant 0 : i32
      %dma_wait3A_324 = arith.constant 0 : i32
      %dma_wait3A_325 = tpu.memref_slice %arg10[%dma_wait3A_323, %dma_wait3A_324] : memref<5120x128xf32, #tpu.memory_space<vmem_shared>> -> memref<5120x128xf32, #tpu.memory_space<vmem_shared>>
      tpu.wait_indirect_dma semaphore(%arg15 : memref<!tpu.dma_semaphore, #tpu.memory_space<semaphore_mem>>) src(%arg9 : memref<128x128xf32, #tpu.memory_space<vmem>>) dst(%dma_wait3A_325 : memref<5120x128xf32, #tpu.memory_space<vmem_shared>>)
      %dma_start3A_326 = arith.constant 11 : i32
      %dma_start3A_327 = arith.constant 0 : i32
      %dma_start3A_328 = tpu.memref_slice %arg6[%dma_start3A_326, %dma_start3A_327] : memref<16x128xi32, #tpu.memory_space<vmem>> -> memref<1x128xi32, #tpu.memory_space<vmem>>
      %dma_start3A_329 = tpu.memref_squeeze %dma_start3A_328 : memref<1x128xi32, #tpu.memory_space<vmem>> -> memref<128xi32, #tpu.memory_space<vmem>>
      %dma_start3A_330 = arith.constant 0 : i32
      %dma_start3A_331 = arith.constant 0 : i32
      %dma_start3A_332 = tpu.memref_slice %arg11[%dma_start3A_330, %dma_start3A_331] : memref<5120x128xf32, #tpu.memory_space<vmem_shared>> -> memref<5120x128xf32, #tpu.memory_space<vmem_shared>>
      tpu.enqueue_indirect_dma source(%dma_start3A_332 : memref<5120x128xf32, #tpu.memory_space<vmem_shared>>) target(%arg9 : memref<128x128xf32, #tpu.memory_space<vmem>>) offsets(%dma_start3A_329 : memref<128xi32, #tpu.memory_space<vmem>>) semaphore(%arg13 : memref<!tpu.dma_semaphore, #tpu.memory_space<semaphore_mem>>)
      %dma_wait3A_333 = arith.constant 10 : i32
      %dma_wait3A_334 = arith.constant 0 : i32
      %dma_wait3A_335 = tpu.memref_slice %arg6[%dma_wait3A_333, %dma_wait3A_334] : memref<16x128xi32, #tpu.memory_space<vmem>> -> memref<1x128xi32, #tpu.memory_space<vmem>>
      %dma_wait3A_336 = tpu.memref_squeeze %dma_wait3A_335 : memref<1x128xi32, #tpu.memory_space<vmem>> -> memref<128xi32, #tpu.memory_space<vmem>>
      %dma_wait3A_337 = arith.constant 0 : i32
      %dma_wait3A_338 = arith.constant 0 : i32
      %dma_wait3A_339 = tpu.memref_slice %arg11[%dma_wait3A_337, %dma_wait3A_338] : memref<5120x128xf32, #tpu.memory_space<vmem_shared>> -> memref<5120x128xf32, #tpu.memory_space<vmem_shared>>
      tpu.wait_indirect_dma semaphore(%arg12 : memref<!tpu.dma_semaphore, #tpu.memory_space<semaphore_mem>>) src(%dma_wait3A_339 : memref<5120x128xf32, #tpu.memory_space<vmem_shared>>) dst(%arg8 : memref<128x128xf32, #tpu.memory_space<vmem>>)
      %dma_start3A_340 = arith.constant 10 : i32
      %dma_start3A_341 = arith.constant 0 : i32
      %dma_start3A_342 = tpu.memref_slice %arg7[%dma_start3A_340, %dma_start3A_341] : memref<16x128xi32, #tpu.memory_space<vmem>> -> memref<1x128xi32, #tpu.memory_space<vmem>>
      %dma_start3A_343 = tpu.memref_squeeze %dma_start3A_342 : memref<1x128xi32, #tpu.memory_space<vmem>> -> memref<128xi32, #tpu.memory_space<vmem>>
      %dma_start3A_344 = arith.constant 0 : i32
      %dma_start3A_345 = arith.constant 0 : i32
      %dma_start3A_346 = tpu.memref_slice %arg10[%dma_start3A_344, %dma_start3A_345] : memref<5120x128xf32, #tpu.memory_space<vmem_shared>> -> memref<5120x128xf32, #tpu.memory_space<vmem_shared>>
      tpu.enqueue_indirect_dma source(%arg8 : memref<128x128xf32, #tpu.memory_space<vmem>>) target(%dma_start3A_346 : memref<5120x128xf32, #tpu.memory_space<vmem_shared>>) offsets(%dma_start3A_343 : memref<128xi32, #tpu.memory_space<vmem>>) semaphore(%arg14 : memref<!tpu.dma_semaphore, #tpu.memory_space<semaphore_mem>>) {add = true}
      %dma_wait3A_347 = arith.constant 10 : i32
      %dma_wait3A_348 = arith.constant 0 : i32
      %dma_wait3A_349 = tpu.memref_slice %arg7[%dma_wait3A_347, %dma_wait3A_348] : memref<16x128xi32, #tpu.memory_space<vmem>> -> memref<1x128xi32, #tpu.memory_space<vmem>>
      %dma_wait3A_350 = tpu.memref_squeeze %dma_wait3A_349 : memref<1x128xi32, #tpu.memory_space<vmem>> -> memref<128xi32, #tpu.memory_space<vmem>>
      %dma_wait3A_351 = arith.constant 0 : i32
      %dma_wait3A_352 = arith.constant 0 : i32
      %dma_wait3A_353 = tpu.memref_slice %arg10[%dma_wait3A_351, %dma_wait3A_352] : memref<5120x128xf32, #tpu.memory_space<vmem_shared>> -> memref<5120x128xf32, #tpu.memory_space<vmem_shared>>
      tpu.wait_indirect_dma semaphore(%arg14 : memref<!tpu.dma_semaphore, #tpu.memory_space<semaphore_mem>>) src(%arg8 : memref<128x128xf32, #tpu.memory_space<vmem>>) dst(%dma_wait3A_353 : memref<5120x128xf32, #tpu.memory_space<vmem_shared>>)
      %dma_start3A_354 = arith.constant 12 : i32
      %dma_start3A_355 = arith.constant 0 : i32
      %dma_start3A_356 = tpu.memref_slice %arg6[%dma_start3A_354, %dma_start3A_355] : memref<16x128xi32, #tpu.memory_space<vmem>> -> memref<1x128xi32, #tpu.memory_space<vmem>>
      %dma_start3A_357 = tpu.memref_squeeze %dma_start3A_356 : memref<1x128xi32, #tpu.memory_space<vmem>> -> memref<128xi32, #tpu.memory_space<vmem>>
      %dma_start3A_358 = arith.constant 0 : i32
      %dma_start3A_359 = arith.constant 0 : i32
      %dma_start3A_360 = tpu.memref_slice %arg11[%dma_start3A_358, %dma_start3A_359] : memref<5120x128xf32, #tpu.memory_space<vmem_shared>> -> memref<5120x128xf32, #tpu.memory_space<vmem_shared>>
      tpu.enqueue_indirect_dma source(%dma_start3A_360 : memref<5120x128xf32, #tpu.memory_space<vmem_shared>>) target(%arg8 : memref<128x128xf32, #tpu.memory_space<vmem>>) offsets(%dma_start3A_357 : memref<128xi32, #tpu.memory_space<vmem>>) semaphore(%arg12 : memref<!tpu.dma_semaphore, #tpu.memory_space<semaphore_mem>>)
      %dma_wait3A_361 = arith.constant 11 : i32
      %dma_wait3A_362 = arith.constant 0 : i32
      %dma_wait3A_363 = tpu.memref_slice %arg6[%dma_wait3A_361, %dma_wait3A_362] : memref<16x128xi32, #tpu.memory_space<vmem>> -> memref<1x128xi32, #tpu.memory_space<vmem>>
      %dma_wait3A_364 = tpu.memref_squeeze %dma_wait3A_363 : memref<1x128xi32, #tpu.memory_space<vmem>> -> memref<128xi32, #tpu.memory_space<vmem>>
      %dma_wait3A_365 = arith.constant 0 : i32
      %dma_wait3A_366 = arith.constant 0 : i32
      %dma_wait3A_367 = tpu.memref_slice %arg11[%dma_wait3A_365, %dma_wait3A_366] : memref<5120x128xf32, #tpu.memory_space<vmem_shared>> -> memref<5120x128xf32, #tpu.memory_space<vmem_shared>>
      tpu.wait_indirect_dma semaphore(%arg13 : memref<!tpu.dma_semaphore, #tpu.memory_space<semaphore_mem>>) src(%dma_wait3A_367 : memref<5120x128xf32, #tpu.memory_space<vmem_shared>>) dst(%arg9 : memref<128x128xf32, #tpu.memory_space<vmem>>)
      %dma_start3A_368 = arith.constant 11 : i32
      %dma_start3A_369 = arith.constant 0 : i32
      %dma_start3A_370 = tpu.memref_slice %arg7[%dma_start3A_368, %dma_start3A_369] : memref<16x128xi32, #tpu.memory_space<vmem>> -> memref<1x128xi32, #tpu.memory_space<vmem>>
      %dma_start3A_371 = tpu.memref_squeeze %dma_start3A_370 : memref<1x128xi32, #tpu.memory_space<vmem>> -> memref<128xi32, #tpu.memory_space<vmem>>
      %dma_start3A_372 = arith.constant 0 : i32
      %dma_start3A_373 = arith.constant 0 : i32
      %dma_start3A_374 = tpu.memref_slice %arg10[%dma_start3A_372, %dma_start3A_373] : memref<5120x128xf32, #tpu.memory_space<vmem_shared>> -> memref<5120x128xf32, #tpu.memory_space<vmem_shared>>
      tpu.enqueue_indirect_dma source(%arg9 : memref<128x128xf32, #tpu.memory_space<vmem>>) target(%dma_start3A_374 : memref<5120x128xf32, #tpu.memory_space<vmem_shared>>) offsets(%dma_start3A_371 : memref<128xi32, #tpu.memory_space<vmem>>) semaphore(%arg15 : memref<!tpu.dma_semaphore, #tpu.memory_space<semaphore_mem>>) {add = true}
      %dma_wait3A_375 = arith.constant 11 : i32
      %dma_wait3A_376 = arith.constant 0 : i32
      %dma_wait3A_377 = tpu.memref_slice %arg7[%dma_wait3A_375, %dma_wait3A_376] : memref<16x128xi32, #tpu.memory_space<vmem>> -> memref<1x128xi32, #tpu.memory_space<vmem>>
      %dma_wait3A_378 = tpu.memref_squeeze %dma_wait3A_377 : memref<1x128xi32, #tpu.memory_space<vmem>> -> memref<128xi32, #tpu.memory_space<vmem>>
      %dma_wait3A_379 = arith.constant 0 : i32
      %dma_wait3A_380 = arith.constant 0 : i32
      %dma_wait3A_381 = tpu.memref_slice %arg10[%dma_wait3A_379, %dma_wait3A_380] : memref<5120x128xf32, #tpu.memory_space<vmem_shared>> -> memref<5120x128xf32, #tpu.memory_space<vmem_shared>>
      tpu.wait_indirect_dma semaphore(%arg15 : memref<!tpu.dma_semaphore, #tpu.memory_space<semaphore_mem>>) src(%arg9 : memref<128x128xf32, #tpu.memory_space<vmem>>) dst(%dma_wait3A_381 : memref<5120x128xf32, #tpu.memory_space<vmem_shared>>)
      %dma_start3A_382 = arith.constant 13 : i32
      %dma_start3A_383 = arith.constant 0 : i32
      %dma_start3A_384 = tpu.memref_slice %arg6[%dma_start3A_382, %dma_start3A_383] : memref<16x128xi32, #tpu.memory_space<vmem>> -> memref<1x128xi32, #tpu.memory_space<vmem>>
      %dma_start3A_385 = tpu.memref_squeeze %dma_start3A_384 : memref<1x128xi32, #tpu.memory_space<vmem>> -> memref<128xi32, #tpu.memory_space<vmem>>
      %dma_start3A_386 = arith.constant 0 : i32
      %dma_start3A_387 = arith.constant 0 : i32
      %dma_start3A_388 = tpu.memref_slice %arg11[%dma_start3A_386, %dma_start3A_387] : memref<5120x128xf32, #tpu.memory_space<vmem_shared>> -> memref<5120x128xf32, #tpu.memory_space<vmem_shared>>
      tpu.enqueue_indirect_dma source(%dma_start3A_388 : memref<5120x128xf32, #tpu.memory_space<vmem_shared>>) target(%arg9 : memref<128x128xf32, #tpu.memory_space<vmem>>) offsets(%dma_start3A_385 : memref<128xi32, #tpu.memory_space<vmem>>) semaphore(%arg13 : memref<!tpu.dma_semaphore, #tpu.memory_space<semaphore_mem>>)
      %dma_wait3A_389 = arith.constant 12 : i32
      %dma_wait3A_390 = arith.constant 0 : i32
      %dma_wait3A_391 = tpu.memref_slice %arg6[%dma_wait3A_389, %dma_wait3A_390] : memref<16x128xi32, #tpu.memory_space<vmem>> -> memref<1x128xi32, #tpu.memory_space<vmem>>
      %dma_wait3A_392 = tpu.memref_squeeze %dma_wait3A_391 : memref<1x128xi32, #tpu.memory_space<vmem>> -> memref<128xi32, #tpu.memory_space<vmem>>
      %dma_wait3A_393 = arith.constant 0 : i32
      %dma_wait3A_394 = arith.constant 0 : i32
      %dma_wait3A_395 = tpu.memref_slice %arg11[%dma_wait3A_393, %dma_wait3A_394] : memref<5120x128xf32, #tpu.memory_space<vmem_shared>> -> memref<5120x128xf32, #tpu.memory_space<vmem_shared>>
      tpu.wait_indirect_dma semaphore(%arg12 : memref<!tpu.dma_semaphore, #tpu.memory_space<semaphore_mem>>) src(%dma_wait3A_395 : memref<5120x128xf32, #tpu.memory_space<vmem_shared>>) dst(%arg8 : memref<128x128xf32, #tpu.memory_space<vmem>>)
      %dma_start3A_396 = arith.constant 12 : i32
      %dma_start3A_397 = arith.constant 0 : i32
      %dma_start3A_398 = tpu.memref_slice %arg7[%dma_start3A_396, %dma_start3A_397] : memref<16x128xi32, #tpu.memory_space<vmem>> -> memref<1x128xi32, #tpu.memory_space<vmem>>
      %dma_start3A_399 = tpu.memref_squeeze %dma_start3A_398 : memref<1x128xi32, #tpu.memory_space<vmem>> -> memref<128xi32, #tpu.memory_space<vmem>>
      %dma_start3A_400 = arith.constant 0 : i32
      %dma_start3A_401 = arith.constant 0 : i32
      %dma_start3A_402 = tpu.memref_slice %arg10[%dma_start3A_400, %dma_start3A_401] : memref<5120x128xf32, #tpu.memory_space<vmem_shared>> -> memref<5120x128xf32, #tpu.memory_space<vmem_shared>>
      tpu.enqueue_indirect_dma source(%arg8 : memref<128x128xf32, #tpu.memory_space<vmem>>) target(%dma_start3A_402 : memref<5120x128xf32, #tpu.memory_space<vmem_shared>>) offsets(%dma_start3A_399 : memref<128xi32, #tpu.memory_space<vmem>>) semaphore(%arg14 : memref<!tpu.dma_semaphore, #tpu.memory_space<semaphore_mem>>) {add = true}
      %dma_wait3A_403 = arith.constant 12 : i32
      %dma_wait3A_404 = arith.constant 0 : i32
      %dma_wait3A_405 = tpu.memref_slice %arg7[%dma_wait3A_403, %dma_wait3A_404] : memref<16x128xi32, #tpu.memory_space<vmem>> -> memref<1x128xi32, #tpu.memory_space<vmem>>
      %dma_wait3A_406 = tpu.memref_squeeze %dma_wait3A_405 : memref<1x128xi32, #tpu.memory_space<vmem>> -> memref<128xi32, #tpu.memory_space<vmem>>
      %dma_wait3A_407 = arith.constant 0 : i32
      %dma_wait3A_408 = arith.constant 0 : i32
      %dma_wait3A_409 = tpu.memref_slice %arg10[%dma_wait3A_407, %dma_wait3A_408] : memref<5120x128xf32, #tpu.memory_space<vmem_shared>> -> memref<5120x128xf32, #tpu.memory_space<vmem_shared>>
      tpu.wait_indirect_dma semaphore(%arg14 : memref<!tpu.dma_semaphore, #tpu.memory_space<semaphore_mem>>) src(%arg8 : memref<128x128xf32, #tpu.memory_space<vmem>>) dst(%dma_wait3A_409 : memref<5120x128xf32, #tpu.memory_space<vmem_shared>>)
      %dma_start3A_410 = arith.constant 14 : i32
      %dma_start3A_411 = arith.constant 0 : i32
      %dma_start3A_412 = tpu.memref_slice %arg6[%dma_start3A_410, %dma_start3A_411] : memref<16x128xi32, #tpu.memory_space<vmem>> -> memref<1x128xi32, #tpu.memory_space<vmem>>
      %dma_start3A_413 = tpu.memref_squeeze %dma_start3A_412 : memref<1x128xi32, #tpu.memory_space<vmem>> -> memref<128xi32, #tpu.memory_space<vmem>>
      %dma_start3A_414 = arith.constant 0 : i32
      %dma_start3A_415 = arith.constant 0 : i32
      %dma_start3A_416 = tpu.memref_slice %arg11[%dma_start3A_414, %dma_start3A_415] : memref<5120x128xf32, #tpu.memory_space<vmem_shared>> -> memref<5120x128xf32, #tpu.memory_space<vmem_shared>>
      tpu.enqueue_indirect_dma source(%dma_start3A_416 : memref<5120x128xf32, #tpu.memory_space<vmem_shared>>) target(%arg8 : memref<128x128xf32, #tpu.memory_space<vmem>>) offsets(%dma_start3A_413 : memref<128xi32, #tpu.memory_space<vmem>>) semaphore(%arg12 : memref<!tpu.dma_semaphore, #tpu.memory_space<semaphore_mem>>)
      %dma_wait3A_417 = arith.constant 13 : i32
      %dma_wait3A_418 = arith.constant 0 : i32
      %dma_wait3A_419 = tpu.memref_slice %arg6[%dma_wait3A_417, %dma_wait3A_418] : memref<16x128xi32, #tpu.memory_space<vmem>> -> memref<1x128xi32, #tpu.memory_space<vmem>>
      %dma_wait3A_420 = tpu.memref_squeeze %dma_wait3A_419 : memref<1x128xi32, #tpu.memory_space<vmem>> -> memref<128xi32, #tpu.memory_space<vmem>>
      %dma_wait3A_421 = arith.constant 0 : i32
      %dma_wait3A_422 = arith.constant 0 : i32
      %dma_wait3A_423 = tpu.memref_slice %arg11[%dma_wait3A_421, %dma_wait3A_422] : memref<5120x128xf32, #tpu.memory_space<vmem_shared>> -> memref<5120x128xf32, #tpu.memory_space<vmem_shared>>
      tpu.wait_indirect_dma semaphore(%arg13 : memref<!tpu.dma_semaphore, #tpu.memory_space<semaphore_mem>>) src(%dma_wait3A_423 : memref<5120x128xf32, #tpu.memory_space<vmem_shared>>) dst(%arg9 : memref<128x128xf32, #tpu.memory_space<vmem>>)
      %dma_start3A_424 = arith.constant 13 : i32
      %dma_start3A_425 = arith.constant 0 : i32
      %dma_start3A_426 = tpu.memref_slice %arg7[%dma_start3A_424, %dma_start3A_425] : memref<16x128xi32, #tpu.memory_space<vmem>> -> memref<1x128xi32, #tpu.memory_space<vmem>>
      %dma_start3A_427 = tpu.memref_squeeze %dma_start3A_426 : memref<1x128xi32, #tpu.memory_space<vmem>> -> memref<128xi32, #tpu.memory_space<vmem>>
      %dma_start3A_428 = arith.constant 0 : i32
      %dma_start3A_429 = arith.constant 0 : i32
      %dma_start3A_430 = tpu.memref_slice %arg10[%dma_start3A_428, %dma_start3A_429] : memref<5120x128xf32, #tpu.memory_space<vmem_shared>> -> memref<5120x128xf32, #tpu.memory_space<vmem_shared>>
      tpu.enqueue_indirect_dma source(%arg9 : memref<128x128xf32, #tpu.memory_space<vmem>>) target(%dma_start3A_430 : memref<5120x128xf32, #tpu.memory_space<vmem_shared>>) offsets(%dma_start3A_427 : memref<128xi32, #tpu.memory_space<vmem>>) semaphore(%arg15 : memref<!tpu.dma_semaphore, #tpu.memory_space<semaphore_mem>>) {add = true}
      %dma_wait3A_431 = arith.constant 13 : i32
      %dma_wait3A_432 = arith.constant 0 : i32
      %dma_wait3A_433 = tpu.memref_slice %arg7[%dma_wait3A_431, %dma_wait3A_432] : memref<16x128xi32, #tpu.memory_space<vmem>> -> memref<1x128xi32, #tpu.memory_space<vmem>>
      %dma_wait3A_434 = tpu.memref_squeeze %dma_wait3A_433 : memref<1x128xi32, #tpu.memory_space<vmem>> -> memref<128xi32, #tpu.memory_space<vmem>>
      %dma_wait3A_435 = arith.constant 0 : i32
      %dma_wait3A_436 = arith.constant 0 : i32
      %dma_wait3A_437 = tpu.memref_slice %arg10[%dma_wait3A_435, %dma_wait3A_436] : memref<5120x128xf32, #tpu.memory_space<vmem_shared>> -> memref<5120x128xf32, #tpu.memory_space<vmem_shared>>
      tpu.wait_indirect_dma semaphore(%arg15 : memref<!tpu.dma_semaphore, #tpu.memory_space<semaphore_mem>>) src(%arg9 : memref<128x128xf32, #tpu.memory_space<vmem>>) dst(%dma_wait3A_437 : memref<5120x128xf32, #tpu.memory_space<vmem_shared>>)
      %dma_start3A_438 = arith.constant 15 : i32
      %dma_start3A_439 = arith.constant 0 : i32
      %dma_start3A_440 = tpu.memref_slice %arg6[%dma_start3A_438, %dma_start3A_439] : memref<16x128xi32, #tpu.memory_space<vmem>> -> memref<1x128xi32, #tpu.memory_space<vmem>>
      %dma_start3A_441 = tpu.memref_squeeze %dma_start3A_440 : memref<1x128xi32, #tpu.memory_space<vmem>> -> memref<128xi32, #tpu.memory_space<vmem>>
      %dma_start3A_442 = arith.constant 0 : i32
      %dma_start3A_443 = arith.constant 0 : i32
      %dma_start3A_444 = tpu.memref_slice %arg11[%dma_start3A_442, %dma_start3A_443] : memref<5120x128xf32, #tpu.memory_space<vmem_shared>> -> memref<5120x128xf32, #tpu.memory_space<vmem_shared>>
      tpu.enqueue_indirect_dma source(%dma_start3A_444 : memref<5120x128xf32, #tpu.memory_space<vmem_shared>>) target(%arg9 : memref<128x128xf32, #tpu.memory_space<vmem>>) offsets(%dma_start3A_441 : memref<128xi32, #tpu.memory_space<vmem>>) semaphore(%arg13 : memref<!tpu.dma_semaphore, #tpu.memory_space<semaphore_mem>>)
      %dma_wait3A_445 = arith.constant 14 : i32
      %dma_wait3A_446 = arith.constant 0 : i32
      %dma_wait3A_447 = tpu.memref_slice %arg6[%dma_wait3A_445, %dma_wait3A_446] : memref<16x128xi32, #tpu.memory_space<vmem>> -> memref<1x128xi32, #tpu.memory_space<vmem>>
      %dma_wait3A_448 = tpu.memref_squeeze %dma_wait3A_447 : memref<1x128xi32, #tpu.memory_space<vmem>> -> memref<128xi32, #tpu.memory_space<vmem>>
      %dma_wait3A_449 = arith.constant 0 : i32
      %dma_wait3A_450 = arith.constant 0 : i32
      %dma_wait3A_451 = tpu.memref_slice %arg11[%dma_wait3A_449, %dma_wait3A_450] : memref<5120x128xf32, #tpu.memory_space<vmem_shared>> -> memref<5120x128xf32, #tpu.memory_space<vmem_shared>>
      tpu.wait_indirect_dma semaphore(%arg12 : memref<!tpu.dma_semaphore, #tpu.memory_space<semaphore_mem>>) src(%dma_wait3A_451 : memref<5120x128xf32, #tpu.memory_space<vmem_shared>>) dst(%arg8 : memref<128x128xf32, #tpu.memory_space<vmem>>)
      %dma_start3A_452 = arith.constant 14 : i32
      %dma_start3A_453 = arith.constant 0 : i32
      %dma_start3A_454 = tpu.memref_slice %arg7[%dma_start3A_452, %dma_start3A_453] : memref<16x128xi32, #tpu.memory_space<vmem>> -> memref<1x128xi32, #tpu.memory_space<vmem>>
      %dma_start3A_455 = tpu.memref_squeeze %dma_start3A_454 : memref<1x128xi32, #tpu.memory_space<vmem>> -> memref<128xi32, #tpu.memory_space<vmem>>
      %dma_start3A_456 = arith.constant 0 : i32
      %dma_start3A_457 = arith.constant 0 : i32
      %dma_start3A_458 = tpu.memref_slice %arg10[%dma_start3A_456, %dma_start3A_457] : memref<5120x128xf32, #tpu.memory_space<vmem_shared>> -> memref<5120x128xf32, #tpu.memory_space<vmem_shared>>
      tpu.enqueue_indirect_dma source(%arg8 : memref<128x128xf32, #tpu.memory_space<vmem>>) target(%dma_start3A_458 : memref<5120x128xf32, #tpu.memory_space<vmem_shared>>) offsets(%dma_start3A_455 : memref<128xi32, #tpu.memory_space<vmem>>) semaphore(%arg14 : memref<!tpu.dma_semaphore, #tpu.memory_space<semaphore_mem>>) {add = true}
      %dma_wait3A_459 = arith.constant 14 : i32
      %dma_wait3A_460 = arith.constant 0 : i32
      %dma_wait3A_461 = tpu.memref_slice %arg7[%dma_wait3A_459, %dma_wait3A_460] : memref<16x128xi32, #tpu.memory_space<vmem>> -> memref<1x128xi32, #tpu.memory_space<vmem>>
      %dma_wait3A_462 = tpu.memref_squeeze %dma_wait3A_461 : memref<1x128xi32, #tpu.memory_space<vmem>> -> memref<128xi32, #tpu.memory_space<vmem>>
      %dma_wait3A_463 = arith.constant 0 : i32
      %dma_wait3A_464 = arith.constant 0 : i32
      %dma_wait3A_465 = tpu.memref_slice %arg10[%dma_wait3A_463, %dma_wait3A_464] : memref<5120x128xf32, #tpu.memory_space<vmem_shared>> -> memref<5120x128xf32, #tpu.memory_space<vmem_shared>>
      tpu.wait_indirect_dma semaphore(%arg14 : memref<!tpu.dma_semaphore, #tpu.memory_space<semaphore_mem>>) src(%arg8 : memref<128x128xf32, #tpu.memory_space<vmem>>) dst(%dma_wait3A_465 : memref<5120x128xf32, #tpu.memory_space<vmem_shared>>)
      %dma_wait3A_466 = arith.constant 15 : i32
      %dma_wait3A_467 = arith.constant 0 : i32
      %dma_wait3A_468 = tpu.memref_slice %arg6[%dma_wait3A_466, %dma_wait3A_467] : memref<16x128xi32, #tpu.memory_space<vmem>> -> memref<1x128xi32, #tpu.memory_space<vmem>>
      %dma_wait3A_469 = tpu.memref_squeeze %dma_wait3A_468 : memref<1x128xi32, #tpu.memory_space<vmem>> -> memref<128xi32, #tpu.memory_space<vmem>>
      %dma_wait3A_470 = arith.constant 0 : i32
      %dma_wait3A_471 = arith.constant 0 : i32
      %dma_wait3A_472 = tpu.memref_slice %arg11[%dma_wait3A_470, %dma_wait3A_471] : memref<5120x128xf32, #tpu.memory_space<vmem_shared>> -> memref<5120x128xf32, #tpu.memory_space<vmem_shared>>
      tpu.wait_indirect_dma semaphore(%arg13 : memref<!tpu.dma_semaphore, #tpu.memory_space<semaphore_mem>>) src(%dma_wait3A_472 : memref<5120x128xf32, #tpu.memory_space<vmem_shared>>) dst(%arg9 : memref<128x128xf32, #tpu.memory_space<vmem>>)
      %dma_start3A_473 = arith.constant 15 : i32
      %dma_start3A_474 = arith.constant 0 : i32
      %dma_start3A_475 = tpu.memref_slice %arg7[%dma_start3A_473, %dma_start3A_474] : memref<16x128xi32, #tpu.memory_space<vmem>> -> memref<1x128xi32, #tpu.memory_space<vmem>>
      %dma_start3A_476 = tpu.memref_squeeze %dma_start3A_475 : memref<1x128xi32, #tpu.memory_space<vmem>> -> memref<128xi32, #tpu.memory_space<vmem>>
      %dma_start3A_477 = arith.constant 0 : i32
      %dma_start3A_478 = arith.constant 0 : i32
      %dma_start3A_479 = tpu.memref_slice %arg10[%dma_start3A_477, %dma_start3A_478] : memref<5120x128xf32, #tpu.memory_space<vmem_shared>> -> memref<5120x128xf32, #tpu.memory_space<vmem_shared>>
      tpu.enqueue_indirect_dma source(%arg9 : memref<128x128xf32, #tpu.memory_space<vmem>>) target(%dma_start3A_479 : memref<5120x128xf32, #tpu.memory_space<vmem_shared>>) offsets(%dma_start3A_476 : memref<128xi32, #tpu.memory_space<vmem>>) semaphore(%arg15 : memref<!tpu.dma_semaphore, #tpu.memory_space<semaphore_mem>>) {add = true}
      %dma_wait3A_480 = arith.constant 15 : i32
      %dma_wait3A_481 = arith.constant 0 : i32
      %dma_wait3A_482 = tpu.memref_slice %arg7[%dma_wait3A_480, %dma_wait3A_481] : memref<16x128xi32, #tpu.memory_space<vmem>> -> memref<1x128xi32, #tpu.memory_space<vmem>>
      %dma_wait3A_483 = tpu.memref_squeeze %dma_wait3A_482 : memref<1x128xi32, #tpu.memory_space<vmem>> -> memref<128xi32, #tpu.memory_space<vmem>>
      %dma_wait3A_484 = arith.constant 0 : i32
      %dma_wait3A_485 = arith.constant 0 : i32
      %dma_wait3A_486 = tpu.memref_slice %arg10[%dma_wait3A_484, %dma_wait3A_485] : memref<5120x128xf32, #tpu.memory_space<vmem_shared>> -> memref<5120x128xf32, #tpu.memory_space<vmem_shared>>
      tpu.wait_indirect_dma semaphore(%arg15 : memref<!tpu.dma_semaphore, #tpu.memory_space<semaphore_mem>>) src(%arg9 : memref<128x128xf32, #tpu.memory_space<vmem>>) dst(%dma_wait3A_486 : memref<5120x128xf32, #tpu.memory_space<vmem_shared>>)
    }
    %scan3A_26 = arith.constant 5 : i32
    %barrier3A_27 = arith.constant 0 : index
    tpu.barrier barrier_id(%barrier3A_27)
    %lt3A_28 = arith.constant 15 : i32
    %lt3A_29 = arith.cmpi slt, %arg1, %lt3A_28 : i32
    %convert_element_type3A_30 = arith.extui %lt3A_29 : i1 to i32
    %cond3A_31 = arith.constant 0 : i32
    %cond3A_32 = arith.cmpi ne, %convert_element_type3A_30, %cond3A_31 : i32
    scf.if %cond3A_32 {
      %mul3A_38 = arith.constant 320 : i32
      %mul3A_39 = arith.muli %arg1, %mul3A_38 : i32
      %add3A_40 = arith.constant 0 : i32
      %add3A_41 = arith.addi %mul3A_39, %add3A_40 : i32
      %mul3A_42 = arith.constant 5000 : i32
      %mul3A_43 = arith.muli %arg0, %mul3A_42 : i32
      %mul3A_44 = arith.constant 320 : i32
      %mul3A_45 = arith.muli %arg1, %mul3A_44 : i32
      %add3A_46 = arith.addi %mul3A_43, %mul3A_45 : i32
      %add3A_47 = arith.constant 0 : i32
      %add3A_48 = arith.addi %add3A_46, %add3A_47 : i32
      "tpu.region"() ({
        %run_scoped3A = tpu.sem_alloc : memref<!tpu.dma_semaphore, #tpu.memory_space<semaphore_mem>>
        %dma_start3A = arith.constant 0 : i32
        %dma_start3A_71 = tpu.memref_slice %arg10[%add3A_41, %dma_start3A] : memref<5120x128xf32, #tpu.memory_space<vmem_shared>> -> memref<128x128xf32, #tpu.memory_space<vmem_shared>>
        %dma_start3A_72 = arith.constant 0 : i32
        %dma_start3A_73 = tpu.memref_slice %arg10[%add3A_41, %dma_start3A_72] : memref<5120x128xf32, #tpu.memory_space<vmem_shared>> -> memref<128x128xf32, #tpu.memory_space<vmem_shared>>
        tpu.enqueue_dma source(%dma_start3A_73 : memref<128x128xf32, #tpu.memory_space<vmem_shared>>) target(%arg8 : memref<128x128xf32, #tpu.memory_space<vmem>>) target_semaphore(%run_scoped3A : memref<!tpu.dma_semaphore, #tpu.memory_space<semaphore_mem>>)
        %dma_wait3A = arith.constant 0 : i32
        %dma_wait3A_74 = tpu.memref_slice %arg10[%add3A_41, %dma_wait3A] : memref<5120x128xf32, #tpu.memory_space<vmem_shared>> -> memref<128x128xf32, #tpu.memory_space<vmem_shared>>
        %dma_wait3A_75 = arith.constant 0 : i32
        %dma_wait3A_76 = tpu.memref_slice %arg10[%add3A_41, %dma_wait3A_75] : memref<5120x128xf32, #tpu.memory_space<vmem_shared>> -> memref<128x128xf32, #tpu.memory_space<vmem_shared>>
        tpu.wait_dma2 semaphore(%run_scoped3A : memref<!tpu.dma_semaphore, #tpu.memory_space<semaphore_mem>>) src(%dma_wait3A_76 : memref<128x128xf32, #tpu.memory_space<vmem_shared>>) dst(%arg8 : memref<128x128xf32, #tpu.memory_space<vmem>>)
        tpu.yield
      }) : () -> ()
      "tpu.region"() ({
        %run_scoped3A = tpu.sem_alloc : memref<!tpu.dma_semaphore, #tpu.memory_space<semaphore_mem>>
        %dma_start3A = arith.constant 0 : i32
        %dma_start3A_71 = tpu.memref_slice %arg5[%add3A_48, %dma_start3A] : memref<10000x128xf32, #tpu.memory_space<hbm>> -> memref<128x128xf32, #tpu.memory_space<hbm>>
        %dma_start3A_72 = arith.constant 0 : i32
        %dma_start3A_73 = tpu.memref_slice %arg5[%add3A_48, %dma_start3A_72] : memref<10000x128xf32, #tpu.memory_space<hbm>> -> memref<128x128xf32, #tpu.memory_space<hbm>>
        tpu.enqueue_dma source(%arg8 : memref<128x128xf32, #tpu.memory_space<vmem>>) target(%dma_start3A_73 : memref<128x128xf32, #tpu.memory_space<hbm>>) target_semaphore(%run_scoped3A : memref<!tpu.dma_semaphore, #tpu.memory_space<semaphore_mem>>)
        %dma_wait3A = arith.constant 0 : i32
        %dma_wait3A_74 = tpu.memref_slice %arg5[%add3A_48, %dma_wait3A] : memref<10000x128xf32, #tpu.memory_space<hbm>> -> memref<128x128xf32, #tpu.memory_space<hbm>>
        %dma_wait3A_75 = arith.constant 0 : i32
        %dma_wait3A_76 = tpu.memref_slice %arg5[%add3A_48, %dma_wait3A_75] : memref<10000x128xf32, #tpu.memory_space<hbm>> -> memref<128x128xf32, #tpu.memory_space<hbm>>
        tpu.wait_dma2 semaphore(%run_scoped3A : memref<!tpu.dma_semaphore, #tpu.memory_space<semaphore_mem>>) src(%arg8 : memref<128x128xf32, #tpu.memory_space<vmem>>) dst(%dma_wait3A_76 : memref<128x128xf32, #tpu.memory_space<hbm>>)
        tpu.yield
      }) : () -> ()
      %mul3A_49 = arith.constant 320 : i32
      %mul3A_50 = arith.muli %arg1, %mul3A_49 : i32
      %add3A_51 = arith.constant 128 : i32
      %add3A_52 = arith.addi %mul3A_50, %add3A_51 : i32
      %mul3A_53 = arith.constant 5000 : i32
      %mul3A_54 = arith.muli %arg0, %mul3A_53 : i32
      %mul3A_55 = arith.constant 320 : i32
      %mul3A_56 = arith.muli %arg1, %mul3A_55 : i32
      %add3A_57 = arith.addi %mul3A_54, %mul3A_56 : i32
      %add3A_58 = arith.constant 128 : i32
      %add3A_59 = arith.addi %add3A_57, %add3A_58 : i32
      "tpu.region"() ({
        %run_scoped3A = tpu.sem_alloc : memref<!tpu.dma_semaphore, #tpu.memory_space<semaphore_mem>>
        %dma_start3A = arith.constant 0 : i32
        %dma_start3A_71 = tpu.memref_slice %arg10[%add3A_52, %dma_start3A] : memref<5120x128xf32, #tpu.memory_space<vmem_shared>> -> memref<128x128xf32, #tpu.memory_space<vmem_shared>>
        %dma_start3A_72 = arith.constant 0 : i32
        %dma_start3A_73 = tpu.memref_slice %arg10[%add3A_52, %dma_start3A_72] : memref<5120x128xf32, #tpu.memory_space<vmem_shared>> -> memref<128x128xf32, #tpu.memory_space<vmem_shared>>
        tpu.enqueue_dma source(%dma_start3A_73 : memref<128x128xf32, #tpu.memory_space<vmem_shared>>) target(%arg8 : memref<128x128xf32, #tpu.memory_space<vmem>>) target_semaphore(%run_scoped3A : memref<!tpu.dma_semaphore, #tpu.memory_space<semaphore_mem>>)
        %dma_wait3A = arith.constant 0 : i32
        %dma_wait3A_74 = tpu.memref_slice %arg10[%add3A_52, %dma_wait3A] : memref<5120x128xf32, #tpu.memory_space<vmem_shared>> -> memref<128x128xf32, #tpu.memory_space<vmem_shared>>
        %dma_wait3A_75 = arith.constant 0 : i32
        %dma_wait3A_76 = tpu.memref_slice %arg10[%add3A_52, %dma_wait3A_75] : memref<5120x128xf32, #tpu.memory_space<vmem_shared>> -> memref<128x128xf32, #tpu.memory_space<vmem_shared>>
        tpu.wait_dma2 semaphore(%run_scoped3A : memref<!tpu.dma_semaphore, #tpu.memory_space<semaphore_mem>>) src(%dma_wait3A_76 : memref<128x128xf32, #tpu.memory_space<vmem_shared>>) dst(%arg8 : memref<128x128xf32, #tpu.memory_space<vmem>>)
        tpu.yield
      }) : () -> ()
      "tpu.region"() ({
        %run_scoped3A = tpu.sem_alloc : memref<!tpu.dma_semaphore, #tpu.memory_space<semaphore_mem>>
        %dma_start3A = arith.constant 0 : i32
        %dma_start3A_71 = tpu.memref_slice %arg5[%add3A_59, %dma_start3A] : memref<10000x128xf32, #tpu.memory_space<hbm>> -> memref<128x128xf32, #tpu.memory_space<hbm>>
        %dma_start3A_72 = arith.constant 0 : i32
        %dma_start3A_73 = tpu.memref_slice %arg5[%add3A_59, %dma_start3A_72] : memref<10000x128xf32, #tpu.memory_space<hbm>> -> memref<128x128xf32, #tpu.memory_space<hbm>>
        tpu.enqueue_dma source(%arg8 : memref<128x128xf32, #tpu.memory_space<vmem>>) target(%dma_start3A_73 : memref<128x128xf32, #tpu.memory_space<hbm>>) target_semaphore(%run_scoped3A : memref<!tpu.dma_semaphore, #tpu.memory_space<semaphore_mem>>)
        %dma_wait3A = arith.constant 0 : i32
        %dma_wait3A_74 = tpu.memref_slice %arg5[%add3A_59, %dma_wait3A] : memref<10000x128xf32, #tpu.memory_space<hbm>> -> memref<128x128xf32, #tpu.memory_space<hbm>>
        %dma_wait3A_75 = arith.constant 0 : i32
        %dma_wait3A_76 = tpu.memref_slice %arg5[%add3A_59, %dma_wait3A_75] : memref<10000x128xf32, #tpu.memory_space<hbm>> -> memref<128x128xf32, #tpu.memory_space<hbm>>
        tpu.wait_dma2 semaphore(%run_scoped3A : memref<!tpu.dma_semaphore, #tpu.memory_space<semaphore_mem>>) src(%arg8 : memref<128x128xf32, #tpu.memory_space<vmem>>) dst(%dma_wait3A_76 : memref<128x128xf32, #tpu.memory_space<hbm>>)
        tpu.yield
      }) : () -> ()
      %mul3A_60 = arith.constant 320 : i32
      %mul3A_61 = arith.muli %arg1, %mul3A_60 : i32
      %add3A_62 = arith.constant 256 : i32
      %add3A_63 = arith.addi %mul3A_61, %add3A_62 : i32
      %mul3A_64 = arith.constant 5000 : i32
      %mul3A_65 = arith.muli %arg0, %mul3A_64 : i32
      %mul3A_66 = arith.constant 320 : i32
      %mul3A_67 = arith.muli %arg1, %mul3A_66 : i32
      %add3A_68 = arith.addi %mul3A_65, %mul3A_67 : i32
      %add3A_69 = arith.constant 256 : i32
      %add3A_70 = arith.addi %add3A_68, %add3A_69 : i32
      "tpu.region"() ({
        %run_scoped3A = tpu.sem_alloc : memref<!tpu.dma_semaphore, #tpu.memory_space<semaphore_mem>>
        %dma_start3A = arith.constant 0 : i32
        %dma_start3A_71 = arith.constant 0 : i32
        %dma_start3A_72 = tpu.memref_slice %arg8[%dma_start3A, %dma_start3A_71] : memref<128x128xf32, #tpu.memory_space<vmem>> -> memref<64x128xf32, #tpu.memory_space<vmem>>
        %dma_start3A_73 = arith.constant 0 : i32
        %dma_start3A_74 = tpu.memref_slice %arg10[%add3A_63, %dma_start3A_73] : memref<5120x128xf32, #tpu.memory_space<vmem_shared>> -> memref<64x128xf32, #tpu.memory_space<vmem_shared>>
        %dma_start3A_75 = arith.constant 0 : i32
        %dma_start3A_76 = arith.constant 0 : i32
        %dma_start3A_77 = tpu.memref_slice %arg8[%dma_start3A_75, %dma_start3A_76] : memref<128x128xf32, #tpu.memory_space<vmem>> -> memref<64x128xf32, #tpu.memory_space<vmem>>
        %dma_start3A_78 = arith.constant 0 : i32
        %dma_start3A_79 = tpu.memref_slice %arg10[%add3A_63, %dma_start3A_78] : memref<5120x128xf32, #tpu.memory_space<vmem_shared>> -> memref<64x128xf32, #tpu.memory_space<vmem_shared>>
        tpu.enqueue_dma source(%dma_start3A_79 : memref<64x128xf32, #tpu.memory_space<vmem_shared>>) target(%dma_start3A_77 : memref<64x128xf32, #tpu.memory_space<vmem>>) target_semaphore(%run_scoped3A : memref<!tpu.dma_semaphore, #tpu.memory_space<semaphore_mem>>)
        %dma_wait3A = arith.constant 0 : i32
        %dma_wait3A_80 = arith.constant 0 : i32
        %dma_wait3A_81 = tpu.memref_slice %arg8[%dma_wait3A, %dma_wait3A_80] : memref<128x128xf32, #tpu.memory_space<vmem>> -> memref<64x128xf32, #tpu.memory_space<vmem>>
        %dma_wait3A_82 = arith.constant 0 : i32
        %dma_wait3A_83 = tpu.memref_slice %arg10[%add3A_63, %dma_wait3A_82] : memref<5120x128xf32, #tpu.memory_space<vmem_shared>> -> memref<64x128xf32, #tpu.memory_space<vmem_shared>>
        %dma_wait3A_84 = arith.constant 0 : i32
        %dma_wait3A_85 = arith.constant 0 : i32
        %dma_wait3A_86 = tpu.memref_slice %arg8[%dma_wait3A_84, %dma_wait3A_85] : memref<128x128xf32, #tpu.memory_space<vmem>> -> memref<64x128xf32, #tpu.memory_space<vmem>>
        %dma_wait3A_87 = arith.constant 0 : i32
        %dma_wait3A_88 = tpu.memref_slice %arg10[%add3A_63, %dma_wait3A_87] : memref<5120x128xf32, #tpu.memory_space<vmem_shared>> -> memref<64x128xf32, #tpu.memory_space<vmem_shared>>
        tpu.wait_dma2 semaphore(%run_scoped3A : memref<!tpu.dma_semaphore, #tpu.memory_space<semaphore_mem>>) src(%dma_wait3A_88 : memref<64x128xf32, #tpu.memory_space<vmem_shared>>) dst(%dma_wait3A_86 : memref<64x128xf32, #tpu.memory_space<vmem>>)
        tpu.yield
      }) : () -> ()
      "tpu.region"() ({
        %run_scoped3A = tpu.sem_alloc : memref<!tpu.dma_semaphore, #tpu.memory_space<semaphore_mem>>
        %dma_start3A = arith.constant 0 : i32
        %dma_start3A_71 = arith.constant 0 : i32
        %dma_start3A_72 = tpu.memref_slice %arg8[%dma_start3A, %dma_start3A_71] : memref<128x128xf32, #tpu.memory_space<vmem>> -> memref<64x128xf32, #tpu.memory_space<vmem>>
        %dma_start3A_73 = arith.constant 0 : i32
        %dma_start3A_74 = tpu.memref_slice %arg5[%add3A_70, %dma_start3A_73] : memref<10000x128xf32, #tpu.memory_space<hbm>> -> memref<64x128xf32, #tpu.memory_space<hbm>>
        %dma_start3A_75 = arith.constant 0 : i32
        %dma_start3A_76 = tpu.memref_slice %arg5[%add3A_70, %dma_start3A_75] : memref<10000x128xf32, #tpu.memory_space<hbm>> -> memref<64x128xf32, #tpu.memory_space<hbm>>
        %dma_start3A_77 = arith.constant 0 : i32
        %dma_start3A_78 = arith.constant 0 : i32
        %dma_start3A_79 = tpu.memref_slice %arg8[%dma_start3A_77, %dma_start3A_78] : memref<128x128xf32, #tpu.memory_space<vmem>> -> memref<64x128xf32, #tpu.memory_space<vmem>>
        tpu.enqueue_dma source(%dma_start3A_79 : memref<64x128xf32, #tpu.memory_space<vmem>>) target(%dma_start3A_76 : memref<64x128xf32, #tpu.memory_space<hbm>>) target_semaphore(%run_scoped3A : memref<!tpu.dma_semaphore, #tpu.memory_space<semaphore_mem>>)
        %dma_wait3A = arith.constant 0 : i32
        %dma_wait3A_80 = arith.constant 0 : i32
        %dma_wait3A_81 = tpu.memref_slice %arg8[%dma_wait3A, %dma_wait3A_80] : memref<128x128xf32, #tpu.memory_space<vmem>> -> memref<64x128xf32, #tpu.memory_space<vmem>>
        %dma_wait3A_82 = arith.constant 0 : i32
        %dma_wait3A_83 = tpu.memref_slice %arg5[%add3A_70, %dma_wait3A_82] : memref<10000x128xf32, #tpu.memory_space<hbm>> -> memref<64x128xf32, #tpu.memory_space<hbm>>
        %dma_wait3A_84 = arith.constant 0 : i32
        %dma_wait3A_85 = tpu.memref_slice %arg5[%add3A_70, %dma_wait3A_84] : memref<10000x128xf32, #tpu.memory_space<hbm>> -> memref<64x128xf32, #tpu.memory_space<hbm>>
        %dma_wait3A_86 = arith.constant 0 : i32
        %dma_wait3A_87 = arith.constant 0 : i32
        %dma_wait3A_88 = tpu.memref_slice %arg8[%dma_wait3A_86, %dma_wait3A_87] : memref<128x128xf32, #tpu.memory_space<vmem>> -> memref<64x128xf32, #tpu.memory_space<vmem>>
        tpu.wait_dma2 semaphore(%run_scoped3A : memref<!tpu.dma_semaphore, #tpu.memory_space<semaphore_mem>>) src(%dma_wait3A_88 : memref<64x128xf32, #tpu.memory_space<vmem>>) dst(%dma_wait3A_85 : memref<64x128xf32, #tpu.memory_space<hbm>>)
        tpu.yield
      }) : () -> ()
    } else {
    }
    %eq3A_33 = arith.constant 15 : i32
    %eq3A_34 = arith.cmpi eq, %arg1, %eq3A_33 : i32
    %convert_element_type3A_35 = arith.extui %eq3A_34 : i1 to i32
    %cond3A_36 = arith.constant 0 : i32
    %cond3A_37 = arith.cmpi ne, %convert_element_type3A_35, %cond3A_36 : i32
    scf.if %cond3A_37 {
      %mul3A_38 = arith.constant 320 : i32
      %mul3A_39 = arith.muli %arg1, %mul3A_38 : i32
      %add3A_40 = arith.constant 0 : i32
      %add3A_41 = arith.addi %mul3A_39, %add3A_40 : i32
      %mul3A_42 = arith.constant 5000 : i32
      %mul3A_43 = arith.muli %arg0, %mul3A_42 : i32
      %mul3A_44 = arith.constant 320 : i32
      %mul3A_45 = arith.muli %arg1, %mul3A_44 : i32
      %add3A_46 = arith.addi %mul3A_43, %mul3A_45 : i32
      %add3A_47 = arith.constant 0 : i32
      %add3A_48 = arith.addi %add3A_46, %add3A_47 : i32
      "tpu.region"() ({
        %run_scoped3A = tpu.sem_alloc : memref<!tpu.dma_semaphore, #tpu.memory_space<semaphore_mem>>
        %dma_start3A = arith.constant 0 : i32
        %dma_start3A_60 = tpu.memref_slice %arg10[%add3A_41, %dma_start3A] : memref<5120x128xf32, #tpu.memory_space<vmem_shared>> -> memref<128x128xf32, #tpu.memory_space<vmem_shared>>
        %dma_start3A_61 = arith.constant 0 : i32
        %dma_start3A_62 = tpu.memref_slice %arg10[%add3A_41, %dma_start3A_61] : memref<5120x128xf32, #tpu.memory_space<vmem_shared>> -> memref<128x128xf32, #tpu.memory_space<vmem_shared>>
        tpu.enqueue_dma source(%dma_start3A_62 : memref<128x128xf32, #tpu.memory_space<vmem_shared>>) target(%arg8 : memref<128x128xf32, #tpu.memory_space<vmem>>) target_semaphore(%run_scoped3A : memref<!tpu.dma_semaphore, #tpu.memory_space<semaphore_mem>>)
        %dma_wait3A = arith.constant 0 : i32
        %dma_wait3A_63 = tpu.memref_slice %arg10[%add3A_41, %dma_wait3A] : memref<5120x128xf32, #tpu.memory_space<vmem_shared>> -> memref<128x128xf32, #tpu.memory_space<vmem_shared>>
        %dma_wait3A_64 = arith.constant 0 : i32
        %dma_wait3A_65 = tpu.memref_slice %arg10[%add3A_41, %dma_wait3A_64] : memref<5120x128xf32, #tpu.memory_space<vmem_shared>> -> memref<128x128xf32, #tpu.memory_space<vmem_shared>>
        tpu.wait_dma2 semaphore(%run_scoped3A : memref<!tpu.dma_semaphore, #tpu.memory_space<semaphore_mem>>) src(%dma_wait3A_65 : memref<128x128xf32, #tpu.memory_space<vmem_shared>>) dst(%arg8 : memref<128x128xf32, #tpu.memory_space<vmem>>)
        tpu.yield
      }) : () -> ()
      "tpu.region"() ({
        %run_scoped3A = tpu.sem_alloc : memref<!tpu.dma_semaphore, #tpu.memory_space<semaphore_mem>>
        %dma_start3A = arith.constant 0 : i32
        %dma_start3A_60 = tpu.memref_slice %arg5[%add3A_48, %dma_start3A] : memref<10000x128xf32, #tpu.memory_space<hbm>> -> memref<128x128xf32, #tpu.memory_space<hbm>>
        %dma_start3A_61 = arith.constant 0 : i32
        %dma_start3A_62 = tpu.memref_slice %arg5[%add3A_48, %dma_start3A_61] : memref<10000x128xf32, #tpu.memory_space<hbm>> -> memref<128x128xf32, #tpu.memory_space<hbm>>
        tpu.enqueue_dma source(%arg8 : memref<128x128xf32, #tpu.memory_space<vmem>>) target(%dma_start3A_62 : memref<128x128xf32, #tpu.memory_space<hbm>>) target_semaphore(%run_scoped3A : memref<!tpu.dma_semaphore, #tpu.memory_space<semaphore_mem>>)
        %dma_wait3A = arith.constant 0 : i32
        %dma_wait3A_63 = tpu.memref_slice %arg5[%add3A_48, %dma_wait3A] : memref<10000x128xf32, #tpu.memory_space<hbm>> -> memref<128x128xf32, #tpu.memory_space<hbm>>
        %dma_wait3A_64 = arith.constant 0 : i32
        %dma_wait3A_65 = tpu.memref_slice %arg5[%add3A_48, %dma_wait3A_64] : memref<10000x128xf32, #tpu.memory_space<hbm>> -> memref<128x128xf32, #tpu.memory_space<hbm>>
        tpu.wait_dma2 semaphore(%run_scoped3A : memref<!tpu.dma_semaphore, #tpu.memory_space<semaphore_mem>>) src(%arg8 : memref<128x128xf32, #tpu.memory_space<vmem>>) dst(%dma_wait3A_65 : memref<128x128xf32, #tpu.memory_space<hbm>>)
        tpu.yield
      }) : () -> ()
      %mul3A_49 = arith.constant 320 : i32
      %mul3A_50 = arith.muli %arg1, %mul3A_49 : i32
      %add3A_51 = arith.constant 128 : i32
      %add3A_52 = arith.addi %mul3A_50, %add3A_51 : i32
      %mul3A_53 = arith.constant 5000 : i32
      %mul3A_54 = arith.muli %arg0, %mul3A_53 : i32
      %mul3A_55 = arith.constant 320 : i32
      %mul3A_56 = arith.muli %arg1, %mul3A_55 : i32
      %add3A_57 = arith.addi %mul3A_54, %mul3A_56 : i32
      %add3A_58 = arith.constant 128 : i32
      %add3A_59 = arith.addi %add3A_57, %add3A_58 : i32
      "tpu.region"() ({
        %run_scoped3A = tpu.sem_alloc : memref<!tpu.dma_semaphore, #tpu.memory_space<semaphore_mem>>
        %dma_start3A = arith.constant 0 : i32
        %dma_start3A_60 = arith.constant 0 : i32
        %dma_start3A_61 = tpu.memref_slice %arg8[%dma_start3A, %dma_start3A_60] : memref<128x128xf32, #tpu.memory_space<vmem>> -> memref<72x128xf32, #tpu.memory_space<vmem>>
        %dma_start3A_62 = arith.constant 0 : i32
        %dma_start3A_63 = tpu.memref_slice %arg10[%add3A_52, %dma_start3A_62] : memref<5120x128xf32, #tpu.memory_space<vmem_shared>> -> memref<72x128xf32, #tpu.memory_space<vmem_shared>>
        %dma_start3A_64 = arith.constant 0 : i32
        %dma_start3A_65 = arith.constant 0 : i32
        %dma_start3A_66 = tpu.memref_slice %arg8[%dma_start3A_64, %dma_start3A_65] : memref<128x128xf32, #tpu.memory_space<vmem>> -> memref<72x128xf32, #tpu.memory_space<vmem>>
        %dma_start3A_67 = arith.constant 0 : i32
        %dma_start3A_68 = tpu.memref_slice %arg10[%add3A_52, %dma_start3A_67] : memref<5120x128xf32, #tpu.memory_space<vmem_shared>> -> memref<72x128xf32, #tpu.memory_space<vmem_shared>>
        tpu.enqueue_dma source(%dma_start3A_68 : memref<72x128xf32, #tpu.memory_space<vmem_shared>>) target(%dma_start3A_66 : memref<72x128xf32, #tpu.memory_space<vmem>>) target_semaphore(%run_scoped3A : memref<!tpu.dma_semaphore, #tpu.memory_space<semaphore_mem>>)
        %dma_wait3A = arith.constant 0 : i32
        %dma_wait3A_69 = arith.constant 0 : i32
        %dma_wait3A_70 = tpu.memref_slice %arg8[%dma_wait3A, %dma_wait3A_69] : memref<128x128xf32, #tpu.memory_space<vmem>> -> memref<72x128xf32, #tpu.memory_space<vmem>>
        %dma_wait3A_71 = arith.constant 0 : i32
        %dma_wait3A_72 = tpu.memref_slice %arg10[%add3A_52, %dma_wait3A_71] : memref<5120x128xf32, #tpu.memory_space<vmem_shared>> -> memref<72x128xf32, #tpu.memory_space<vmem_shared>>
        %dma_wait3A_73 = arith.constant 0 : i32
        %dma_wait3A_74 = arith.constant 0 : i32
        %dma_wait3A_75 = tpu.memref_slice %arg8[%dma_wait3A_73, %dma_wait3A_74] : memref<128x128xf32, #tpu.memory_space<vmem>> -> memref<72x128xf32, #tpu.memory_space<vmem>>
        %dma_wait3A_76 = arith.constant 0 : i32
        %dma_wait3A_77 = tpu.memref_slice %arg10[%add3A_52, %dma_wait3A_76] : memref<5120x128xf32, #tpu.memory_space<vmem_shared>> -> memref<72x128xf32, #tpu.memory_space<vmem_shared>>
        tpu.wait_dma2 semaphore(%run_scoped3A : memref<!tpu.dma_semaphore, #tpu.memory_space<semaphore_mem>>) src(%dma_wait3A_77 : memref<72x128xf32, #tpu.memory_space<vmem_shared>>) dst(%dma_wait3A_75 : memref<72x128xf32, #tpu.memory_space<vmem>>)
        tpu.yield
      }) : () -> ()
      "tpu.region"() ({
        %run_scoped3A = tpu.sem_alloc : memref<!tpu.dma_semaphore, #tpu.memory_space<semaphore_mem>>
        %dma_start3A = arith.constant 0 : i32
        %dma_start3A_60 = arith.constant 0 : i32
        %dma_start3A_61 = tpu.memref_slice %arg8[%dma_start3A, %dma_start3A_60] : memref<128x128xf32, #tpu.memory_space<vmem>> -> memref<72x128xf32, #tpu.memory_space<vmem>>
        %dma_start3A_62 = arith.constant 0 : i32
        %dma_start3A_63 = tpu.memref_slice %arg5[%add3A_59, %dma_start3A_62] : memref<10000x128xf32, #tpu.memory_space<hbm>> -> memref<72x128xf32, #tpu.memory_space<hbm>>
        %dma_start3A_64 = arith.constant 0 : i32
        %dma_start3A_65 = tpu.memref_slice %arg5[%add3A_59, %dma_start3A_64] : memref<10000x128xf32, #tpu.memory_space<hbm>> -> memref<72x128xf32, #tpu.memory_space<hbm>>
        %dma_start3A_66 = arith.constant 0 : i32
        %dma_start3A_67 = arith.constant 0 : i32
        %dma_start3A_68 = tpu.memref_slice %arg8[%dma_start3A_66, %dma_start3A_67] : memref<128x128xf32, #tpu.memory_space<vmem>> -> memref<72x128xf32, #tpu.memory_space<vmem>>
        tpu.enqueue_dma source(%dma_start3A_68 : memref<72x128xf32, #tpu.memory_space<vmem>>) target(%dma_start3A_65 : memref<72x128xf32, #tpu.memory_space<hbm>>) target_semaphore(%run_scoped3A : memref<!tpu.dma_semaphore, #tpu.memory_space<semaphore_mem>>)
        %dma_wait3A = arith.constant 0 : i32
        %dma_wait3A_69 = arith.constant 0 : i32
        %dma_wait3A_70 = tpu.memref_slice %arg8[%dma_wait3A, %dma_wait3A_69] : memref<128x128xf32, #tpu.memory_space<vmem>> -> memref<72x128xf32, #tpu.memory_space<vmem>>
        %dma_wait3A_71 = arith.constant 0 : i32
        %dma_wait3A_72 = tpu.memref_slice %arg5[%add3A_59, %dma_wait3A_71] : memref<10000x128xf32, #tpu.memory_space<hbm>> -> memref<72x128xf32, #tpu.memory_space<hbm>>
        %dma_wait3A_73 = arith.constant 0 : i32
        %dma_wait3A_74 = tpu.memref_slice %arg5[%add3A_59, %dma_wait3A_73] : memref<10000x128xf32, #tpu.memory_space<hbm>> -> memref<72x128xf32, #tpu.memory_space<hbm>>
        %dma_wait3A_75 = arith.constant 0 : i32
        %dma_wait3A_76 = arith.constant 0 : i32
        %dma_wait3A_77 = tpu.memref_slice %arg8[%dma_wait3A_75, %dma_wait3A_76] : memref<128x128xf32, #tpu.memory_space<vmem>> -> memref<72x128xf32, #tpu.memory_space<vmem>>
        tpu.wait_dma2 semaphore(%run_scoped3A : memref<!tpu.dma_semaphore, #tpu.memory_space<semaphore_mem>>) src(%dma_wait3A_77 : memref<72x128xf32, #tpu.memory_space<vmem>>) dst(%dma_wait3A_74 : memref<72x128xf32, #tpu.memory_space<hbm>>)
        tpu.yield
      }) : () -> ()
    } else {
    }
    return
  }
}

module attributes {stable_mosaic.version = 14 : i64} {
  func.func @body(%arg0: i32, %arg1: memref<2000x128xf32, #tpu.memory_space<vmem>>, %arg2: memref<2000x128xf32, #tpu.memory_space<vmem>>, %arg3: memref<128x128xf32, #tpu.memory_space<vmem>>, %arg4: memref<3x128x128xf32, #tpu.memory_space<vmem>>, %arg5: memref<2000x1xf32, #tpu.memory_space<vmem>>, %arg6: memref<2000x128xf32, #tpu.memory_space<vmem>>, %arg7: memref<2000x128xf32, #tpu.memory_space<vmem>>, %arg8: memref<2000x128xf32, #tpu.memory_space<vmem>>, %arg9: memref<2000x128xf32, #tpu.memory_space<vmem>>) attributes {dimension_semantics = [#tpu.dimension_semantics<arbitrary>], iteration_bounds = array<i64: 5>, scalar_prefetch = 0 : i64, scratch_operands = 0 : i64, tpu.core_type = #tpu.core_type<tc>, window_params = [{transform_indices = @transform_0, window_bounds = array<i64: 2000, 128>}, {transform_indices = @transform_1, window_bounds = array<i64: 2000, 128>}, {pipeline_mode = #tpu.pipeline_mode<synchronous>, transform_indices = @transform_2, window_bounds = array<i64: 128, 128>}, {pipeline_mode = #tpu.pipeline_mode<synchronous>, transform_indices = @transform_3, window_bounds = array<i64: 3, 128, 128>}, {transform_indices = @transform_4, window_bounds = array<i64: 2000, 1>}, {transform_indices = @transform_5, window_bounds = array<i64: 2000, 128>}, {transform_indices = @transform_6, window_bounds = array<i64: 2000, 128>}, {transform_indices = @transform_7, window_bounds = array<i64: 2000, 128>}, {transform_indices = @transform_8, window_bounds = array<i64: 2000, 128>}]} {
    %get3A = arith.constant 0 : index
    %get3A_0 = arith.constant 0 : index
    %get3A_1 = vector.load %arg2[%get3A, %get3A_0] : memref<2000x128xf32, #tpu.memory_space<vmem>>, vector<2000x128xf32>
    %get3A_2 = arith.constant 0 : index
    %get3A_3 = arith.constant 0 : index
    %get3A_4 = arith.constant 0 : index
    %get3A_5 = vector.load %arg4[%get3A_2, %get3A_3, %get3A_4] : memref<3x128x128xf32, #tpu.memory_space<vmem>>, vector<3x128x128xf32>
    %slice3A = vector.extract_strided_slice %get3A_5 {offsets = [0, 0, 0], sizes = [1, 128, 128], strides = [1, 1, 1]} : vector<3x128x128xf32> to vector<1x128x128xf32>
    %squeeze3A = vector.shape_cast %slice3A : vector<1x128x128xf32> to vector<128x128xf32>
    %dot_general3A = arith.constant dense<0.000000e+00> : vector<2000x128xf32>
    %dot_general3A_6 = tpu.matmul %get3A_1, %squeeze3A, %dot_general3A {dimension_numbers = #tpu.dot_dimension_numbers<[1], [1], [0], [0], [0, 0, 1, 0], [], []>, transpose_lhs_hint = false} : vector<2000x128xf32>, vector<128x128xf32>, vector<2000x128xf32> -> vector<2000x128xf32>
    %slice3A_7 = vector.extract_strided_slice %get3A_5 {offsets = [1, 0, 0], sizes = [1, 128, 128], strides = [1, 1, 1]} : vector<3x128x128xf32> to vector<1x128x128xf32>
    %squeeze3A_8 = vector.shape_cast %slice3A_7 : vector<1x128x128xf32> to vector<128x128xf32>
    %dot_general3A_9 = arith.constant dense<0.000000e+00> : vector<2000x128xf32>
    %dot_general3A_10 = tpu.matmul %dot_general3A_6, %squeeze3A_8, %dot_general3A_9 {dimension_numbers = #tpu.dot_dimension_numbers<[1], [1], [0], [0], [0, 0, 1, 0], [], []>, transpose_lhs_hint = false} : vector<2000x128xf32>, vector<128x128xf32>, vector<2000x128xf32> -> vector<2000x128xf32>
    %slice3A_11 = vector.extract_strided_slice %get3A_5 {offsets = [2, 0, 0], sizes = [1, 128, 128], strides = [1, 1, 1]} : vector<3x128x128xf32> to vector<1x128x128xf32>
    %squeeze3A_12 = vector.shape_cast %slice3A_11 : vector<1x128x128xf32> to vector<128x128xf32>
    %dot_general3A_13 = arith.constant dense<0.000000e+00> : vector<2000x128xf32>
    %dot_general3A_14 = tpu.matmul %dot_general3A_10, %squeeze3A_12, %dot_general3A_13 {dimension_numbers = #tpu.dot_dimension_numbers<[1], [1], [0], [0], [0, 0, 1, 0], [], []>, transpose_lhs_hint = false} : vector<2000x128xf32>, vector<128x128xf32>, vector<2000x128xf32> -> vector<2000x128xf32>
    %add3A = arith.addf %get3A_1, %dot_general3A_6 : vector<2000x128xf32>
    %div3A = arith.constant 2.000000e+00 : f32
    %div3A_15 = vector.broadcast %div3A : f32 to vector<2000x128xf32>
    %div3A_16 = arith.divf %dot_general3A_10, %div3A_15 : vector<2000x128xf32>
    %add3A_17 = arith.addf %add3A, %div3A_16 : vector<2000x128xf32>
    %div3A_18 = arith.constant 3.000000e+00 : f32
    %div3A_19 = vector.broadcast %div3A_18 : f32 to vector<2000x128xf32>
    %div3A_20 = arith.divf %dot_general3A_14, %div3A_19 : vector<2000x128xf32>
    %add3A_21 = arith.addf %add3A_17, %div3A_20 : vector<2000x128xf32>
    %swap3A = arith.constant 0 : index
    %swap3A_22 = arith.constant 0 : index
    %swap3A_23 = vector.load %arg9[%swap3A, %swap3A_22] : memref<2000x128xf32, #tpu.memory_space<vmem>>, vector<2000x128xf32>
    tpu.vector_store %arg9[%swap3A, %swap3A_22], %add3A_21 {strides = array<i32>} : memref<2000x128xf32, #tpu.memory_space<vmem>>, vector<2000x128xf32>,
    %swap3A_24 = arith.constant 0 : index
    %swap3A_25 = arith.constant 0 : index
    %swap3A_26 = vector.load %arg7[%swap3A_24, %swap3A_25] : memref<2000x128xf32, #tpu.memory_space<vmem>>, vector<2000x128xf32>
    tpu.vector_store %arg7[%swap3A_24, %swap3A_25], %dot_general3A_6 {strides = array<i32>} : memref<2000x128xf32, #tpu.memory_space<vmem>>, vector<2000x128xf32>,
    %swap3A_27 = arith.constant 0 : index
    %swap3A_28 = arith.constant 0 : index
    %swap3A_29 = vector.load %arg8[%swap3A_27, %swap3A_28] : memref<2000x128xf32, #tpu.memory_space<vmem>>, vector<2000x128xf32>
    tpu.vector_store %arg8[%swap3A_27, %swap3A_28], %dot_general3A_10 {strides = array<i32>} : memref<2000x128xf32, #tpu.memory_space<vmem>>, vector<2000x128xf32>,
    %get3A_30 = arith.constant 0 : index
    %get3A_31 = arith.constant 0 : index
    %get3A_32 = vector.load %arg1[%get3A_30, %get3A_31] : memref<2000x128xf32, #tpu.memory_space<vmem>>, vector<2000x128xf32>
    %add3A_33 = arith.addf %get3A_32, %get3A_1 : vector<2000x128xf32>
    %get3A_34 = arith.constant 0 : index
    %get3A_35 = arith.constant 0 : index
    %get3A_36 = vector.load %arg3[%get3A_34, %get3A_35] : memref<128x128xf32, #tpu.memory_space<vmem>>, vector<128x128xf32>
    %dot_general3A_37 = arith.constant dense<0.000000e+00> : vector<2000x128xf32>
    %dot_general3A_38 = tpu.matmul %add3A_33, %get3A_36, %dot_general3A_37 {dimension_numbers = #tpu.dot_dimension_numbers<[1], [1], [0], [0], [0, 0, 1, 0], [], []>, transpose_lhs_hint = false} : vector<2000x128xf32>, vector<128x128xf32>, vector<2000x128xf32> -> vector<2000x128xf32>
    %get3A_39 = arith.constant 0 : index
    %get3A_40 = arith.constant 0 : index
    %get3A_41 = vector.load %arg5[%get3A_39, %get3A_40] : memref<2000x1xf32, #tpu.memory_space<vmem>>, vector<2000x1xf32>
    %mul3A = vector.broadcast %get3A_41 : vector<2000x1xf32> to vector<2000x128xf32>
    %mul3A_42 = arith.mulf %dot_general3A_38, %mul3A : vector<2000x128xf32>
    %swap3A_43 = arith.constant 0 : index
    %swap3A_44 = arith.constant 0 : index
    %swap3A_45 = vector.load %arg6[%swap3A_43, %swap3A_44] : memref<2000x128xf32, #tpu.memory_space<vmem>>, vector<2000x128xf32>
    tpu.vector_store %arg6[%swap3A_43, %swap3A_44], %mul3A_42 {strides = array<i32>} : memref<2000x128xf32, #tpu.memory_space<vmem>>, vector<2000x128xf32>,
    return
  }
  func.func @transform_0(%arg0: i32) -> (i32, i32) {
    %c0_i32 = arith.constant 0 : i32
    %c0_i32_0 = arith.constant 0 : i32
    return %arg0, %c0_i32 : i32, i32
  }
  func.func @transform_1(%arg0: i32) -> (i32, i32) {
    %c0_i32 = arith.constant 0 : i32
    %c0_i32_0 = arith.constant 0 : i32
    return %arg0, %c0_i32 : i32, i32
  }
  func.func @transform_2(%arg0: i32) -> (i32, i32) {
    %c0_i32 = arith.constant 0 : i32
    %c0_i32_0 = arith.constant 0 : i32
    %c0_i32_1 = arith.constant 0 : i32
    return %c0_i32, %c0_i32_0 : i32, i32
  }
  func.func @transform_3(%arg0: i32) -> (i32, i32, i32) {
    %c0_i32 = arith.constant 0 : i32
    %c0_i32_0 = arith.constant 0 : i32
    %c0_i32_1 = arith.constant 0 : i32
    %c0_i32_2 = arith.constant 0 : i32
    return %c0_i32, %c0_i32_0, %c0_i32_1 : i32, i32, i32
  }
  func.func @transform_4(%arg0: i32) -> (i32, i32) {
    %c0_i32 = arith.constant 0 : i32
    %c0_i32_0 = arith.constant 0 : i32
    return %arg0, %c0_i32 : i32, i32
  }
  func.func @transform_5(%arg0: i32) -> (i32, i32) {
    %c0_i32 = arith.constant 0 : i32
    %c0_i32_0 = arith.constant 0 : i32
    return %arg0, %c0_i32 : i32, i32
  }
  func.func @transform_6(%arg0: i32) -> (i32, i32) {
    %c0_i32 = arith.constant 0 : i32
    %c0_i32_0 = arith.constant 0 : i32
    return %arg0, %c0_i32 : i32, i32
  }
  func.func @transform_7(%arg0: i32) -> (i32, i32) {
    %c0_i32 = arith.constant 0 : i32
    %c0_i32_0 = arith.constant 0 : i32
    return %arg0, %c0_i32 : i32, i32
  }
  func.func @transform_8(%arg0: i32) -> (i32, i32) {
    %c0_i32 = arith.constant 0 : i32
    %c0_i32_0 = arith.constant 0 : i32
    return %arg0, %c0_i32 : i32, i32
  }
}

module attributes {stable_mosaic.version = 14 : i64} {
  func.func @body(%arg0: i32, %arg1: memref<2000x128xf32, #tpu.memory_space<vmem>>, %arg2: memref<2000x128xf32, #tpu.memory_space<vmem>>, %arg3: memref<2000x128xf32, #tpu.memory_space<vmem>>, %arg4: memref<128x128xf32, #tpu.memory_space<vmem>>, %arg5: memref<2000x1xf32, #tpu.memory_space<vmem>>, %arg6: memref<2000x128xf32, #tpu.memory_space<vmem>>, %arg7: memref<2000x128xf32, #tpu.memory_space<vmem>>) attributes {dimension_semantics = [#tpu.dimension_semantics<arbitrary>], iteration_bounds = array<i64: 5>, scalar_prefetch = 0 : i64, scratch_operands = 0 : i64, tpu.core_type = #tpu.core_type<tc>, window_params = [{transform_indices = @transform_0, window_bounds = array<i64: 2000, 128>}, {transform_indices = @transform_1, window_bounds = array<i64: 2000, 128>}, {transform_indices = @transform_2, window_bounds = array<i64: 2000, 128>}, {pipeline_mode = #tpu.pipeline_mode<synchronous>, transform_indices = @transform_3, window_bounds = array<i64: 128, 128>}, {transform_indices = @transform_4, window_bounds = array<i64: 2000, 1>}, {transform_indices = @transform_5, window_bounds = array<i64: 2000, 128>}, {transform_indices = @transform_6, window_bounds = array<i64: 2000, 128>}]} {
    %get3A = arith.constant 0 : index
    %get3A_0 = arith.constant 0 : index
    %get3A_1 = vector.load %arg1[%get3A, %get3A_0] : memref<2000x128xf32, #tpu.memory_space<vmem>>, vector<2000x128xf32>
    %mul3A = arith.mulf %get3A_1, %get3A_1 : vector<2000x128xf32>
    %reduce_sum3A = arith.constant dense<0.000000e+00> : vector<2000xf32>
    %reduce_sum3A_2 = vector.multi_reduction <add>, %mul3A, %reduce_sum3A [1] : vector<2000x128xf32> to vector<2000xf32>
    %broadcast_in_dim3A = vector.shape_cast %reduce_sum3A_2 : vector<2000xf32> to vector<2000x1xf32>
    %sqrt3A = math.sqrt %broadcast_in_dim3A : vector<2000x1xf32>
    %max3A = arith.constant 9.99999996E-13 : f32
    %max3A_3 = vector.broadcast %max3A : f32 to vector<2000x1xf32>
    %max3A_4 = arith.maximumf %sqrt3A, %max3A_3 : vector<2000x1xf32>
    %div3A = vector.broadcast %max3A_4 : vector<2000x1xf32> to vector<2000x128xf32>
    %div3A_5 = arith.divf %get3A_1, %div3A : vector<2000x128xf32>
    %get3A_6 = arith.constant 0 : index
    %get3A_7 = arith.constant 0 : index
    %get3A_8 = vector.load %arg2[%get3A_6, %get3A_7] : memref<2000x128xf32, #tpu.memory_space<vmem>>, vector<2000x128xf32>
    %div3A_9 = arith.constant 1.000000e+00 : f32
    %div3A_10 = vector.broadcast %div3A_9 : f32 to vector<2000x128xf32>
    %div3A_11 = arith.divf %div3A_5, %div3A_10 : vector<2000x128xf32>
    %add3A = arith.addf %get3A_8, %div3A_11 : vector<2000x128xf32>
    %swap3A = arith.constant 0 : index
    %swap3A_12 = arith.constant 0 : index
    %swap3A_13 = vector.load %arg7[%swap3A, %swap3A_12] : memref<2000x128xf32, #tpu.memory_space<vmem>>, vector<2000x128xf32>
    tpu.vector_store %arg7[%swap3A, %swap3A_12], %add3A {strides = array<i32>} : memref<2000x128xf32, #tpu.memory_space<vmem>>, vector<2000x128xf32>,
    %get3A_14 = arith.constant 0 : index
    %get3A_15 = arith.constant 0 : index
    %get3A_16 = vector.load %arg3[%get3A_14, %get3A_15] : memref<2000x128xf32, #tpu.memory_space<vmem>>, vector<2000x128xf32>
    %add3A_17 = arith.addf %div3A_5, %get3A_16 : vector<2000x128xf32>
    %get3A_18 = arith.constant 0 : index
    %get3A_19 = arith.constant 0 : index
    %get3A_20 = vector.load %arg4[%get3A_18, %get3A_19] : memref<128x128xf32, #tpu.memory_space<vmem>>, vector<128x128xf32>
    %dot_general3A = arith.constant dense<0.000000e+00> : vector<2000x128xf32>
    %dot_general3A_21 = tpu.matmul %add3A_17, %get3A_20, %dot_general3A {dimension_numbers = #tpu.dot_dimension_numbers<[1], [1], [0], [0], [0, 0, 1, 0], [], []>, transpose_lhs_hint = false} : vector<2000x128xf32>, vector<128x128xf32>, vector<2000x128xf32> -> vector<2000x128xf32>
    %get3A_22 = arith.constant 0 : index
    %get3A_23 = arith.constant 0 : index
    %get3A_24 = vector.load %arg5[%get3A_22, %get3A_23] : memref<2000x1xf32, #tpu.memory_space<vmem>>, vector<2000x1xf32>
    %mul3A_25 = vector.broadcast %get3A_24 : vector<2000x1xf32> to vector<2000x128xf32>
    %mul3A_26 = arith.mulf %dot_general3A_21, %mul3A_25 : vector<2000x128xf32>
    %swap3A_27 = arith.constant 0 : index
    %swap3A_28 = arith.constant 0 : index
    %swap3A_29 = vector.load %arg6[%swap3A_27, %swap3A_28] : memref<2000x128xf32, #tpu.memory_space<vmem>>, vector<2000x128xf32>
    tpu.vector_store %arg6[%swap3A_27, %swap3A_28], %mul3A_26 {strides = array<i32>} : memref<2000x128xf32, #tpu.memory_space<vmem>>, vector<2000x128xf32>,
    return
  }
  func.func @transform_0(%arg0: i32) -> (i32, i32) {
    %c0_i32 = arith.constant 0 : i32
    %c0_i32_0 = arith.constant 0 : i32
    return %arg0, %c0_i32 : i32, i32
  }
  func.func @transform_1(%arg0: i32) -> (i32, i32) {
    %c0_i32 = arith.constant 0 : i32
    %c0_i32_0 = arith.constant 0 : i32
    return %arg0, %c0_i32 : i32, i32
  }
  func.func @transform_2(%arg0: i32) -> (i32, i32) {
    %c0_i32 = arith.constant 0 : i32
    %c0_i32_0 = arith.constant 0 : i32
    return %arg0, %c0_i32 : i32, i32
  }
  func.func @transform_3(%arg0: i32) -> (i32, i32) {
    %c0_i32 = arith.constant 0 : i32
    %c0_i32_0 = arith.constant 0 : i32
    %c0_i32_1 = arith.constant 0 : i32
    return %c0_i32, %c0_i32_0 : i32, i32
  }
  func.func @transform_4(%arg0: i32) -> (i32, i32) {
    %c0_i32 = arith.constant 0 : i32
    %c0_i32_0 = arith.constant 0 : i32
    return %arg0, %c0_i32 : i32, i32
  }
  func.func @transform_5(%arg0: i32) -> (i32, i32) {
    %c0_i32 = arith.constant 0 : i32
    %c0_i32_0 = arith.constant 0 : i32
    return %arg0, %c0_i32 : i32, i32
  }
  func.func @transform_6(%arg0: i32) -> (i32, i32) {
    %c0_i32 = arith.constant 0 : i32
    %c0_i32_0 = arith.constant 0 : i32
    return %arg0, %c0_i32 : i32, i32
  }
}

module attributes {stable_mosaic.version = 14 : i64} {
  func.func @body(%arg0: i32, %arg1: memref<2000x128xf32, #tpu.memory_space<vmem>>, %arg2: memref<2000x128xf32, #tpu.memory_space<vmem>>, %arg3: memref<2000x128xf32, #tpu.memory_space<vmem>>, %arg4: memref<128x128xf32, #tpu.memory_space<vmem>>, %arg5: memref<2000x1xf32, #tpu.memory_space<vmem>>, %arg6: memref<2000x128xf32, #tpu.memory_space<vmem>>, %arg7: memref<2000x128xf32, #tpu.memory_space<vmem>>) attributes {dimension_semantics = [#tpu.dimension_semantics<arbitrary>], iteration_bounds = array<i64: 5>, scalar_prefetch = 0 : i64, scratch_operands = 0 : i64, tpu.core_type = #tpu.core_type<tc>, window_params = [{transform_indices = @transform_0, window_bounds = array<i64: 2000, 128>}, {transform_indices = @transform_1, window_bounds = array<i64: 2000, 128>}, {transform_indices = @transform_2, window_bounds = array<i64: 2000, 128>}, {pipeline_mode = #tpu.pipeline_mode<synchronous>, transform_indices = @transform_3, window_bounds = array<i64: 128, 128>}, {transform_indices = @transform_4, window_bounds = array<i64: 2000, 1>}, {transform_indices = @transform_5, window_bounds = array<i64: 2000, 128>}, {transform_indices = @transform_6, window_bounds = array<i64: 2000, 128>}]} {
    %get3A = arith.constant 0 : index
    %get3A_0 = arith.constant 0 : index
    %get3A_1 = vector.load %arg1[%get3A, %get3A_0] : memref<2000x128xf32, #tpu.memory_space<vmem>>, vector<2000x128xf32>
    %mul3A = arith.mulf %get3A_1, %get3A_1 : vector<2000x128xf32>
    %reduce_sum3A = arith.constant dense<0.000000e+00> : vector<2000xf32>
    %reduce_sum3A_2 = vector.multi_reduction <add>, %mul3A, %reduce_sum3A [1] : vector<2000x128xf32> to vector<2000xf32>
    %broadcast_in_dim3A = vector.shape_cast %reduce_sum3A_2 : vector<2000xf32> to vector<2000x1xf32>
    %sqrt3A = math.sqrt %broadcast_in_dim3A : vector<2000x1xf32>
    %max3A = arith.constant 9.99999996E-13 : f32
    %max3A_3 = vector.broadcast %max3A : f32 to vector<2000x1xf32>
    %max3A_4 = arith.maximumf %sqrt3A, %max3A_3 : vector<2000x1xf32>
    %div3A = vector.broadcast %max3A_4 : vector<2000x1xf32> to vector<2000x128xf32>
    %div3A_5 = arith.divf %get3A_1, %div3A : vector<2000x128xf32>
    %get3A_6 = arith.constant 0 : index
    %get3A_7 = arith.constant 0 : index
    %get3A_8 = vector.load %arg2[%get3A_6, %get3A_7] : memref<2000x128xf32, #tpu.memory_space<vmem>>, vector<2000x128xf32>
    %div3A_9 = arith.constant 2.000000e+00 : f32
    %div3A_10 = vector.broadcast %div3A_9 : f32 to vector<2000x128xf32>
    %div3A_11 = arith.divf %div3A_5, %div3A_10 : vector<2000x128xf32>
    %add3A = arith.addf %get3A_8, %div3A_11 : vector<2000x128xf32>
    %swap3A = arith.constant 0 : index
    %swap3A_12 = arith.constant 0 : index
    %swap3A_13 = vector.load %arg7[%swap3A, %swap3A_12] : memref<2000x128xf32, #tpu.memory_space<vmem>>, vector<2000x128xf32>
    tpu.vector_store %arg7[%swap3A, %swap3A_12], %add3A {strides = array<i32>} : memref<2000x128xf32, #tpu.memory_space<vmem>>, vector<2000x128xf32>,
    %get3A_14 = arith.constant 0 : index
    %get3A_15 = arith.constant 0 : index
    %get3A_16 = vector.load %arg3[%get3A_14, %get3A_15] : memref<2000x128xf32, #tpu.memory_space<vmem>>, vector<2000x128xf32>
    %add3A_17 = arith.addf %div3A_5, %get3A_16 : vector<2000x128xf32>
    %get3A_18 = arith.constant 0 : index
    %get3A_19 = arith.constant 0 : index
    %get3A_20 = vector.load %arg4[%get3A_18, %get3A_19] : memref<128x128xf32, #tpu.memory_space<vmem>>, vector<128x128xf32>
    %dot_general3A = arith.constant dense<0.000000e+00> : vector<2000x128xf32>
    %dot_general3A_21 = tpu.matmul %add3A_17, %get3A_20, %dot_general3A {dimension_numbers = #tpu.dot_dimension_numbers<[1], [1], [0], [0], [0, 0, 1, 0], [], []>, transpose_lhs_hint = false} : vector<2000x128xf32>, vector<128x128xf32>, vector<2000x128xf32> -> vector<2000x128xf32>
    %get3A_22 = arith.constant 0 : index
    %get3A_23 = arith.constant 0 : index
    %get3A_24 = vector.load %arg5[%get3A_22, %get3A_23] : memref<2000x1xf32, #tpu.memory_space<vmem>>, vector<2000x1xf32>
    %mul3A_25 = vector.broadcast %get3A_24 : vector<2000x1xf32> to vector<2000x128xf32>
    %mul3A_26 = arith.mulf %dot_general3A_21, %mul3A_25 : vector<2000x128xf32>
    %swap3A_27 = arith.constant 0 : index
    %swap3A_28 = arith.constant 0 : index
    %swap3A_29 = vector.load %arg6[%swap3A_27, %swap3A_28] : memref<2000x128xf32, #tpu.memory_space<vmem>>, vector<2000x128xf32>
    tpu.vector_store %arg6[%swap3A_27, %swap3A_28], %mul3A_26 {strides = array<i32>} : memref<2000x128xf32, #tpu.memory_space<vmem>>, vector<2000x128xf32>,
    return
  }
  func.func @transform_0(%arg0: i32) -> (i32, i32) {
    %c0_i32 = arith.constant 0 : i32
    %c0_i32_0 = arith.constant 0 : i32
    return %arg0, %c0_i32 : i32, i32
  }
  func.func @transform_1(%arg0: i32) -> (i32, i32) {
    %c0_i32 = arith.constant 0 : i32
    %c0_i32_0 = arith.constant 0 : i32
    return %arg0, %c0_i32 : i32, i32
  }
  func.func @transform_2(%arg0: i32) -> (i32, i32) {
    %c0_i32 = arith.constant 0 : i32
    %c0_i32_0 = arith.constant 0 : i32
    return %arg0, %c0_i32 : i32, i32
  }
  func.func @transform_3(%arg0: i32) -> (i32, i32) {
    %c0_i32 = arith.constant 0 : i32
    %c0_i32_0 = arith.constant 0 : i32
    %c0_i32_1 = arith.constant 0 : i32
    return %c0_i32, %c0_i32_0 : i32, i32
  }
  func.func @transform_4(%arg0: i32) -> (i32, i32) {
    %c0_i32 = arith.constant 0 : i32
    %c0_i32_0 = arith.constant 0 : i32
    return %arg0, %c0_i32 : i32, i32
  }
  func.func @transform_5(%arg0: i32) -> (i32, i32) {
    %c0_i32 = arith.constant 0 : i32
    %c0_i32_0 = arith.constant 0 : i32
    return %arg0, %c0_i32 : i32, i32
  }
  func.func @transform_6(%arg0: i32) -> (i32, i32) {
    %c0_i32 = arith.constant 0 : i32
    %c0_i32_0 = arith.constant 0 : i32
    return %arg0, %c0_i32 : i32, i32
  }
}

module attributes {stable_mosaic.version = 14 : i64} {
  func.func @body(%arg0: i32, %arg1: memref<2000x128xf32, #tpu.memory_space<vmem>>, %arg2: memref<2000x128xf32, #tpu.memory_space<vmem>>, %arg3: memref<2000x128xf32, #tpu.memory_space<vmem>>) attributes {dimension_semantics = [#tpu.dimension_semantics<arbitrary>], iteration_bounds = array<i64: 5>, scalar_prefetch = 0 : i64, scratch_operands = 0 : i64, tpu.core_type = #tpu.core_type<tc>, window_params = [{transform_indices = @transform_0, window_bounds = array<i64: 2000, 128>}, {transform_indices = @transform_1, window_bounds = array<i64: 2000, 128>}, {transform_indices = @transform_2, window_bounds = array<i64: 2000, 128>}]} {
    %get3A = arith.constant 0 : index
    %get3A_0 = arith.constant 0 : index
    %get3A_1 = vector.load %arg1[%get3A, %get3A_0] : memref<2000x128xf32, #tpu.memory_space<vmem>>, vector<2000x128xf32>
    %mul3A = arith.mulf %get3A_1, %get3A_1 : vector<2000x128xf32>
    %reduce_sum3A = arith.constant dense<0.000000e+00> : vector<2000xf32>
    %reduce_sum3A_2 = vector.multi_reduction <add>, %mul3A, %reduce_sum3A [1] : vector<2000x128xf32> to vector<2000xf32>
    %broadcast_in_dim3A = vector.shape_cast %reduce_sum3A_2 : vector<2000xf32> to vector<2000x1xf32>
    %sqrt3A = math.sqrt %broadcast_in_dim3A : vector<2000x1xf32>
    %max3A = arith.constant 9.99999996E-13 : f32
    %max3A_3 = vector.broadcast %max3A : f32 to vector<2000x1xf32>
    %max3A_4 = arith.maximumf %sqrt3A, %max3A_3 : vector<2000x1xf32>
    %div3A = vector.broadcast %max3A_4 : vector<2000x1xf32> to vector<2000x128xf32>
    %div3A_5 = arith.divf %get3A_1, %div3A : vector<2000x128xf32>
    %get3A_6 = arith.constant 0 : index
    %get3A_7 = arith.constant 0 : index
    %get3A_8 = vector.load %arg2[%get3A_6, %get3A_7] : memref<2000x128xf32, #tpu.memory_space<vmem>>, vector<2000x128xf32>
    %div3A_9 = arith.constant 3.000000e+00 : f32
    %div3A_10 = vector.broadcast %div3A_9 : f32 to vector<2000x128xf32>
    %div3A_11 = arith.divf %div3A_5, %div3A_10 : vector<2000x128xf32>
    %add3A = arith.addf %get3A_8, %div3A_11 : vector<2000x128xf32>
    %swap3A = arith.constant 0 : index
    %swap3A_12 = arith.constant 0 : index
    %swap3A_13 = vector.load %arg3[%swap3A, %swap3A_12] : memref<2000x128xf32, #tpu.memory_space<vmem>>, vector<2000x128xf32>
    tpu.vector_store %arg3[%swap3A, %swap3A_12], %add3A {strides = array<i32>} : memref<2000x128xf32, #tpu.memory_space<vmem>>, vector<2000x128xf32>,
    return
  }
  func.func @transform_0(%arg0: i32) -> (i32, i32) {
    %c0_i32 = arith.constant 0 : i32
    %c0_i32_0 = arith.constant 0 : i32
    return %arg0, %c0_i32 : i32, i32
  }
  func.func @transform_1(%arg0: i32) -> (i32, i32) {
    %c0_i32 = arith.constant 0 : i32
    %c0_i32_0 = arith.constant 0 : i32
    return %arg0, %c0_i32 : i32, i32
  }
  func.func @transform_2(%arg0: i32) -> (i32, i32) {
    %c0_i32 = arith.constant 0 : i32
    %c0_i32_0 = arith.constant 0 : i32
    return %arg0, %c0_i32 : i32, i32
  }
}

</mosaic_0001>

<sc_bundles>
// kernel: kernel.12.cloned.1.call-start
scs
__scs_entry_jumppad:
0x0: {  	(pc) =	sbr.rel $0x88, $3  }
0x1: {  	(tag) =	ssettag $0x0;
	lr =	simm.s32 $0x1  }
0x2: {  	[smem:$0x3F9D] =	sst lr;
	_ =	strace $0xD0000000  }
0x3: {  	_ = 	snop  }
0x4: {  	_ = 	snop  }
0x5: {  	_ = 	snop  }
0x6: {  	_ = 	snop  }
0x7: {  	_ = 	snop  }
__scs_overlays_trampoline_lowered:
0x8: {  	[smem:$0x3FAC] =	sst s0  }
0x9: {  	[smem:$0x3FAD] =	sst s1  }
0xa: {  	[smem:$0x3FAE] =	sst s2  }
0xb: {  	[smem:$0x3FAF] =	sst s3  }
0xc: {  	[smem:$0x3FB0] =	sst s4  }
0xd: {  	[smem:$0x3FB1] =	sst s5  }
0xe: {  	[smem:$0x3FB2] =	sst s6  }
0xf: {  	[smem:$0x3FB3] =	sst s7  }
0x10: {  	[smem:$0x3FB4] =	sst s8  }
0x11: {  	[smem:$0x3FB5] =	sst s9;
	s0 =	simm.s32 @!p0 $0x0  }
0x12: {  	s1 =	sld [smem:$0x3F9B];
	s0 =	simm.s32 @p0 $0x1  }
0x13: {  	[smem:$0x3FB6] =	sst s0;
	s0 =	simm.s32 @!p1 $0x0  }
0x14: {  	s2 =	sld [smem:$0x3F9A];
	s0 =	simm.s32 @p1 $0x1  }
0x15: {  	[smem:$0x3FB7] =	sst s0;
	s0 =	simm.s32 @!p2 $0x0  }
0x16: {  	s3 =	sld [smem:$0x3FDB];
	s0 =	simm.s32 @p2 $0x1  }
0x17: {  	s4 =	simm.s32 $0x1BF5;
	[smem:$0x3FB9] =	sst s0  }
0x18: {  	s0 =	sld [smem:$0x3F9C];
	_ =	swait.ge [sflag:s4], $0x0  }
0x19: {  	s7 =	sld [smem:$0x3F9D]  }
0x1a: {  	s8 =	sadd.s32 $0xFFFFE003, lr  }
0x1b: {  	s9 =	sadd.s32 $0xFFFFFEF7, lr;
	s5 =	simm.s32 $0xFFFFFFFF;
	p2 =	slt.u32 s8, $0xFFFFF086  }
0x1c: {  	p1 =	slt.u32 s9, $0xF7A;
	s5 =	simm.s32 @!p2 $0x0  }
0x1d: {  	s5 =	simm.s32 @p1 $0x1;
	p0 =	seq.s32 s7, s2  }
0x1e: {  	s7 =	smul.u32 @!p0 $0xF7A, s2;
	p2 =	seq.s32 @!p0 s5, $0x0  }
0x1f: {  	s9 =	smul.u32 $0xF7A, s1;
	s8 =	simm.s32 @!p0 $0x1BF5;
	p2 =	por !p2, p0  }
0x20: {  	[sflag:s8] =	ssyncset.s32 @!p0 $0xFFFFF086;
	s6 =	sadd.s32 @!p0 s3, s7;
	s7 =	simm.s32 @!p0 $0x108  }
0x21: {  	s3 =	sadd.s32 s3, s9;
	s6 =	sadd.s32 @!p0 $0x88, s6;
	s7 =	simm.s32 @p2 $0x1082  }
0x22: {  	[simem:s7], [sflag:s8] =	dma.local @!p0 [hbm:s6], $0xF7A  }
0x23: {  	s9 =	sor.u32 $0xD0000000, s2;
	s6 =	simm.s32 $0x108;
	_ =	swait.ge @!p0 [sflag:s8], $0x0  }
0x24: {  	s3 =	sadd.s32 $0x88, s3;
	s6 =	simm.s32 @!p1 $0x1082;
	[sflag:s4] =	ssyncset.s32 $0xFFFFF086  }
0x25: {  	[simem:s6], [sflag:s4] =	dma.local [hbm:s3], $0xF7A  }
0x26: {  	[smem:$0x3F9D] =	sst s1;
	(tag) =	ssettag s2;
	_ =	strace s9  }
0x27: {  	s1 =	sld [smem:$0x3FAD]  }
0x28: {  	s2 =	sld [smem:$0x3FAE]  }
0x29: {  	s4 =	sld [smem:$0x3FB0]  }
0x2a: {  	p0 =	seq.s32 s5, $0x0;
	s5 =	sld [smem:$0x3FB1]  }
0x2b: {  	s6 =	sld [smem:$0x3FB2]  }
0x2c: {  	s7 =	sld [smem:$0x3FB3]  }
0x2d: {  	s3 =	simm.s32 $0x108;
	s8 =	sld [smem:$0x3FB4]  }
0x2e: {  	s3 =	simm.s32 @!p0 $0x1082;
	s9 =	sld [smem:$0x3FB5]  }
0x2f: {  	lr =	sadd.s32 s0, s3;
	s0 =	sld [smem:$0x3FAC]  }
0x30: {  	s3 =	sld [smem:$0x3FAF]  }
0x31: {  	[smem:$0x3FB8] =	sst s10  }
0x32: {  	s10 =	sld [smem:$0x3FB6];
	_ =	sdelay $0x3  }
0x33: {  	p0 =	seq.s32 s10, $0x1;
	s10 =	sld [smem:$0x3FB8];
	_ =	sdelay $0x3  }
0x34: {  	[smem:$0x3FB8] =	sst s10  }
0x35: {  	s10 =	sld [smem:$0x3FB7];
	_ =	sdelay $0x3  }
0x36: {  	p1 =	seq.s32 s10, $0x1;
	s10 =	sld [smem:$0x3FB8];
	_ =	sdelay $0x3  }
0x37: {  	[smem:$0x3FB8] =	sst s10  }
0x38: {  	s10 =	sld [smem:$0x3FB9]  }
0x39: {  	_ = 	snop;
	(pc) =	sbr.ind lr, $3  }
0x3a: {  	_ = 	snop  }
0x3b: {  	_ = 	snop  }
0x3c: {  	p2 =	seq.s32 s10, $0x1;
	s10 =	sld [smem:$0x3FB8]  }
0x3d: {  	_ =	shalt  }
0x3e: {  	_ =	shalt  }
0x3f: {  	_ =	shalt  }
0x40: {  	_ =	shalt  }
0x41: {  	_ =	shalt  }
0x42: {  	_ =	shalt  }
0x43: {  	_ =	shalt  }
0x44: {  	_ =	shalt  }
0x45: {  	_ =	shalt  }
0x46: {  	_ =	shalt  }
0x47: {  	_ =	shalt  }
0x48: {  	_ =	shalt  }
0x49: {  	_ =	shalt  }
0x4a: {  	_ =	shalt  }
0x4b: {  	_ =	shalt  }
0x4c: {  	_ =	shalt  }
0x4d: {  	_ =	shalt  }
0x4e: {  	_ =	shalt  }
0x4f: {  	_ =	shalt  }
0x50: {  	_ =	shalt  }
0x51: {  	_ =	shalt  }
0x52: {  	_ =	shalt  }
0x53: {  	_ =	shalt  }
0x54: {  	_ =	shalt  }
0x55: {  	_ =	shalt  }
0x56: {  	_ =	shalt  }
0x57: {  	_ =	shalt  }
0x58: {  	_ =	shalt  }
0x59: {  	_ =	shalt  }
0x5a: {  	_ =	shalt  }
0x5b: {  	_ =	shalt  }
0x5c: {  	_ =	shalt  }
0x5d: {  	_ =	shalt  }
0x5e: {  	_ =	shalt  }
0x5f: {  	_ =	shalt  }
0x60: {  	_ =	shalt  }
0x61: {  	_ =	shalt  }
0x62: {  	_ =	shalt  }
0x63: {  	_ =	shalt  }
0x64: {  	_ =	shalt  }
0x65: {  	_ =	shalt  }
0x66: {  	_ =	shalt  }
0x67: {  	_ =	shalt  }
0x68: {  	_ =	shalt  }
0x69: {  	_ =	shalt  }
0x6a: {  	_ =	shalt  }
0x6b: {  	_ =	shalt  }
0x6c: {  	_ =	shalt  }
0x6d: {  	_ =	shalt  }
0x6e: {  	_ =	shalt  }
0x6f: {  	_ =	shalt  }
0x70: {  	_ =	shalt  }
0x71: {  	_ =	shalt  }
0x72: {  	_ =	shalt  }
0x73: {  	_ =	shalt  }
0x74: {  	_ =	shalt  }
0x75: {  	_ =	shalt  }
0x76: {  	_ =	shalt  }
0x77: {  	_ =	shalt  }
0x78: {  	_ =	shalt  }
0x79: {  	_ =	shalt  }
0x7a: {  	_ =	shalt  }
0x7b: {  	_ =	shalt  }
0x7c: {  	_ =	shalt  }
0x7d: {  	_ =	shalt  }
0x7e: {  	_ =	shalt  }
0x7f: {  	_ =	shalt  }
0x80: {  	_ =	shalt  }
0x81: {  	_ =	shalt  }
0x82: {  	_ =	shalt  }
0x83: {  	_ =	shalt  }
0x84: {  	_ =	shalt  }
0x85: {  	_ =	shalt  }
0x86: {  	_ =	shalt  }
0x87: {  	_ =	shalt  }
.Lfunc_end0:
.L_simem_size_0:
called_computation.1_lowered:
.L_overlay_start_0:
0x88: {  	s2 =	sld [smem:$0x3FD9]  }
0x89: {  	s3 =	sld [smem:$0x3FFE];
	_ =	sdelay $0x1  }
0x8a: {  	s1 =	srdreg.scid  }
0x8b: {  	s0 =	sand.u32 $0x1, s1  }
0x8c: {  	s14 =	sshll.u32 s0, $0xA;
	s2 =	sadd.s32 s3, s2  }
0x8d: {  	s2 =	sadd.s32 s2, s14  }
0x8e: {  	[smem:$0x3FC4] =	sst s2  }
0x8f: {  	_ = 	snop  }
0x90: {  	s2 =	sld [smem:$0x3FD0];
	_ =	sdelay $0x2  }
0x91: {  	s15 =	simm.s32 $0xA;
	s4 =	simm.s32 $0x10  }
0x92: {  	[smem:s4], [sflag:s15] =	dma.local [hbm:s2], $0x1  }
0x93: {  	_ =	swait.eq [sflag:s15], $0x1  }
0x94: {  	[sflag:s15] =	ssyncset.done $0x0  }
0x95: {  	[sflag:s15] =	ssyncadd.s32 $0xFFFFFFFF  }
0x96: {  	s16 =	sld [smem:$0x10];
	(tm) =	ssettm $0x1  }
0x97: {  	s17 =	sld [smem:$0x3FFB];
	_ =	sdelay $0x3  }
0x98: {  	_ =	strace s17  }
0x99: {  	s3 =	sld [smem:$0x3FFC];
	_ =	sdelay $0x3  }
0x9a: {  	_ =	strace s3  }
0x9b: {  	s3 =	sld [smem:$0x3FFD];
	_ =	sdelay $0x3  }
0x9c: {  	_ =	strace s3  }
0x9d: {  	_ =	strace $0x8FFFFFFF  }
0x9e: {  	s18 =	sld [smem:$0x3FDB];
	_ =	sdelay $0x1  }
0x9f: {  	s19 =	simm.s32 $_scs_section_size  }
0xa0: {  	s5 =	simm.s32 $_size__tile_overlayer_lowered;
	s6 =	simm.s32 $_tile_overlayer_lowered  }
0xa1: {  	s22 =	simm.s32 $0x1BFF;
	s21 =	sshll.u32 s6, $0x1;
	s3 =	sadd.s32 s19, s18  }
0xa2: {  	s7 =	simm.s32 $0x0;
	s20 =	sshll.u32 s5, $0x1;
	s5 =	sadd.s32 s21, s3  }
0xa3: {  	[timem:s7], [sflag:s22] =	dma.local [hbm:s5], s20  }
0xa4: {  	_ =	swait.ge [sflag:s22], s20  }
0xa5: {  	s4 =	ssub.s32 $0x0, s20;
	[sflag:s22] =	ssyncset.done $0x0  }
0xa6: {  	[sflag:s22] =	ssyncadd.s32 s4;
	_ =	sdelay $0x1  }
0xa7: {  	s23 =	simm.s32 $0x1B8B  }
0xa8: {  	_ =	swait.ge [sflag:s23], $0x1  }
0xa9: {  	[sflag:s23] =	ssyncset.done $0x0  }
0xaa: {  	s25 =	simm.s32 $0x1B8E;
	s24 =	sld [smem:$0x3FFE];
	[sflag:s23] =	ssyncadd.s32 $0xFFFFFFFF  }
0xab: {  	s26 =	simm.s32 $execute0_lowered;
	[smem:$0x3FD2] =	sst s25  }
0xac: {  	s5 =	sshll.u32 s26, $0x1;
	_ =	strace $0x80000049;
	[dreg:$0x1] =	wrdreg $0xFFFFFFFF  }
0xad: {  	s28 =	simm.s32 $_size_execute0_lowered;
	s3 =	sadd.s32 s3, s5;
	[dreg:$0x0] =	wrdreg $0x0  }
0xae: {  	s5 =	sshll.u32 s28, $0x1;
	[dreg:$0x2] =	wrdreg s3  }
0xaf: {  	[dreg:$0x3] =	wrdreg s5  }
0xb0: {  	[dreg:$0x4] =	wrdreg $0xC0  }
0xb1: {  	_ =	task [dreg:s7], $0x5FFFF  }
0xb2: {  	[dreg:$0x1] =	wrdreg $0xFFFFFFFF  }
0xb3: {  	[dreg:$0x0] =	wrdreg $0x60  }
0xb4: {  	[dreg:$0x2] =	wrdreg s24  }
0xb5: {  	[dreg:$0x3] =	wrdreg s16  }
0xb6: {  	[dreg:$0x4] =	wrdreg $0x90000  }
0xb7: {  	[dreg:$0x5] =	wrdreg $0x130000  }
0xb8: {  	[dreg:$0x6] =	wrdreg $0x9  }
0xb9: {  	_ =	task.clear_ibuf [dreg:s7], $0x7FFFF;
	_ =	strace $0x90000049  }
0xba: {  	s29 =	simm.s32 $0x9;
	_ =	strace $0x8000004B  }
0xbb: {  	_ =	swait.ge [sflag:s29], $0x1  }
0xbc: {  	[sflag:s29] =	ssyncadd.s32 $0xFFFFFFFF  }
0xbd: {  	_ =	strace $0x9000004B  }
0xbe: {  	_ =	sfence  }
0xbf: {  	s30 =	sld [smem:$0x0];
	_ =	sdelay $0x2  }
0xc0: {  	s31 =	sshll.u32 s1, $0xD;
	s1 =	sshrl.u32 s1, $0x2  }
0xc1: {  	s3 =	sand.u32 $0x4000, s31;
	s1 =	sadd.s32 s1, s30  }
0xc2: {  	s0 =	sor.u32 s3, s0;
	s1 =	sshll.u32 s1, $0x11  }
0xc3: {  	s0 =	sor.u32 s1, s0  }
0xc4: {  	s0 =	sadd.s32 $0x8F2B, s0  }
0xc5: {  	[sflag:s0] =	ssyncadd.remote.s32 $0x1  }
0xc6: {  	_ =	sfence.sel $0xFFFF  }
0xc7: {  	[dreg:$0x0] =	wrdreg $0xFFFFFFFF;
	(pc) =	sbr.abs _section_cstart, $3  }
0xc8: {  	[dreg:$0x1] =	wrdreg $0xFFFFFFFF  }
0xc9: {  	_ =	task.clear_ibuf [dreg:s7], $0x2FFFF;
	_ =	strace $0x9FFFFFFF  }
0xca: {  	(tm) =	ssettm $0x7FFFFFFF  }
0xcb: {  	_ =	shalt  }
tec
execute0_lowered:
.L_overlay_start_1:
0x0: {  	(tag) =	ssettag $0x1  }
0x1: {  	s0 =	rddreg [dreg:$0x0]  }
0x2: {  	s1 =	rddreg [dreg:$0x1]  }
0x3: {  	s3 =	srdreg.scid;
	s2 =	rddreg [dreg:$0x2]  }
0x4: {  	s11 =	stileid.u32;
	s4 =	simm.s32 $0x0;
	s13 =	simm.s32 $0x100  }
0x5: {  	s14 =	simm.s32 $0x880;
	s15 =	simm.s32 $0x180;
	s16 =	simm.s32 $0x900  }
0x6: {  	s17 =	simm.s32 $0x200;
	s18 =	simm.s32 $0x980;
	s19 =	simm.s32 $0x280  }
0x7: {  	s20 =	simm.s32 $0xA00;
	s5 =	sand.u32 $0x1, s3;
	s3 =	rddreg [dreg:$0x3]  }
0x8: {  	s21 =	simm.s32 $0x300;
	s28 =	simm.s32 $0x500;
	[smem:$0x7FF] =	sst s4  }
0x9: {  	s7 =	smul.u32 $0x2800, s11;
	_ =	strace $0x8000004A;
	[dreg:$0x7] =	wrdreg s13  }
0xa: {  	s29 =	simm.s32 $0xC80;
	s8 =	smul.u32 $0x140, s11;
	[dreg:$0x8] =	wrdreg s14  }
0xb: {  	s30 =	simm.s32 $0x580;
	s10 =	smul.u32 $0x28000, s11;
	[dreg:$0x9] =	wrdreg s15  }
0xc: {  	s31 =	simm.s32 $0xD00;
	s6 =	smul.u32 $0x28000, s5;
	[dreg:$0xa] =	wrdreg s16  }
0xd: {  	p0 =	seq.s32 s11, $0xF;
	s22 =	smul.u32 $0x1388, s5;
	[dreg:$0xb] =	wrdreg s17  }
0xe: {  	s9 =	sxor.u32 $0x1, s5;
	s5 =	ssub.s32 $0x2, s5;
	[dreg:$0xc] =	wrdreg s18  }
0xf: {  	s16 =	simm.s32 $0x1000;
	s17 =	simm.s32 $0x5;
	[dreg:$0xd] =	wrdreg s19  }
0x10: {  	s18 =	simm.s32 $0x800;
	[dreg:$0xe] =	wrdreg s20;
	s19 =	simm.s32 $0x80  }
0x11: {  	[dreg:$0xf] =	wrdreg s21;
	s20 =	simm.s32 $0x5000;
	s21 =	simm.s32 $0x1  }
0x12: {  	s9 =	smul.u32 $0x1388, s9;
	s23 =	sshrl.u32 s5, $0x1;
	s24 =	sshrl.u32 s10, $0x2  }
0x13: {  	s6 =	sadd.s32 s7, s6;
	s7 =	sadd.s32 s8, s22;
	s5 =	ssub.s32 s5, s23  }
0x14: {  	s25 =	sadd.s32 s24, s2;
	s22 =	simm.s32 $0xA80;
	s23 =	simm.s32 $0x380  }
0x15: {  	s6 =	sshrl.u32 s6, $0x3;
	s7 =	sshll.u32 s7, $0x4;
	[dreg:$0x16] =	wrdreg s25  }
0x16: {  	s8 =	sadd.s32 s8, s9;
	s9 =	sadd.s32 s24, s3;
	[dreg:$0x10] =	wrdreg s22  }
0x17: {  	s12 =	smax.u32 s5, $0x1;
	[dreg:$0x11] =	wrdreg s23;
	s24 =	simm.s32 $0xB00  }
0x18: {  	s6 =	sadd.s32 s6, s0;
	s0 =	sadd.s32 s7, s0;
	[dreg:$0x1c] =	wrdreg s12  }
0x19: {  	s8 =	sshll.u32 s8, $0x4;
	s7 =	sadd.s32 $0x4000, s25;
	[dreg:$0x12] =	wrdreg s24  }
0x1a: {  	s13 =	simm.s32 $0xE80;
	s1 =	sadd.s32 s1, s8;
	[dreg:$0x17] =	wrdreg s7  }
0x1b: {  	s14 =	simm.s32 $0x780;
	s8 =	sadd.s32 $0x8000, s25;
	[dreg:$0x15] =	wrdreg s1  }
0x1c: {  	s15 =	simm.s32 $0xF00;
	s26 =	sadd.s32 $0x79800, s6;
	[dreg:$0x18] =	wrdreg s8  }
0x1d: {  	s22 =	simm.s32 $0x3;
	s6 =	sadd.s32 $0x5B800, s6;
	[dreg:$0x5] =	wrdreg s26  }
0x1e: {  	s23 =	simm.s32 $0x2;
	s10 =	sadd.s32 $0x3C00, s0;
	[dreg:$0x6] =	wrdreg s6  }
0x1f: {  	s5 =	simm.s32 $0xF80;
	s25 =	simm.s32 $0x400;
	[dreg:$0x1a] =	wrdreg s10  }
0x20: {  	s24 =	simm.s32 $0x4;
	s8 =	sadd.s32 $0x3400, s0;
	[dreg:$0x13] =	wrdreg s25  }
0x21: {  	s12 =	simm.s32 $0x700;
	s0 =	sadd.s32 $0x4400, s0;
	[dreg:$0x19] =	wrdreg s8  }
0x22: {  	s1 =	sadd.s32 $0x96000, s3;
	s26 =	simm.s32 $0xB80;
	[dreg:$0x1b] =	wrdreg s0  }
0x23: {  	s25 =	simm.s32 $0x480;
	s1 =	sshrl.u32 @p0 s1, $0x3;
	[dreg:$0x14] =	wrdreg s26  }
0x24: {  	s26 =	simm.s32 $0xC00;
	[dreg:$0x1d] =	wrdreg s1;
	s1 =	sshll.u32 @!p0 s11, $0x6  }
0x25: {  	s0 =	simm.s32 $0xD80;
	s8 =	simm.s32 $0x0;
	s1 =	sor.u32 @!p0 $0x1C05, s1  }
0x26: {  	s11 =	simm.s32 $0xE00;
	[dreg:$0x1e] =	wrdreg s1;
	s1 =	sshrl.u32 @!p0 s9, $0x3  }
0x27: {  	v0 =	vimm.f32 $0.0e+00;
	s9 =	simm.s32 $0x680;
	[dreg:$0x1f] =	wrdreg s1;
	s1 =	simm.s32 $0x600  }
.LBB2_1:
0x28: {  	[smem:$0x7FD] =	sst s8  }
0x29: {  	s7 =	rddreg [dreg:$0x15]  }
0x2a: {  	s6 =	simm.s32 @p0 $0x1FC5;
	s8 =	rddreg [dreg:$0x1d]  }
0x2b: {  	[spmem:s8], [sflag:s6] =	dma.local @p0 [hbm:s7], $0xC80  }
0x2c: {  	s6 =	simm.s32 @p0 $0x5  }
0x2d: {  	_ =	swait.ge @p0 [sflag:s6], $0xC80  }
0x2e: {  	[sflag:s6] =	ssyncset.done @p0 $0x0;
	s8 =	rddreg [dreg:$0x1f]  }
0x2f: {  	[sflag:s6] =	ssyncadd.s32 @p0 $0xFFFFF380;
	s6 =	rddreg [dreg:$0x1e]  }
0x30: {  	[spmem:s8], [sflag:s6] =	dma.local @!p0 [hbm:s7], $0x1400  }
0x31: {  	s6 =	simm.s32 @!p0 $0x5;
	s8 =	sand.u32 $0xFE00, s4  }
0x32: {  	s10 =	sand.u32 $0x70, s4;
	_ =	swait.ge @!p0 [sflag:s6], $0x1400;
	s7 =	sshrl.u32 s8, $0x2  }
0x33: {  	[sflag:s6] =	ssyncset.done @!p0 $0x0;
	s7 =	sor.u32 s10, s7  }
0x34: {  	s10 =	simm.s32 $0x0;
	[sflag:s6] =	ssyncadd.s32 @!p0 $0xFFFFEC00;
	s6 =	simm.s32 $0x40  }
.LBB2_2:
0x35: {  	p1 =	sne.s32 s6, $0xFFC0  }
0x36: {  	[tilespmem:s7+$0x1000] =	vst v0;
	s10 =	sadd.s32 $0x10, s10;
	s7 =	smov.u32 s6;
	s6 =	sadd.s32 $0x40, s6  }
.Ltmp0:
0x37: {  	(pc) =	sbr.rel @p1 .LBB2_2-.Ltmp0, $4  }
0x38: {  	_ = 	snop  }
0x39: {  	s7 =	sand.u32 $0xFE00, s7  }
0x3a: {  	s8 =	sand.u32 $0x70, s10;
	s7 =	sshrl.u32 s7, $0x2  }
0x3b: {  	s7 =	sor.u32 s8, s7  }
0x3c: {  	[tilespmem:s7+$0x1000] =	vst v0;
	s6 =	rddreg [dreg:$0x16]  }
0x3d: {  	[spmem:s6] =	stream.linear.scatter [tilespmem:s16], [sflag:$0x5], $0x4000, $0x38;
	[tilespmem:$0x1D000] =	vst v63  }
0x3e: {  	_ =	swait.ge [sflag:s17], $0x4000  }
0x3f: {  	[sflag:s17] =	ssyncset.done $0x0  }
0x40: {  	s7 =	rddreg [dreg:$0x17];
	[sflag:s17] =	ssyncadd.s32 $0xFFFFC000  }
0x41: {  	[spmem:s7] =	stream.linear.scatter [tilespmem:s16], [sflag:$0x5], $0x4000, $0x38;
	[tilespmem:$0x1D000] =	vst v63  }
0x42: {  	_ =	swait.ge [sflag:s17], $0x4000  }
0x43: {  	[sflag:s17] =	ssyncset.done $0x0  }
0x44: {  	s8 =	rddreg [dreg:$0x18];
	[sflag:s17] =	ssyncadd.s32 $0xFFFFC000  }
0x45: {  	[spmem:s8] =	stream.linear.scatter [tilespmem:s16], [sflag:$0x5], $0x2000, $0x38;
	[tilespmem:$0x1D000] =	vst v63  }
0x46: {  	_ =	swait.ge [sflag:s17], $0x2000  }
0x47: {  	[sflag:s17] =	ssyncset.done $0x0  }
0x48: {  	[sflag:s17] =	ssyncadd.s32 $0xFFFFE000  }
0x49: {  	[bflag:$0x0] =	sbarrier.arrive $0xFFFF  }
0x4a: {  	s10 =	rddreg [dreg:$0x5]  }
0x4b: {  	s6 =	sadd.s32 $0x0, s10  }
0x4c: {  	[tilespmem:s4], [sflag:$0x5] =	stream.linear.gather [hbm4b:s6+s4], $0x800, $0x38;
	[tilespmem:$0x1D000] =	vst v63  }
0x4d: {  	_ =	swait.ge [sflag:s17], $0x800  }
0x4e: {  	s7 =	rddreg [dreg:$0x6];
	[sflag:s17] =	ssyncset.done $0x0  }
0x4f: {  	[sflag:s17] =	ssyncadd.s32 $0xFFFFF800;
	s6 =	sadd.s32 $0x0, s7  }
0x50: {  	[tilespmem:s18], [sflag:$0x5] =	stream.linear.gather [hbm4b:s6+s4], $0x800, $0x38;
	[tilespmem:$0x1D000] =	vst v63  }
0x51: {  	_ =	swait.ge [sflag:s17], $0x800  }
0x52: {  	[sflag:s17] =	ssyncset.done $0x0  }
0x53: {  	[sflag:s17] =	ssyncadd.s32 $0xFFFFF800  }
0x54: {  	[tilespmem:s16], [sflag:$0x1] =	stream.indirect.gather [spmem:s3], $0x80, s4, s19, $0xb8;
	[tilespmem:$0x1D000] =	vst v63  }
0x55: {  	_ = 	snop  }
0x56: {  	[tilespmem:s20], [sflag:$0x2] =	stream.indirect.gather [spmem:s3], $0x80, s19, s19, $0xb8;
	[tilespmem:$0x1D000] =	vst v63  }
0x57: {  	_ =	swait.ge [sflag:s21], $0x4000  }
0x58: {  	[sflag:s21] =	ssyncset.done $0x0  }
0x59: {  	[sflag:s21] =	ssyncadd.s32 $0xFFFFC000  }
0x5a: {  	[spmem:s2] =	stream.indirect.scatter.add.f32 [tilespmem:s16], [sflag:$0x3], $0x80, s18, s19, $0xb8;
	[tilespmem:$0x1D000] =	vst v63  }
0x5b: {  	_ =	swait.ge [sflag:s22], $0x4000  }
0x5c: {  	[sflag:s22] =	ssyncset.done $0x0  }
0x5d: {  	s8 =	rddreg [dreg:$0x7];
	[sflag:s22] =	ssyncadd.s32 $0xFFFFC000  }
0x5e: {  	[tilespmem:s16], [sflag:$0x1] =	stream.indirect.gather [spmem:s3], $0x80, s8, s19, $0xb8;
	[tilespmem:$0x1D000] =	vst v63  }
0x5f: {  	_ =	swait.ge [sflag:s23], $0x4000  }
0x60: {  	[sflag:s23] =	ssyncset.done $0x0  }
0x61: {  	s10 =	rddreg [dreg:$0x8];
	[sflag:s23] =	ssyncadd.s32 $0xFFFFC000  }
0x62: {  	[spmem:s2] =	stream.indirect.scatter.add.f32 [tilespmem:s20], [sflag:$0x4], $0x80, s10, s19, $0xb8;
	[tilespmem:$0x1D000] =	vst v63  }
0x63: {  	_ =	swait.ge [sflag:s24], $0x4000  }
0x64: {  	[sflag:s24] =	ssyncset.done $0x0  }
0x65: {  	s7 =	rddreg [dreg:$0x9];
	[sflag:s24] =	ssyncadd.s32 $0xFFFFC000  }
0x66: {  	[tilespmem:s20], [sflag:$0x2] =	stream.indirect.gather [spmem:s3], $0x80, s7, s19, $0xb8;
	[tilespmem:$0x1D000] =	vst v63  }
0x67: {  	_ =	swait.ge [sflag:s21], $0x4000  }
0x68: {  	[sflag:s21] =	ssyncset.done $0x0  }
0x69: {  	s8 =	rddreg [dreg:$0xa];
	[sflag:s21] =	ssyncadd.s32 $0xFFFFC000  }
0x6a: {  	[spmem:s2] =	stream.indirect.scatter.add.f32 [tilespmem:s16], [sflag:$0x3], $0x80, s8, s19, $0xb8;
	[tilespmem:$0x1D000] =	vst v63  }
0x6b: {  	_ =	swait.ge [sflag:s22], $0x4000  }
0x6c: {  	[sflag:s22] =	ssyncset.done $0x0  }
0x6d: {  	s10 =	rddreg [dreg:$0xb];
	[sflag:s22] =	ssyncadd.s32 $0xFFFFC000  }
0x6e: {  	[tilespmem:s16], [sflag:$0x1] =	stream.indirect.gather [spmem:s3], $0x80, s10, s19, $0xb8;
	[tilespmem:$0x1D000] =	vst v63  }
0x6f: {  	_ =	swait.ge [sflag:s23], $0x4000  }
0x70: {  	[sflag:s23] =	ssyncset.done $0x0  }
0x71: {  	s7 =	rddreg [dreg:$0xc];
	[sflag:s23] =	ssyncadd.s32 $0xFFFFC000  }
0x72: {  	[spmem:s2] =	stream.indirect.scatter.add.f32 [tilespmem:s20], [sflag:$0x4], $0x80, s7, s19, $0xb8;
	[tilespmem:$0x1D000] =	vst v63  }
0x73: {  	_ =	swait.ge [sflag:s24], $0x4000  }
0x74: {  	[sflag:s24] =	ssyncset.done $0x0  }
0x75: {  	s8 =	rddreg [dreg:$0xd];
	[sflag:s24] =	ssyncadd.s32 $0xFFFFC000  }
0x76: {  	[tilespmem:s20], [sflag:$0x2] =	stream.indirect.gather [spmem:s3], $0x80, s8, s19, $0xb8;
	[tilespmem:$0x1D000] =	vst v63  }
0x77: {  	_ =	swait.ge [sflag:s21], $0x4000  }
0x78: {  	[sflag:s21] =	ssyncset.done $0x0  }
0x79: {  	s10 =	rddreg [dreg:$0xe];
	[sflag:s21] =	ssyncadd.s32 $0xFFFFC000  }
0x7a: {  	[spmem:s2] =	stream.indirect.scatter.add.f32 [tilespmem:s16], [sflag:$0x3], $0x80, s10, s19, $0xb8;
	[tilespmem:$0x1D000] =	vst v63  }
0x7b: {  	_ =	swait.ge [sflag:s22], $0x4000  }
0x7c: {  	[sflag:s22] =	ssyncset.done $0x0  }
0x7d: {  	s7 =	rddreg [dreg:$0xf];
	[sflag:s22] =	ssyncadd.s32 $0xFFFFC000  }
0x7e: {  	[tilespmem:s16], [sflag:$0x1] =	stream.indirect.gather [spmem:s3], $0x80, s7, s19, $0xb8;
	[tilespmem:$0x1D000] =	vst v63  }
0x7f: {  	_ =	swait.ge [sflag:s23], $0x4000  }
0x80: {  	[sflag:s23] =	ssyncset.done $0x0  }
0x81: {  	s8 =	rddreg [dreg:$0x10];
	[sflag:s23] =	ssyncadd.s32 $0xFFFFC000  }
0x82: {  	[spmem:s2] =	stream.indirect.scatter.add.f32 [tilespmem:s20], [sflag:$0x4], $0x80, s8, s19, $0xb8;
	[tilespmem:$0x1D000] =	vst v63  }
0x83: {  	_ =	swait.ge [sflag:s24], $0x4000  }
0x84: {  	[sflag:s24] =	ssyncset.done $0x0  }
0x85: {  	s10 =	rddreg [dreg:$0x11];
	[sflag:s24] =	ssyncadd.s32 $0xFFFFC000  }
0x86: {  	[tilespmem:s20], [sflag:$0x2] =	stream.indirect.gather [spmem:s3], $0x80, s10, s19, $0xb8;
	[tilespmem:$0x1D000] =	vst v63  }
0x87: {  	_ =	swait.ge [sflag:s21], $0x4000  }
0x88: {  	[sflag:s21] =	ssyncset.done $0x0  }
0x89: {  	s7 =	rddreg [dreg:$0x12];
	[sflag:s21] =	ssyncadd.s32 $0xFFFFC000  }
0x8a: {  	[spmem:s2] =	stream.indirect.scatter.add.f32 [tilespmem:s16], [sflag:$0x3], $0x80, s7, s19, $0xb8;
	[tilespmem:$0x1D000] =	vst v63  }
0x8b: {  	_ =	swait.ge [sflag:s22], $0x4000  }
0x8c: {  	[sflag:s22] =	ssyncset.done $0x0  }
0x8d: {  	s8 =	rddreg [dreg:$0x13];
	[sflag:s22] =	ssyncadd.s32 $0xFFFFC000  }
0x8e: {  	[tilespmem:s16], [sflag:$0x1] =	stream.indirect.gather [spmem:s3], $0x80, s8, s19, $0xb8;
	[tilespmem:$0x1D000] =	vst v63  }
0x8f: {  	_ =	swait.ge [sflag:s23], $0x4000  }
0x90: {  	[sflag:s23] =	ssyncset.done $0x0  }
0x91: {  	s10 =	rddreg [dreg:$0x14];
	[sflag:s23] =	ssyncadd.s32 $0xFFFFC000  }
0x92: {  	[spmem:s2] =	stream.indirect.scatter.add.f32 [tilespmem:s20], [sflag:$0x4], $0x80, s10, s19, $0xb8;
	[tilespmem:$0x1D000] =	vst v63  }
0x93: {  	_ =	swait.ge [sflag:s24], $0x4000  }
0x94: {  	[sflag:s24] =	ssyncset.done $0x0  }
0x95: {  	[sflag:s24] =	ssyncadd.s32 $0xFFFFC000  }
0x96: {  	[tilespmem:s20], [sflag:$0x2] =	stream.indirect.gather [spmem:s3], $0x80, s25, s19, $0xb8;
	[tilespmem:$0x1D000] =	vst v63  }
0x97: {  	_ =	swait.ge [sflag:s21], $0x4000  }
0x98: {  	[sflag:s21] =	ssyncset.done $0x0  }
0x99: {  	[sflag:s21] =	ssyncadd.s32 $0xFFFFC000  }
0x9a: {  	[spmem:s2] =	stream.indirect.scatter.add.f32 [tilespmem:s16], [sflag:$0x3], $0x80, s26, s19, $0xb8;
	[tilespmem:$0x1D000] =	vst v63  }
0x9b: {  	_ =	swait.ge [sflag:s22], $0x4000  }
0x9c: {  	[sflag:s22] =	ssyncset.done $0x0  }
0x9d: {  	[sflag:s22] =	ssyncadd.s32 $0xFFFFC000  }
0x9e: {  	[tilespmem:s16], [sflag:$0x1] =	stream.indirect.gather [spmem:s3], $0x80, s28, s19, $0xb8;
	[tilespmem:$0x1D000] =	vst v63  }
0x9f: {  	_ =	swait.ge [sflag:s23], $0x4000  }
0xa0: {  	[sflag:s23] =	ssyncset.done $0x0  }
0xa1: {  	[sflag:s23] =	ssyncadd.s32 $0xFFFFC000  }
0xa2: {  	[spmem:s2] =	stream.indirect.scatter.add.f32 [tilespmem:s20], [sflag:$0x4], $0x80, s29, s19, $0xb8;
	[tilespmem:$0x1D000] =	vst v63  }
0xa3: {  	_ =	swait.ge [sflag:s24], $0x4000  }
0xa4: {  	[sflag:s24] =	ssyncset.done $0x0  }
0xa5: {  	[sflag:s24] =	ssyncadd.s32 $0xFFFFC000  }
0xa6: {  	[tilespmem:s20], [sflag:$0x2] =	stream.indirect.gather [spmem:s3], $0x80, s30, s19, $0xb8;
	[tilespmem:$0x1D000] =	vst v63  }
0xa7: {  	_ =	swait.ge [sflag:s21], $0x4000  }
0xa8: {  	[sflag:s21] =	ssyncset.done $0x0  }
0xa9: {  	[sflag:s21] =	ssyncadd.s32 $0xFFFFC000  }
0xaa: {  	[spmem:s2] =	stream.indirect.scatter.add.f32 [tilespmem:s16], [sflag:$0x3], $0x80, s31, s19, $0xb8;
	[tilespmem:$0x1D000] =	vst v63  }
0xab: {  	_ =	swait.ge [sflag:s22], $0x4000  }
0xac: {  	[sflag:s22] =	ssyncset.done $0x0  }
0xad: {  	[sflag:s22] =	ssyncadd.s32 $0xFFFFC000  }
0xae: {  	[tilespmem:s16], [sflag:$0x1] =	stream.indirect.gather [spmem:s3], $0x80, s1, s19, $0xb8;
	[tilespmem:$0x1D000] =	vst v63  }
0xaf: {  	_ =	swait.ge [sflag:s23], $0x4000  }
0xb0: {  	[sflag:s23] =	ssyncset.done $0x0  }
0xb1: {  	[sflag:s23] =	ssyncadd.s32 $0xFFFFC000  }
0xb2: {  	[spmem:s2] =	stream.indirect.scatter.add.f32 [tilespmem:s20], [sflag:$0x4], $0x80, s0, s19, $0xb8;
	[tilespmem:$0x1D000] =	vst v63  }
0xb3: {  	_ =	swait.ge [sflag:s24], $0x4000  }
0xb4: {  	[sflag:s24] =	ssyncset.done $0x0  }
0xb5: {  	[sflag:s24] =	ssyncadd.s32 $0xFFFFC000  }
0xb6: {  	[tilespmem:s20], [sflag:$0x2] =	stream.indirect.gather [spmem:s3], $0x80, s9, s19, $0xb8;
	[tilespmem:$0x1D000] =	vst v63  }
0xb7: {  	_ =	swait.ge [sflag:s21], $0x4000  }
0xb8: {  	[sflag:s21] =	ssyncset.done $0x0  }
0xb9: {  	[sflag:s21] =	ssyncadd.s32 $0xFFFFC000  }
0xba: {  	[spmem:s2] =	stream.indirect.scatter.add.f32 [tilespmem:s16], [sflag:$0x3], $0x80, s11, s19, $0xb8;
	[tilespmem:$0x1D000] =	vst v63  }
0xbb: {  	_ =	swait.ge [sflag:s22], $0x4000  }
0xbc: {  	[sflag:s22] =	ssyncset.done $0x0  }
0xbd: {  	[sflag:s22] =	ssyncadd.s32 $0xFFFFC000  }
0xbe: {  	[tilespmem:s16], [sflag:$0x1] =	stream.indirect.gather [spmem:s3], $0x80, s12, s19, $0xb8;
	[tilespmem:$0x1D000] =	vst v63  }
0xbf: {  	_ =	swait.ge [sflag:s23], $0x4000  }
0xc0: {  	[sflag:s23] =	ssyncset.done $0x0  }
0xc1: {  	[sflag:s23] =	ssyncadd.s32 $0xFFFFC000  }
0xc2: {  	[spmem:s2] =	stream.indirect.scatter.add.f32 [tilespmem:s20], [sflag:$0x4], $0x80, s13, s19, $0xb8;
	[tilespmem:$0x1D000] =	vst v63  }
0xc3: {  	_ =	swait.ge [sflag:s24], $0x4000  }
0xc4: {  	[sflag:s24] =	ssyncset.done $0x0  }
0xc5: {  	[sflag:s24] =	ssyncadd.s32 $0xFFFFC000  }
0xc6: {  	[tilespmem:s20], [sflag:$0x2] =	stream.indirect.gather [spmem:s3], $0x80, s14, s19, $0xb8;
	[tilespmem:$0x1D000] =	vst v63  }
0xc7: {  	_ =	swait.ge [sflag:s21], $0x4000  }
0xc8: {  	[sflag:s21] =	ssyncset.done $0x0  }
0xc9: {  	[sflag:s21] =	ssyncadd.s32 $0xFFFFC000  }
0xca: {  	[spmem:s2] =	stream.indirect.scatter.add.f32 [tilespmem:s16], [sflag:$0x3], $0x80, s15, s19, $0xb8;
	[tilespmem:$0x1D000] =	vst v63  }
0xcb: {  	_ =	swait.ge [sflag:s22], $0x4000  }
0xcc: {  	[sflag:s22] =	ssyncset.done $0x0  }
0xcd: {  	[sflag:s22] =	ssyncadd.s32 $0xFFFFC000  }
0xce: {  	_ =	swait.ge [sflag:s23], $0x4000  }
0xcf: {  	[sflag:s23] =	ssyncset.done $0x0  }
0xd0: {  	[sflag:s23] =	ssyncadd.s32 $0xFFFFC000  }
0xd1: {  	[spmem:s2] =	stream.indirect.scatter.add.f32 [tilespmem:s20], [sflag:$0x4], $0x80, s5, s19, $0xb8;
	[tilespmem:$0x1D000] =	vst v63  }
0xd2: {  	s6 =	simm.s32 $0x200;
	_ =	swait.ge [sflag:s24], $0x4000  }
0xd3: {  	s10 =	simm.s32 $0x100;
	s7 =	rddreg [dreg:$0x5];
	[sflag:s24] =	ssyncset.done $0x0  }
.LBB2_4:
0xd4: {  	[sflag:s24] =	ssyncadd.s32 $0xFFFFC000;
	s7 =	sadd.s32 s10, s7  }
0xd5: {  	[tilespmem:s4], [sflag:$0x5] =	stream.linear.gather [hbm4b:s7+s4], $0x800, $0x38;
	[tilespmem:$0x1D000] =	vst v63  }
0xd6: {  	_ =	swait.ge [sflag:s17], $0x800  }
0xd7: {  	s7 =	rddreg [dreg:$0x6];
	[sflag:s17] =	ssyncset.done $0x0  }
0xd8: {  	[sflag:s17] =	ssyncadd.s32 $0xFFFFF800;
	s7 =	sadd.s32 s10, s7  }
0xd9: {  	[tilespmem:s18], [sflag:$0x5] =	stream.linear.gather [hbm4b:s7+s4], $0x800, $0x38;
	[tilespmem:$0x1D000] =	vst v63  }
0xda: {  	_ =	swait.ge [sflag:s17], $0x800  }
0xdb: {  	[sflag:s17] =	ssyncset.done $0x0  }
0xdc: {  	[sflag:s17] =	ssyncadd.s32 $0xFFFFF800  }
0xdd: {  	[tilespmem:s16], [sflag:$0x1] =	stream.indirect.gather [spmem:s3], $0x80, s4, s19, $0xb8;
	[tilespmem:$0x1D000] =	vst v63  }
0xde: {  	_ = 	snop  }
0xdf: {  	[tilespmem:s20], [sflag:$0x2] =	stream.indirect.gather [spmem:s3], $0x80, s19, s19, $0xb8;
	[tilespmem:$0x1D000] =	vst v63  }
0xe0: {  	_ =	swait.ge [sflag:s21], $0x4000  }
0xe1: {  	[sflag:s21] =	ssyncset.done $0x0  }
0xe2: {  	[sflag:s21] =	ssyncadd.s32 $0xFFFFC000  }
0xe3: {  	[spmem:s2] =	stream.indirect.scatter.add.f32 [tilespmem:s16], [sflag:$0x3], $0x80, s18, s19, $0xb8;
	[tilespmem:$0x1D000] =	vst v63  }
0xe4: {  	_ =	swait.ge [sflag:s22], $0x4000  }
0xe5: {  	s8 =	smov.u32 s6;
	[sflag:s22] =	ssyncset.done $0x0  }
0xe6: {  	s10 =	smov.u32 s8;
	s8 =	rddreg [dreg:$0x7];
	[sflag:s22] =	ssyncadd.s32 $0xFFFFC000  }
0xe7: {  	[tilespmem:s16], [sflag:$0x1] =	stream.indirect.gather [spmem:s3], $0x80, s8, s19, $0xb8;
	[tilespmem:$0x1D000] =	vst v63  }
0xe8: {  	_ =	swait.ge [sflag:s23], $0x4000  }
0xe9: {  	[sflag:s23] =	ssyncset.done $0x0  }
0xea: {  	s8 =	rddreg [dreg:$0x8];
	[sflag:s23] =	ssyncadd.s32 $0xFFFFC000  }
0xeb: {  	[spmem:s2] =	stream.indirect.scatter.add.f32 [tilespmem:s20], [sflag:$0x4], $0x80, s8, s19, $0xb8;
	[tilespmem:$0x1D000] =	vst v63  }
0xec: {  	_ =	swait.ge [sflag:s24], $0x4000  }
0xed: {  	[sflag:s24] =	ssyncset.done $0x0  }
0xee: {  	s8 =	rddreg [dreg:$0x9];
	[sflag:s24] =	ssyncadd.s32 $0xFFFFC000  }
0xef: {  	[tilespmem:s20], [sflag:$0x2] =	stream.indirect.gather [spmem:s3], $0x80, s8, s19, $0xb8;
	[tilespmem:$0x1D000] =	vst v63  }
0xf0: {  	_ =	swait.ge [sflag:s21], $0x4000  }
0xf1: {  	[sflag:s21] =	ssyncset.done $0x0  }
0xf2: {  	s8 =	rddreg [dreg:$0xa];
	[sflag:s21] =	ssyncadd.s32 $0xFFFFC000  }
0xf3: {  	[spmem:s2] =	stream.indirect.scatter.add.f32 [tilespmem:s16], [sflag:$0x3], $0x80, s8, s19, $0xb8;
	[tilespmem:$0x1D000] =	vst v63  }
0xf4: {  	_ =	swait.ge [sflag:s22], $0x4000  }
0xf5: {  	[sflag:s22] =	ssyncset.done $0x0  }
0xf6: {  	s8 =	rddreg [dreg:$0xb];
	[sflag:s22] =	ssyncadd.s32 $0xFFFFC000  }
0xf7: {  	[tilespmem:s16], [sflag:$0x1] =	stream.indirect.gather [spmem:s3], $0x80, s8, s19, $0xb8;
	[tilespmem:$0x1D000] =	vst v63  }
0xf8: {  	_ =	swait.ge [sflag:s23], $0x4000  }
0xf9: {  	[sflag:s23] =	ssyncset.done $0x0  }
0xfa: {  	s8 =	rddreg [dreg:$0xc];
	[sflag:s23] =	ssyncadd.s32 $0xFFFFC000  }
0xfb: {  	[spmem:s2] =	stream.indirect.scatter.add.f32 [tilespmem:s20], [sflag:$0x4], $0x80, s8, s19, $0xb8;
	[tilespmem:$0x1D000] =	vst v63  }
0xfc: {  	_ =	swait.ge [sflag:s24], $0x4000  }
0xfd: {  	[sflag:s24] =	ssyncset.done $0x0  }
0xfe: {  	s8 =	rddreg [dreg:$0xd];
	[sflag:s24] =	ssyncadd.s32 $0xFFFFC000  }
0xff: {  	[tilespmem:s20], [sflag:$0x2] =	stream.indirect.gather [spmem:s3], $0x80, s8, s19, $0xb8;
	[tilespmem:$0x1D000] =	vst v63  }
0x100: {  	_ =	swait.ge [sflag:s21], $0x4000  }
0x101: {  	[sflag:s21] =	ssyncset.done $0x0  }
0x102: {  	s8 =	rddreg [dreg:$0xe];
	[sflag:s21] =	ssyncadd.s32 $0xFFFFC000  }
0x103: {  	[spmem:s2] =	stream.indirect.scatter.add.f32 [tilespmem:s16], [sflag:$0x3], $0x80, s8, s19, $0xb8;
	[tilespmem:$0x1D000] =	vst v63  }
0x104: {  	_ =	swait.ge [sflag:s22], $0x4000  }
0x105: {  	[sflag:s22] =	ssyncset.done $0x0  }
0x106: {  	s8 =	rddreg [dreg:$0xf];
	[sflag:s22] =	ssyncadd.s32 $0xFFFFC000  }
0x107: {  	[tilespmem:s16], [sflag:$0x1] =	stream.indirect.gather [spmem:s3], $0x80, s8, s19, $0xb8;
	[tilespmem:$0x1D000] =	vst v63  }
0x108: {  	_ =	swait.ge [sflag:s23], $0x4000  }
0x109: {  	[sflag:s23] =	ssyncset.done $0x0  }
0x10a: {  	s8 =	rddreg [dreg:$0x10];
	[sflag:s23] =	ssyncadd.s32 $0xFFFFC000  }
0x10b: {  	[spmem:s2] =	stream.indirect.scatter.add.f32 [tilespmem:s20], [sflag:$0x4], $0x80, s8, s19, $0xb8;
	[tilespmem:$0x1D000] =	vst v63  }
0x10c: {  	_ =	swait.ge [sflag:s24], $0x4000  }
0x10d: {  	[sflag:s24] =	ssyncset.done $0x0  }
0x10e: {  	s8 =	rddreg [dreg:$0x11];
	[sflag:s24] =	ssyncadd.s32 $0xFFFFC000  }
0x10f: {  	[tilespmem:s20], [sflag:$0x2] =	stream.indirect.gather [spmem:s3], $0x80, s8, s19, $0xb8;
	[tilespmem:$0x1D000] =	vst v63  }
0x110: {  	_ =	swait.ge [sflag:s21], $0x4000  }
0x111: {  	[sflag:s21] =	ssyncset.done $0x0  }
0x112: {  	s8 =	rddreg [dreg:$0x12];
	[sflag:s21] =	ssyncadd.s32 $0xFFFFC000  }
0x113: {  	[spmem:s2] =	stream.indirect.scatter.add.f32 [tilespmem:s16], [sflag:$0x3], $0x80, s8, s19, $0xb8;
	[tilespmem:$0x1D000] =	vst v63  }
0x114: {  	_ =	swait.ge [sflag:s22], $0x4000  }
0x115: {  	[sflag:s22] =	ssyncset.done $0x0  }
0x116: {  	s8 =	rddreg [dreg:$0x13];
	[sflag:s22] =	ssyncadd.s32 $0xFFFFC000  }
0x117: {  	[tilespmem:s16], [sflag:$0x1] =	stream.indirect.gather [spmem:s3], $0x80, s8, s19, $0xb8;
	[tilespmem:$0x1D000] =	vst v63  }
0x118: {  	_ =	swait.ge [sflag:s23], $0x4000  }
0x119: {  	[sflag:s23] =	ssyncset.done $0x0  }
0x11a: {  	s8 =	rddreg [dreg:$0x14];
	[sflag:s23] =	ssyncadd.s32 $0xFFFFC000  }
0x11b: {  	[spmem:s2] =	stream.indirect.scatter.add.f32 [tilespmem:s20], [sflag:$0x4], $0x80, s8, s19, $0xb8;
	[tilespmem:$0x1D000] =	vst v63  }
0x11c: {  	_ =	swait.ge [sflag:s24], $0x4000  }
0x11d: {  	[sflag:s24] =	ssyncset.done $0x0  }
0x11e: {  	[sflag:s24] =	ssyncadd.s32 $0xFFFFC000  }
0x11f: {  	[tilespmem:s20], [sflag:$0x2] =	stream.indirect.gather [spmem:s3], $0x80, s25, s19, $0xb8;
	[tilespmem:$0x1D000] =	vst v63  }
0x120: {  	_ =	swait.ge [sflag:s21], $0x4000  }
0x121: {  	[sflag:s21] =	ssyncset.done $0x0  }
0x122: {  	[sflag:s21] =	ssyncadd.s32 $0xFFFFC000  }
0x123: {  	[spmem:s2] =	stream.indirect.scatter.add.f32 [tilespmem:s16], [sflag:$0x3], $0x80, s26, s19, $0xb8;
	[tilespmem:$0x1D000] =	vst v63  }
0x124: {  	_ =	swait.ge [sflag:s22], $0x4000  }
0x125: {  	[sflag:s22] =	ssyncset.done $0x0  }
0x126: {  	[sflag:s22] =	ssyncadd.s32 $0xFFFFC000  }
0x127: {  	[tilespmem:s16], [sflag:$0x1] =	stream.indirect.gather [spmem:s3], $0x80, s28, s19, $0xb8;
	[tilespmem:$0x1D000] =	vst v63  }
0x128: {  	_ =	swait.ge [sflag:s23], $0x4000  }
0x129: {  	[sflag:s23] =	ssyncset.done $0x0  }
0x12a: {  	[sflag:s23] =	ssyncadd.s32 $0xFFFFC000  }
0x12b: {  	[spmem:s2] =	stream.indirect.scatter.add.f32 [tilespmem:s20], [sflag:$0x4], $0x80, s29, s19, $0xb8;
	[tilespmem:$0x1D000] =	vst v63  }
0x12c: {  	_ =	swait.ge [sflag:s24], $0x4000  }
0x12d: {  	[sflag:s24] =	ssyncset.done $0x0  }
0x12e: {  	[sflag:s24] =	ssyncadd.s32 $0xFFFFC000  }
0x12f: {  	[tilespmem:s20], [sflag:$0x2] =	stream.indirect.gather [spmem:s3], $0x80, s30, s19, $0xb8;
	[tilespmem:$0x1D000] =	vst v63  }
0x130: {  	_ =	swait.ge [sflag:s21], $0x4000  }
0x131: {  	[sflag:s21] =	ssyncset.done $0x0  }
0x132: {  	[sflag:s21] =	ssyncadd.s32 $0xFFFFC000  }
0x133: {  	[spmem:s2] =	stream.indirect.scatter.add.f32 [tilespmem:s16], [sflag:$0x3], $0x80, s31, s19, $0xb8;
	[tilespmem:$0x1D000] =	vst v63  }
0x134: {  	_ =	swait.ge [sflag:s22], $0x4000  }
0x135: {  	[sflag:s22] =	ssyncset.done $0x0  }
0x136: {  	[sflag:s22] =	ssyncadd.s32 $0xFFFFC000  }
0x137: {  	[tilespmem:s16], [sflag:$0x1] =	stream.indirect.gather [spmem:s3], $0x80, s1, s19, $0xb8;
	[tilespmem:$0x1D000] =	vst v63  }
0x138: {  	_ =	swait.ge [sflag:s23], $0x4000  }
0x139: {  	[sflag:s23] =	ssyncset.done $0x0  }
0x13a: {  	[sflag:s23] =	ssyncadd.s32 $0xFFFFC000  }
0x13b: {  	[spmem:s2] =	stream.indirect.scatter.add.f32 [tilespmem:s20], [sflag:$0x4], $0x80, s0, s19, $0xb8;
	[tilespmem:$0x1D000] =	vst v63  }
0x13c: {  	_ =	swait.ge [sflag:s24], $0x4000  }
0x13d: {  	[sflag:s24] =	ssyncset.done $0x0  }
0x13e: {  	[sflag:s24] =	ssyncadd.s32 $0xFFFFC000  }
0x13f: {  	[tilespmem:s20], [sflag:$0x2] =	stream.indirect.gather [spmem:s3], $0x80, s9, s19, $0xb8;
	[tilespmem:$0x1D000] =	vst v63  }
0x140: {  	_ =	swait.ge [sflag:s21], $0x4000  }
0x141: {  	[sflag:s21] =	ssyncset.done $0x0  }
0x142: {  	[sflag:s21] =	ssyncadd.s32 $0xFFFFC000  }
0x143: {  	[spmem:s2] =	stream.indirect.scatter.add.f32 [tilespmem:s16], [sflag:$0x3], $0x80, s11, s19, $0xb8;
	[tilespmem:$0x1D000] =	vst v63  }
0x144: {  	_ =	swait.ge [sflag:s22], $0x4000  }
0x145: {  	[sflag:s22] =	ssyncset.done $0x0  }
0x146: {  	[sflag:s22] =	ssyncadd.s32 $0xFFFFC000  }
0x147: {  	[tilespmem:s16], [sflag:$0x1] =	stream.indirect.gather [spmem:s3], $0x80, s12, s19, $0xb8;
	[tilespmem:$0x1D000] =	vst v63  }
0x148: {  	_ =	swait.ge [sflag:s23], $0x4000  }
0x149: {  	[sflag:s23] =	ssyncset.done $0x0  }
0x14a: {  	[sflag:s23] =	ssyncadd.s32 $0xFFFFC000  }
0x14b: {  	[spmem:s2] =	stream.indirect.scatter.add.f32 [tilespmem:s20], [sflag:$0x4], $0x80, s13, s19, $0xb8;
	[tilespmem:$0x1D000] =	vst v63  }
0x14c: {  	_ =	swait.ge [sflag:s24], $0x4000  }
0x14d: {  	[sflag:s24] =	ssyncset.done $0x0  }
0x14e: {  	[sflag:s24] =	ssyncadd.s32 $0xFFFFC000  }
0x14f: {  	[tilespmem:s20], [sflag:$0x2] =	stream.indirect.gather [spmem:s3], $0x80, s14, s19, $0xb8;
	[tilespmem:$0x1D000] =	vst v63  }
0x150: {  	_ =	swait.ge [sflag:s21], $0x4000  }
0x151: {  	[sflag:s21] =	ssyncset.done $0x0  }
0x152: {  	[sflag:s21] =	ssyncadd.s32 $0xFFFFC000  }
0x153: {  	[spmem:s2] =	stream.indirect.scatter.add.f32 [tilespmem:s16], [sflag:$0x3], $0x80, s15, s19, $0xb8;
	[tilespmem:$0x1D000] =	vst v63  }
0x154: {  	_ =	swait.ge [sflag:s22], $0x4000  }
0x155: {  	[sflag:s22] =	ssyncset.done $0x0  }
0x156: {  	[sflag:s22] =	ssyncadd.s32 $0xFFFFC000  }
0x157: {  	p1 =	sne.s32 s6, $0x400;
	_ =	swait.ge [sflag:s23], $0x4000  }
.Ltmp1:
0x158: {  	[sflag:s23] =	ssyncset.done $0x0;
	(pc) =	sbr.rel @p1 .LBB2_4-.Ltmp1, $4  }
0x159: {  	[sflag:s23] =	ssyncadd.s32 $0xFFFFC000  }
0x15a: {  	[spmem:s2] =	stream.indirect.scatter.add.f32 [tilespmem:s20], [sflag:$0x4], $0x80, s5, s19, $0xb8;
	[tilespmem:$0x1D000] =	vst v63  }
0x15b: {  	_ =	swait.ge [sflag:s24], $0x4000  }
0x15c: {  	s6 =	sadd.s32 $0x100, s6;
	s7 =	rddreg [dreg:$0x5];
	[sflag:s24] =	ssyncset.done $0x0  }
0x15d: {  	[sflag:s24] =	ssyncadd.s32 $0xFFFFC000;
	s6 =	sadd.s32 s10, s7  }
0x15e: {  	[tilespmem:s4], [sflag:$0x5] =	stream.linear.gather [hbm4b:s6+s4], $0x800, $0x38;
	[tilespmem:$0x1D000] =	vst v63  }
0x15f: {  	_ =	swait.ge [sflag:s17], $0x800  }
0x160: {  	s8 =	rddreg [dreg:$0x6];
	[sflag:s17] =	ssyncset.done $0x0  }
0x161: {  	[sflag:s17] =	ssyncadd.s32 $0xFFFFF800;
	s6 =	sadd.s32 s10, s8  }
0x162: {  	[tilespmem:s18], [sflag:$0x5] =	stream.linear.gather [hbm4b:s6+s4], $0x800, $0x38;
	[tilespmem:$0x1D000] =	vst v63  }
0x163: {  	_ =	swait.ge [sflag:s17], $0x800  }
0x164: {  	[sflag:s17] =	ssyncset.done $0x0  }
0x165: {  	[sflag:s17] =	ssyncadd.s32 $0xFFFFF800  }
0x166: {  	[tilespmem:s16], [sflag:$0x1] =	stream.indirect.gather [spmem:s3], $0x80, s4, s19, $0xb8;
	[tilespmem:$0x1D000] =	vst v63  }
0x167: {  	_ = 	snop  }
0x168: {  	[tilespmem:s20], [sflag:$0x2] =	stream.indirect.gather [spmem:s3], $0x80, s19, s19, $0xb8;
	[tilespmem:$0x1D000] =	vst v63  }
0x169: {  	_ =	swait.ge [sflag:s21], $0x4000  }
0x16a: {  	[sflag:s21] =	ssyncset.done $0x0  }
0x16b: {  	[sflag:s21] =	ssyncadd.s32 $0xFFFFC000  }
0x16c: {  	[spmem:s2] =	stream.indirect.scatter.add.f32 [tilespmem:s16], [sflag:$0x3], $0x80, s18, s19, $0xb8;
	[tilespmem:$0x1D000] =	vst v63  }
0x16d: {  	_ =	swait.ge [sflag:s22], $0x4000  }
0x16e: {  	[sflag:s22] =	ssyncset.done $0x0  }
0x16f: {  	s10 =	rddreg [dreg:$0x7];
	[sflag:s22] =	ssyncadd.s32 $0xFFFFC000  }
0x170: {  	[tilespmem:s16], [sflag:$0x1] =	stream.indirect.gather [spmem:s3], $0x80, s10, s19, $0xb8;
	[tilespmem:$0x1D000] =	vst v63  }
0x171: {  	_ =	swait.ge [sflag:s23], $0x4000  }
0x172: {  	[sflag:s23] =	ssyncset.done $0x0  }
0x173: {  	s7 =	rddreg [dreg:$0x8];
	[sflag:s23] =	ssyncadd.s32 $0xFFFFC000  }
0x174: {  	[spmem:s2] =	stream.indirect.scatter.add.f32 [tilespmem:s20], [sflag:$0x4], $0x80, s7, s19, $0xb8;
	[tilespmem:$0x1D000] =	vst v63  }
0x175: {  	_ =	swait.ge [sflag:s24], $0x4000  }
0x176: {  	[sflag:s24] =	ssyncset.done $0x0  }
0x177: {  	s8 =	rddreg [dreg:$0x9];
	[sflag:s24] =	ssyncadd.s32 $0xFFFFC000  }
0x178: {  	[tilespmem:s20], [sflag:$0x2] =	stream.indirect.gather [spmem:s3], $0x80, s8, s19, $0xb8;
	[tilespmem:$0x1D000] =	vst v63  }
0x179: {  	_ =	swait.ge [sflag:s21], $0x4000  }
0x17a: {  	[sflag:s21] =	ssyncset.done $0x0  }
0x17b: {  	s10 =	rddreg [dreg:$0xa];
	[sflag:s21] =	ssyncadd.s32 $0xFFFFC000  }
0x17c: {  	[spmem:s2] =	stream.indirect.scatter.add.f32 [tilespmem:s16], [sflag:$0x3], $0x80, s10, s19, $0xb8;
	[tilespmem:$0x1D000] =	vst v63  }
0x17d: {  	_ =	swait.ge [sflag:s22], $0x4000  }
0x17e: {  	[sflag:s22] =	ssyncset.done $0x0  }
0x17f: {  	s7 =	rddreg [dreg:$0xb];
	[sflag:s22] =	ssyncadd.s32 $0xFFFFC000  }
0x180: {  	[tilespmem:s16], [sflag:$0x1] =	stream.indirect.gather [spmem:s3], $0x80, s7, s19, $0xb8;
	[tilespmem:$0x1D000] =	vst v63  }
0x181: {  	_ =	swait.ge [sflag:s23], $0x4000  }
0x182: {  	[sflag:s23] =	ssyncset.done $0x0  }
0x183: {  	s8 =	rddreg [dreg:$0xc];
	[sflag:s23] =	ssyncadd.s32 $0xFFFFC000  }
0x184: {  	[spmem:s2] =	stream.indirect.scatter.add.f32 [tilespmem:s20], [sflag:$0x4], $0x80, s8, s19, $0xb8;
	[tilespmem:$0x1D000] =	vst v63  }
0x185: {  	_ =	swait.ge [sflag:s24], $0x4000  }
0x186: {  	[sflag:s24] =	ssyncset.done $0x0  }
0x187: {  	s10 =	rddreg [dreg:$0xd];
	[sflag:s24] =	ssyncadd.s32 $0xFFFFC000  }
0x188: {  	[tilespmem:s20], [sflag:$0x2] =	stream.indirect.gather [spmem:s3], $0x80, s10, s19, $0xb8;
	[tilespmem:$0x1D000] =	vst v63  }
0x189: {  	_ =	swait.ge [sflag:s21], $0x4000  }
0x18a: {  	[sflag:s21] =	ssyncset.done $0x0  }
0x18b: {  	s7 =	rddreg [dreg:$0xe];
	[sflag:s21] =	ssyncadd.s32 $0xFFFFC000  }
0x18c: {  	[spmem:s2] =	stream.indirect.scatter.add.f32 [tilespmem:s16], [sflag:$0x3], $0x80, s7, s19, $0xb8;
	[tilespmem:$0x1D000] =	vst v63  }
0x18d: {  	_ =	swait.ge [sflag:s22], $0x4000  }
0x18e: {  	[sflag:s22] =	ssyncset.done $0x0  }
0x18f: {  	s8 =	rddreg [dreg:$0xf];
	[sflag:s22] =	ssyncadd.s32 $0xFFFFC000  }
0x190: {  	[tilespmem:s16], [sflag:$0x1] =	stream.indirect.gather [spmem:s3], $0x80, s8, s19, $0xb8;
	[tilespmem:$0x1D000] =	vst v63  }
0x191: {  	_ =	swait.ge [sflag:s23], $0x4000  }
0x192: {  	[sflag:s23] =	ssyncset.done $0x0  }
0x193: {  	s10 =	rddreg [dreg:$0x10];
	[sflag:s23] =	ssyncadd.s32 $0xFFFFC000  }
0x194: {  	[spmem:s2] =	stream.indirect.scatter.add.f32 [tilespmem:s20], [sflag:$0x4], $0x80, s10, s19, $0xb8;
	[tilespmem:$0x1D000] =	vst v63  }
0x195: {  	_ =	swait.ge [sflag:s24], $0x4000  }
0x196: {  	[sflag:s24] =	ssyncset.done $0x0  }
0x197: {  	s7 =	rddreg [dreg:$0x11];
	[sflag:s24] =	ssyncadd.s32 $0xFFFFC000  }
0x198: {  	[tilespmem:s20], [sflag:$0x2] =	stream.indirect.gather [spmem:s3], $0x80, s7, s19, $0xb8;
	[tilespmem:$0x1D000] =	vst v63  }
0x199: {  	_ =	swait.ge [sflag:s21], $0x4000  }
0x19a: {  	[sflag:s21] =	ssyncset.done $0x0  }
0x19b: {  	s8 =	rddreg [dreg:$0x12];
	[sflag:s21] =	ssyncadd.s32 $0xFFFFC000  }
0x19c: {  	[spmem:s2] =	stream.indirect.scatter.add.f32 [tilespmem:s16], [sflag:$0x3], $0x80, s8, s19, $0xb8;
	[tilespmem:$0x1D000] =	vst v63  }
0x19d: {  	_ =	swait.ge [sflag:s22], $0x4000  }
0x19e: {  	[sflag:s22] =	ssyncset.done $0x0  }
0x19f: {  	s10 =	rddreg [dreg:$0x13];
	[sflag:s22] =	ssyncadd.s32 $0xFFFFC000  }
0x1a0: {  	[tilespmem:s16], [sflag:$0x1] =	stream.indirect.gather [spmem:s3], $0x80, s10, s19, $0xb8;
	[tilespmem:$0x1D000] =	vst v63  }
0x1a1: {  	_ =	swait.ge [sflag:s23], $0x4000  }
0x1a2: {  	[sflag:s23] =	ssyncset.done $0x0  }
0x1a3: {  	s7 =	rddreg [dreg:$0x14];
	[sflag:s23] =	ssyncadd.s32 $0xFFFFC000  }
0x1a4: {  	[spmem:s2] =	stream.indirect.scatter.add.f32 [tilespmem:s20], [sflag:$0x4], $0x80, s7, s19, $0xb8;
	[tilespmem:$0x1D000] =	vst v63  }
0x1a5: {  	_ =	swait.ge [sflag:s24], $0x4000  }
0x1a6: {  	[sflag:s24] =	ssyncset.done $0x0  }
0x1a7: {  	[sflag:s24] =	ssyncadd.s32 $0xFFFFC000  }
0x1a8: {  	[tilespmem:s20], [sflag:$0x2] =	stream.indirect.gather [spmem:s3], $0x80, s25, s19, $0xb8;
	[tilespmem:$0x1D000] =	vst v63  }
0x1a9: {  	_ =	swait.ge [sflag:s21], $0x4000  }
0x1aa: {  	[sflag:s21] =	ssyncset.done $0x0  }
0x1ab: {  	[sflag:s21] =	ssyncadd.s32 $0xFFFFC000  }
0x1ac: {  	[spmem:s2] =	stream.indirect.scatter.add.f32 [tilespmem:s16], [sflag:$0x3], $0x80, s26, s19, $0xb8;
	[tilespmem:$0x1D000] =	vst v63  }
0x1ad: {  	_ =	swait.ge [sflag:s22], $0x4000  }
0x1ae: {  	[sflag:s22] =	ssyncset.done $0x0  }
0x1af: {  	[sflag:s22] =	ssyncadd.s32 $0xFFFFC000  }
0x1b0: {  	[tilespmem:s16], [sflag:$0x1] =	stream.indirect.gather [spmem:s3], $0x80, s28, s19, $0xb8;
	[tilespmem:$0x1D000] =	vst v63  }
0x1b1: {  	_ =	swait.ge [sflag:s23], $0x4000  }
0x1b2: {  	[sflag:s23] =	ssyncset.done $0x0  }
0x1b3: {  	[sflag:s23] =	ssyncadd.s32 $0xFFFFC000  }
0x1b4: {  	[spmem:s2] =	stream.indirect.scatter.add.f32 [tilespmem:s20], [sflag:$0x4], $0x80, s29, s19, $0xb8;
	[tilespmem:$0x1D000] =	vst v63  }
0x1b5: {  	_ =	swait.ge [sflag:s24], $0x4000  }
0x1b6: {  	[sflag:s24] =	ssyncset.done $0x0  }
0x1b7: {  	[sflag:s24] =	ssyncadd.s32 $0xFFFFC000  }
0x1b8: {  	[tilespmem:s20], [sflag:$0x2] =	stream.indirect.gather [spmem:s3], $0x80, s30, s19, $0xb8;
	[tilespmem:$0x1D000] =	vst v63  }
0x1b9: {  	_ =	swait.ge [sflag:s21], $0x4000  }
0x1ba: {  	[sflag:s21] =	ssyncset.done $0x0  }
0x1bb: {  	[sflag:s21] =	ssyncadd.s32 $0xFFFFC000  }
0x1bc: {  	[spmem:s2] =	stream.indirect.scatter.add.f32 [tilespmem:s16], [sflag:$0x3], $0x80, s31, s19, $0xb8;
	[tilespmem:$0x1D000] =	vst v63  }
0x1bd: {  	_ =	swait.ge [sflag:s22], $0x4000  }
0x1be: {  	[sflag:s22] =	ssyncset.done $0x0  }
0x1bf: {  	[sflag:s22] =	ssyncadd.s32 $0xFFFFC000  }
0x1c0: {  	[tilespmem:s16], [sflag:$0x1] =	stream.indirect.gather [spmem:s3], $0x80, s1, s19, $0xb8;
	[tilespmem:$0x1D000] =	vst v63  }
0x1c1: {  	_ =	swait.ge [sflag:s23], $0x4000  }
0x1c2: {  	[sflag:s23] =	ssyncset.done $0x0  }
0x1c3: {  	[sflag:s23] =	ssyncadd.s32 $0xFFFFC000  }
0x1c4: {  	[spmem:s2] =	stream.indirect.scatter.add.f32 [tilespmem:s20], [sflag:$0x4], $0x80, s0, s19, $0xb8;
	[tilespmem:$0x1D000] =	vst v63  }
0x1c5: {  	_ =	swait.ge [sflag:s24], $0x4000  }
0x1c6: {  	[sflag:s24] =	ssyncset.done $0x0  }
0x1c7: {  	[sflag:s24] =	ssyncadd.s32 $0xFFFFC000  }
0x1c8: {  	[tilespmem:s20], [sflag:$0x2] =	stream.indirect.gather [spmem:s3], $0x80, s9, s19, $0xb8;
	[tilespmem:$0x1D000] =	vst v63  }
0x1c9: {  	_ =	swait.ge [sflag:s21], $0x4000  }
0x1ca: {  	[sflag:s21] =	ssyncset.done $0x0  }
0x1cb: {  	[sflag:s21] =	ssyncadd.s32 $0xFFFFC000  }
0x1cc: {  	[spmem:s2] =	stream.indirect.scatter.add.f32 [tilespmem:s16], [sflag:$0x3], $0x80, s11, s19, $0xb8;
	[tilespmem:$0x1D000] =	vst v63  }
0x1cd: {  	_ =	swait.ge [sflag:s22], $0x4000  }
0x1ce: {  	[sflag:s22] =	ssyncset.done $0x0  }
0x1cf: {  	[sflag:s22] =	ssyncadd.s32 $0xFFFFC000  }
0x1d0: {  	[tilespmem:s16], [sflag:$0x1] =	stream.indirect.gather [spmem:s3], $0x80, s12, s19, $0xb8;
	[tilespmem:$0x1D000] =	vst v63  }
0x1d1: {  	_ =	swait.ge [sflag:s23], $0x4000  }
0x1d2: {  	[sflag:s23] =	ssyncset.done $0x0  }
0x1d3: {  	[sflag:s23] =	ssyncadd.s32 $0xFFFFC000  }
0x1d4: {  	[spmem:s2] =	stream.indirect.scatter.add.f32 [tilespmem:s20], [sflag:$0x4], $0x80, s13, s19, $0xb8;
	[tilespmem:$0x1D000] =	vst v63  }
0x1d5: {  	_ =	swait.ge [sflag:s24], $0x4000  }
0x1d6: {  	[sflag:s24] =	ssyncset.done $0x0  }
0x1d7: {  	[sflag:s24] =	ssyncadd.s32 $0xFFFFC000  }
0x1d8: {  	[tilespmem:s20], [sflag:$0x2] =	stream.indirect.gather [spmem:s3], $0x80, s14, s19, $0xb8;
	[tilespmem:$0x1D000] =	vst v63  }
0x1d9: {  	_ =	swait.ge [sflag:s21], $0x4000  }
0x1da: {  	[sflag:s21] =	ssyncset.done $0x0  }
0x1db: {  	[sflag:s21] =	ssyncadd.s32 $0xFFFFC000  }
0x1dc: {  	[spmem:s2] =	stream.indirect.scatter.add.f32 [tilespmem:s16], [sflag:$0x3], $0x80, s15, s19, $0xb8;
	[tilespmem:$0x1D000] =	vst v63  }
0x1dd: {  	_ =	swait.ge [sflag:s22], $0x4000  }
0x1de: {  	[sflag:s22] =	ssyncset.done $0x0  }
0x1df: {  	[sflag:s22] =	ssyncadd.s32 $0xFFFFC000  }
0x1e0: {  	_ =	swait.ge [sflag:s23], $0x4000  }
0x1e1: {  	[sflag:s23] =	ssyncset.done $0x0  }
0x1e2: {  	[sflag:s23] =	ssyncadd.s32 $0xFFFFC000  }
0x1e3: {  	[spmem:s2] =	stream.indirect.scatter.add.f32 [tilespmem:s20], [sflag:$0x4], $0x80, s5, s19, $0xb8;
	[tilespmem:$0x1D000] =	vst v63  }
0x1e4: {  	_ =	swait.ge [sflag:s24], $0x4000  }
0x1e5: {  	[sflag:s24] =	ssyncset.done $0x0  }
0x1e6: {  	[sflag:s24] =	ssyncadd.s32 $0xFFFFC000  }
0x1e7: {  	[bflag:$0x0] =	sbarrier.arrive $0xFFFF  }
0x1e8: {  	s8 =	rddreg [dreg:$0x16]  }
0x1e9: {  	[tilespmem:s16], [sflag:$0x5] =	stream.linear.gather [spmem:s8], $0x4000, $0x38;
	[tilespmem:$0x1D000] =	vst v63  }
0x1ea: {  	_ =	swait.ge [sflag:s17], $0x4000  }
0x1eb: {  	[sflag:s17] =	ssyncset.done $0x0  }
0x1ec: {  	s10 =	rddreg [dreg:$0x19];
	[sflag:s17] =	ssyncadd.s32 $0xFFFFC000  }
0x1ed: {  	[hbm4b:s10+s4] =	stream.linear.scatter [tilespmem:s16], [sflag:$0x5], $0x4000, $0x38;
	[tilespmem:$0x1D000] =	vst v63  }
0x1ee: {  	_ =	swait.ge [sflag:s17], $0x4000  }
0x1ef: {  	s6 =	simm.s32 @p0 $0x1000;
	[sflag:s17] =	ssyncset.done $0x0  }
0x1f0: {  	s10 =	simm.s32 @p0 $0x5;
	s7 =	rddreg [dreg:$0x17];
	[sflag:s17] =	ssyncadd.s32 $0xFFFFC000  }
0x1f1: {  	[tilespmem:s6], [sflag:$0x5] =	stream.linear.gather @p0 [spmem:s7], $0x2400, $0x38;
	[tilespmem:$0x1D000] =	vst v63  }
0x1f2: {  	_ =	swait.ge @p0 [sflag:s10], $0x2400  }
0x1f3: {  	s8 =	simm.s32 @p0 $0x0;
	[sflag:s10] =	ssyncset.done @p0 $0x0  }
0x1f4: {  	s6 =	simm.s32 @p0 $0x1000;
	s7 =	rddreg [dreg:$0x1a];
	[sflag:s10] =	ssyncadd.s32 @p0 $0xFFFFDC00  }
0x1f5: {  	[hbm4b:s7+s8] =	stream.linear.scatter @p0 [tilespmem:s6], [sflag:$0x5], $0x2400, $0x38;
	[tilespmem:$0x1D000] =	vst v63  }
0x1f6: {  	_ =	swait.ge @p0 [sflag:s10], $0x2400  }
0x1f7: {  	s6 =	smov.u32 s7;
	[sflag:s10] =	ssyncset.done @p0 $0x0  }
0x1f8: {  	s8 =	simm.s32 @!p0 $0x1000;
	s7 =	rddreg [dreg:$0x17];
	[sflag:s10] =	ssyncadd.s32 @p0 $0xFFFFDC00  }
0x1f9: {  	[tilespmem:s8], [sflag:$0x5] =	stream.linear.gather @!p0 [spmem:s7], $0x4000, $0x38;
	[tilespmem:$0x1D000] =	vst v63  }
0x1fa: {  	s7 =	simm.s32 @!p0 $0x5  }
0x1fb: {  	_ =	swait.ge @!p0 [sflag:s7], $0x4000  }
0x1fc: {  	[sflag:s7] =	ssyncset.done @!p0 $0x0  }
0x1fd: {  	s10 =	simm.s32 @!p0 $0x0;
	[sflag:s7] =	ssyncadd.s32 @!p0 $0xFFFFC000  }
0x1fe: {  	[hbm4b:s6+s10] =	stream.linear.scatter @!p0 [tilespmem:s8], [sflag:$0x5], $0x4000, $0x38;
	[tilespmem:$0x1D000] =	vst v63  }
0x1ff: {  	_ =	swait.ge @!p0 [sflag:s7], $0x4000  }
0x200: {  	[sflag:s7] =	ssyncset.done @!p0 $0x0  }
0x201: {  	s10 =	rddreg [dreg:$0x18];
	[sflag:s7] =	ssyncadd.s32 @!p0 $0xFFFFC000  }
0x202: {  	[tilespmem:s8], [sflag:$0x5] =	stream.linear.gather @!p0 [spmem:s10], $0x2000, $0x38;
	[tilespmem:$0x1D000] =	vst v63  }
0x203: {  	_ =	swait.ge @!p0 [sflag:s7], $0x2000  }
0x204: {  	[sflag:s7] =	ssyncset.done @!p0 $0x0  }
0x205: {  	s10 =	simm.s32 @!p0 $0x0;
	s6 =	rddreg [dreg:$0x1b];
	[sflag:s7] =	ssyncadd.s32 @!p0 $0xFFFFE000  }
0x206: {  	[hbm4b:s6+s10] =	stream.linear.scatter @!p0 [tilespmem:s8], [sflag:$0x5], $0x2000, $0x38;
	[tilespmem:$0x1D000] =	vst v63  }
0x207: {  	_ =	swait.ge @!p0 [sflag:s7], $0x2000  }
0x208: {  	s6 =	sld [smem:$0x7FD];
	_ =	sdelay $0x2  }
0x209: {  	s10 =	rddreg [dreg:$0x1c];
	s8 =	sadd.s32 $0x1, s6  }
0x20a: {  	p1 =	sne.s32 s8, s10  }
.Ltmp2:
0x20b: {  	_ = 	snop;
	(pc) =	sbr.rel @p1 .LBB2_1-.Ltmp2, $3  }
0x20c: {  	_ =	sdelay $0x1  }
0x20d: {  	[sflag:s7] =	ssyncset.done @!p0 $0x0  }
0x20e: {  	[sflag:s7] =	ssyncadd.s32 @!p0 $0xFFFFE000  }
0x20f: {  	_ =	sfence.sel $0x180000  }
0x210: {  	[bflag:$0x0] =	sbarrier.arrive $0xFFFF  }
0x211: {  	_ =	strace $0x9000004A  }
0x212: {  	s0 =	stileid.u32;
	[bflag:$0x2] =	sbarrier.arrive $0xFFFF  }
0x213: {  	p0 =	sne.s32 s0, $0x0;
	s0 =	rddreg [dreg:$0x4]  }
0x214: {  	s0 =	sadd.s32 @!p0 $0x100000, s0  }
0x215: {  	[sflag:s0] =	ssyncadd.tile.s32 @!p0 $0x1;
	_ =	shalt  }
.Lfunc_end2:
_tile_overlayer_lowered:
.L_overlay_start_2:
0x216: {  	(tag) =	ssettag $0x2  }
0x217: {  	s0 =	rddreg [dreg:$0x0];
	s2 =	stileid.u32  }
0x218: {  	s1 =	rddreg [dreg:$0x1];
	p0 =	sne.s32 s2, $0x0  }
0x219: {  	s3 =	rddreg [dreg:$0x2];
	[bflag:$0x3] =	sbarrier.arrive $0xFFFF;
	s2 =	simm.s32 @!p0 $0x1C05  }
0x21a: {  	[timem:s3], [sflag:s2] =	dma.local @!p0 [hbm:s0], s1  }
0x21b: {  	s0 =	simm.s32 @!p0 $0x5  }
0x21c: {  	_ =	swait.ge @!p0 [sflag:s0], s1  }
0x21d: {  	s1 =	ssub.s32 @!p0 $0x0, s1;
	[sflag:s0] =	ssyncset.done @!p0 $0x0  }
0x21e: {  	[sflag:s0] =	ssyncadd.s32 @!p0 s1  }
0x21f: {  	[bflag:$0x3] =	sbarrier.arrive $0xFFFF  }
0x220: {  	_ =	shalt  }

// kernel: kernel.15.cloned.1.call-start
scs
__scs_entry_jumppad:
0x0: {  	(pc) =	sbr.rel $0x88, $3  }
0x1: {  	(tag) =	ssettag $0x0;
	lr =	simm.s32 $0x1  }
0x2: {  	[smem:$0x3F9D] =	sst lr;
	_ =	strace $0xD0000000  }
0x3: {  	_ = 	snop  }
0x4: {  	_ = 	snop  }
0x5: {  	_ = 	snop  }
0x6: {  	_ = 	snop  }
0x7: {  	_ = 	snop  }
__scs_overlays_trampoline_lowered:
0x8: {  	[smem:$0x3FAC] =	sst s0  }
0x9: {  	[smem:$0x3FAD] =	sst s1  }
0xa: {  	[smem:$0x3FAE] =	sst s2  }
0xb: {  	[smem:$0x3FAF] =	sst s3  }
0xc: {  	[smem:$0x3FB0] =	sst s4  }
0xd: {  	[smem:$0x3FB1] =	sst s5  }
0xe: {  	[smem:$0x3FB2] =	sst s6  }
0xf: {  	[smem:$0x3FB3] =	sst s7  }
0x10: {  	[smem:$0x3FB4] =	sst s8  }
0x11: {  	[smem:$0x3FB5] =	sst s9;
	s0 =	simm.s32 @!p0 $0x0  }
0x12: {  	s1 =	sld [smem:$0x3F9B];
	s0 =	simm.s32 @p0 $0x1  }
0x13: {  	[smem:$0x3FB6] =	sst s0;
	s0 =	simm.s32 @!p1 $0x0  }
0x14: {  	s2 =	sld [smem:$0x3F9A];
	s0 =	simm.s32 @p1 $0x1  }
0x15: {  	[smem:$0x3FB7] =	sst s0;
	s0 =	simm.s32 @!p2 $0x0  }
0x16: {  	s3 =	sld [smem:$0x3FDB];
	s0 =	simm.s32 @p2 $0x1  }
0x17: {  	s4 =	simm.s32 $0x1BF5;
	[smem:$0x3FB9] =	sst s0  }
0x18: {  	s0 =	sld [smem:$0x3F9C];
	_ =	swait.ge [sflag:s4], $0x0  }
0x19: {  	s7 =	sld [smem:$0x3F9D]  }
0x1a: {  	s8 =	sadd.s32 $0xFFFFE003, lr  }
0x1b: {  	s9 =	sadd.s32 $0xFFFFFEF7, lr;
	s5 =	simm.s32 $0xFFFFFFFF;
	p2 =	slt.u32 s8, $0xFFFFF086  }
0x1c: {  	p1 =	slt.u32 s9, $0xF7A;
	s5 =	simm.s32 @!p2 $0x0  }
0x1d: {  	s5 =	simm.s32 @p1 $0x1;
	p0 =	seq.s32 s7, s2  }
0x1e: {  	s7 =	smul.u32 @!p0 $0xF7A, s2;
	p2 =	seq.s32 @!p0 s5, $0x0  }
0x1f: {  	s9 =	smul.u32 $0xF7A, s1;
	s8 =	simm.s32 @!p0 $0x1BF5;
	p2 =	por !p2, p0  }
0x20: {  	[sflag:s8] =	ssyncset.s32 @!p0 $0xFFFFF086;
	s6 =	sadd.s32 @!p0 s3, s7;
	s7 =	simm.s32 @!p0 $0x108  }
0x21: {  	s3 =	sadd.s32 s3, s9;
	s6 =	sadd.s32 @!p0 $0x88, s6;
	s7 =	simm.s32 @p2 $0x1082  }
0x22: {  	[simem:s7], [sflag:s8] =	dma.local @!p0 [hbm:s6], $0xF7A  }
0x23: {  	s9 =	sor.u32 $0xD0000000, s2;
	s6 =	simm.s32 $0x108;
	_ =	swait.ge @!p0 [sflag:s8], $0x0  }
0x24: {  	s3 =	sadd.s32 $0x88, s3;
	s6 =	simm.s32 @!p1 $0x1082;
	[sflag:s4] =	ssyncset.s32 $0xFFFFF086  }
0x25: {  	[simem:s6], [sflag:s4] =	dma.local [hbm:s3], $0xF7A  }
0x26: {  	[smem:$0x3F9D] =	sst s1;
	(tag) =	ssettag s2;
	_ =	strace s9  }
0x27: {  	s1 =	sld [smem:$0x3FAD]  }
0x28: {  	s2 =	sld [smem:$0x3FAE]  }
0x29: {  	s4 =	sld [smem:$0x3FB0]  }
0x2a: {  	p0 =	seq.s32 s5, $0x0;
	s5 =	sld [smem:$0x3FB1]  }
0x2b: {  	s6 =	sld [smem:$0x3FB2]  }
0x2c: {  	s7 =	sld [smem:$0x3FB3]  }
0x2d: {  	s3 =	simm.s32 $0x108;
	s8 =	sld [smem:$0x3FB4]  }
0x2e: {  	s3 =	simm.s32 @!p0 $0x1082;
	s9 =	sld [smem:$0x3FB5]  }
0x2f: {  	lr =	sadd.s32 s0, s3;
	s0 =	sld [smem:$0x3FAC]  }
0x30: {  	s3 =	sld [smem:$0x3FAF]  }
0x31: {  	[smem:$0x3FB8] =	sst s10  }
0x32: {  	s10 =	sld [smem:$0x3FB6];
	_ =	sdelay $0x3  }
0x33: {  	p0 =	seq.s32 s10, $0x1;
	s10 =	sld [smem:$0x3FB8];
	_ =	sdelay $0x3  }
0x34: {  	[smem:$0x3FB8] =	sst s10  }
0x35: {  	s10 =	sld [smem:$0x3FB7];
	_ =	sdelay $0x3  }
0x36: {  	p1 =	seq.s32 s10, $0x1;
	s10 =	sld [smem:$0x3FB8];
	_ =	sdelay $0x3  }
0x37: {  	[smem:$0x3FB8] =	sst s10  }
0x38: {  	s10 =	sld [smem:$0x3FB9]  }
0x39: {  	_ = 	snop;
	(pc) =	sbr.ind lr, $3  }
0x3a: {  	_ = 	snop  }
0x3b: {  	_ = 	snop  }
0x3c: {  	p2 =	seq.s32 s10, $0x1;
	s10 =	sld [smem:$0x3FB8]  }
0x3d: {  	_ =	shalt  }
0x3e: {  	_ =	shalt  }
0x3f: {  	_ =	shalt  }
0x40: {  	_ =	shalt  }
0x41: {  	_ =	shalt  }
0x42: {  	_ =	shalt  }
0x43: {  	_ =	shalt  }
0x44: {  	_ =	shalt  }
0x45: {  	_ =	shalt  }
0x46: {  	_ =	shalt  }
0x47: {  	_ =	shalt  }
0x48: {  	_ =	shalt  }
0x49: {  	_ =	shalt  }
0x4a: {  	_ =	shalt  }
0x4b: {  	_ =	shalt  }
0x4c: {  	_ =	shalt  }
0x4d: {  	_ =	shalt  }
0x4e: {  	_ =	shalt  }
0x4f: {  	_ =	shalt  }
0x50: {  	_ =	shalt  }
0x51: {  	_ =	shalt  }
0x52: {  	_ =	shalt  }
0x53: {  	_ =	shalt  }
0x54: {  	_ =	shalt  }
0x55: {  	_ =	shalt  }
0x56: {  	_ =	shalt  }
0x57: {  	_ =	shalt  }
0x58: {  	_ =	shalt  }
0x59: {  	_ =	shalt  }
0x5a: {  	_ =	shalt  }
0x5b: {  	_ =	shalt  }
0x5c: {  	_ =	shalt  }
0x5d: {  	_ =	shalt  }
0x5e: {  	_ =	shalt  }
0x5f: {  	_ =	shalt  }
0x60: {  	_ =	shalt  }
0x61: {  	_ =	shalt  }
0x62: {  	_ =	shalt  }
0x63: {  	_ =	shalt  }
0x64: {  	_ =	shalt  }
0x65: {  	_ =	shalt  }
0x66: {  	_ =	shalt  }
0x67: {  	_ =	shalt  }
0x68: {  	_ =	shalt  }
0x69: {  	_ =	shalt  }
0x6a: {  	_ =	shalt  }
0x6b: {  	_ =	shalt  }
0x6c: {  	_ =	shalt  }
0x6d: {  	_ =	shalt  }
0x6e: {  	_ =	shalt  }
0x6f: {  	_ =	shalt  }
0x70: {  	_ =	shalt  }
0x71: {  	_ =	shalt  }
0x72: {  	_ =	shalt  }
0x73: {  	_ =	shalt  }
0x74: {  	_ =	shalt  }
0x75: {  	_ =	shalt  }
0x76: {  	_ =	shalt  }
0x77: {  	_ =	shalt  }
0x78: {  	_ =	shalt  }
0x79: {  	_ =	shalt  }
0x7a: {  	_ =	shalt  }
0x7b: {  	_ =	shalt  }
0x7c: {  	_ =	shalt  }
0x7d: {  	_ =	shalt  }
0x7e: {  	_ =	shalt  }
0x7f: {  	_ =	shalt  }
0x80: {  	_ =	shalt  }
0x81: {  	_ =	shalt  }
0x82: {  	_ =	shalt  }
0x83: {  	_ =	shalt  }
0x84: {  	_ =	shalt  }
0x85: {  	_ =	shalt  }
0x86: {  	_ =	shalt  }
0x87: {  	_ =	shalt  }
.Lfunc_end0:
.L_simem_size_0:
called_computation.2_lowered:
.L_overlay_start_0:
0x88: {  	s2 =	sld [smem:$0x3FD9]  }
0x89: {  	s3 =	sld [smem:$0x3FFE];
	_ =	sdelay $0x1  }
0x8a: {  	s1 =	srdreg.scid  }
0x8b: {  	s0 =	sand.u32 $0x1, s1  }
0x8c: {  	s14 =	sshll.u32 s0, $0xA;
	s2 =	sadd.s32 s3, s2  }
0x8d: {  	s2 =	sadd.s32 s2, s14  }
0x8e: {  	[smem:$0x3FC4] =	sst s2  }
0x8f: {  	_ = 	snop  }
0x90: {  	s2 =	sld [smem:$0x3FD0];
	_ =	sdelay $0x2  }
0x91: {  	s15 =	simm.s32 $0xA;
	s4 =	simm.s32 $0x10  }
0x92: {  	[smem:s4], [sflag:s15] =	dma.local [hbm:s2], $0x1  }
0x93: {  	_ =	swait.eq [sflag:s15], $0x1  }
0x94: {  	[sflag:s15] =	ssyncset.done $0x0  }
0x95: {  	[sflag:s15] =	ssyncadd.s32 $0xFFFFFFFF  }
0x96: {  	s16 =	sld [smem:$0x10];
	(tm) =	ssettm $0x1  }
0x97: {  	s17 =	sld [smem:$0x3FFB];
	_ =	sdelay $0x3  }
0x98: {  	_ =	strace s17  }
0x99: {  	s3 =	sld [smem:$0x3FFC];
	_ =	sdelay $0x3  }
0x9a: {  	_ =	strace s3  }
0x9b: {  	s3 =	sld [smem:$0x3FFD];
	_ =	sdelay $0x3  }
0x9c: {  	_ =	strace s3  }
0x9d: {  	_ =	strace $0x8FFFFFFF  }
0x9e: {  	s18 =	sld [smem:$0x3FDB];
	_ =	sdelay $0x1  }
0x9f: {  	s19 =	simm.s32 $_scs_section_size  }
0xa0: {  	s5 =	simm.s32 $_size__tile_overlayer_lowered;
	s6 =	simm.s32 $_tile_overlayer_lowered  }
0xa1: {  	s22 =	simm.s32 $0x1BFF;
	s21 =	sshll.u32 s6, $0x1;
	s3 =	sadd.s32 s19, s18  }
0xa2: {  	s7 =	simm.s32 $0x0;
	s20 =	sshll.u32 s5, $0x1;
	s5 =	sadd.s32 s21, s3  }
0xa3: {  	[timem:s7], [sflag:s22] =	dma.local [hbm:s5], s20  }
0xa4: {  	_ =	swait.ge [sflag:s22], s20  }
0xa5: {  	s4 =	ssub.s32 $0x0, s20;
	[sflag:s22] =	ssyncset.done $0x0  }
0xa6: {  	[sflag:s22] =	ssyncadd.s32 s4;
	_ =	sdelay $0x1  }
0xa7: {  	s23 =	simm.s32 $0x1B8B  }
0xa8: {  	_ =	swait.ge [sflag:s23], $0x1  }
0xa9: {  	[sflag:s23] =	ssyncset.done $0x0  }
0xaa: {  	s25 =	simm.s32 $0x1B8E;
	s24 =	sld [smem:$0x3FFE];
	[sflag:s23] =	ssyncadd.s32 $0xFFFFFFFF  }
0xab: {  	s26 =	simm.s32 $execute0_lowered;
	[smem:$0x3FD2] =	sst s25  }
0xac: {  	s5 =	sshll.u32 s26, $0x1;
	_ =	strace $0x8000004C;
	[dreg:$0x1] =	wrdreg $0xFFFFFFFF  }
0xad: {  	s28 =	simm.s32 $_size_execute0_lowered;
	s3 =	sadd.s32 s3, s5;
	[dreg:$0x0] =	wrdreg $0x0  }
0xae: {  	s5 =	sshll.u32 s28, $0x1;
	[dreg:$0x2] =	wrdreg s3  }
0xaf: {  	[dreg:$0x3] =	wrdreg s5  }
0xb0: {  	[dreg:$0x4] =	wrdreg $0xC0  }
0xb1: {  	_ =	task [dreg:s7], $0x5FFFF  }
0xb2: {  	[dreg:$0x1] =	wrdreg $0xFFFFFFFF  }
0xb3: {  	[dreg:$0x0] =	wrdreg $0x60  }
0xb4: {  	[dreg:$0x2] =	wrdreg s24  }
0xb5: {  	[dreg:$0x3] =	wrdreg s16  }
0xb6: {  	[dreg:$0x4] =	wrdreg $0x90000  }
0xb7: {  	[dreg:$0x5] =	wrdreg $0x130000  }
0xb8: {  	[dreg:$0x6] =	wrdreg $0x9  }
0xb9: {  	_ =	task.clear_ibuf [dreg:s7], $0x7FFFF;
	_ =	strace $0x9000004C  }
0xba: {  	s29 =	simm.s32 $0x9;
	_ =	strace $0x8000004E  }
0xbb: {  	_ =	swait.ge [sflag:s29], $0x1  }
0xbc: {  	[sflag:s29] =	ssyncadd.s32 $0xFFFFFFFF  }
0xbd: {  	_ =	strace $0x9000004E  }
0xbe: {  	_ =	sfence  }
0xbf: {  	s30 =	sld [smem:$0x0];
	_ =	sdelay $0x2  }
0xc0: {  	s31 =	sshll.u32 s1, $0xD;
	s1 =	sshrl.u32 s1, $0x2  }
0xc1: {  	s3 =	sand.u32 $0x4000, s31;
	s1 =	sadd.s32 s1, s30  }
0xc2: {  	s0 =	sor.u32 s3, s0;
	s1 =	sshll.u32 s1, $0x11  }
0xc3: {  	s0 =	sor.u32 s1, s0  }
0xc4: {  	s0 =	sadd.s32 $0x8F2B, s0  }
0xc5: {  	[sflag:s0] =	ssyncadd.remote.s32 $0x1  }
0xc6: {  	_ =	sfence.sel $0xFFFF  }
0xc7: {  	[dreg:$0x0] =	wrdreg $0xFFFFFFFF;
	(pc) =	sbr.abs _section_cstart, $3  }
0xc8: {  	[dreg:$0x1] =	wrdreg $0xFFFFFFFF  }
0xc9: {  	_ =	task.clear_ibuf [dreg:s7], $0x2FFFF;
	_ =	strace $0x9FFFFFFF  }
0xca: {  	(tm) =	ssettm $0x7FFFFFFF  }
0xcb: {  	_ =	shalt  }
tec
execute0_lowered:
.L_overlay_start_1:
0x0: {  	(tag) =	ssettag $0x1  }
0x1: {  	s0 =	rddreg [dreg:$0x0]  }
0x2: {  	s1 =	rddreg [dreg:$0x1]  }
0x3: {  	s3 =	srdreg.scid;
	s2 =	rddreg [dreg:$0x2]  }
0x4: {  	s11 =	stileid.u32;
	s4 =	simm.s32 $0x0;
	s13 =	simm.s32 $0x100  }
0x5: {  	s14 =	simm.s32 $0x880;
	s15 =	simm.s32 $0x180;
	s16 =	simm.s32 $0x900  }
0x6: {  	s17 =	simm.s32 $0x200;
	s18 =	simm.s32 $0x980;
	s19 =	simm.s32 $0x280  }
0x7: {  	s20 =	simm.s32 $0xA00;
	s5 =	sand.u32 $0x1, s3;
	s3 =	rddreg [dreg:$0x3]  }
0x8: {  	s21 =	simm.s32 $0x300;
	s28 =	simm.s32 $0x500;
	[smem:$0x7FF] =	sst s4  }
0x9: {  	s7 =	smul.u32 $0x2800, s11;
	_ =	strace $0x8000004D;
	[dreg:$0x7] =	wrdreg s13  }
0xa: {  	s29 =	simm.s32 $0xC80;
	s8 =	smul.u32 $0x140, s11;
	[dreg:$0x8] =	wrdreg s14  }
0xb: {  	s30 =	simm.s32 $0x580;
	s10 =	smul.u32 $0x28000, s11;
	[dreg:$0x9] =	wrdreg s15  }
0xc: {  	s31 =	simm.s32 $0xD00;
	s6 =	smul.u32 $0x28000, s5;
	[dreg:$0xa] =	wrdreg s16  }
0xd: {  	p0 =	seq.s32 s11, $0xF;
	s22 =	smul.u32 $0x1388, s5;
	[dreg:$0xb] =	wrdreg s17  }
0xe: {  	s9 =	sxor.u32 $0x1, s5;
	s5 =	ssub.s32 $0x2, s5;
	[dreg:$0xc] =	wrdreg s18  }
0xf: {  	s16 =	simm.s32 $0x1000;
	s17 =	simm.s32 $0x5;
	[dreg:$0xd] =	wrdreg s19  }
0x10: {  	s18 =	simm.s32 $0x800;
	[dreg:$0xe] =	wrdreg s20;
	s19 =	simm.s32 $0x80  }
0x11: {  	[dreg:$0xf] =	wrdreg s21;
	s20 =	simm.s32 $0x5000;
	s21 =	simm.s32 $0x1  }
0x12: {  	s9 =	smul.u32 $0x1388, s9;
	s23 =	sshrl.u32 s5, $0x1;
	s24 =	sshrl.u32 s10, $0x2  }
0x13: {  	s6 =	sadd.s32 s7, s6;
	s7 =	sadd.s32 s8, s22;
	s5 =	ssub.s32 s5, s23  }
0x14: {  	s25 =	sadd.s32 s24, s2;
	s22 =	simm.s32 $0xA80;
	s23 =	simm.s32 $0x380  }
0x15: {  	s6 =	sshrl.u32 s6, $0x3;
	s7 =	sshll.u32 s7, $0x4;
	[dreg:$0x16] =	wrdreg s25  }
0x16: {  	s8 =	sadd.s32 s8, s9;
	s9 =	sadd.s32 s24, s3;
	[dreg:$0x10] =	wrdreg s22  }
0x17: {  	s12 =	smax.u32 s5, $0x1;
	[dreg:$0x11] =	wrdreg s23;
	s24 =	simm.s32 $0xB00  }
0x18: {  	s6 =	sadd.s32 s6, s0;
	s0 =	sadd.s32 s7, s0;
	[dreg:$0x1c] =	wrdreg s12  }
0x19: {  	s8 =	sshll.u32 s8, $0x4;
	s7 =	sadd.s32 $0x4000, s25;
	[dreg:$0x12] =	wrdreg s24  }
0x1a: {  	s13 =	simm.s32 $0xE80;
	s1 =	sadd.s32 s1, s8;
	[dreg:$0x17] =	wrdreg s7  }
0x1b: {  	s14 =	simm.s32 $0x780;
	s8 =	sadd.s32 $0x8000, s25;
	[dreg:$0x15] =	wrdreg s1  }
0x1c: {  	s15 =	simm.s32 $0xF00;
	s26 =	sadd.s32 $0x83800, s6;
	[dreg:$0x18] =	wrdreg s8  }
0x1d: {  	s22 =	simm.s32 $0x3;
	s6 =	sadd.s32 $0x65800, s6;
	[dreg:$0x5] =	wrdreg s26  }
0x1e: {  	s23 =	simm.s32 $0x2;
	s10 =	sadd.s32 $0x3C00, s0;
	[dreg:$0x6] =	wrdreg s6  }
0x1f: {  	s5 =	simm.s32 $0xF80;
	s25 =	simm.s32 $0x400;
	[dreg:$0x1a] =	wrdreg s10  }
0x20: {  	s24 =	simm.s32 $0x4;
	s8 =	sadd.s32 $0x3400, s0;
	[dreg:$0x13] =	wrdreg s25  }
0x21: {  	s12 =	simm.s32 $0x700;
	s0 =	sadd.s32 $0x4400, s0;
	[dreg:$0x19] =	wrdreg s8  }
0x22: {  	s1 =	sadd.s32 $0x96000, s3;
	s26 =	simm.s32 $0xB80;
	[dreg:$0x1b] =	wrdreg s0  }
0x23: {  	s25 =	simm.s32 $0x480;
	s1 =	sshrl.u32 @p0 s1, $0x3;
	[dreg:$0x14] =	wrdreg s26  }
0x24: {  	s26 =	simm.s32 $0xC00;
	[dreg:$0x1d] =	wrdreg s1;
	s1 =	sshll.u32 @!p0 s11, $0x6  }
0x25: {  	s0 =	simm.s32 $0xD80;
	s8 =	simm.s32 $0x0;
	s1 =	sor.u32 @!p0 $0x1C05, s1  }
0x26: {  	s11 =	simm.s32 $0xE00;
	[dreg:$0x1e] =	wrdreg s1;
	s1 =	sshrl.u32 @!p0 s9, $0x3  }
0x27: {  	v0 =	vimm.f32 $0.0e+00;
	s9 =	simm.s32 $0x680;
	[dreg:$0x1f] =	wrdreg s1;
	s1 =	simm.s32 $0x600  }
.LBB2_1:
0x28: {  	[smem:$0x7FD] =	sst s8  }
0x29: {  	s7 =	rddreg [dreg:$0x15]  }
0x2a: {  	s6 =	simm.s32 @p0 $0x1FC5;
	s8 =	rddreg [dreg:$0x1d]  }
0x2b: {  	[spmem:s8], [sflag:s6] =	dma.local @p0 [hbm:s7], $0xC80  }
0x2c: {  	s6 =	simm.s32 @p0 $0x5  }
0x2d: {  	_ =	swait.ge @p0 [sflag:s6], $0xC80  }
0x2e: {  	[sflag:s6] =	ssyncset.done @p0 $0x0;
	s8 =	rddreg [dreg:$0x1f]  }
0x2f: {  	[sflag:s6] =	ssyncadd.s32 @p0 $0xFFFFF380;
	s6 =	rddreg [dreg:$0x1e]  }
0x30: {  	[spmem:s8], [sflag:s6] =	dma.local @!p0 [hbm:s7], $0x1400  }
0x31: {  	s6 =	simm.s32 @!p0 $0x5;
	s8 =	sand.u32 $0xFE00, s4  }
0x32: {  	s10 =	sand.u32 $0x70, s4;
	_ =	swait.ge @!p0 [sflag:s6], $0x1400;
	s7 =	sshrl.u32 s8, $0x2  }
0x33: {  	[sflag:s6] =	ssyncset.done @!p0 $0x0;
	s7 =	sor.u32 s10, s7  }
0x34: {  	s10 =	simm.s32 $0x0;
	[sflag:s6] =	ssyncadd.s32 @!p0 $0xFFFFEC00;
	s6 =	simm.s32 $0x40  }
.LBB2_2:
0x35: {  	p1 =	sne.s32 s6, $0xFFC0  }
0x36: {  	[tilespmem:s7+$0x1000] =	vst v0;
	s10 =	sadd.s32 $0x10, s10;
	s7 =	smov.u32 s6;
	s6 =	sadd.s32 $0x40, s6  }
.Ltmp0:
0x37: {  	(pc) =	sbr.rel @p1 .LBB2_2-.Ltmp0, $4  }
0x38: {  	_ = 	snop  }
0x39: {  	s7 =	sand.u32 $0xFE00, s7  }
0x3a: {  	s8 =	sand.u32 $0x70, s10;
	s7 =	sshrl.u32 s7, $0x2  }
0x3b: {  	s7 =	sor.u32 s8, s7  }
0x3c: {  	[tilespmem:s7+$0x1000] =	vst v0;
	s6 =	rddreg [dreg:$0x16]  }
0x3d: {  	[spmem:s6] =	stream.linear.scatter [tilespmem:s16], [sflag:$0x5], $0x4000, $0x38;
	[tilespmem:$0x1D000] =	vst v63  }
0x3e: {  	_ =	swait.ge [sflag:s17], $0x4000  }
0x3f: {  	[sflag:s17] =	ssyncset.done $0x0  }
0x40: {  	s7 =	rddreg [dreg:$0x17];
	[sflag:s17] =	ssyncadd.s32 $0xFFFFC000  }
0x41: {  	[spmem:s7] =	stream.linear.scatter [tilespmem:s16], [sflag:$0x5], $0x4000, $0x38;
	[tilespmem:$0x1D000] =	vst v63  }
0x42: {  	_ =	swait.ge [sflag:s17], $0x4000  }
0x43: {  	[sflag:s17] =	ssyncset.done $0x0  }
0x44: {  	s8 =	rddreg [dreg:$0x18];
	[sflag:s17] =	ssyncadd.s32 $0xFFFFC000  }
0x45: {  	[spmem:s8] =	stream.linear.scatter [tilespmem:s16], [sflag:$0x5], $0x2000, $0x38;
	[tilespmem:$0x1D000] =	vst v63  }
0x46: {  	_ =	swait.ge [sflag:s17], $0x2000  }
0x47: {  	[sflag:s17] =	ssyncset.done $0x0  }
0x48: {  	[sflag:s17] =	ssyncadd.s32 $0xFFFFE000  }
0x49: {  	[bflag:$0x0] =	sbarrier.arrive $0xFFFF  }
0x4a: {  	s10 =	rddreg [dreg:$0x5]  }
0x4b: {  	s6 =	sadd.s32 $0x0, s10  }
0x4c: {  	[tilespmem:s4], [sflag:$0x5] =	stream.linear.gather [hbm4b:s6+s4], $0x800, $0x38;
	[tilespmem:$0x1D000] =	vst v63  }
0x4d: {  	_ =	swait.ge [sflag:s17], $0x800  }
0x4e: {  	s7 =	rddreg [dreg:$0x6];
	[sflag:s17] =	ssyncset.done $0x0  }
0x4f: {  	[sflag:s17] =	ssyncadd.s32 $0xFFFFF800;
	s6 =	sadd.s32 $0x0, s7  }
0x50: {  	[tilespmem:s18], [sflag:$0x5] =	stream.linear.gather [hbm4b:s6+s4], $0x800, $0x38;
	[tilespmem:$0x1D000] =	vst v63  }
0x51: {  	_ =	swait.ge [sflag:s17], $0x800  }
0x52: {  	[sflag:s17] =	ssyncset.done $0x0  }
0x53: {  	[sflag:s17] =	ssyncadd.s32 $0xFFFFF800  }
0x54: {  	[tilespmem:s16], [sflag:$0x1] =	stream.indirect.gather [spmem:s3], $0x80, s4, s19, $0xb8;
	[tilespmem:$0x1D000] =	vst v63  }
0x55: {  	_ = 	snop  }
0x56: {  	[tilespmem:s20], [sflag:$0x2] =	stream.indirect.gather [spmem:s3], $0x80, s19, s19, $0xb8;
	[tilespmem:$0x1D000] =	vst v63  }
0x57: {  	_ =	swait.ge [sflag:s21], $0x4000  }
0x58: {  	[sflag:s21] =	ssyncset.done $0x0  }
0x59: {  	[sflag:s21] =	ssyncadd.s32 $0xFFFFC000  }
0x5a: {  	[spmem:s2] =	stream.indirect.scatter.add.f32 [tilespmem:s16], [sflag:$0x3], $0x80, s18, s19, $0xb8;
	[tilespmem:$0x1D000] =	vst v63  }
0x5b: {  	_ =	swait.ge [sflag:s22], $0x4000  }
0x5c: {  	[sflag:s22] =	ssyncset.done $0x0  }
0x5d: {  	s8 =	rddreg [dreg:$0x7];
	[sflag:s22] =	ssyncadd.s32 $0xFFFFC000  }
0x5e: {  	[tilespmem:s16], [sflag:$0x1] =	stream.indirect.gather [spmem:s3], $0x80, s8, s19, $0xb8;
	[tilespmem:$0x1D000] =	vst v63  }
0x5f: {  	_ =	swait.ge [sflag:s23], $0x4000  }
0x60: {  	[sflag:s23] =	ssyncset.done $0x0  }
0x61: {  	s10 =	rddreg [dreg:$0x8];
	[sflag:s23] =	ssyncadd.s32 $0xFFFFC000  }
0x62: {  	[spmem:s2] =	stream.indirect.scatter.add.f32 [tilespmem:s20], [sflag:$0x4], $0x80, s10, s19, $0xb8;
	[tilespmem:$0x1D000] =	vst v63  }
0x63: {  	_ =	swait.ge [sflag:s24], $0x4000  }
0x64: {  	[sflag:s24] =	ssyncset.done $0x0  }
0x65: {  	s7 =	rddreg [dreg:$0x9];
	[sflag:s24] =	ssyncadd.s32 $0xFFFFC000  }
0x66: {  	[tilespmem:s20], [sflag:$0x2] =	stream.indirect.gather [spmem:s3], $0x80, s7, s19, $0xb8;
	[tilespmem:$0x1D000] =	vst v63  }
0x67: {  	_ =	swait.ge [sflag:s21], $0x4000  }
0x68: {  	[sflag:s21] =	ssyncset.done $0x0  }
0x69: {  	s8 =	rddreg [dreg:$0xa];
	[sflag:s21] =	ssyncadd.s32 $0xFFFFC000  }
0x6a: {  	[spmem:s2] =	stream.indirect.scatter.add.f32 [tilespmem:s16], [sflag:$0x3], $0x80, s8, s19, $0xb8;
	[tilespmem:$0x1D000] =	vst v63  }
0x6b: {  	_ =	swait.ge [sflag:s22], $0x4000  }
0x6c: {  	[sflag:s22] =	ssyncset.done $0x0  }
0x6d: {  	s10 =	rddreg [dreg:$0xb];
	[sflag:s22] =	ssyncadd.s32 $0xFFFFC000  }
0x6e: {  	[tilespmem:s16], [sflag:$0x1] =	stream.indirect.gather [spmem:s3], $0x80, s10, s19, $0xb8;
	[tilespmem:$0x1D000] =	vst v63  }
0x6f: {  	_ =	swait.ge [sflag:s23], $0x4000  }
0x70: {  	[sflag:s23] =	ssyncset.done $0x0  }
0x71: {  	s7 =	rddreg [dreg:$0xc];
	[sflag:s23] =	ssyncadd.s32 $0xFFFFC000  }
0x72: {  	[spmem:s2] =	stream.indirect.scatter.add.f32 [tilespmem:s20], [sflag:$0x4], $0x80, s7, s19, $0xb8;
	[tilespmem:$0x1D000] =	vst v63  }
0x73: {  	_ =	swait.ge [sflag:s24], $0x4000  }
0x74: {  	[sflag:s24] =	ssyncset.done $0x0  }
0x75: {  	s8 =	rddreg [dreg:$0xd];
	[sflag:s24] =	ssyncadd.s32 $0xFFFFC000  }
0x76: {  	[tilespmem:s20], [sflag:$0x2] =	stream.indirect.gather [spmem:s3], $0x80, s8, s19, $0xb8;
	[tilespmem:$0x1D000] =	vst v63  }
0x77: {  	_ =	swait.ge [sflag:s21], $0x4000  }
0x78: {  	[sflag:s21] =	ssyncset.done $0x0  }
0x79: {  	s10 =	rddreg [dreg:$0xe];
	[sflag:s21] =	ssyncadd.s32 $0xFFFFC000  }
0x7a: {  	[spmem:s2] =	stream.indirect.scatter.add.f32 [tilespmem:s16], [sflag:$0x3], $0x80, s10, s19, $0xb8;
	[tilespmem:$0x1D000] =	vst v63  }
0x7b: {  	_ =	swait.ge [sflag:s22], $0x4000  }
0x7c: {  	[sflag:s22] =	ssyncset.done $0x0  }
0x7d: {  	s7 =	rddreg [dreg:$0xf];
	[sflag:s22] =	ssyncadd.s32 $0xFFFFC000  }
0x7e: {  	[tilespmem:s16], [sflag:$0x1] =	stream.indirect.gather [spmem:s3], $0x80, s7, s19, $0xb8;
	[tilespmem:$0x1D000] =	vst v63  }
0x7f: {  	_ =	swait.ge [sflag:s23], $0x4000  }
0x80: {  	[sflag:s23] =	ssyncset.done $0x0  }
0x81: {  	s8 =	rddreg [dreg:$0x10];
	[sflag:s23] =	ssyncadd.s32 $0xFFFFC000  }
0x82: {  	[spmem:s2] =	stream.indirect.scatter.add.f32 [tilespmem:s20], [sflag:$0x4], $0x80, s8, s19, $0xb8;
	[tilespmem:$0x1D000] =	vst v63  }
0x83: {  	_ =	swait.ge [sflag:s24], $0x4000  }
0x84: {  	[sflag:s24] =	ssyncset.done $0x0  }
0x85: {  	s10 =	rddreg [dreg:$0x11];
	[sflag:s24] =	ssyncadd.s32 $0xFFFFC000  }
0x86: {  	[tilespmem:s20], [sflag:$0x2] =	stream.indirect.gather [spmem:s3], $0x80, s10, s19, $0xb8;
	[tilespmem:$0x1D000] =	vst v63  }
0x87: {  	_ =	swait.ge [sflag:s21], $0x4000  }
0x88: {  	[sflag:s21] =	ssyncset.done $0x0  }
0x89: {  	s7 =	rddreg [dreg:$0x12];
	[sflag:s21] =	ssyncadd.s32 $0xFFFFC000  }
0x8a: {  	[spmem:s2] =	stream.indirect.scatter.add.f32 [tilespmem:s16], [sflag:$0x3], $0x80, s7, s19, $0xb8;
	[tilespmem:$0x1D000] =	vst v63  }
0x8b: {  	_ =	swait.ge [sflag:s22], $0x4000  }
0x8c: {  	[sflag:s22] =	ssyncset.done $0x0  }
0x8d: {  	s8 =	rddreg [dreg:$0x13];
	[sflag:s22] =	ssyncadd.s32 $0xFFFFC000  }
0x8e: {  	[tilespmem:s16], [sflag:$0x1] =	stream.indirect.gather [spmem:s3], $0x80, s8, s19, $0xb8;
	[tilespmem:$0x1D000] =	vst v63  }
0x8f: {  	_ =	swait.ge [sflag:s23], $0x4000  }
0x90: {  	[sflag:s23] =	ssyncset.done $0x0  }
0x91: {  	s10 =	rddreg [dreg:$0x14];
	[sflag:s23] =	ssyncadd.s32 $0xFFFFC000  }
0x92: {  	[spmem:s2] =	stream.indirect.scatter.add.f32 [tilespmem:s20], [sflag:$0x4], $0x80, s10, s19, $0xb8;
	[tilespmem:$0x1D000] =	vst v63  }
0x93: {  	_ =	swait.ge [sflag:s24], $0x4000  }
0x94: {  	[sflag:s24] =	ssyncset.done $0x0  }
0x95: {  	[sflag:s24] =	ssyncadd.s32 $0xFFFFC000  }
0x96: {  	[tilespmem:s20], [sflag:$0x2] =	stream.indirect.gather [spmem:s3], $0x80, s25, s19, $0xb8;
	[tilespmem:$0x1D000] =	vst v63  }
0x97: {  	_ =	swait.ge [sflag:s21], $0x4000  }
0x98: {  	[sflag:s21] =	ssyncset.done $0x0  }
0x99: {  	[sflag:s21] =	ssyncadd.s32 $0xFFFFC000  }
0x9a: {  	[spmem:s2] =	stream.indirect.scatter.add.f32 [tilespmem:s16], [sflag:$0x3], $0x80, s26, s19, $0xb8;
	[tilespmem:$0x1D000] =	vst v63  }
0x9b: {  	_ =	swait.ge [sflag:s22], $0x4000  }
0x9c: {  	[sflag:s22] =	ssyncset.done $0x0  }
0x9d: {  	[sflag:s22] =	ssyncadd.s32 $0xFFFFC000  }
0x9e: {  	[tilespmem:s16], [sflag:$0x1] =	stream.indirect.gather [spmem:s3], $0x80, s28, s19, $0xb8;
	[tilespmem:$0x1D000] =	vst v63  }
0x9f: {  	_ =	swait.ge [sflag:s23], $0x4000  }
0xa0: {  	[sflag:s23] =	ssyncset.done $0x0  }
0xa1: {  	[sflag:s23] =	ssyncadd.s32 $0xFFFFC000  }
0xa2: {  	[spmem:s2] =	stream.indirect.scatter.add.f32 [tilespmem:s20], [sflag:$0x4], $0x80, s29, s19, $0xb8;
	[tilespmem:$0x1D000] =	vst v63  }
0xa3: {  	_ =	swait.ge [sflag:s24], $0x4000  }
0xa4: {  	[sflag:s24] =	ssyncset.done $0x0  }
0xa5: {  	[sflag:s24] =	ssyncadd.s32 $0xFFFFC000  }
0xa6: {  	[tilespmem:s20], [sflag:$0x2] =	stream.indirect.gather [spmem:s3], $0x80, s30, s19, $0xb8;
	[tilespmem:$0x1D000] =	vst v63  }
0xa7: {  	_ =	swait.ge [sflag:s21], $0x4000  }
0xa8: {  	[sflag:s21] =	ssyncset.done $0x0  }
0xa9: {  	[sflag:s21] =	ssyncadd.s32 $0xFFFFC000  }
0xaa: {  	[spmem:s2] =	stream.indirect.scatter.add.f32 [tilespmem:s16], [sflag:$0x3], $0x80, s31, s19, $0xb8;
	[tilespmem:$0x1D000] =	vst v63  }
0xab: {  	_ =	swait.ge [sflag:s22], $0x4000  }
0xac: {  	[sflag:s22] =	ssyncset.done $0x0  }
0xad: {  	[sflag:s22] =	ssyncadd.s32 $0xFFFFC000  }
0xae: {  	[tilespmem:s16], [sflag:$0x1] =	stream.indirect.gather [spmem:s3], $0x80, s1, s19, $0xb8;
	[tilespmem:$0x1D000] =	vst v63  }
0xaf: {  	_ =	swait.ge [sflag:s23], $0x4000  }
0xb0: {  	[sflag:s23] =	ssyncset.done $0x0  }
0xb1: {  	[sflag:s23] =	ssyncadd.s32 $0xFFFFC000  }
0xb2: {  	[spmem:s2] =	stream.indirect.scatter.add.f32 [tilespmem:s20], [sflag:$0x4], $0x80, s0, s19, $0xb8;
	[tilespmem:$0x1D000] =	vst v63  }
0xb3: {  	_ =	swait.ge [sflag:s24], $0x4000  }
0xb4: {  	[sflag:s24] =	ssyncset.done $0x0  }
0xb5: {  	[sflag:s24] =	ssyncadd.s32 $0xFFFFC000  }
0xb6: {  	[tilespmem:s20], [sflag:$0x2] =	stream.indirect.gather [spmem:s3], $0x80, s9, s19, $0xb8;
	[tilespmem:$0x1D000] =	vst v63  }
0xb7: {  	_ =	swait.ge [sflag:s21], $0x4000  }
0xb8: {  	[sflag:s21] =	ssyncset.done $0x0  }
0xb9: {  	[sflag:s21] =	ssyncadd.s32 $0xFFFFC000  }
0xba: {  	[spmem:s2] =	stream.indirect.scatter.add.f32 [tilespmem:s16], [sflag:$0x3], $0x80, s11, s19, $0xb8;
	[tilespmem:$0x1D000] =	vst v63  }
0xbb: {  	_ =	swait.ge [sflag:s22], $0x4000  }
0xbc: {  	[sflag:s22] =	ssyncset.done $0x0  }
0xbd: {  	[sflag:s22] =	ssyncadd.s32 $0xFFFFC000  }
0xbe: {  	[tilespmem:s16], [sflag:$0x1] =	stream.indirect.gather [spmem:s3], $0x80, s12, s19, $0xb8;
	[tilespmem:$0x1D000] =	vst v63  }
0xbf: {  	_ =	swait.ge [sflag:s23], $0x4000  }
0xc0: {  	[sflag:s23] =	ssyncset.done $0x0  }
0xc1: {  	[sflag:s23] =	ssyncadd.s32 $0xFFFFC000  }
0xc2: {  	[spmem:s2] =	stream.indirect.scatter.add.f32 [tilespmem:s20], [sflag:$0x4], $0x80, s13, s19, $0xb8;
	[tilespmem:$0x1D000] =	vst v63  }
0xc3: {  	_ =	swait.ge [sflag:s24], $0x4000  }
0xc4: {  	[sflag:s24] =	ssyncset.done $0x0  }
0xc5: {  	[sflag:s24] =	ssyncadd.s32 $0xFFFFC000  }
0xc6: {  	[tilespmem:s20], [sflag:$0x2] =	stream.indirect.gather [spmem:s3], $0x80, s14, s19, $0xb8;
	[tilespmem:$0x1D000] =	vst v63  }
0xc7: {  	_ =	swait.ge [sflag:s21], $0x4000  }
0xc8: {  	[sflag:s21] =	ssyncset.done $0x0  }
0xc9: {  	[sflag:s21] =	ssyncadd.s32 $0xFFFFC000  }
0xca: {  	[spmem:s2] =	stream.indirect.scatter.add.f32 [tilespmem:s16], [sflag:$0x3], $0x80, s15, s19, $0xb8;
	[tilespmem:$0x1D000] =	vst v63  }
0xcb: {  	_ =	swait.ge [sflag:s22], $0x4000  }
0xcc: {  	[sflag:s22] =	ssyncset.done $0x0  }
0xcd: {  	[sflag:s22] =	ssyncadd.s32 $0xFFFFC000  }
0xce: {  	_ =	swait.ge [sflag:s23], $0x4000  }
0xcf: {  	[sflag:s23] =	ssyncset.done $0x0  }
0xd0: {  	[sflag:s23] =	ssyncadd.s32 $0xFFFFC000  }
0xd1: {  	[spmem:s2] =	stream.indirect.scatter.add.f32 [tilespmem:s20], [sflag:$0x4], $0x80, s5, s19, $0xb8;
	[tilespmem:$0x1D000] =	vst v63  }
0xd2: {  	s6 =	simm.s32 $0x200;
	_ =	swait.ge [sflag:s24], $0x4000  }
0xd3: {  	s10 =	simm.s32 $0x100;
	s7 =	rddreg [dreg:$0x5];
	[sflag:s24] =	ssyncset.done $0x0  }
.LBB2_4:
0xd4: {  	[sflag:s24] =	ssyncadd.s32 $0xFFFFC000;
	s7 =	sadd.s32 s10, s7  }
0xd5: {  	[tilespmem:s4], [sflag:$0x5] =	stream.linear.gather [hbm4b:s7+s4], $0x800, $0x38;
	[tilespmem:$0x1D000] =	vst v63  }
0xd6: {  	_ =	swait.ge [sflag:s17], $0x800  }
0xd7: {  	s7 =	rddreg [dreg:$0x6];
	[sflag:s17] =	ssyncset.done $0x0  }
0xd8: {  	[sflag:s17] =	ssyncadd.s32 $0xFFFFF800;
	s7 =	sadd.s32 s10, s7  }
0xd9: {  	[tilespmem:s18], [sflag:$0x5] =	stream.linear.gather [hbm4b:s7+s4], $0x800, $0x38;
	[tilespmem:$0x1D000] =	vst v63  }
0xda: {  	_ =	swait.ge [sflag:s17], $0x800  }
0xdb: {  	[sflag:s17] =	ssyncset.done $0x0  }
0xdc: {  	[sflag:s17] =	ssyncadd.s32 $0xFFFFF800  }
0xdd: {  	[tilespmem:s16], [sflag:$0x1] =	stream.indirect.gather [spmem:s3], $0x80, s4, s19, $0xb8;
	[tilespmem:$0x1D000] =	vst v63  }
0xde: {  	_ = 	snop  }
0xdf: {  	[tilespmem:s20], [sflag:$0x2] =	stream.indirect.gather [spmem:s3], $0x80, s19, s19, $0xb8;
	[tilespmem:$0x1D000] =	vst v63  }
0xe0: {  	_ =	swait.ge [sflag:s21], $0x4000  }
0xe1: {  	[sflag:s21] =	ssyncset.done $0x0  }
0xe2: {  	[sflag:s21] =	ssyncadd.s32 $0xFFFFC000  }
0xe3: {  	[spmem:s2] =	stream.indirect.scatter.add.f32 [tilespmem:s16], [sflag:$0x3], $0x80, s18, s19, $0xb8;
	[tilespmem:$0x1D000] =	vst v63  }
0xe4: {  	_ =	swait.ge [sflag:s22], $0x4000  }
0xe5: {  	s8 =	smov.u32 s6;
	[sflag:s22] =	ssyncset.done $0x0  }
0xe6: {  	s10 =	smov.u32 s8;
	s8 =	rddreg [dreg:$0x7];
	[sflag:s22] =	ssyncadd.s32 $0xFFFFC000  }
0xe7: {  	[tilespmem:s16], [sflag:$0x1] =	stream.indirect.gather [spmem:s3], $0x80, s8, s19, $0xb8;
	[tilespmem:$0x1D000] =	vst v63  }
0xe8: {  	_ =	swait.ge [sflag:s23], $0x4000  }
0xe9: {  	[sflag:s23] =	ssyncset.done $0x0  }
0xea: {  	s8 =	rddreg [dreg:$0x8];
	[sflag:s23] =	ssyncadd.s32 $0xFFFFC000  }
0xeb: {  	[spmem:s2] =	stream.indirect.scatter.add.f32 [tilespmem:s20], [sflag:$0x4], $0x80, s8, s19, $0xb8;
	[tilespmem:$0x1D000] =	vst v63  }
0xec: {  	_ =	swait.ge [sflag:s24], $0x4000  }
0xed: {  	[sflag:s24] =	ssyncset.done $0x0  }
0xee: {  	s8 =	rddreg [dreg:$0x9];
	[sflag:s24] =	ssyncadd.s32 $0xFFFFC000  }
0xef: {  	[tilespmem:s20], [sflag:$0x2] =	stream.indirect.gather [spmem:s3], $0x80, s8, s19, $0xb8;
	[tilespmem:$0x1D000] =	vst v63  }
0xf0: {  	_ =	swait.ge [sflag:s21], $0x4000  }
0xf1: {  	[sflag:s21] =	ssyncset.done $0x0  }
0xf2: {  	s8 =	rddreg [dreg:$0xa];
	[sflag:s21] =	ssyncadd.s32 $0xFFFFC000  }
0xf3: {  	[spmem:s2] =	stream.indirect.scatter.add.f32 [tilespmem:s16], [sflag:$0x3], $0x80, s8, s19, $0xb8;
	[tilespmem:$0x1D000] =	vst v63  }
0xf4: {  	_ =	swait.ge [sflag:s22], $0x4000  }
0xf5: {  	[sflag:s22] =	ssyncset.done $0x0  }
0xf6: {  	s8 =	rddreg [dreg:$0xb];
	[sflag:s22] =	ssyncadd.s32 $0xFFFFC000  }
0xf7: {  	[tilespmem:s16], [sflag:$0x1] =	stream.indirect.gather [spmem:s3], $0x80, s8, s19, $0xb8;
	[tilespmem:$0x1D000] =	vst v63  }
0xf8: {  	_ =	swait.ge [sflag:s23], $0x4000  }
0xf9: {  	[sflag:s23] =	ssyncset.done $0x0  }
0xfa: {  	s8 =	rddreg [dreg:$0xc];
	[sflag:s23] =	ssyncadd.s32 $0xFFFFC000  }
0xfb: {  	[spmem:s2] =	stream.indirect.scatter.add.f32 [tilespmem:s20], [sflag:$0x4], $0x80, s8, s19, $0xb8;
	[tilespmem:$0x1D000] =	vst v63  }
0xfc: {  	_ =	swait.ge [sflag:s24], $0x4000  }
0xfd: {  	[sflag:s24] =	ssyncset.done $0x0  }
0xfe: {  	s8 =	rddreg [dreg:$0xd];
	[sflag:s24] =	ssyncadd.s32 $0xFFFFC000  }
0xff: {  	[tilespmem:s20], [sflag:$0x2] =	stream.indirect.gather [spmem:s3], $0x80, s8, s19, $0xb8;
	[tilespmem:$0x1D000] =	vst v63  }
0x100: {  	_ =	swait.ge [sflag:s21], $0x4000  }
0x101: {  	[sflag:s21] =	ssyncset.done $0x0  }
0x102: {  	s8 =	rddreg [dreg:$0xe];
	[sflag:s21] =	ssyncadd.s32 $0xFFFFC000  }
0x103: {  	[spmem:s2] =	stream.indirect.scatter.add.f32 [tilespmem:s16], [sflag:$0x3], $0x80, s8, s19, $0xb8;
	[tilespmem:$0x1D000] =	vst v63  }
0x104: {  	_ =	swait.ge [sflag:s22], $0x4000  }
0x105: {  	[sflag:s22] =	ssyncset.done $0x0  }
0x106: {  	s8 =	rddreg [dreg:$0xf];
	[sflag:s22] =	ssyncadd.s32 $0xFFFFC000  }
0x107: {  	[tilespmem:s16], [sflag:$0x1] =	stream.indirect.gather [spmem:s3], $0x80, s8, s19, $0xb8;
	[tilespmem:$0x1D000] =	vst v63  }
0x108: {  	_ =	swait.ge [sflag:s23], $0x4000  }
0x109: {  	[sflag:s23] =	ssyncset.done $0x0  }
0x10a: {  	s8 =	rddreg [dreg:$0x10];
	[sflag:s23] =	ssyncadd.s32 $0xFFFFC000  }
0x10b: {  	[spmem:s2] =	stream.indirect.scatter.add.f32 [tilespmem:s20], [sflag:$0x4], $0x80, s8, s19, $0xb8;
	[tilespmem:$0x1D000] =	vst v63  }
0x10c: {  	_ =	swait.ge [sflag:s24], $0x4000  }
0x10d: {  	[sflag:s24] =	ssyncset.done $0x0  }
0x10e: {  	s8 =	rddreg [dreg:$0x11];
	[sflag:s24] =	ssyncadd.s32 $0xFFFFC000  }
0x10f: {  	[tilespmem:s20], [sflag:$0x2] =	stream.indirect.gather [spmem:s3], $0x80, s8, s19, $0xb8;
	[tilespmem:$0x1D000] =	vst v63  }
0x110: {  	_ =	swait.ge [sflag:s21], $0x4000  }
0x111: {  	[sflag:s21] =	ssyncset.done $0x0  }
0x112: {  	s8 =	rddreg [dreg:$0x12];
	[sflag:s21] =	ssyncadd.s32 $0xFFFFC000  }
0x113: {  	[spmem:s2] =	stream.indirect.scatter.add.f32 [tilespmem:s16], [sflag:$0x3], $0x80, s8, s19, $0xb8;
	[tilespmem:$0x1D000] =	vst v63  }
0x114: {  	_ =	swait.ge [sflag:s22], $0x4000  }
0x115: {  	[sflag:s22] =	ssyncset.done $0x0  }
0x116: {  	s8 =	rddreg [dreg:$0x13];
	[sflag:s22] =	ssyncadd.s32 $0xFFFFC000  }
0x117: {  	[tilespmem:s16], [sflag:$0x1] =	stream.indirect.gather [spmem:s3], $0x80, s8, s19, $0xb8;
	[tilespmem:$0x1D000] =	vst v63  }
0x118: {  	_ =	swait.ge [sflag:s23], $0x4000  }
0x119: {  	[sflag:s23] =	ssyncset.done $0x0  }
0x11a: {  	s8 =	rddreg [dreg:$0x14];
	[sflag:s23] =	ssyncadd.s32 $0xFFFFC000  }
0x11b: {  	[spmem:s2] =	stream.indirect.scatter.add.f32 [tilespmem:s20], [sflag:$0x4], $0x80, s8, s19, $0xb8;
	[tilespmem:$0x1D000] =	vst v63  }
0x11c: {  	_ =	swait.ge [sflag:s24], $0x4000  }
0x11d: {  	[sflag:s24] =	ssyncset.done $0x0  }
0x11e: {  	[sflag:s24] =	ssyncadd.s32 $0xFFFFC000  }
0x11f: {  	[tilespmem:s20], [sflag:$0x2] =	stream.indirect.gather [spmem:s3], $0x80, s25, s19, $0xb8;
	[tilespmem:$0x1D000] =	vst v63  }
0x120: {  	_ =	swait.ge [sflag:s21], $0x4000  }
0x121: {  	[sflag:s21] =	ssyncset.done $0x0  }
0x122: {  	[sflag:s21] =	ssyncadd.s32 $0xFFFFC000  }
0x123: {  	[spmem:s2] =	stream.indirect.scatter.add.f32 [tilespmem:s16], [sflag:$0x3], $0x80, s26, s19, $0xb8;
	[tilespmem:$0x1D000] =	vst v63  }
0x124: {  	_ =	swait.ge [sflag:s22], $0x4000  }
0x125: {  	[sflag:s22] =	ssyncset.done $0x0  }
0x126: {  	[sflag:s22] =	ssyncadd.s32 $0xFFFFC000  }
0x127: {  	[tilespmem:s16], [sflag:$0x1] =	stream.indirect.gather [spmem:s3], $0x80, s28, s19, $0xb8;
	[tilespmem:$0x1D000] =	vst v63  }
0x128: {  	_ =	swait.ge [sflag:s23], $0x4000  }
0x129: {  	[sflag:s23] =	ssyncset.done $0x0  }
0x12a: {  	[sflag:s23] =	ssyncadd.s32 $0xFFFFC000  }
0x12b: {  	[spmem:s2] =	stream.indirect.scatter.add.f32 [tilespmem:s20], [sflag:$0x4], $0x80, s29, s19, $0xb8;
	[tilespmem:$0x1D000] =	vst v63  }
0x12c: {  	_ =	swait.ge [sflag:s24], $0x4000  }
0x12d: {  	[sflag:s24] =	ssyncset.done $0x0  }
0x12e: {  	[sflag:s24] =	ssyncadd.s32 $0xFFFFC000  }
0x12f: {  	[tilespmem:s20], [sflag:$0x2] =	stream.indirect.gather [spmem:s3], $0x80, s30, s19, $0xb8;
	[tilespmem:$0x1D000] =	vst v63  }
0x130: {  	_ =	swait.ge [sflag:s21], $0x4000  }
0x131: {  	[sflag:s21] =	ssyncset.done $0x0  }
0x132: {  	[sflag:s21] =	ssyncadd.s32 $0xFFFFC000  }
0x133: {  	[spmem:s2] =	stream.indirect.scatter.add.f32 [tilespmem:s16], [sflag:$0x3], $0x80, s31, s19, $0xb8;
	[tilespmem:$0x1D000] =	vst v63  }
0x134: {  	_ =	swait.ge [sflag:s22], $0x4000  }
0x135: {  	[sflag:s22] =	ssyncset.done $0x0  }
0x136: {  	[sflag:s22] =	ssyncadd.s32 $0xFFFFC000  }
0x137: {  	[tilespmem:s16], [sflag:$0x1] =	stream.indirect.gather [spmem:s3], $0x80, s1, s19, $0xb8;
	[tilespmem:$0x1D000] =	vst v63  }
0x138: {  	_ =	swait.ge [sflag:s23], $0x4000  }
0x139: {  	[sflag:s23] =	ssyncset.done $0x0  }
0x13a: {  	[sflag:s23] =	ssyncadd.s32 $0xFFFFC000  }
0x13b: {  	[spmem:s2] =	stream.indirect.scatter.add.f32 [tilespmem:s20], [sflag:$0x4], $0x80, s0, s19, $0xb8;
	[tilespmem:$0x1D000] =	vst v63  }
0x13c: {  	_ =	swait.ge [sflag:s24], $0x4000  }
0x13d: {  	[sflag:s24] =	ssyncset.done $0x0  }
0x13e: {  	[sflag:s24] =	ssyncadd.s32 $0xFFFFC000  }
0x13f: {  	[tilespmem:s20], [sflag:$0x2] =	stream.indirect.gather [spmem:s3], $0x80, s9, s19, $0xb8;
	[tilespmem:$0x1D000] =	vst v63  }
0x140: {  	_ =	swait.ge [sflag:s21], $0x4000  }
0x141: {  	[sflag:s21] =	ssyncset.done $0x0  }
0x142: {  	[sflag:s21] =	ssyncadd.s32 $0xFFFFC000  }
0x143: {  	[spmem:s2] =	stream.indirect.scatter.add.f32 [tilespmem:s16], [sflag:$0x3], $0x80, s11, s19, $0xb8;
	[tilespmem:$0x1D000] =	vst v63  }
0x144: {  	_ =	swait.ge [sflag:s22], $0x4000  }
0x145: {  	[sflag:s22] =	ssyncset.done $0x0  }
0x146: {  	[sflag:s22] =	ssyncadd.s32 $0xFFFFC000  }
0x147: {  	[tilespmem:s16], [sflag:$0x1] =	stream.indirect.gather [spmem:s3], $0x80, s12, s19, $0xb8;
	[tilespmem:$0x1D000] =	vst v63  }
0x148: {  	_ =	swait.ge [sflag:s23], $0x4000  }
0x149: {  	[sflag:s23] =	ssyncset.done $0x0  }
0x14a: {  	[sflag:s23] =	ssyncadd.s32 $0xFFFFC000  }
0x14b: {  	[spmem:s2] =	stream.indirect.scatter.add.f32 [tilespmem:s20], [sflag:$0x4], $0x80, s13, s19, $0xb8;
	[tilespmem:$0x1D000] =	vst v63  }
0x14c: {  	_ =	swait.ge [sflag:s24], $0x4000  }
0x14d: {  	[sflag:s24] =	ssyncset.done $0x0  }
0x14e: {  	[sflag:s24] =	ssyncadd.s32 $0xFFFFC000  }
0x14f: {  	[tilespmem:s20], [sflag:$0x2] =	stream.indirect.gather [spmem:s3], $0x80, s14, s19, $0xb8;
	[tilespmem:$0x1D000] =	vst v63  }
0x150: {  	_ =	swait.ge [sflag:s21], $0x4000  }
0x151: {  	[sflag:s21] =	ssyncset.done $0x0  }
0x152: {  	[sflag:s21] =	ssyncadd.s32 $0xFFFFC000  }
0x153: {  	[spmem:s2] =	stream.indirect.scatter.add.f32 [tilespmem:s16], [sflag:$0x3], $0x80, s15, s19, $0xb8;
	[tilespmem:$0x1D000] =	vst v63  }
0x154: {  	_ =	swait.ge [sflag:s22], $0x4000  }
0x155: {  	[sflag:s22] =	ssyncset.done $0x0  }
0x156: {  	[sflag:s22] =	ssyncadd.s32 $0xFFFFC000  }
0x157: {  	p1 =	sne.s32 s6, $0x400;
	_ =	swait.ge [sflag:s23], $0x4000  }
.Ltmp1:
0x158: {  	[sflag:s23] =	ssyncset.done $0x0;
	(pc) =	sbr.rel @p1 .LBB2_4-.Ltmp1, $4  }
0x159: {  	[sflag:s23] =	ssyncadd.s32 $0xFFFFC000  }
0x15a: {  	[spmem:s2] =	stream.indirect.scatter.add.f32 [tilespmem:s20], [sflag:$0x4], $0x80, s5, s19, $0xb8;
	[tilespmem:$0x1D000] =	vst v63  }
0x15b: {  	_ =	swait.ge [sflag:s24], $0x4000  }
0x15c: {  	s6 =	sadd.s32 $0x100, s6;
	s7 =	rddreg [dreg:$0x5];
	[sflag:s24] =	ssyncset.done $0x0  }
0x15d: {  	[sflag:s24] =	ssyncadd.s32 $0xFFFFC000;
	s6 =	sadd.s32 s10, s7  }
0x15e: {  	[tilespmem:s4], [sflag:$0x5] =	stream.linear.gather [hbm4b:s6+s4], $0x800, $0x38;
	[tilespmem:$0x1D000] =	vst v63  }
0x15f: {  	_ =	swait.ge [sflag:s17], $0x800  }
0x160: {  	s8 =	rddreg [dreg:$0x6];
	[sflag:s17] =	ssyncset.done $0x0  }
0x161: {  	[sflag:s17] =	ssyncadd.s32 $0xFFFFF800;
	s6 =	sadd.s32 s10, s8  }
0x162: {  	[tilespmem:s18], [sflag:$0x5] =	stream.linear.gather [hbm4b:s6+s4], $0x800, $0x38;
	[tilespmem:$0x1D000] =	vst v63  }
0x163: {  	_ =	swait.ge [sflag:s17], $0x800  }
0x164: {  	[sflag:s17] =	ssyncset.done $0x0  }
0x165: {  	[sflag:s17] =	ssyncadd.s32 $0xFFFFF800  }
0x166: {  	[tilespmem:s16], [sflag:$0x1] =	stream.indirect.gather [spmem:s3], $0x80, s4, s19, $0xb8;
	[tilespmem:$0x1D000] =	vst v63  }
0x167: {  	_ = 	snop  }
0x168: {  	[tilespmem:s20], [sflag:$0x2] =	stream.indirect.gather [spmem:s3], $0x80, s19, s19, $0xb8;
	[tilespmem:$0x1D000] =	vst v63  }
0x169: {  	_ =	swait.ge [sflag:s21], $0x4000  }
0x16a: {  	[sflag:s21] =	ssyncset.done $0x0  }
0x16b: {  	[sflag:s21] =	ssyncadd.s32 $0xFFFFC000  }
0x16c: {  	[spmem:s2] =	stream.indirect.scatter.add.f32 [tilespmem:s16], [sflag:$0x3], $0x80, s18, s19, $0xb8;
	[tilespmem:$0x1D000] =	vst v63  }
0x16d: {  	_ =	swait.ge [sflag:s22], $0x4000  }
0x16e: {  	[sflag:s22] =	ssyncset.done $0x0  }
0x16f: {  	s10 =	rddreg [dreg:$0x7];
	[sflag:s22] =	ssyncadd.s32 $0xFFFFC000  }
0x170: {  	[tilespmem:s16], [sflag:$0x1] =	stream.indirect.gather [spmem:s3], $0x80, s10, s19, $0xb8;
	[tilespmem:$0x1D000] =	vst v63  }
0x171: {  	_ =	swait.ge [sflag:s23], $0x4000  }
0x172: {  	[sflag:s23] =	ssyncset.done $0x0  }
0x173: {  	s7 =	rddreg [dreg:$0x8];
	[sflag:s23] =	ssyncadd.s32 $0xFFFFC000  }
0x174: {  	[spmem:s2] =	stream.indirect.scatter.add.f32 [tilespmem:s20], [sflag:$0x4], $0x80, s7, s19, $0xb8;
	[tilespmem:$0x1D000] =	vst v63  }
0x175: {  	_ =	swait.ge [sflag:s24], $0x4000  }
0x176: {  	[sflag:s24] =	ssyncset.done $0x0  }
0x177: {  	s8 =	rddreg [dreg:$0x9];
	[sflag:s24] =	ssyncadd.s32 $0xFFFFC000  }
0x178: {  	[tilespmem:s20], [sflag:$0x2] =	stream.indirect.gather [spmem:s3], $0x80, s8, s19, $0xb8;
	[tilespmem:$0x1D000] =	vst v63  }
0x179: {  	_ =	swait.ge [sflag:s21], $0x4000  }
0x17a: {  	[sflag:s21] =	ssyncset.done $0x0  }
0x17b: {  	s10 =	rddreg [dreg:$0xa];
	[sflag:s21] =	ssyncadd.s32 $0xFFFFC000  }
0x17c: {  	[spmem:s2] =	stream.indirect.scatter.add.f32 [tilespmem:s16], [sflag:$0x3], $0x80, s10, s19, $0xb8;
	[tilespmem:$0x1D000] =	vst v63  }
0x17d: {  	_ =	swait.ge [sflag:s22], $0x4000  }
0x17e: {  	[sflag:s22] =	ssyncset.done $0x0  }
0x17f: {  	s7 =	rddreg [dreg:$0xb];
	[sflag:s22] =	ssyncadd.s32 $0xFFFFC000  }
0x180: {  	[tilespmem:s16], [sflag:$0x1] =	stream.indirect.gather [spmem:s3], $0x80, s7, s19, $0xb8;
	[tilespmem:$0x1D000] =	vst v63  }
0x181: {  	_ =	swait.ge [sflag:s23], $0x4000  }
0x182: {  	[sflag:s23] =	ssyncset.done $0x0  }
0x183: {  	s8 =	rddreg [dreg:$0xc];
	[sflag:s23] =	ssyncadd.s32 $0xFFFFC000  }
0x184: {  	[spmem:s2] =	stream.indirect.scatter.add.f32 [tilespmem:s20], [sflag:$0x4], $0x80, s8, s19, $0xb8;
	[tilespmem:$0x1D000] =	vst v63  }
0x185: {  	_ =	swait.ge [sflag:s24], $0x4000  }
0x186: {  	[sflag:s24] =	ssyncset.done $0x0  }
0x187: {  	s10 =	rddreg [dreg:$0xd];
	[sflag:s24] =	ssyncadd.s32 $0xFFFFC000  }
0x188: {  	[tilespmem:s20], [sflag:$0x2] =	stream.indirect.gather [spmem:s3], $0x80, s10, s19, $0xb8;
	[tilespmem:$0x1D000] =	vst v63  }
0x189: {  	_ =	swait.ge [sflag:s21], $0x4000  }
0x18a: {  	[sflag:s21] =	ssyncset.done $0x0  }
0x18b: {  	s7 =	rddreg [dreg:$0xe];
	[sflag:s21] =	ssyncadd.s32 $0xFFFFC000  }
0x18c: {  	[spmem:s2] =	stream.indirect.scatter.add.f32 [tilespmem:s16], [sflag:$0x3], $0x80, s7, s19, $0xb8;
	[tilespmem:$0x1D000] =	vst v63  }
0x18d: {  	_ =	swait.ge [sflag:s22], $0x4000  }
0x18e: {  	[sflag:s22] =	ssyncset.done $0x0  }
0x18f: {  	s8 =	rddreg [dreg:$0xf];
	[sflag:s22] =	ssyncadd.s32 $0xFFFFC000  }
0x190: {  	[tilespmem:s16], [sflag:$0x1] =	stream.indirect.gather [spmem:s3], $0x80, s8, s19, $0xb8;
	[tilespmem:$0x1D000] =	vst v63  }
0x191: {  	_ =	swait.ge [sflag:s23], $0x4000  }
0x192: {  	[sflag:s23] =	ssyncset.done $0x0  }
0x193: {  	s10 =	rddreg [dreg:$0x10];
	[sflag:s23] =	ssyncadd.s32 $0xFFFFC000  }
0x194: {  	[spmem:s2] =	stream.indirect.scatter.add.f32 [tilespmem:s20], [sflag:$0x4], $0x80, s10, s19, $0xb8;
	[tilespmem:$0x1D000] =	vst v63  }
0x195: {  	_ =	swait.ge [sflag:s24], $0x4000  }
0x196: {  	[sflag:s24] =	ssyncset.done $0x0  }
0x197: {  	s7 =	rddreg [dreg:$0x11];
	[sflag:s24] =	ssyncadd.s32 $0xFFFFC000  }
0x198: {  	[tilespmem:s20], [sflag:$0x2] =	stream.indirect.gather [spmem:s3], $0x80, s7, s19, $0xb8;
	[tilespmem:$0x1D000] =	vst v63  }
0x199: {  	_ =	swait.ge [sflag:s21], $0x4000  }
0x19a: {  	[sflag:s21] =	ssyncset.done $0x0  }
0x19b: {  	s8 =	rddreg [dreg:$0x12];
	[sflag:s21] =	ssyncadd.s32 $0xFFFFC000  }
0x19c: {  	[spmem:s2] =	stream.indirect.scatter.add.f32 [tilespmem:s16], [sflag:$0x3], $0x80, s8, s19, $0xb8;
	[tilespmem:$0x1D000] =	vst v63  }
0x19d: {  	_ =	swait.ge [sflag:s22], $0x4000  }
0x19e: {  	[sflag:s22] =	ssyncset.done $0x0  }
0x19f: {  	s10 =	rddreg [dreg:$0x13];
	[sflag:s22] =	ssyncadd.s32 $0xFFFFC000  }
0x1a0: {  	[tilespmem:s16], [sflag:$0x1] =	stream.indirect.gather [spmem:s3], $0x80, s10, s19, $0xb8;
	[tilespmem:$0x1D000] =	vst v63  }
0x1a1: {  	_ =	swait.ge [sflag:s23], $0x4000  }
0x1a2: {  	[sflag:s23] =	ssyncset.done $0x0  }
0x1a3: {  	s7 =	rddreg [dreg:$0x14];
	[sflag:s23] =	ssyncadd.s32 $0xFFFFC000  }
0x1a4: {  	[spmem:s2] =	stream.indirect.scatter.add.f32 [tilespmem:s20], [sflag:$0x4], $0x80, s7, s19, $0xb8;
	[tilespmem:$0x1D000] =	vst v63  }
0x1a5: {  	_ =	swait.ge [sflag:s24], $0x4000  }
0x1a6: {  	[sflag:s24] =	ssyncset.done $0x0  }
0x1a7: {  	[sflag:s24] =	ssyncadd.s32 $0xFFFFC000  }
0x1a8: {  	[tilespmem:s20], [sflag:$0x2] =	stream.indirect.gather [spmem:s3], $0x80, s25, s19, $0xb8;
	[tilespmem:$0x1D000] =	vst v63  }
0x1a9: {  	_ =	swait.ge [sflag:s21], $0x4000  }
0x1aa: {  	[sflag:s21] =	ssyncset.done $0x0  }
0x1ab: {  	[sflag:s21] =	ssyncadd.s32 $0xFFFFC000  }
0x1ac: {  	[spmem:s2] =	stream.indirect.scatter.add.f32 [tilespmem:s16], [sflag:$0x3], $0x80, s26, s19, $0xb8;
	[tilespmem:$0x1D000] =	vst v63  }
0x1ad: {  	_ =	swait.ge [sflag:s22], $0x4000  }
0x1ae: {  	[sflag:s22] =	ssyncset.done $0x0  }
0x1af: {  	[sflag:s22] =	ssyncadd.s32 $0xFFFFC000  }
0x1b0: {  	[tilespmem:s16], [sflag:$0x1] =	stream.indirect.gather [spmem:s3], $0x80, s28, s19, $0xb8;
	[tilespmem:$0x1D000] =	vst v63  }
0x1b1: {  	_ =	swait.ge [sflag:s23], $0x4000  }
0x1b2: {  	[sflag:s23] =	ssyncset.done $0x0  }
0x1b3: {  	[sflag:s23] =	ssyncadd.s32 $0xFFFFC000  }
0x1b4: {  	[spmem:s2] =	stream.indirect.scatter.add.f32 [tilespmem:s20], [sflag:$0x4], $0x80, s29, s19, $0xb8;
	[tilespmem:$0x1D000] =	vst v63  }
0x1b5: {  	_ =	swait.ge [sflag:s24], $0x4000  }
0x1b6: {  	[sflag:s24] =	ssyncset.done $0x0  }
0x1b7: {  	[sflag:s24] =	ssyncadd.s32 $0xFFFFC000  }
0x1b8: {  	[tilespmem:s20], [sflag:$0x2] =	stream.indirect.gather [spmem:s3], $0x80, s30, s19, $0xb8;
	[tilespmem:$0x1D000] =	vst v63  }
0x1b9: {  	_ =	swait.ge [sflag:s21], $0x4000  }
0x1ba: {  	[sflag:s21] =	ssyncset.done $0x0  }
0x1bb: {  	[sflag:s21] =	ssyncadd.s32 $0xFFFFC000  }
0x1bc: {  	[spmem:s2] =	stream.indirect.scatter.add.f32 [tilespmem:s16], [sflag:$0x3], $0x80, s31, s19, $0xb8;
	[tilespmem:$0x1D000] =	vst v63  }
0x1bd: {  	_ =	swait.ge [sflag:s22], $0x4000  }
0x1be: {  	[sflag:s22] =	ssyncset.done $0x0  }
0x1bf: {  	[sflag:s22] =	ssyncadd.s32 $0xFFFFC000  }
0x1c0: {  	[tilespmem:s16], [sflag:$0x1] =	stream.indirect.gather [spmem:s3], $0x80, s1, s19, $0xb8;
	[tilespmem:$0x1D000] =	vst v63  }
0x1c1: {  	_ =	swait.ge [sflag:s23], $0x4000  }
0x1c2: {  	[sflag:s23] =	ssyncset.done $0x0  }
0x1c3: {  	[sflag:s23] =	ssyncadd.s32 $0xFFFFC000  }
0x1c4: {  	[spmem:s2] =	stream.indirect.scatter.add.f32 [tilespmem:s20], [sflag:$0x4], $0x80, s0, s19, $0xb8;
	[tilespmem:$0x1D000] =	vst v63  }
0x1c5: {  	_ =	swait.ge [sflag:s24], $0x4000  }
0x1c6: {  	[sflag:s24] =	ssyncset.done $0x0  }
0x1c7: {  	[sflag:s24] =	ssyncadd.s32 $0xFFFFC000  }
0x1c8: {  	[tilespmem:s20], [sflag:$0x2] =	stream.indirect.gather [spmem:s3], $0x80, s9, s19, $0xb8;
	[tilespmem:$0x1D000] =	vst v63  }
0x1c9: {  	_ =	swait.ge [sflag:s21], $0x4000  }
0x1ca: {  	[sflag:s21] =	ssyncset.done $0x0  }
0x1cb: {  	[sflag:s21] =	ssyncadd.s32 $0xFFFFC000  }
0x1cc: {  	[spmem:s2] =	stream.indirect.scatter.add.f32 [tilespmem:s16], [sflag:$0x3], $0x80, s11, s19, $0xb8;
	[tilespmem:$0x1D000] =	vst v63  }
0x1cd: {  	_ =	swait.ge [sflag:s22], $0x4000  }
0x1ce: {  	[sflag:s22] =	ssyncset.done $0x0  }
0x1cf: {  	[sflag:s22] =	ssyncadd.s32 $0xFFFFC000  }
0x1d0: {  	[tilespmem:s16], [sflag:$0x1] =	stream.indirect.gather [spmem:s3], $0x80, s12, s19, $0xb8;
	[tilespmem:$0x1D000] =	vst v63  }
0x1d1: {  	_ =	swait.ge [sflag:s23], $0x4000  }
0x1d2: {  	[sflag:s23] =	ssyncset.done $0x0  }
0x1d3: {  	[sflag:s23] =	ssyncadd.s32 $0xFFFFC000  }
0x1d4: {  	[spmem:s2] =	stream.indirect.scatter.add.f32 [tilespmem:s20], [sflag:$0x4], $0x80, s13, s19, $0xb8;
	[tilespmem:$0x1D000] =	vst v63  }
0x1d5: {  	_ =	swait.ge [sflag:s24], $0x4000  }
0x1d6: {  	[sflag:s24] =	ssyncset.done $0x0  }
0x1d7: {  	[sflag:s24] =	ssyncadd.s32 $0xFFFFC000  }
0x1d8: {  	[tilespmem:s20], [sflag:$0x2] =	stream.indirect.gather [spmem:s3], $0x80, s14, s19, $0xb8;
	[tilespmem:$0x1D000] =	vst v63  }
0x1d9: {  	_ =	swait.ge [sflag:s21], $0x4000  }
0x1da: {  	[sflag:s21] =	ssyncset.done $0x0  }
0x1db: {  	[sflag:s21] =	ssyncadd.s32 $0xFFFFC000  }
0x1dc: {  	[spmem:s2] =	stream.indirect.scatter.add.f32 [tilespmem:s16], [sflag:$0x3], $0x80, s15, s19, $0xb8;
	[tilespmem:$0x1D000] =	vst v63  }
0x1dd: {  	_ =	swait.ge [sflag:s22], $0x4000  }
0x1de: {  	[sflag:s22] =	ssyncset.done $0x0  }
0x1df: {  	[sflag:s22] =	ssyncadd.s32 $0xFFFFC000  }
0x1e0: {  	_ =	swait.ge [sflag:s23], $0x4000  }
0x1e1: {  	[sflag:s23] =	ssyncset.done $0x0  }
0x1e2: {  	[sflag:s23] =	ssyncadd.s32 $0xFFFFC000  }
0x1e3: {  	[spmem:s2] =	stream.indirect.scatter.add.f32 [tilespmem:s20], [sflag:$0x4], $0x80, s5, s19, $0xb8;
	[tilespmem:$0x1D000] =	vst v63  }
0x1e4: {  	_ =	swait.ge [sflag:s24], $0x4000  }
0x1e5: {  	[sflag:s24] =	ssyncset.done $0x0  }
0x1e6: {  	[sflag:s24] =	ssyncadd.s32 $0xFFFFC000  }
0x1e7: {  	[bflag:$0x0] =	sbarrier.arrive $0xFFFF  }
0x1e8: {  	s8 =	rddreg [dreg:$0x16]  }
0x1e9: {  	[tilespmem:s16], [sflag:$0x5] =	stream.linear.gather [spmem:s8], $0x4000, $0x38;
	[tilespmem:$0x1D000] =	vst v63  }
0x1ea: {  	_ =	swait.ge [sflag:s17], $0x4000  }
0x1eb: {  	[sflag:s17] =	ssyncset.done $0x0  }
0x1ec: {  	s10 =	rddreg [dreg:$0x19];
	[sflag:s17] =	ssyncadd.s32 $0xFFFFC000  }
0x1ed: {  	[hbm4b:s10+s4] =	stream.linear.scatter [tilespmem:s16], [sflag:$0x5], $0x4000, $0x38;
	[tilespmem:$0x1D000] =	vst v63  }
0x1ee: {  	_ =	swait.ge [sflag:s17], $0x4000  }
0x1ef: {  	s6 =	simm.s32 @p0 $0x1000;
	[sflag:s17] =	ssyncset.done $0x0  }
0x1f0: {  	s10 =	simm.s32 @p0 $0x5;
	s7 =	rddreg [dreg:$0x17];
	[sflag:s17] =	ssyncadd.s32 $0xFFFFC000  }
0x1f1: {  	[tilespmem:s6], [sflag:$0x5] =	stream.linear.gather @p0 [spmem:s7], $0x2400, $0x38;
	[tilespmem:$0x1D000] =	vst v63  }
0x1f2: {  	_ =	swait.ge @p0 [sflag:s10], $0x2400  }
0x1f3: {  	s8 =	simm.s32 @p0 $0x0;
	[sflag:s10] =	ssyncset.done @p0 $0x0  }
0x1f4: {  	s6 =	simm.s32 @p0 $0x1000;
	s7 =	rddreg [dreg:$0x1a];
	[sflag:s10] =	ssyncadd.s32 @p0 $0xFFFFDC00  }
0x1f5: {  	[hbm4b:s7+s8] =	stream.linear.scatter @p0 [tilespmem:s6], [sflag:$0x5], $0x2400, $0x38;
	[tilespmem:$0x1D000] =	vst v63  }
0x1f6: {  	_ =	swait.ge @p0 [sflag:s10], $0x2400  }
0x1f7: {  	s6 =	smov.u32 s7;
	[sflag:s10] =	ssyncset.done @p0 $0x0  }
0x1f8: {  	s8 =	simm.s32 @!p0 $0x1000;
	s7 =	rddreg [dreg:$0x17];
	[sflag:s10] =	ssyncadd.s32 @p0 $0xFFFFDC00  }
0x1f9: {  	[tilespmem:s8], [sflag:$0x5] =	stream.linear.gather @!p0 [spmem:s7], $0x4000, $0x38;
	[tilespmem:$0x1D000] =	vst v63  }
0x1fa: {  	s7 =	simm.s32 @!p0 $0x5  }
0x1fb: {  	_ =	swait.ge @!p0 [sflag:s7], $0x4000  }
0x1fc: {  	[sflag:s7] =	ssyncset.done @!p0 $0x0  }
0x1fd: {  	s10 =	simm.s32 @!p0 $0x0;
	[sflag:s7] =	ssyncadd.s32 @!p0 $0xFFFFC000  }
0x1fe: {  	[hbm4b:s6+s10] =	stream.linear.scatter @!p0 [tilespmem:s8], [sflag:$0x5], $0x4000, $0x38;
	[tilespmem:$0x1D000] =	vst v63  }
0x1ff: {  	_ =	swait.ge @!p0 [sflag:s7], $0x4000  }
0x200: {  	[sflag:s7] =	ssyncset.done @!p0 $0x0  }
0x201: {  	s10 =	rddreg [dreg:$0x18];
	[sflag:s7] =	ssyncadd.s32 @!p0 $0xFFFFC000  }
0x202: {  	[tilespmem:s8], [sflag:$0x5] =	stream.linear.gather @!p0 [spmem:s10], $0x2000, $0x38;
	[tilespmem:$0x1D000] =	vst v63  }
0x203: {  	_ =	swait.ge @!p0 [sflag:s7], $0x2000  }
0x204: {  	[sflag:s7] =	ssyncset.done @!p0 $0x0  }
0x205: {  	s10 =	simm.s32 @!p0 $0x0;
	s6 =	rddreg [dreg:$0x1b];
	[sflag:s7] =	ssyncadd.s32 @!p0 $0xFFFFE000  }
0x206: {  	[hbm4b:s6+s10] =	stream.linear.scatter @!p0 [tilespmem:s8], [sflag:$0x5], $0x2000, $0x38;
	[tilespmem:$0x1D000] =	vst v63  }
0x207: {  	_ =	swait.ge @!p0 [sflag:s7], $0x2000  }
0x208: {  	s6 =	sld [smem:$0x7FD];
	_ =	sdelay $0x2  }
0x209: {  	s10 =	rddreg [dreg:$0x1c];
	s8 =	sadd.s32 $0x1, s6  }
0x20a: {  	p1 =	sne.s32 s8, s10  }
.Ltmp2:
0x20b: {  	_ = 	snop;
	(pc) =	sbr.rel @p1 .LBB2_1-.Ltmp2, $3  }
0x20c: {  	_ =	sdelay $0x1  }
0x20d: {  	[sflag:s7] =	ssyncset.done @!p0 $0x0  }
0x20e: {  	[sflag:s7] =	ssyncadd.s32 @!p0 $0xFFFFE000  }
0x20f: {  	_ =	sfence.sel $0x180000  }
0x210: {  	[bflag:$0x0] =	sbarrier.arrive $0xFFFF  }
0x211: {  	_ =	strace $0x9000004D  }
0x212: {  	s0 =	stileid.u32;
	[bflag:$0x2] =	sbarrier.arrive $0xFFFF  }
0x213: {  	p0 =	sne.s32 s0, $0x0;
	s0 =	rddreg [dreg:$0x4]  }
0x214: {  	s0 =	sadd.s32 @!p0 $0x100000, s0  }
0x215: {  	[sflag:s0] =	ssyncadd.tile.s32 @!p0 $0x1;
	_ =	shalt  }
.Lfunc_end2:
_tile_overlayer_lowered:
.L_overlay_start_2:
0x216: {  	(tag) =	ssettag $0x2  }
0x217: {  	s0 =	rddreg [dreg:$0x0];
	s2 =	stileid.u32  }
0x218: {  	s1 =	rddreg [dreg:$0x1];
	p0 =	sne.s32 s2, $0x0  }
0x219: {  	s3 =	rddreg [dreg:$0x2];
	[bflag:$0x3] =	sbarrier.arrive $0xFFFF;
	s2 =	simm.s32 @!p0 $0x1C05  }
0x21a: {  	[timem:s3], [sflag:s2] =	dma.local @!p0 [hbm:s0], s1  }
0x21b: {  	s0 =	simm.s32 @!p0 $0x5  }
0x21c: {  	_ =	swait.ge @!p0 [sflag:s0], s1  }
0x21d: {  	s1 =	ssub.s32 @!p0 $0x0, s1;
	[sflag:s0] =	ssyncset.done @!p0 $0x0  }
0x21e: {  	[sflag:s0] =	ssyncadd.s32 @!p0 s1  }
0x21f: {  	[bflag:$0x3] =	sbarrier.arrive $0xFFFF  }
0x220: {  	_ =	shalt  }

// kernel: kernel.9.cloned.1.call-start
scs
__scs_entry_jumppad:
0x0: {  	(pc) =	sbr.rel $0x88, $3  }
0x1: {  	(tag) =	ssettag $0x0;
	lr =	simm.s32 $0x1  }
0x2: {  	[smem:$0x3F9D] =	sst lr;
	_ =	strace $0xD0000000  }
0x3: {  	_ = 	snop  }
0x4: {  	_ = 	snop  }
0x5: {  	_ = 	snop  }
0x6: {  	_ = 	snop  }
0x7: {  	_ = 	snop  }
__scs_overlays_trampoline_lowered:
0x8: {  	[smem:$0x3FAC] =	sst s0  }
0x9: {  	[smem:$0x3FAD] =	sst s1  }
0xa: {  	[smem:$0x3FAE] =	sst s2  }
0xb: {  	[smem:$0x3FAF] =	sst s3  }
0xc: {  	[smem:$0x3FB0] =	sst s4  }
0xd: {  	[smem:$0x3FB1] =	sst s5  }
0xe: {  	[smem:$0x3FB2] =	sst s6  }
0xf: {  	[smem:$0x3FB3] =	sst s7  }
0x10: {  	[smem:$0x3FB4] =	sst s8  }
0x11: {  	[smem:$0x3FB5] =	sst s9;
	s0 =	simm.s32 @!p0 $0x0  }
0x12: {  	s1 =	sld [smem:$0x3F9B];
	s0 =	simm.s32 @p0 $0x1  }
0x13: {  	[smem:$0x3FB6] =	sst s0;
	s0 =	simm.s32 @!p1 $0x0  }
0x14: {  	s2 =	sld [smem:$0x3F9A];
	s0 =	simm.s32 @p1 $0x1  }
0x15: {  	[smem:$0x3FB7] =	sst s0;
	s0 =	simm.s32 @!p2 $0x0  }
0x16: {  	s3 =	sld [smem:$0x3FDB];
	s0 =	simm.s32 @p2 $0x1  }
0x17: {  	s4 =	simm.s32 $0x1BF5;
	[smem:$0x3FB9] =	sst s0  }
0x18: {  	s0 =	sld [smem:$0x3F9C];
	_ =	swait.ge [sflag:s4], $0x0  }
0x19: {  	s7 =	sld [smem:$0x3F9D]  }
0x1a: {  	s8 =	sadd.s32 $0xFFFFE003, lr  }
0x1b: {  	s9 =	sadd.s32 $0xFFFFFEF7, lr;
	s5 =	simm.s32 $0xFFFFFFFF;
	p2 =	slt.u32 s8, $0xFFFFF086  }
0x1c: {  	p1 =	slt.u32 s9, $0xF7A;
	s5 =	simm.s32 @!p2 $0x0  }
0x1d: {  	s5 =	simm.s32 @p1 $0x1;
	p0 =	seq.s32 s7, s2  }
0x1e: {  	s7 =	smul.u32 @!p0 $0xF7A, s2;
	p2 =	seq.s32 @!p0 s5, $0x0  }
0x1f: {  	s9 =	smul.u32 $0xF7A, s1;
	s8 =	simm.s32 @!p0 $0x1BF5;
	p2 =	por !p2, p0  }
0x20: {  	[sflag:s8] =	ssyncset.s32 @!p0 $0xFFFFF086;
	s6 =	sadd.s32 @!p0 s3, s7;
	s7 =	simm.s32 @!p0 $0x108  }
0x21: {  	s3 =	sadd.s32 s3, s9;
	s6 =	sadd.s32 @!p0 $0x88, s6;
	s7 =	simm.s32 @p2 $0x1082  }
0x22: {  	[simem:s7], [sflag:s8] =	dma.local @!p0 [hbm:s6], $0xF7A  }
0x23: {  	s9 =	sor.u32 $0xD0000000, s2;
	s6 =	simm.s32 $0x108;
	_ =	swait.ge @!p0 [sflag:s8], $0x0  }
0x24: {  	s3 =	sadd.s32 $0x88, s3;
	s6 =	simm.s32 @!p1 $0x1082;
	[sflag:s4] =	ssyncset.s32 $0xFFFFF086  }
0x25: {  	[simem:s6], [sflag:s4] =	dma.local [hbm:s3], $0xF7A  }
0x26: {  	[smem:$0x3F9D] =	sst s1;
	(tag) =	ssettag s2;
	_ =	strace s9  }
0x27: {  	s1 =	sld [smem:$0x3FAD]  }
0x28: {  	s2 =	sld [smem:$0x3FAE]  }
0x29: {  	s4 =	sld [smem:$0x3FB0]  }
0x2a: {  	p0 =	seq.s32 s5, $0x0;
	s5 =	sld [smem:$0x3FB1]  }
0x2b: {  	s6 =	sld [smem:$0x3FB2]  }
0x2c: {  	s7 =	sld [smem:$0x3FB3]  }
0x2d: {  	s3 =	simm.s32 $0x108;
	s8 =	sld [smem:$0x3FB4]  }
0x2e: {  	s3 =	simm.s32 @!p0 $0x1082;
	s9 =	sld [smem:$0x3FB5]  }
0x2f: {  	lr =	sadd.s32 s0, s3;
	s0 =	sld [smem:$0x3FAC]  }
0x30: {  	s3 =	sld [smem:$0x3FAF]  }
0x31: {  	[smem:$0x3FB8] =	sst s10  }
0x32: {  	s10 =	sld [smem:$0x3FB6];
	_ =	sdelay $0x3  }
0x33: {  	p0 =	seq.s32 s10, $0x1;
	s10 =	sld [smem:$0x3FB8];
	_ =	sdelay $0x3  }
0x34: {  	[smem:$0x3FB8] =	sst s10  }
0x35: {  	s10 =	sld [smem:$0x3FB7];
	_ =	sdelay $0x3  }
0x36: {  	p1 =	seq.s32 s10, $0x1;
	s10 =	sld [smem:$0x3FB8];
	_ =	sdelay $0x3  }
0x37: {  	[smem:$0x3FB8] =	sst s10  }
0x38: {  	s10 =	sld [smem:$0x3FB9]  }
0x39: {  	_ = 	snop;
	(pc) =	sbr.ind lr, $3  }
0x3a: {  	_ = 	snop  }
0x3b: {  	_ = 	snop  }
0x3c: {  	p2 =	seq.s32 s10, $0x1;
	s10 =	sld [smem:$0x3FB8]  }
0x3d: {  	_ =	shalt  }
0x3e: {  	_ =	shalt  }
0x3f: {  	_ =	shalt  }
0x40: {  	_ =	shalt  }
0x41: {  	_ =	shalt  }
0x42: {  	_ =	shalt  }
0x43: {  	_ =	shalt  }
0x44: {  	_ =	shalt  }
0x45: {  	_ =	shalt  }
0x46: {  	_ =	shalt  }
0x47: {  	_ =	shalt  }
0x48: {  	_ =	shalt  }
0x49: {  	_ =	shalt  }
0x4a: {  	_ =	shalt  }
0x4b: {  	_ =	shalt  }
0x4c: {  	_ =	shalt  }
0x4d: {  	_ =	shalt  }
0x4e: {  	_ =	shalt  }
0x4f: {  	_ =	shalt  }
0x50: {  	_ =	shalt  }
0x51: {  	_ =	shalt  }
0x52: {  	_ =	shalt  }
0x53: {  	_ =	shalt  }
0x54: {  	_ =	shalt  }
0x55: {  	_ =	shalt  }
0x56: {  	_ =	shalt  }
0x57: {  	_ =	shalt  }
0x58: {  	_ =	shalt  }
0x59: {  	_ =	shalt  }
0x5a: {  	_ =	shalt  }
0x5b: {  	_ =	shalt  }
0x5c: {  	_ =	shalt  }
0x5d: {  	_ =	shalt  }
0x5e: {  	_ =	shalt  }
0x5f: {  	_ =	shalt  }
0x60: {  	_ =	shalt  }
0x61: {  	_ =	shalt  }
0x62: {  	_ =	shalt  }
0x63: {  	_ =	shalt  }
0x64: {  	_ =	shalt  }
0x65: {  	_ =	shalt  }
0x66: {  	_ =	shalt  }
0x67: {  	_ =	shalt  }
0x68: {  	_ =	shalt  }
0x69: {  	_ =	shalt  }
0x6a: {  	_ =	shalt  }
0x6b: {  	_ =	shalt  }
0x6c: {  	_ =	shalt  }
0x6d: {  	_ =	shalt  }
0x6e: {  	_ =	shalt  }
0x6f: {  	_ =	shalt  }
0x70: {  	_ =	shalt  }
0x71: {  	_ =	shalt  }
0x72: {  	_ =	shalt  }
0x73: {  	_ =	shalt  }
0x74: {  	_ =	shalt  }
0x75: {  	_ =	shalt  }
0x76: {  	_ =	shalt  }
0x77: {  	_ =	shalt  }
0x78: {  	_ =	shalt  }
0x79: {  	_ =	shalt  }
0x7a: {  	_ =	shalt  }
0x7b: {  	_ =	shalt  }
0x7c: {  	_ =	shalt  }
0x7d: {  	_ =	shalt  }
0x7e: {  	_ =	shalt  }
0x7f: {  	_ =	shalt  }
0x80: {  	_ =	shalt  }
0x81: {  	_ =	shalt  }
0x82: {  	_ =	shalt  }
0x83: {  	_ =	shalt  }
0x84: {  	_ =	shalt  }
0x85: {  	_ =	shalt  }
0x86: {  	_ =	shalt  }
0x87: {  	_ =	shalt  }
.Lfunc_end0:
.L_simem_size_0:
called_computation_lowered:
.L_overlay_start_0:
0x88: {  	s2 =	sld [smem:$0x3FD9]  }
0x89: {  	s3 =	sld [smem:$0x3FFE];
	_ =	sdelay $0x1  }
0x8a: {  	s1 =	srdreg.scid  }
0x8b: {  	s0 =	sand.u32 $0x1, s1  }
0x8c: {  	s14 =	sshll.u32 s0, $0xA;
	s2 =	sadd.s32 s3, s2  }
0x8d: {  	s2 =	sadd.s32 s2, s14  }
0x8e: {  	[smem:$0x3FC4] =	sst s2  }
0x8f: {  	_ = 	snop  }
0x90: {  	s2 =	sld [smem:$0x3FD0];
	_ =	sdelay $0x2  }
0x91: {  	s15 =	simm.s32 $0xA;
	s4 =	simm.s32 $0x10  }
0x92: {  	[smem:s4], [sflag:s15] =	dma.local [hbm:s2], $0x1  }
0x93: {  	_ =	swait.eq [sflag:s15], $0x1  }
0x94: {  	[sflag:s15] =	ssyncset.done $0x0  }
0x95: {  	[sflag:s15] =	ssyncadd.s32 $0xFFFFFFFF  }
0x96: {  	s16 =	sld [smem:$0x10];
	(tm) =	ssettm $0x1  }
0x97: {  	s17 =	sld [smem:$0x3FFB];
	_ =	sdelay $0x3  }
0x98: {  	_ =	strace s17  }
0x99: {  	s3 =	sld [smem:$0x3FFC];
	_ =	sdelay $0x3  }
0x9a: {  	_ =	strace s3  }
0x9b: {  	s3 =	sld [smem:$0x3FFD];
	_ =	sdelay $0x3  }
0x9c: {  	_ =	strace s3  }
0x9d: {  	_ =	strace $0x8FFFFFFF  }
0x9e: {  	s18 =	sld [smem:$0x3FDB];
	_ =	sdelay $0x1  }
0x9f: {  	s19 =	simm.s32 $_scs_section_size  }
0xa0: {  	s5 =	simm.s32 $_size__tile_overlayer_lowered;
	s6 =	simm.s32 $_tile_overlayer_lowered  }
0xa1: {  	s22 =	simm.s32 $0x1BFF;
	s21 =	sshll.u32 s6, $0x1;
	s3 =	sadd.s32 s19, s18  }
0xa2: {  	s7 =	simm.s32 $0x0;
	s20 =	sshll.u32 s5, $0x1;
	s5 =	sadd.s32 s21, s3  }
0xa3: {  	[timem:s7], [sflag:s22] =	dma.local [hbm:s5], s20  }
0xa4: {  	_ =	swait.ge [sflag:s22], s20  }
0xa5: {  	s4 =	ssub.s32 $0x0, s20;
	[sflag:s22] =	ssyncset.done $0x0  }
0xa6: {  	[sflag:s22] =	ssyncadd.s32 s4;
	_ =	sdelay $0x1  }
0xa7: {  	s23 =	simm.s32 $0x1B8B  }
0xa8: {  	_ =	swait.ge [sflag:s23], $0x1  }
0xa9: {  	[sflag:s23] =	ssyncset.done $0x0  }
0xaa: {  	s25 =	simm.s32 $0x1B8E;
	s24 =	sld [smem:$0x3FFE];
	[sflag:s23] =	ssyncadd.s32 $0xFFFFFFFF  }
0xab: {  	s26 =	simm.s32 $execute0_lowered;
	[smem:$0x3FD2] =	sst s25  }
0xac: {  	s5 =	sshll.u32 s26, $0x1;
	_ =	strace $0x80000046;
	[dreg:$0x1] =	wrdreg $0xFFFFFFFF  }
0xad: {  	s28 =	simm.s32 $_size_execute0_lowered;
	s3 =	sadd.s32 s3, s5;
	[dreg:$0x0] =	wrdreg $0x0  }
0xae: {  	s5 =	sshll.u32 s28, $0x1;
	[dreg:$0x2] =	wrdreg s3  }
0xaf: {  	[dreg:$0x3] =	wrdreg s5  }
0xb0: {  	[dreg:$0x4] =	wrdreg $0xC0  }
0xb1: {  	_ =	task [dreg:s7], $0x5FFFF  }
0xb2: {  	[dreg:$0x1] =	wrdreg $0xFFFFFFFF  }
0xb3: {  	[dreg:$0x0] =	wrdreg $0x60  }
0xb4: {  	[dreg:$0x2] =	wrdreg s24  }
0xb5: {  	[dreg:$0x3] =	wrdreg s16  }
0xb6: {  	[dreg:$0x4] =	wrdreg $0x90000  }
0xb7: {  	[dreg:$0x5] =	wrdreg $0x130000  }
0xb8: {  	[dreg:$0x6] =	wrdreg $0x9  }
0xb9: {  	_ =	task.clear_ibuf [dreg:s7], $0x7FFFF;
	_ =	strace $0x90000046  }
0xba: {  	s29 =	simm.s32 $0x9;
	_ =	strace $0x80000048  }
0xbb: {  	_ =	swait.ge [sflag:s29], $0x1  }
0xbc: {  	[sflag:s29] =	ssyncadd.s32 $0xFFFFFFFF  }
0xbd: {  	_ =	strace $0x90000048  }
0xbe: {  	_ =	sfence  }
0xbf: {  	s30 =	sld [smem:$0x0];
	_ =	sdelay $0x2  }
0xc0: {  	s31 =	sshll.u32 s1, $0xD;
	s1 =	sshrl.u32 s1, $0x2  }
0xc1: {  	s3 =	sand.u32 $0x4000, s31;
	s1 =	sadd.s32 s1, s30  }
0xc2: {  	s0 =	sor.u32 s3, s0;
	s1 =	sshll.u32 s1, $0x11  }
0xc3: {  	s0 =	sor.u32 s1, s0  }
0xc4: {  	s0 =	sadd.s32 $0x8F2B, s0  }
0xc5: {  	[sflag:s0] =	ssyncadd.remote.s32 $0x1  }
0xc6: {  	_ =	sfence.sel $0xFFFF  }
0xc7: {  	[dreg:$0x0] =	wrdreg $0xFFFFFFFF;
	(pc) =	sbr.abs _section_cstart, $3  }
0xc8: {  	[dreg:$0x1] =	wrdreg $0xFFFFFFFF  }
0xc9: {  	_ =	task.clear_ibuf [dreg:s7], $0x2FFFF;
	_ =	strace $0x9FFFFFFF  }
0xca: {  	(tm) =	ssettm $0x7FFFFFFF  }
0xcb: {  	_ =	shalt  }
tec
execute0_lowered:
.L_overlay_start_1:
0x0: {  	(tag) =	ssettag $0x1  }
0x1: {  	s0 =	rddreg [dreg:$0x0]  }
0x2: {  	s1 =	rddreg [dreg:$0x1]  }
0x3: {  	s3 =	srdreg.scid;
	s2 =	rddreg [dreg:$0x2]  }
0x4: {  	s11 =	stileid.u32;
	s4 =	simm.s32 $0x0;
	s13 =	simm.s32 $0x100  }
0x5: {  	s14 =	simm.s32 $0x880;
	s15 =	simm.s32 $0x180;
	s16 =	simm.s32 $0x900  }
0x6: {  	s17 =	simm.s32 $0x200;
	s18 =	simm.s32 $0x980;
	s19 =	simm.s32 $0x280  }
0x7: {  	s20 =	simm.s32 $0xA00;
	s5 =	sand.u32 $0x1, s3;
	s3 =	rddreg [dreg:$0x3]  }
0x8: {  	s21 =	simm.s32 $0x300;
	s28 =	simm.s32 $0x500;
	[smem:$0x7FF] =	sst s4  }
0x9: {  	s7 =	smul.u32 $0x2800, s11;
	_ =	strace $0x80000047;
	[dreg:$0x7] =	wrdreg s13  }
0xa: {  	s29 =	simm.s32 $0xC80;
	s8 =	smul.u32 $0x140, s11;
	[dreg:$0x8] =	wrdreg s14  }
0xb: {  	s30 =	simm.s32 $0x580;
	s10 =	smul.u32 $0x28000, s11;
	[dreg:$0x9] =	wrdreg s15  }
0xc: {  	s31 =	simm.s32 $0xD00;
	s6 =	smul.u32 $0x28000, s5;
	[dreg:$0xa] =	wrdreg s16  }
0xd: {  	p0 =	seq.s32 s11, $0xF;
	s22 =	smul.u32 $0x1388, s5;
	[dreg:$0xb] =	wrdreg s17  }
0xe: {  	s9 =	sxor.u32 $0x1, s5;
	s5 =	ssub.s32 $0x2, s5;
	[dreg:$0xc] =	wrdreg s18  }
0xf: {  	s16 =	simm.s32 $0x1000;
	s17 =	simm.s32 $0x5;
	[dreg:$0xd] =	wrdreg s19  }
0x10: {  	s18 =	simm.s32 $0x800;
	[dreg:$0xe] =	wrdreg s20;
	s19 =	simm.s32 $0x80  }
0x11: {  	[dreg:$0xf] =	wrdreg s21;
	s20 =	simm.s32 $0x5000;
	s21 =	simm.s32 $0x1  }
0x12: {  	s9 =	smul.u32 $0x1388, s9;
	s23 =	sshrl.u32 s5, $0x1;
	s24 =	sshrl.u32 s10, $0x2  }
0x13: {  	s6 =	sadd.s32 s7, s6;
	s7 =	sadd.s32 s8, s22;
	s5 =	ssub.s32 s5, s23  }
0x14: {  	s25 =	sadd.s32 s24, s2;
	s22 =	simm.s32 $0xA80;
	s23 =	simm.s32 $0x380  }
0x15: {  	s6 =	sshrl.u32 s6, $0x3;
	s7 =	sshll.u32 s7, $0x4;
	[dreg:$0x16] =	wrdreg s25  }
0x16: {  	s8 =	sadd.s32 s8, s9;
	s9 =	sadd.s32 s24, s3;
	[dreg:$0x10] =	wrdreg s22  }
0x17: {  	s12 =	smax.u32 s5, $0x1;
	[dreg:$0x11] =	wrdreg s23;
	s24 =	simm.s32 $0xB00  }
0x18: {  	s6 =	sadd.s32 s6, s0;
	s0 =	sadd.s32 s7, s0;
	[dreg:$0x1c] =	wrdreg s12  }
0x19: {  	s8 =	sshll.u32 s8, $0x4;
	s7 =	sadd.s32 $0x4000, s25;
	[dreg:$0x12] =	wrdreg s24  }
0x1a: {  	s13 =	simm.s32 $0xE80;
	s1 =	sadd.s32 s1, s8;
	[dreg:$0x17] =	wrdreg s7  }
0x1b: {  	s14 =	simm.s32 $0x780;
	s8 =	sadd.s32 $0x8000, s25;
	[dreg:$0x15] =	wrdreg s1  }
0x1c: {  	s15 =	simm.s32 $0xF00;
	s26 =	sadd.s32 $0x6F800, s6;
	[dreg:$0x18] =	wrdreg s8  }
0x1d: {  	s22 =	simm.s32 $0x3;
	s6 =	sadd.s32 $0x51800, s6;
	[dreg:$0x5] =	wrdreg s26  }
0x1e: {  	s23 =	simm.s32 $0x2;
	s10 =	sadd.s32 $0x8E000, s0;
	[dreg:$0x6] =	wrdreg s6  }
0x1f: {  	s5 =	simm.s32 $0xF80;
	s25 =	simm.s32 $0x400;
	[dreg:$0x1a] =	wrdreg s10  }
0x20: {  	s24 =	simm.s32 $0x4;
	s8 =	sadd.s32 $0x8D800, s0;
	[dreg:$0x13] =	wrdreg s25  }
0x21: {  	s12 =	simm.s32 $0x700;
	s0 =	sadd.s32 $0x8E800, s0;
	[dreg:$0x19] =	wrdreg s8  }
0x22: {  	s1 =	sadd.s32 $0x96000, s3;
	s26 =	simm.s32 $0xB80;
	[dreg:$0x1b] =	wrdreg s0  }
0x23: {  	s25 =	simm.s32 $0x480;
	s1 =	sshrl.u32 @p0 s1, $0x3;
	[dreg:$0x14] =	wrdreg s26  }
0x24: {  	s26 =	simm.s32 $0xC00;
	[dreg:$0x1d] =	wrdreg s1;
	s1 =	sshll.u32 @!p0 s11, $0x6  }
0x25: {  	s0 =	simm.s32 $0xD80;
	s8 =	simm.s32 $0x0;
	s1 =	sor.u32 @!p0 $0x1C05, s1  }
0x26: {  	s11 =	simm.s32 $0xE00;
	[dreg:$0x1e] =	wrdreg s1;
	s1 =	sshrl.u32 @!p0 s9, $0x3  }
0x27: {  	v0 =	vimm.f32 $0.0e+00;
	s9 =	simm.s32 $0x680;
	[dreg:$0x1f] =	wrdreg s1;
	s1 =	simm.s32 $0x600  }
.LBB2_1:
0x28: {  	[smem:$0x7FD] =	sst s8  }
0x29: {  	s7 =	rddreg [dreg:$0x15]  }
0x2a: {  	s6 =	simm.s32 @p0 $0x1FC5;
	s8 =	rddreg [dreg:$0x1d]  }
0x2b: {  	[spmem:s8], [sflag:s6] =	dma.local @p0 [hbm:s7], $0xC80  }
0x2c: {  	s6 =	simm.s32 @p0 $0x5  }
0x2d: {  	_ =	swait.ge @p0 [sflag:s6], $0xC80  }
0x2e: {  	[sflag:s6] =	ssyncset.done @p0 $0x0;
	s8 =	rddreg [dreg:$0x1f]  }
0x2f: {  	[sflag:s6] =	ssyncadd.s32 @p0 $0xFFFFF380;
	s6 =	rddreg [dreg:$0x1e]  }
0x30: {  	[spmem:s8], [sflag:s6] =	dma.local @!p0 [hbm:s7], $0x1400  }
0x31: {  	s6 =	simm.s32 @!p0 $0x5;
	s8 =	sand.u32 $0xFE00, s4  }
0x32: {  	s10 =	sand.u32 $0x70, s4;
	_ =	swait.ge @!p0 [sflag:s6], $0x1400;
	s7 =	sshrl.u32 s8, $0x2  }
0x33: {  	[sflag:s6] =	ssyncset.done @!p0 $0x0;
	s7 =	sor.u32 s10, s7  }
0x34: {  	s10 =	simm.s32 $0x0;
	[sflag:s6] =	ssyncadd.s32 @!p0 $0xFFFFEC00;
	s6 =	simm.s32 $0x40  }
.LBB2_2:
0x35: {  	p1 =	sne.s32 s6, $0xFFC0  }
0x36: {  	[tilespmem:s7+$0x1000] =	vst v0;
	s10 =	sadd.s32 $0x10, s10;
	s7 =	smov.u32 s6;
	s6 =	sadd.s32 $0x40, s6  }
.Ltmp0:
0x37: {  	(pc) =	sbr.rel @p1 .LBB2_2-.Ltmp0, $4  }
0x38: {  	_ = 	snop  }
0x39: {  	s7 =	sand.u32 $0xFE00, s7  }
0x3a: {  	s8 =	sand.u32 $0x70, s10;
	s7 =	sshrl.u32 s7, $0x2  }
0x3b: {  	s7 =	sor.u32 s8, s7  }
0x3c: {  	[tilespmem:s7+$0x1000] =	vst v0;
	s6 =	rddreg [dreg:$0x16]  }
0x3d: {  	[spmem:s6] =	stream.linear.scatter [tilespmem:s16], [sflag:$0x5], $0x4000, $0x38;
	[tilespmem:$0x1D000] =	vst v63  }
0x3e: {  	_ =	swait.ge [sflag:s17], $0x4000  }
0x3f: {  	[sflag:s17] =	ssyncset.done $0x0  }
0x40: {  	s7 =	rddreg [dreg:$0x17];
	[sflag:s17] =	ssyncadd.s32 $0xFFFFC000  }
0x41: {  	[spmem:s7] =	stream.linear.scatter [tilespmem:s16], [sflag:$0x5], $0x4000, $0x38;
	[tilespmem:$0x1D000] =	vst v63  }
0x42: {  	_ =	swait.ge [sflag:s17], $0x4000  }
0x43: {  	[sflag:s17] =	ssyncset.done $0x0  }
0x44: {  	s8 =	rddreg [dreg:$0x18];
	[sflag:s17] =	ssyncadd.s32 $0xFFFFC000  }
0x45: {  	[spmem:s8] =	stream.linear.scatter [tilespmem:s16], [sflag:$0x5], $0x2000, $0x38;
	[tilespmem:$0x1D000] =	vst v63  }
0x46: {  	_ =	swait.ge [sflag:s17], $0x2000  }
0x47: {  	[sflag:s17] =	ssyncset.done $0x0  }
0x48: {  	[sflag:s17] =	ssyncadd.s32 $0xFFFFE000  }
0x49: {  	[bflag:$0x0] =	sbarrier.arrive $0xFFFF  }
0x4a: {  	s10 =	rddreg [dreg:$0x5]  }
0x4b: {  	s6 =	sadd.s32 $0x0, s10  }
0x4c: {  	[tilespmem:s4], [sflag:$0x5] =	stream.linear.gather [hbm4b:s6+s4], $0x800, $0x38;
	[tilespmem:$0x1D000] =	vst v63  }
0x4d: {  	_ =	swait.ge [sflag:s17], $0x800  }
0x4e: {  	s7 =	rddreg [dreg:$0x6];
	[sflag:s17] =	ssyncset.done $0x0  }
0x4f: {  	[sflag:s17] =	ssyncadd.s32 $0xFFFFF800;
	s6 =	sadd.s32 $0x0, s7  }
0x50: {  	[tilespmem:s18], [sflag:$0x5] =	stream.linear.gather [hbm4b:s6+s4], $0x800, $0x38;
	[tilespmem:$0x1D000] =	vst v63  }
0x51: {  	_ =	swait.ge [sflag:s17], $0x800  }
0x52: {  	[sflag:s17] =	ssyncset.done $0x0  }
0x53: {  	[sflag:s17] =	ssyncadd.s32 $0xFFFFF800  }
0x54: {  	[tilespmem:s16], [sflag:$0x1] =	stream.indirect.gather [spmem:s3], $0x80, s4, s19, $0xb8;
	[tilespmem:$0x1D000] =	vst v63  }
0x55: {  	_ = 	snop  }
0x56: {  	[tilespmem:s20], [sflag:$0x2] =	stream.indirect.gather [spmem:s3], $0x80, s19, s19, $0xb8;
	[tilespmem:$0x1D000] =	vst v63  }
0x57: {  	_ =	swait.ge [sflag:s21], $0x4000  }
0x58: {  	[sflag:s21] =	ssyncset.done $0x0  }
0x59: {  	[sflag:s21] =	ssyncadd.s32 $0xFFFFC000  }
0x5a: {  	[spmem:s2] =	stream.indirect.scatter.add.f32 [tilespmem:s16], [sflag:$0x3], $0x80, s18, s19, $0xb8;
	[tilespmem:$0x1D000] =	vst v63  }
0x5b: {  	_ =	swait.ge [sflag:s22], $0x4000  }
0x5c: {  	[sflag:s22] =	ssyncset.done $0x0  }
0x5d: {  	s8 =	rddreg [dreg:$0x7];
	[sflag:s22] =	ssyncadd.s32 $0xFFFFC000  }
0x5e: {  	[tilespmem:s16], [sflag:$0x1] =	stream.indirect.gather [spmem:s3], $0x80, s8, s19, $0xb8;
	[tilespmem:$0x1D000] =	vst v63  }
0x5f: {  	_ =	swait.ge [sflag:s23], $0x4000  }
0x60: {  	[sflag:s23] =	ssyncset.done $0x0  }
0x61: {  	s10 =	rddreg [dreg:$0x8];
	[sflag:s23] =	ssyncadd.s32 $0xFFFFC000  }
0x62: {  	[spmem:s2] =	stream.indirect.scatter.add.f32 [tilespmem:s20], [sflag:$0x4], $0x80, s10, s19, $0xb8;
	[tilespmem:$0x1D000] =	vst v63  }
0x63: {  	_ =	swait.ge [sflag:s24], $0x4000  }
0x64: {  	[sflag:s24] =	ssyncset.done $0x0  }
0x65: {  	s7 =	rddreg [dreg:$0x9];
	[sflag:s24] =	ssyncadd.s32 $0xFFFFC000  }
0x66: {  	[tilespmem:s20], [sflag:$0x2] =	stream.indirect.gather [spmem:s3], $0x80, s7, s19, $0xb8;
	[tilespmem:$0x1D000] =	vst v63  }
0x67: {  	_ =	swait.ge [sflag:s21], $0x4000  }
0x68: {  	[sflag:s21] =	ssyncset.done $0x0  }
0x69: {  	s8 =	rddreg [dreg:$0xa];
	[sflag:s21] =	ssyncadd.s32 $0xFFFFC000  }
0x6a: {  	[spmem:s2] =	stream.indirect.scatter.add.f32 [tilespmem:s16], [sflag:$0x3], $0x80, s8, s19, $0xb8;
	[tilespmem:$0x1D000] =	vst v63  }
0x6b: {  	_ =	swait.ge [sflag:s22], $0x4000  }
0x6c: {  	[sflag:s22] =	ssyncset.done $0x0  }
0x6d: {  	s10 =	rddreg [dreg:$0xb];
	[sflag:s22] =	ssyncadd.s32 $0xFFFFC000  }
0x6e: {  	[tilespmem:s16], [sflag:$0x1] =	stream.indirect.gather [spmem:s3], $0x80, s10, s19, $0xb8;
	[tilespmem:$0x1D000] =	vst v63  }
0x6f: {  	_ =	swait.ge [sflag:s23], $0x4000  }
0x70: {  	[sflag:s23] =	ssyncset.done $0x0  }
0x71: {  	s7 =	rddreg [dreg:$0xc];
	[sflag:s23] =	ssyncadd.s32 $0xFFFFC000  }
0x72: {  	[spmem:s2] =	stream.indirect.scatter.add.f32 [tilespmem:s20], [sflag:$0x4], $0x80, s7, s19, $0xb8;
	[tilespmem:$0x1D000] =	vst v63  }
0x73: {  	_ =	swait.ge [sflag:s24], $0x4000  }
0x74: {  	[sflag:s24] =	ssyncset.done $0x0  }
0x75: {  	s8 =	rddreg [dreg:$0xd];
	[sflag:s24] =	ssyncadd.s32 $0xFFFFC000  }
0x76: {  	[tilespmem:s20], [sflag:$0x2] =	stream.indirect.gather [spmem:s3], $0x80, s8, s19, $0xb8;
	[tilespmem:$0x1D000] =	vst v63  }
0x77: {  	_ =	swait.ge [sflag:s21], $0x4000  }
0x78: {  	[sflag:s21] =	ssyncset.done $0x0  }
0x79: {  	s10 =	rddreg [dreg:$0xe];
	[sflag:s21] =	ssyncadd.s32 $0xFFFFC000  }
0x7a: {  	[spmem:s2] =	stream.indirect.scatter.add.f32 [tilespmem:s16], [sflag:$0x3], $0x80, s10, s19, $0xb8;
	[tilespmem:$0x1D000] =	vst v63  }
0x7b: {  	_ =	swait.ge [sflag:s22], $0x4000  }
0x7c: {  	[sflag:s22] =	ssyncset.done $0x0  }
0x7d: {  	s7 =	rddreg [dreg:$0xf];
	[sflag:s22] =	ssyncadd.s32 $0xFFFFC000  }
0x7e: {  	[tilespmem:s16], [sflag:$0x1] =	stream.indirect.gather [spmem:s3], $0x80, s7, s19, $0xb8;
	[tilespmem:$0x1D000] =	vst v63  }
0x7f: {  	_ =	swait.ge [sflag:s23], $0x4000  }
0x80: {  	[sflag:s23] =	ssyncset.done $0x0  }
0x81: {  	s8 =	rddreg [dreg:$0x10];
	[sflag:s23] =	ssyncadd.s32 $0xFFFFC000  }
0x82: {  	[spmem:s2] =	stream.indirect.scatter.add.f32 [tilespmem:s20], [sflag:$0x4], $0x80, s8, s19, $0xb8;
	[tilespmem:$0x1D000] =	vst v63  }
0x83: {  	_ =	swait.ge [sflag:s24], $0x4000  }
0x84: {  	[sflag:s24] =	ssyncset.done $0x0  }
0x85: {  	s10 =	rddreg [dreg:$0x11];
	[sflag:s24] =	ssyncadd.s32 $0xFFFFC000  }
0x86: {  	[tilespmem:s20], [sflag:$0x2] =	stream.indirect.gather [spmem:s3], $0x80, s10, s19, $0xb8;
	[tilespmem:$0x1D000] =	vst v63  }
0x87: {  	_ =	swait.ge [sflag:s21], $0x4000  }
0x88: {  	[sflag:s21] =	ssyncset.done $0x0  }
0x89: {  	s7 =	rddreg [dreg:$0x12];
	[sflag:s21] =	ssyncadd.s32 $0xFFFFC000  }
0x8a: {  	[spmem:s2] =	stream.indirect.scatter.add.f32 [tilespmem:s16], [sflag:$0x3], $0x80, s7, s19, $0xb8;
	[tilespmem:$0x1D000] =	vst v63  }
0x8b: {  	_ =	swait.ge [sflag:s22], $0x4000  }
0x8c: {  	[sflag:s22] =	ssyncset.done $0x0  }
0x8d: {  	s8 =	rddreg [dreg:$0x13];
	[sflag:s22] =	ssyncadd.s32 $0xFFFFC000  }
0x8e: {  	[tilespmem:s16], [sflag:$0x1] =	stream.indirect.gather [spmem:s3], $0x80, s8, s19, $0xb8;
	[tilespmem:$0x1D000] =	vst v63  }
0x8f: {  	_ =	swait.ge [sflag:s23], $0x4000  }
0x90: {  	[sflag:s23] =	ssyncset.done $0x0  }
0x91: {  	s10 =	rddreg [dreg:$0x14];
	[sflag:s23] =	ssyncadd.s32 $0xFFFFC000  }
0x92: {  	[spmem:s2] =	stream.indirect.scatter.add.f32 [tilespmem:s20], [sflag:$0x4], $0x80, s10, s19, $0xb8;
	[tilespmem:$0x1D000] =	vst v63  }
0x93: {  	_ =	swait.ge [sflag:s24], $0x4000  }
0x94: {  	[sflag:s24] =	ssyncset.done $0x0  }
0x95: {  	[sflag:s24] =	ssyncadd.s32 $0xFFFFC000  }
0x96: {  	[tilespmem:s20], [sflag:$0x2] =	stream.indirect.gather [spmem:s3], $0x80, s25, s19, $0xb8;
	[tilespmem:$0x1D000] =	vst v63  }
0x97: {  	_ =	swait.ge [sflag:s21], $0x4000  }
0x98: {  	[sflag:s21] =	ssyncset.done $0x0  }
0x99: {  	[sflag:s21] =	ssyncadd.s32 $0xFFFFC000  }
0x9a: {  	[spmem:s2] =	stream.indirect.scatter.add.f32 [tilespmem:s16], [sflag:$0x3], $0x80, s26, s19, $0xb8;
	[tilespmem:$0x1D000] =	vst v63  }
0x9b: {  	_ =	swait.ge [sflag:s22], $0x4000  }
0x9c: {  	[sflag:s22] =	ssyncset.done $0x0  }
0x9d: {  	[sflag:s22] =	ssyncadd.s32 $0xFFFFC000  }
0x9e: {  	[tilespmem:s16], [sflag:$0x1] =	stream.indirect.gather [spmem:s3], $0x80, s28, s19, $0xb8;
	[tilespmem:$0x1D000] =	vst v63  }
0x9f: {  	_ =	swait.ge [sflag:s23], $0x4000  }
0xa0: {  	[sflag:s23] =	ssyncset.done $0x0  }
0xa1: {  	[sflag:s23] =	ssyncadd.s32 $0xFFFFC000  }
0xa2: {  	[spmem:s2] =	stream.indirect.scatter.add.f32 [tilespmem:s20], [sflag:$0x4], $0x80, s29, s19, $0xb8;
	[tilespmem:$0x1D000] =	vst v63  }
0xa3: {  	_ =	swait.ge [sflag:s24], $0x4000  }
0xa4: {  	[sflag:s24] =	ssyncset.done $0x0  }
0xa5: {  	[sflag:s24] =	ssyncadd.s32 $0xFFFFC000  }
0xa6: {  	[tilespmem:s20], [sflag:$0x2] =	stream.indirect.gather [spmem:s3], $0x80, s30, s19, $0xb8;
	[tilespmem:$0x1D000] =	vst v63  }
0xa7: {  	_ =	swait.ge [sflag:s21], $0x4000  }
0xa8: {  	[sflag:s21] =	ssyncset.done $0x0  }
0xa9: {  	[sflag:s21] =	ssyncadd.s32 $0xFFFFC000  }
0xaa: {  	[spmem:s2] =	stream.indirect.scatter.add.f32 [tilespmem:s16], [sflag:$0x3], $0x80, s31, s19, $0xb8;
	[tilespmem:$0x1D000] =	vst v63  }
0xab: {  	_ =	swait.ge [sflag:s22], $0x4000  }
0xac: {  	[sflag:s22] =	ssyncset.done $0x0  }
0xad: {  	[sflag:s22] =	ssyncadd.s32 $0xFFFFC000  }
0xae: {  	[tilespmem:s16], [sflag:$0x1] =	stream.indirect.gather [spmem:s3], $0x80, s1, s19, $0xb8;
	[tilespmem:$0x1D000] =	vst v63  }
0xaf: {  	_ =	swait.ge [sflag:s23], $0x4000  }
0xb0: {  	[sflag:s23] =	ssyncset.done $0x0  }
0xb1: {  	[sflag:s23] =	ssyncadd.s32 $0xFFFFC000  }
0xb2: {  	[spmem:s2] =	stream.indirect.scatter.add.f32 [tilespmem:s20], [sflag:$0x4], $0x80, s0, s19, $0xb8;
	[tilespmem:$0x1D000] =	vst v63  }
0xb3: {  	_ =	swait.ge [sflag:s24], $0x4000  }
0xb4: {  	[sflag:s24] =	ssyncset.done $0x0  }
0xb5: {  	[sflag:s24] =	ssyncadd.s32 $0xFFFFC000  }
0xb6: {  	[tilespmem:s20], [sflag:$0x2] =	stream.indirect.gather [spmem:s3], $0x80, s9, s19, $0xb8;
	[tilespmem:$0x1D000] =	vst v63  }
0xb7: {  	_ =	swait.ge [sflag:s21], $0x4000  }
0xb8: {  	[sflag:s21] =	ssyncset.done $0x0  }
0xb9: {  	[sflag:s21] =	ssyncadd.s32 $0xFFFFC000  }
0xba: {  	[spmem:s2] =	stream.indirect.scatter.add.f32 [tilespmem:s16], [sflag:$0x3], $0x80, s11, s19, $0xb8;
	[tilespmem:$0x1D000] =	vst v63  }
0xbb: {  	_ =	swait.ge [sflag:s22], $0x4000  }
0xbc: {  	[sflag:s22] =	ssyncset.done $0x0  }
0xbd: {  	[sflag:s22] =	ssyncadd.s32 $0xFFFFC000  }
0xbe: {  	[tilespmem:s16], [sflag:$0x1] =	stream.indirect.gather [spmem:s3], $0x80, s12, s19, $0xb8;
	[tilespmem:$0x1D000] =	vst v63  }
0xbf: {  	_ =	swait.ge [sflag:s23], $0x4000  }
0xc0: {  	[sflag:s23] =	ssyncset.done $0x0  }
0xc1: {  	[sflag:s23] =	ssyncadd.s32 $0xFFFFC000  }
0xc2: {  	[spmem:s2] =	stream.indirect.scatter.add.f32 [tilespmem:s20], [sflag:$0x4], $0x80, s13, s19, $0xb8;
	[tilespmem:$0x1D000] =	vst v63  }
0xc3: {  	_ =	swait.ge [sflag:s24], $0x4000  }
0xc4: {  	[sflag:s24] =	ssyncset.done $0x0  }
0xc5: {  	[sflag:s24] =	ssyncadd.s32 $0xFFFFC000  }
0xc6: {  	[tilespmem:s20], [sflag:$0x2] =	stream.indirect.gather [spmem:s3], $0x80, s14, s19, $0xb8;
	[tilespmem:$0x1D000] =	vst v63  }
0xc7: {  	_ =	swait.ge [sflag:s21], $0x4000  }
0xc8: {  	[sflag:s21] =	ssyncset.done $0x0  }
0xc9: {  	[sflag:s21] =	ssyncadd.s32 $0xFFFFC000  }
0xca: {  	[spmem:s2] =	stream.indirect.scatter.add.f32 [tilespmem:s16], [sflag:$0x3], $0x80, s15, s19, $0xb8;
	[tilespmem:$0x1D000] =	vst v63  }
0xcb: {  	_ =	swait.ge [sflag:s22], $0x4000  }
0xcc: {  	[sflag:s22] =	ssyncset.done $0x0  }
0xcd: {  	[sflag:s22] =	ssyncadd.s32 $0xFFFFC000  }
0xce: {  	_ =	swait.ge [sflag:s23], $0x4000  }
0xcf: {  	[sflag:s23] =	ssyncset.done $0x0  }
0xd0: {  	[sflag:s23] =	ssyncadd.s32 $0xFFFFC000  }
0xd1: {  	[spmem:s2] =	stream.indirect.scatter.add.f32 [tilespmem:s20], [sflag:$0x4], $0x80, s5, s19, $0xb8;
	[tilespmem:$0x1D000] =	vst v63  }
0xd2: {  	s6 =	simm.s32 $0x200;
	_ =	swait.ge [sflag:s24], $0x4000  }
0xd3: {  	s10 =	simm.s32 $0x100;
	s7 =	rddreg [dreg:$0x5];
	[sflag:s24] =	ssyncset.done $0x0  }
.LBB2_4:
0xd4: {  	[sflag:s24] =	ssyncadd.s32 $0xFFFFC000;
	s7 =	sadd.s32 s10, s7  }
0xd5: {  	[tilespmem:s4], [sflag:$0x5] =	stream.linear.gather [hbm4b:s7+s4], $0x800, $0x38;
	[tilespmem:$0x1D000] =	vst v63  }
0xd6: {  	_ =	swait.ge [sflag:s17], $0x800  }
0xd7: {  	s7 =	rddreg [dreg:$0x6];
	[sflag:s17] =	ssyncset.done $0x0  }
0xd8: {  	[sflag:s17] =	ssyncadd.s32 $0xFFFFF800;
	s7 =	sadd.s32 s10, s7  }
0xd9: {  	[tilespmem:s18], [sflag:$0x5] =	stream.linear.gather [hbm4b:s7+s4], $0x800, $0x38;
	[tilespmem:$0x1D000] =	vst v63  }
0xda: {  	_ =	swait.ge [sflag:s17], $0x800  }
0xdb: {  	[sflag:s17] =	ssyncset.done $0x0  }
0xdc: {  	[sflag:s17] =	ssyncadd.s32 $0xFFFFF800  }
0xdd: {  	[tilespmem:s16], [sflag:$0x1] =	stream.indirect.gather [spmem:s3], $0x80, s4, s19, $0xb8;
	[tilespmem:$0x1D000] =	vst v63  }
0xde: {  	_ = 	snop  }
0xdf: {  	[tilespmem:s20], [sflag:$0x2] =	stream.indirect.gather [spmem:s3], $0x80, s19, s19, $0xb8;
	[tilespmem:$0x1D000] =	vst v63  }
0xe0: {  	_ =	swait.ge [sflag:s21], $0x4000  }
0xe1: {  	[sflag:s21] =	ssyncset.done $0x0  }
0xe2: {  	[sflag:s21] =	ssyncadd.s32 $0xFFFFC000  }
0xe3: {  	[spmem:s2] =	stream.indirect.scatter.add.f32 [tilespmem:s16], [sflag:$0x3], $0x80, s18, s19, $0xb8;
	[tilespmem:$0x1D000] =	vst v63  }
0xe4: {  	_ =	swait.ge [sflag:s22], $0x4000  }
0xe5: {  	s8 =	smov.u32 s6;
	[sflag:s22] =	ssyncset.done $0x0  }
0xe6: {  	s10 =	smov.u32 s8;
	s8 =	rddreg [dreg:$0x7];
	[sflag:s22] =	ssyncadd.s32 $0xFFFFC000  }
0xe7: {  	[tilespmem:s16], [sflag:$0x1] =	stream.indirect.gather [spmem:s3], $0x80, s8, s19, $0xb8;
	[tilespmem:$0x1D000] =	vst v63  }
0xe8: {  	_ =	swait.ge [sflag:s23], $0x4000  }
0xe9: {  	[sflag:s23] =	ssyncset.done $0x0  }
0xea: {  	s8 =	rddreg [dreg:$0x8];
	[sflag:s23] =	ssyncadd.s32 $0xFFFFC000  }
0xeb: {  	[spmem:s2] =	stream.indirect.scatter.add.f32 [tilespmem:s20], [sflag:$0x4], $0x80, s8, s19, $0xb8;
	[tilespmem:$0x1D000] =	vst v63  }
0xec: {  	_ =	swait.ge [sflag:s24], $0x4000  }
0xed: {  	[sflag:s24] =	ssyncset.done $0x0  }
0xee: {  	s8 =	rddreg [dreg:$0x9];
	[sflag:s24] =	ssyncadd.s32 $0xFFFFC000  }
0xef: {  	[tilespmem:s20], [sflag:$0x2] =	stream.indirect.gather [spmem:s3], $0x80, s8, s19, $0xb8;
	[tilespmem:$0x1D000] =	vst v63  }
0xf0: {  	_ =	swait.ge [sflag:s21], $0x4000  }
0xf1: {  	[sflag:s21] =	ssyncset.done $0x0  }
0xf2: {  	s8 =	rddreg [dreg:$0xa];
	[sflag:s21] =	ssyncadd.s32 $0xFFFFC000  }
0xf3: {  	[spmem:s2] =	stream.indirect.scatter.add.f32 [tilespmem:s16], [sflag:$0x3], $0x80, s8, s19, $0xb8;
	[tilespmem:$0x1D000] =	vst v63  }
0xf4: {  	_ =	swait.ge [sflag:s22], $0x4000  }
0xf5: {  	[sflag:s22] =	ssyncset.done $0x0  }
0xf6: {  	s8 =	rddreg [dreg:$0xb];
	[sflag:s22] =	ssyncadd.s32 $0xFFFFC000  }
0xf7: {  	[tilespmem:s16], [sflag:$0x1] =	stream.indirect.gather [spmem:s3], $0x80, s8, s19, $0xb8;
	[tilespmem:$0x1D000] =	vst v63  }
0xf8: {  	_ =	swait.ge [sflag:s23], $0x4000  }
0xf9: {  	[sflag:s23] =	ssyncset.done $0x0  }
0xfa: {  	s8 =	rddreg [dreg:$0xc];
	[sflag:s23] =	ssyncadd.s32 $0xFFFFC000  }
0xfb: {  	[spmem:s2] =	stream.indirect.scatter.add.f32 [tilespmem:s20], [sflag:$0x4], $0x80, s8, s19, $0xb8;
	[tilespmem:$0x1D000] =	vst v63  }
0xfc: {  	_ =	swait.ge [sflag:s24], $0x4000  }
0xfd: {  	[sflag:s24] =	ssyncset.done $0x0  }
0xfe: {  	s8 =	rddreg [dreg:$0xd];
	[sflag:s24] =	ssyncadd.s32 $0xFFFFC000  }
0xff: {  	[tilespmem:s20], [sflag:$0x2] =	stream.indirect.gather [spmem:s3], $0x80, s8, s19, $0xb8;
	[tilespmem:$0x1D000] =	vst v63  }
0x100: {  	_ =	swait.ge [sflag:s21], $0x4000  }
0x101: {  	[sflag:s21] =	ssyncset.done $0x0  }
0x102: {  	s8 =	rddreg [dreg:$0xe];
	[sflag:s21] =	ssyncadd.s32 $0xFFFFC000  }
0x103: {  	[spmem:s2] =	stream.indirect.scatter.add.f32 [tilespmem:s16], [sflag:$0x3], $0x80, s8, s19, $0xb8;
	[tilespmem:$0x1D000] =	vst v63  }
0x104: {  	_ =	swait.ge [sflag:s22], $0x4000  }
0x105: {  	[sflag:s22] =	ssyncset.done $0x0  }
0x106: {  	s8 =	rddreg [dreg:$0xf];
	[sflag:s22] =	ssyncadd.s32 $0xFFFFC000  }
0x107: {  	[tilespmem:s16], [sflag:$0x1] =	stream.indirect.gather [spmem:s3], $0x80, s8, s19, $0xb8;
	[tilespmem:$0x1D000] =	vst v63  }
0x108: {  	_ =	swait.ge [sflag:s23], $0x4000  }
0x109: {  	[sflag:s23] =	ssyncset.done $0x0  }
0x10a: {  	s8 =	rddreg [dreg:$0x10];
	[sflag:s23] =	ssyncadd.s32 $0xFFFFC000  }
0x10b: {  	[spmem:s2] =	stream.indirect.scatter.add.f32 [tilespmem:s20], [sflag:$0x4], $0x80, s8, s19, $0xb8;
	[tilespmem:$0x1D000] =	vst v63  }
0x10c: {  	_ =	swait.ge [sflag:s24], $0x4000  }
0x10d: {  	[sflag:s24] =	ssyncset.done $0x0  }
0x10e: {  	s8 =	rddreg [dreg:$0x11];
	[sflag:s24] =	ssyncadd.s32 $0xFFFFC000  }
0x10f: {  	[tilespmem:s20], [sflag:$0x2] =	stream.indirect.gather [spmem:s3], $0x80, s8, s19, $0xb8;
	[tilespmem:$0x1D000] =	vst v63  }
0x110: {  	_ =	swait.ge [sflag:s21], $0x4000  }
0x111: {  	[sflag:s21] =	ssyncset.done $0x0  }
0x112: {  	s8 =	rddreg [dreg:$0x12];
	[sflag:s21] =	ssyncadd.s32 $0xFFFFC000  }
0x113: {  	[spmem:s2] =	stream.indirect.scatter.add.f32 [tilespmem:s16], [sflag:$0x3], $0x80, s8, s19, $0xb8;
	[tilespmem:$0x1D000] =	vst v63  }
0x114: {  	_ =	swait.ge [sflag:s22], $0x4000  }
0x115: {  	[sflag:s22] =	ssyncset.done $0x0  }
0x116: {  	s8 =	rddreg [dreg:$0x13];
	[sflag:s22] =	ssyncadd.s32 $0xFFFFC000  }
0x117: {  	[tilespmem:s16], [sflag:$0x1] =	stream.indirect.gather [spmem:s3], $0x80, s8, s19, $0xb8;
	[tilespmem:$0x1D000] =	vst v63  }
0x118: {  	_ =	swait.ge [sflag:s23], $0x4000  }
0x119: {  	[sflag:s23] =	ssyncset.done $0x0  }
0x11a: {  	s8 =	rddreg [dreg:$0x14];
	[sflag:s23] =	ssyncadd.s32 $0xFFFFC000  }
0x11b: {  	[spmem:s2] =	stream.indirect.scatter.add.f32 [tilespmem:s20], [sflag:$0x4], $0x80, s8, s19, $0xb8;
	[tilespmem:$0x1D000] =	vst v63  }
0x11c: {  	_ =	swait.ge [sflag:s24], $0x4000  }
0x11d: {  	[sflag:s24] =	ssyncset.done $0x0  }
0x11e: {  	[sflag:s24] =	ssyncadd.s32 $0xFFFFC000  }
0x11f: {  	[tilespmem:s20], [sflag:$0x2] =	stream.indirect.gather [spmem:s3], $0x80, s25, s19, $0xb8;
	[tilespmem:$0x1D000] =	vst v63  }
0x120: {  	_ =	swait.ge [sflag:s21], $0x4000  }
0x121: {  	[sflag:s21] =	ssyncset.done $0x0  }
0x122: {  	[sflag:s21] =	ssyncadd.s32 $0xFFFFC000  }
0x123: {  	[spmem:s2] =	stream.indirect.scatter.add.f32 [tilespmem:s16], [sflag:$0x3], $0x80, s26, s19, $0xb8;
	[tilespmem:$0x1D000] =	vst v63  }
0x124: {  	_ =	swait.ge [sflag:s22], $0x4000  }
0x125: {  	[sflag:s22] =	ssyncset.done $0x0  }
0x126: {  	[sflag:s22] =	ssyncadd.s32 $0xFFFFC000  }
0x127: {  	[tilespmem:s16], [sflag:$0x1] =	stream.indirect.gather [spmem:s3], $0x80, s28, s19, $0xb8;
	[tilespmem:$0x1D000] =	vst v63  }
0x128: {  	_ =	swait.ge [sflag:s23], $0x4000  }
0x129: {  	[sflag:s23] =	ssyncset.done $0x0  }
0x12a: {  	[sflag:s23] =	ssyncadd.s32 $0xFFFFC000  }
0x12b: {  	[spmem:s2] =	stream.indirect.scatter.add.f32 [tilespmem:s20], [sflag:$0x4], $0x80, s29, s19, $0xb8;
	[tilespmem:$0x1D000] =	vst v63  }
0x12c: {  	_ =	swait.ge [sflag:s24], $0x4000  }
0x12d: {  	[sflag:s24] =	ssyncset.done $0x0  }
0x12e: {  	[sflag:s24] =	ssyncadd.s32 $0xFFFFC000  }
0x12f: {  	[tilespmem:s20], [sflag:$0x2] =	stream.indirect.gather [spmem:s3], $0x80, s30, s19, $0xb8;
	[tilespmem:$0x1D000] =	vst v63  }
0x130: {  	_ =	swait.ge [sflag:s21], $0x4000  }
0x131: {  	[sflag:s21] =	ssyncset.done $0x0  }
0x132: {  	[sflag:s21] =	ssyncadd.s32 $0xFFFFC000  }
0x133: {  	[spmem:s2] =	stream.indirect.scatter.add.f32 [tilespmem:s16], [sflag:$0x3], $0x80, s31, s19, $0xb8;
	[tilespmem:$0x1D000] =	vst v63  }
0x134: {  	_ =	swait.ge [sflag:s22], $0x4000  }
0x135: {  	[sflag:s22] =	ssyncset.done $0x0  }
0x136: {  	[sflag:s22] =	ssyncadd.s32 $0xFFFFC000  }
0x137: {  	[tilespmem:s16], [sflag:$0x1] =	stream.indirect.gather [spmem:s3], $0x80, s1, s19, $0xb8;
	[tilespmem:$0x1D000] =	vst v63  }
0x138: {  	_ =	swait.ge [sflag:s23], $0x4000  }
0x139: {  	[sflag:s23] =	ssyncset.done $0x0  }
0x13a: {  	[sflag:s23] =	ssyncadd.s32 $0xFFFFC000  }
0x13b: {  	[spmem:s2] =	stream.indirect.scatter.add.f32 [tilespmem:s20], [sflag:$0x4], $0x80, s0, s19, $0xb8;
	[tilespmem:$0x1D000] =	vst v63  }
0x13c: {  	_ =	swait.ge [sflag:s24], $0x4000  }
0x13d: {  	[sflag:s24] =	ssyncset.done $0x0  }
0x13e: {  	[sflag:s24] =	ssyncadd.s32 $0xFFFFC000  }
0x13f: {  	[tilespmem:s20], [sflag:$0x2] =	stream.indirect.gather [spmem:s3], $0x80, s9, s19, $0xb8;
	[tilespmem:$0x1D000] =	vst v63  }
0x140: {  	_ =	swait.ge [sflag:s21], $0x4000  }
0x141: {  	[sflag:s21] =	ssyncset.done $0x0  }
0x142: {  	[sflag:s21] =	ssyncadd.s32 $0xFFFFC000  }
0x143: {  	[spmem:s2] =	stream.indirect.scatter.add.f32 [tilespmem:s16], [sflag:$0x3], $0x80, s11, s19, $0xb8;
	[tilespmem:$0x1D000] =	vst v63  }
0x144: {  	_ =	swait.ge [sflag:s22], $0x4000  }
0x145: {  	[sflag:s22] =	ssyncset.done $0x0  }
0x146: {  	[sflag:s22] =	ssyncadd.s32 $0xFFFFC000  }
0x147: {  	[tilespmem:s16], [sflag:$0x1] =	stream.indirect.gather [spmem:s3], $0x80, s12, s19, $0xb8;
	[tilespmem:$0x1D000] =	vst v63  }
0x148: {  	_ =	swait.ge [sflag:s23], $0x4000  }
0x149: {  	[sflag:s23] =	ssyncset.done $0x0  }
0x14a: {  	[sflag:s23] =	ssyncadd.s32 $0xFFFFC000  }
0x14b: {  	[spmem:s2] =	stream.indirect.scatter.add.f32 [tilespmem:s20], [sflag:$0x4], $0x80, s13, s19, $0xb8;
	[tilespmem:$0x1D000] =	vst v63  }
0x14c: {  	_ =	swait.ge [sflag:s24], $0x4000  }
0x14d: {  	[sflag:s24] =	ssyncset.done $0x0  }
0x14e: {  	[sflag:s24] =	ssyncadd.s32 $0xFFFFC000  }
0x14f: {  	[tilespmem:s20], [sflag:$0x2] =	stream.indirect.gather [spmem:s3], $0x80, s14, s19, $0xb8;
	[tilespmem:$0x1D000] =	vst v63  }
0x150: {  	_ =	swait.ge [sflag:s21], $0x4000  }
0x151: {  	[sflag:s21] =	ssyncset.done $0x0  }
0x152: {  	[sflag:s21] =	ssyncadd.s32 $0xFFFFC000  }
0x153: {  	[spmem:s2] =	stream.indirect.scatter.add.f32 [tilespmem:s16], [sflag:$0x3], $0x80, s15, s19, $0xb8;
	[tilespmem:$0x1D000] =	vst v63  }
0x154: {  	_ =	swait.ge [sflag:s22], $0x4000  }
0x155: {  	[sflag:s22] =	ssyncset.done $0x0  }
0x156: {  	[sflag:s22] =	ssyncadd.s32 $0xFFFFC000  }
0x157: {  	p1 =	sne.s32 s6, $0x400;
	_ =	swait.ge [sflag:s23], $0x4000  }
.Ltmp1:
0x158: {  	[sflag:s23] =	ssyncset.done $0x0;
	(pc) =	sbr.rel @p1 .LBB2_4-.Ltmp1, $4  }
0x159: {  	[sflag:s23] =	ssyncadd.s32 $0xFFFFC000  }
0x15a: {  	[spmem:s2] =	stream.indirect.scatter.add.f32 [tilespmem:s20], [sflag:$0x4], $0x80, s5, s19, $0xb8;
	[tilespmem:$0x1D000] =	vst v63  }
0x15b: {  	_ =	swait.ge [sflag:s24], $0x4000  }
0x15c: {  	s6 =	sadd.s32 $0x100, s6;
	s7 =	rddreg [dreg:$0x5];
	[sflag:s24] =	ssyncset.done $0x0  }
0x15d: {  	[sflag:s24] =	ssyncadd.s32 $0xFFFFC000;
	s6 =	sadd.s32 s10, s7  }
0x15e: {  	[tilespmem:s4], [sflag:$0x5] =	stream.linear.gather [hbm4b:s6+s4], $0x800, $0x38;
	[tilespmem:$0x1D000] =	vst v63  }
0x15f: {  	_ =	swait.ge [sflag:s17], $0x800  }
0x160: {  	s8 =	rddreg [dreg:$0x6];
	[sflag:s17] =	ssyncset.done $0x0  }
0x161: {  	[sflag:s17] =	ssyncadd.s32 $0xFFFFF800;
	s6 =	sadd.s32 s10, s8  }
0x162: {  	[tilespmem:s18], [sflag:$0x5] =	stream.linear.gather [hbm4b:s6+s4], $0x800, $0x38;
	[tilespmem:$0x1D000] =	vst v63  }
0x163: {  	_ =	swait.ge [sflag:s17], $0x800  }
0x164: {  	[sflag:s17] =	ssyncset.done $0x0  }
0x165: {  	[sflag:s17] =	ssyncadd.s32 $0xFFFFF800  }
0x166: {  	[tilespmem:s16], [sflag:$0x1] =	stream.indirect.gather [spmem:s3], $0x80, s4, s19, $0xb8;
	[tilespmem:$0x1D000] =	vst v63  }
0x167: {  	_ = 	snop  }
0x168: {  	[tilespmem:s20], [sflag:$0x2] =	stream.indirect.gather [spmem:s3], $0x80, s19, s19, $0xb8;
	[tilespmem:$0x1D000] =	vst v63  }
0x169: {  	_ =	swait.ge [sflag:s21], $0x4000  }
0x16a: {  	[sflag:s21] =	ssyncset.done $0x0  }
0x16b: {  	[sflag:s21] =	ssyncadd.s32 $0xFFFFC000  }
0x16c: {  	[spmem:s2] =	stream.indirect.scatter.add.f32 [tilespmem:s16], [sflag:$0x3], $0x80, s18, s19, $0xb8;
	[tilespmem:$0x1D000] =	vst v63  }
0x16d: {  	_ =	swait.ge [sflag:s22], $0x4000  }
0x16e: {  	[sflag:s22] =	ssyncset.done $0x0  }
0x16f: {  	s10 =	rddreg [dreg:$0x7];
	[sflag:s22] =	ssyncadd.s32 $0xFFFFC000  }
0x170: {  	[tilespmem:s16], [sflag:$0x1] =	stream.indirect.gather [spmem:s3], $0x80, s10, s19, $0xb8;
	[tilespmem:$0x1D000] =	vst v63  }
0x171: {  	_ =	swait.ge [sflag:s23], $0x4000  }
0x172: {  	[sflag:s23] =	ssyncset.done $0x0  }
0x173: {  	s7 =	rddreg [dreg:$0x8];
	[sflag:s23] =	ssyncadd.s32 $0xFFFFC000  }
0x174: {  	[spmem:s2] =	stream.indirect.scatter.add.f32 [tilespmem:s20], [sflag:$0x4], $0x80, s7, s19, $0xb8;
	[tilespmem:$0x1D000] =	vst v63  }
0x175: {  	_ =	swait.ge [sflag:s24], $0x4000  }
0x176: {  	[sflag:s24] =	ssyncset.done $0x0  }
0x177: {  	s8 =	rddreg [dreg:$0x9];
	[sflag:s24] =	ssyncadd.s32 $0xFFFFC000  }
0x178: {  	[tilespmem:s20], [sflag:$0x2] =	stream.indirect.gather [spmem:s3], $0x80, s8, s19, $0xb8;
	[tilespmem:$0x1D000] =	vst v63  }
0x179: {  	_ =	swait.ge [sflag:s21], $0x4000  }
0x17a: {  	[sflag:s21] =	ssyncset.done $0x0  }
0x17b: {  	s10 =	rddreg [dreg:$0xa];
	[sflag:s21] =	ssyncadd.s32 $0xFFFFC000  }
0x17c: {  	[spmem:s2] =	stream.indirect.scatter.add.f32 [tilespmem:s16], [sflag:$0x3], $0x80, s10, s19, $0xb8;
	[tilespmem:$0x1D000] =	vst v63  }
0x17d: {  	_ =	swait.ge [sflag:s22], $0x4000  }
0x17e: {  	[sflag:s22] =	ssyncset.done $0x0  }
0x17f: {  	s7 =	rddreg [dreg:$0xb];
	[sflag:s22] =	ssyncadd.s32 $0xFFFFC000  }
0x180: {  	[tilespmem:s16], [sflag:$0x1] =	stream.indirect.gather [spmem:s3], $0x80, s7, s19, $0xb8;
	[tilespmem:$0x1D000] =	vst v63  }
0x181: {  	_ =	swait.ge [sflag:s23], $0x4000  }
0x182: {  	[sflag:s23] =	ssyncset.done $0x0  }
0x183: {  	s8 =	rddreg [dreg:$0xc];
	[sflag:s23] =	ssyncadd.s32 $0xFFFFC000  }
0x184: {  	[spmem:s2] =	stream.indirect.scatter.add.f32 [tilespmem:s20], [sflag:$0x4], $0x80, s8, s19, $0xb8;
	[tilespmem:$0x1D000] =	vst v63  }
0x185: {  	_ =	swait.ge [sflag:s24], $0x4000  }
0x186: {  	[sflag:s24] =	ssyncset.done $0x0  }
0x187: {  	s10 =	rddreg [dreg:$0xd];
	[sflag:s24] =	ssyncadd.s32 $0xFFFFC000  }
0x188: {  	[tilespmem:s20], [sflag:$0x2] =	stream.indirect.gather [spmem:s3], $0x80, s10, s19, $0xb8;
	[tilespmem:$0x1D000] =	vst v63  }
0x189: {  	_ =	swait.ge [sflag:s21], $0x4000  }
0x18a: {  	[sflag:s21] =	ssyncset.done $0x0  }
0x18b: {  	s7 =	rddreg [dreg:$0xe];
	[sflag:s21] =	ssyncadd.s32 $0xFFFFC000  }
0x18c: {  	[spmem:s2] =	stream.indirect.scatter.add.f32 [tilespmem:s16], [sflag:$0x3], $0x80, s7, s19, $0xb8;
	[tilespmem:$0x1D000] =	vst v63  }
0x18d: {  	_ =	swait.ge [sflag:s22], $0x4000  }
0x18e: {  	[sflag:s22] =	ssyncset.done $0x0  }
0x18f: {  	s8 =	rddreg [dreg:$0xf];
	[sflag:s22] =	ssyncadd.s32 $0xFFFFC000  }
0x190: {  	[tilespmem:s16], [sflag:$0x1] =	stream.indirect.gather [spmem:s3], $0x80, s8, s19, $0xb8;
	[tilespmem:$0x1D000] =	vst v63  }
0x191: {  	_ =	swait.ge [sflag:s23], $0x4000  }
0x192: {  	[sflag:s23] =	ssyncset.done $0x0  }
0x193: {  	s10 =	rddreg [dreg:$0x10];
	[sflag:s23] =	ssyncadd.s32 $0xFFFFC000  }
0x194: {  	[spmem:s2] =	stream.indirect.scatter.add.f32 [tilespmem:s20], [sflag:$0x4], $0x80, s10, s19, $0xb8;
	[tilespmem:$0x1D000] =	vst v63  }
0x195: {  	_ =	swait.ge [sflag:s24], $0x4000  }
0x196: {  	[sflag:s24] =	ssyncset.done $0x0  }
0x197: {  	s7 =	rddreg [dreg:$0x11];
	[sflag:s24] =	ssyncadd.s32 $0xFFFFC000  }
0x198: {  	[tilespmem:s20], [sflag:$0x2] =	stream.indirect.gather [spmem:s3], $0x80, s7, s19, $0xb8;
	[tilespmem:$0x1D000] =	vst v63  }
0x199: {  	_ =	swait.ge [sflag:s21], $0x4000  }
0x19a: {  	[sflag:s21] =	ssyncset.done $0x0  }
0x19b: {  	s8 =	rddreg [dreg:$0x12];
	[sflag:s21] =	ssyncadd.s32 $0xFFFFC000  }
0x19c: {  	[spmem:s2] =	stream.indirect.scatter.add.f32 [tilespmem:s16], [sflag:$0x3], $0x80, s8, s19, $0xb8;
	[tilespmem:$0x1D000] =	vst v63  }
0x19d: {  	_ =	swait.ge [sflag:s22], $0x4000  }
0x19e: {  	[sflag:s22] =	ssyncset.done $0x0  }
0x19f: {  	s10 =	rddreg [dreg:$0x13];
	[sflag:s22] =	ssyncadd.s32 $0xFFFFC000  }
0x1a0: {  	[tilespmem:s16], [sflag:$0x1] =	stream.indirect.gather [spmem:s3], $0x80, s10, s19, $0xb8;
	[tilespmem:$0x1D000] =	vst v63  }
0x1a1: {  	_ =	swait.ge [sflag:s23], $0x4000  }
0x1a2: {  	[sflag:s23] =	ssyncset.done $0x0  }
0x1a3: {  	s7 =	rddreg [dreg:$0x14];
	[sflag:s23] =	ssyncadd.s32 $0xFFFFC000  }
0x1a4: {  	[spmem:s2] =	stream.indirect.scatter.add.f32 [tilespmem:s20], [sflag:$0x4], $0x80, s7, s19, $0xb8;
	[tilespmem:$0x1D000] =	vst v63  }
0x1a5: {  	_ =	swait.ge [sflag:s24], $0x4000  }
0x1a6: {  	[sflag:s24] =	ssyncset.done $0x0  }
0x1a7: {  	[sflag:s24] =	ssyncadd.s32 $0xFFFFC000  }
0x1a8: {  	[tilespmem:s20], [sflag:$0x2] =	stream.indirect.gather [spmem:s3], $0x80, s25, s19, $0xb8;
	[tilespmem:$0x1D000] =	vst v63  }
0x1a9: {  	_ =	swait.ge [sflag:s21], $0x4000  }
0x1aa: {  	[sflag:s21] =	ssyncset.done $0x0  }
0x1ab: {  	[sflag:s21] =	ssyncadd.s32 $0xFFFFC000  }
0x1ac: {  	[spmem:s2] =	stream.indirect.scatter.add.f32 [tilespmem:s16], [sflag:$0x3], $0x80, s26, s19, $0xb8;
	[tilespmem:$0x1D000] =	vst v63  }
0x1ad: {  	_ =	swait.ge [sflag:s22], $0x4000  }
0x1ae: {  	[sflag:s22] =	ssyncset.done $0x0  }
0x1af: {  	[sflag:s22] =	ssyncadd.s32 $0xFFFFC000  }
0x1b0: {  	[tilespmem:s16], [sflag:$0x1] =	stream.indirect.gather [spmem:s3], $0x80, s28, s19, $0xb8;
	[tilespmem:$0x1D000] =	vst v63  }
0x1b1: {  	_ =	swait.ge [sflag:s23], $0x4000  }
0x1b2: {  	[sflag:s23] =	ssyncset.done $0x0  }
0x1b3: {  	[sflag:s23] =	ssyncadd.s32 $0xFFFFC000  }
0x1b4: {  	[spmem:s2] =	stream.indirect.scatter.add.f32 [tilespmem:s20], [sflag:$0x4], $0x80, s29, s19, $0xb8;
	[tilespmem:$0x1D000] =	vst v63  }
0x1b5: {  	_ =	swait.ge [sflag:s24], $0x4000  }
0x1b6: {  	[sflag:s24] =	ssyncset.done $0x0  }
0x1b7: {  	[sflag:s24] =	ssyncadd.s32 $0xFFFFC000  }
0x1b8: {  	[tilespmem:s20], [sflag:$0x2] =	stream.indirect.gather [spmem:s3], $0x80, s30, s19, $0xb8;
	[tilespmem:$0x1D000] =	vst v63  }
0x1b9: {  	_ =	swait.ge [sflag:s21], $0x4000  }
0x1ba: {  	[sflag:s21] =	ssyncset.done $0x0  }
0x1bb: {  	[sflag:s21] =	ssyncadd.s32 $0xFFFFC000  }
0x1bc: {  	[spmem:s2] =	stream.indirect.scatter.add.f32 [tilespmem:s16], [sflag:$0x3], $0x80, s31, s19, $0xb8;
	[tilespmem:$0x1D000] =	vst v63  }
0x1bd: {  	_ =	swait.ge [sflag:s22], $0x4000  }
0x1be: {  	[sflag:s22] =	ssyncset.done $0x0  }
0x1bf: {  	[sflag:s22] =	ssyncadd.s32 $0xFFFFC000  }
0x1c0: {  	[tilespmem:s16], [sflag:$0x1] =	stream.indirect.gather [spmem:s3], $0x80, s1, s19, $0xb8;
	[tilespmem:$0x1D000] =	vst v63  }
0x1c1: {  	_ =	swait.ge [sflag:s23], $0x4000  }
0x1c2: {  	[sflag:s23] =	ssyncset.done $0x0  }
0x1c3: {  	[sflag:s23] =	ssyncadd.s32 $0xFFFFC000  }
0x1c4: {  	[spmem:s2] =	stream.indirect.scatter.add.f32 [tilespmem:s20], [sflag:$0x4], $0x80, s0, s19, $0xb8;
	[tilespmem:$0x1D000] =	vst v63  }
0x1c5: {  	_ =	swait.ge [sflag:s24], $0x4000  }
0x1c6: {  	[sflag:s24] =	ssyncset.done $0x0  }
0x1c7: {  	[sflag:s24] =	ssyncadd.s32 $0xFFFFC000  }
0x1c8: {  	[tilespmem:s20], [sflag:$0x2] =	stream.indirect.gather [spmem:s3], $0x80, s9, s19, $0xb8;
	[tilespmem:$0x1D000] =	vst v63  }
0x1c9: {  	_ =	swait.ge [sflag:s21], $0x4000  }
0x1ca: {  	[sflag:s21] =	ssyncset.done $0x0  }
0x1cb: {  	[sflag:s21] =	ssyncadd.s32 $0xFFFFC000  }
0x1cc: {  	[spmem:s2] =	stream.indirect.scatter.add.f32 [tilespmem:s16], [sflag:$0x3], $0x80, s11, s19, $0xb8;
	[tilespmem:$0x1D000] =	vst v63  }
0x1cd: {  	_ =	swait.ge [sflag:s22], $0x4000  }
0x1ce: {  	[sflag:s22] =	ssyncset.done $0x0  }
0x1cf: {  	[sflag:s22] =	ssyncadd.s32 $0xFFFFC000  }
0x1d0: {  	[tilespmem:s16], [sflag:$0x1] =	stream.indirect.gather [spmem:s3], $0x80, s12, s19, $0xb8;
	[tilespmem:$0x1D000] =	vst v63  }
0x1d1: {  	_ =	swait.ge [sflag:s23], $0x4000  }
0x1d2: {  	[sflag:s23] =	ssyncset.done $0x0  }
0x1d3: {  	[sflag:s23] =	ssyncadd.s32 $0xFFFFC000  }
0x1d4: {  	[spmem:s2] =	stream.indirect.scatter.add.f32 [tilespmem:s20], [sflag:$0x4], $0x80, s13, s19, $0xb8;
	[tilespmem:$0x1D000] =	vst v63  }
0x1d5: {  	_ =	swait.ge [sflag:s24], $0x4000  }
0x1d6: {  	[sflag:s24] =	ssyncset.done $0x0  }
0x1d7: {  	[sflag:s24] =	ssyncadd.s32 $0xFFFFC000  }
0x1d8: {  	[tilespmem:s20], [sflag:$0x2] =	stream.indirect.gather [spmem:s3], $0x80, s14, s19, $0xb8;
	[tilespmem:$0x1D000] =	vst v63  }
0x1d9: {  	_ =	swait.ge [sflag:s21], $0x4000  }
0x1da: {  	[sflag:s21] =	ssyncset.done $0x0  }
0x1db: {  	[sflag:s21] =	ssyncadd.s32 $0xFFFFC000  }
0x1dc: {  	[spmem:s2] =	stream.indirect.scatter.add.f32 [tilespmem:s16], [sflag:$0x3], $0x80, s15, s19, $0xb8;
	[tilespmem:$0x1D000] =	vst v63  }
0x1dd: {  	_ =	swait.ge [sflag:s22], $0x4000  }
0x1de: {  	[sflag:s22] =	ssyncset.done $0x0  }
0x1df: {  	[sflag:s22] =	ssyncadd.s32 $0xFFFFC000  }
0x1e0: {  	_ =	swait.ge [sflag:s23], $0x4000  }
0x1e1: {  	[sflag:s23] =	ssyncset.done $0x0  }
0x1e2: {  	[sflag:s23] =	ssyncadd.s32 $0xFFFFC000  }
0x1e3: {  	[spmem:s2] =	stream.indirect.scatter.add.f32 [tilespmem:s20], [sflag:$0x4], $0x80, s5, s19, $0xb8;
	[tilespmem:$0x1D000] =	vst v63  }
0x1e4: {  	_ =	swait.ge [sflag:s24], $0x4000  }
0x1e5: {  	[sflag:s24] =	ssyncset.done $0x0  }
0x1e6: {  	[sflag:s24] =	ssyncadd.s32 $0xFFFFC000  }
0x1e7: {  	[bflag:$0x0] =	sbarrier.arrive $0xFFFF  }
0x1e8: {  	s8 =	rddreg [dreg:$0x16]  }
0x1e9: {  	[tilespmem:s16], [sflag:$0x5] =	stream.linear.gather [spmem:s8], $0x4000, $0x38;
	[tilespmem:$0x1D000] =	vst v63  }
0x1ea: {  	_ =	swait.ge [sflag:s17], $0x4000  }
0x1eb: {  	[sflag:s17] =	ssyncset.done $0x0  }
0x1ec: {  	s10 =	rddreg [dreg:$0x19];
	[sflag:s17] =	ssyncadd.s32 $0xFFFFC000  }
0x1ed: {  	[hbm4b:s10+s4] =	stream.linear.scatter [tilespmem:s16], [sflag:$0x5], $0x4000, $0x38;
	[tilespmem:$0x1D000] =	vst v63  }
0x1ee: {  	_ =	swait.ge [sflag:s17], $0x4000  }
0x1ef: {  	s6 =	simm.s32 @p0 $0x1000;
	[sflag:s17] =	ssyncset.done $0x0  }
0x1f0: {  	s10 =	simm.s32 @p0 $0x5;
	s7 =	rddreg [dreg:$0x17];
	[sflag:s17] =	ssyncadd.s32 $0xFFFFC000  }
0x1f1: {  	[tilespmem:s6], [sflag:$0x5] =	stream.linear.gather @p0 [spmem:s7], $0x2400, $0x38;
	[tilespmem:$0x1D000] =	vst v63  }
0x1f2: {  	_ =	swait.ge @p0 [sflag:s10], $0x2400  }
0x1f3: {  	s8 =	simm.s32 @p0 $0x0;
	[sflag:s10] =	ssyncset.done @p0 $0x0  }
0x1f4: {  	s6 =	simm.s32 @p0 $0x1000;
	s7 =	rddreg [dreg:$0x1a];
	[sflag:s10] =	ssyncadd.s32 @p0 $0xFFFFDC00  }
0x1f5: {  	[hbm4b:s7+s8] =	stream.linear.scatter @p0 [tilespmem:s6], [sflag:$0x5], $0x2400, $0x38;
	[tilespmem:$0x1D000] =	vst v63  }
0x1f6: {  	_ =	swait.ge @p0 [sflag:s10], $0x2400  }
0x1f7: {  	s6 =	smov.u32 s7;
	[sflag:s10] =	ssyncset.done @p0 $0x0  }
0x1f8: {  	s8 =	simm.s32 @!p0 $0x1000;
	s7 =	rddreg [dreg:$0x17];
	[sflag:s10] =	ssyncadd.s32 @p0 $0xFFFFDC00  }
0x1f9: {  	[tilespmem:s8], [sflag:$0x5] =	stream.linear.gather @!p0 [spmem:s7], $0x4000, $0x38;
	[tilespmem:$0x1D000] =	vst v63  }
0x1fa: {  	s7 =	simm.s32 @!p0 $0x5  }
0x1fb: {  	_ =	swait.ge @!p0 [sflag:s7], $0x4000  }
0x1fc: {  	[sflag:s7] =	ssyncset.done @!p0 $0x0  }
0x1fd: {  	s10 =	simm.s32 @!p0 $0x0;
	[sflag:s7] =	ssyncadd.s32 @!p0 $0xFFFFC000  }
0x1fe: {  	[hbm4b:s6+s10] =	stream.linear.scatter @!p0 [tilespmem:s8], [sflag:$0x5], $0x4000, $0x38;
	[tilespmem:$0x1D000] =	vst v63  }
0x1ff: {  	_ =	swait.ge @!p0 [sflag:s7], $0x4000  }
0x200: {  	[sflag:s7] =	ssyncset.done @!p0 $0x0  }
0x201: {  	s10 =	rddreg [dreg:$0x18];
	[sflag:s7] =	ssyncadd.s32 @!p0 $0xFFFFC000  }
0x202: {  	[tilespmem:s8], [sflag:$0x5] =	stream.linear.gather @!p0 [spmem:s10], $0x2000, $0x38;
	[tilespmem:$0x1D000] =	vst v63  }
0x203: {  	_ =	swait.ge @!p0 [sflag:s7], $0x2000  }
0x204: {  	[sflag:s7] =	ssyncset.done @!p0 $0x0  }
0x205: {  	s10 =	simm.s32 @!p0 $0x0;
	s6 =	rddreg [dreg:$0x1b];
	[sflag:s7] =	ssyncadd.s32 @!p0 $0xFFFFE000  }
0x206: {  	[hbm4b:s6+s10] =	stream.linear.scatter @!p0 [tilespmem:s8], [sflag:$0x5], $0x2000, $0x38;
	[tilespmem:$0x1D000] =	vst v63  }
0x207: {  	_ =	swait.ge @!p0 [sflag:s7], $0x2000  }
0x208: {  	s6 =	sld [smem:$0x7FD];
	_ =	sdelay $0x2  }
0x209: {  	s10 =	rddreg [dreg:$0x1c];
	s8 =	sadd.s32 $0x1, s6  }
0x20a: {  	p1 =	sne.s32 s8, s10  }
.Ltmp2:
0x20b: {  	_ = 	snop;
	(pc) =	sbr.rel @p1 .LBB2_1-.Ltmp2, $3  }
0x20c: {  	_ =	sdelay $0x1  }
0x20d: {  	[sflag:s7] =	ssyncset.done @!p0 $0x0  }
0x20e: {  	[sflag:s7] =	ssyncadd.s32 @!p0 $0xFFFFE000  }
0x20f: {  	_ =	sfence.sel $0x180000  }
0x210: {  	[bflag:$0x0] =	sbarrier.arrive $0xFFFF  }
0x211: {  	_ =	strace $0x90000047  }
0x212: {  	s0 =	stileid.u32;
	[bflag:$0x2] =	sbarrier.arrive $0xFFFF  }
0x213: {  	p0 =	sne.s32 s0, $0x0;
	s0 =	rddreg [dreg:$0x4]  }
0x214: {  	s0 =	sadd.s32 @!p0 $0x100000, s0  }
0x215: {  	[sflag:s0] =	ssyncadd.tile.s32 @!p0 $0x1;
	_ =	shalt  }
.Lfunc_end2:
_tile_overlayer_lowered:
.L_overlay_start_2:
0x216: {  	(tag) =	ssettag $0x2  }
0x217: {  	s0 =	rddreg [dreg:$0x0];
	s2 =	stileid.u32  }
0x218: {  	s1 =	rddreg [dreg:$0x1];
	p0 =	sne.s32 s2, $0x0  }
0x219: {  	s3 =	rddreg [dreg:$0x2];
	[bflag:$0x3] =	sbarrier.arrive $0xFFFF;
	s2 =	simm.s32 @!p0 $0x1C05  }
0x21a: {  	[timem:s3], [sflag:s2] =	dma.local @!p0 [hbm:s0], s1  }
0x21b: {  	s0 =	simm.s32 @!p0 $0x5  }
0x21c: {  	_ =	swait.ge @!p0 [sflag:s0], s1  }
0x21d: {  	s1 =	ssub.s32 @!p0 $0x0, s1;
	[sflag:s0] =	ssyncset.done @!p0 $0x0  }
0x21e: {  	[sflag:s0] =	ssyncadd.s32 @!p0 s1  }
0x21f: {  	[bflag:$0x3] =	sbarrier.arrive $0xFFFF  }
0x220: {  	_ =	shalt  }

</sc_bundles>
